<compile_context>
chip_gen: v7x
topology: tpu7x:2x2x1
jax: 0.10.2.dev20260603
libtpu: 0.0.44.dev20260713+nightly
codegen_flags: <defaults>
</compile_context>

<pallas_src>
import functools

import jax
import jax.numpy as jnp
from jax import lax
from jax.experimental import pallas as pl
from jax.experimental.pallas import tpu as pltpu
from jax.experimental.pallas import tpu_sc as plsc

N_NODES = 10000
D = 128
N_EDGES = 320000
NC, NS = 2, 16
NW = NC * NS
PAD_N = 10240
ROWS_PER_TILE = PAD_N // NS
CH = 128
NCHT = 79
E_PAD = NW * NCHT * CH
NCH_TOTAL = NW * NCHT
NCHT_C0 = 140
NCHT_C1 = 2 * NCHT - NCHT_C0

_mesh = plsc.VectorSubcoreMesh(core_axis_name="c", subcore_axis_name="s")


@functools.partial(
    pl.kernel,
    out_type=jax.ShapeDtypeStruct((NC, PAD_N), jnp.float32),
    mesh=_mesh,
    scratch_types=[
        pltpu.VMEM((NCHT, 2, CH), jnp.int32),
        pltpu.VMEM((CH,), jnp.float32),
        pltpu.VMEM((ROWS_PER_TILE,), jnp.float32),
        pltpu.VMEM_SHARED((PAD_N,), jnp.float32),
        pltpu.SemaphoreType.DMA,
    ],
)
def _deg_kernel(idx_hbm, degp_hbm, idx_v, ones_v, zero_v, acc_sh, sem):
    c = lax.axis_index("c")
    s = lax.axis_index("s")
    w = s * NC + c

    for i in range(CH // 16):
        ones_v[pl.ds(i * 16, 16)] = jnp.ones((16,), jnp.float32)

    def _zfill(i, carry):
        zero_v[pl.ds(i * 16, 16)] = jnp.zeros((16,), jnp.float32)
        return carry

    lax.fori_loop(0, ROWS_PER_TILE // 16, _zfill, 0)
    pltpu.sync_copy(idx_hbm.at[pl.ds(w * NCHT, NCHT)], idx_v)
    pltpu.sync_copy(zero_v, acc_sh.at[pl.ds(s * ROWS_PER_TILE, ROWS_PER_TILE)])
    plsc.subcore_barrier()

    GRP = 16
    NGRP = (NCHT + GRP - 1) // GRP

    def _fire(g):
        for k in range(GRP):
            @pl.when(g * GRP + k < NCHT)
            def _():
                pltpu.async_copy(
                    ones_v, acc_sh.at[idx_v.at[g * GRP + k, 1]], sem,
                    add=True)

    def _drain(g):
        for k in range(GRP):
            @pl.when(g * GRP + k < NCHT)
            def _():
                pltpu.make_async_copy(
                    ones_v, acc_sh.at[idx_v.at[g * GRP + k, 1]], sem).wait()

    _fire(0)

    def _group(g, carry):
        _fire(g)
        _drain(g - 1)
        return carry

    lax.fori_loop(1, NGRP, _group, 0)
    _drain(NGRP - 1)
    plsc.subcore_barrier()
    pltpu.sync_copy(acc_sh.at[pl.ds(s * ROWS_PER_TILE, ROWS_PER_TILE)],
                    degp_hbm.at[c, pl.ds(s * ROWS_PER_TILE, ROWS_PER_TILE)])


@functools.partial(
    pl.kernel,
    out_type=jax.ShapeDtypeStruct((NC, PAD_N, D), jnp.float32),
    mesh=_mesh,
    scratch_types=[
        pltpu.VMEM((3, 2, CH), jnp.int32),
        pltpu.VMEM((2, CH, D), jnp.float32),
        pltpu.VMEM((16, D), jnp.float32),
        pltpu.VMEM_SHARED((PAD_N, D), jnp.float32),
        pltpu.SemaphoreType.DMA((3,)),
        pltpu.SemaphoreType.DMA((2,)),
        pltpu.SemaphoreType.DMA((2,)),
        pltpu.SemaphoreType.DMA,
    ],
)
def _msg_kernel(idx_hbm, h_hbm, out_hbm,
                idx_v, rows_v, zero_v, acc_sh, isem, gsem, ssem, zsem):
    c = lax.axis_index("c")
    s = lax.axis_index("s")
    start = jnp.where(c == 0, s * NCHT_C0, NS * NCHT_C0 + s * NCHT_C1)
    cnt = jnp.where(c == 0, NCHT_C0, NCHT_C1)

    for r in range(16):
        for k in range(D // 16):
            zero_v[r, pl.ds(k * 16, 16)] = jnp.zeros((16,), jnp.float32)

    def _zfire(i, carry):
        pltpu.async_copy(
            zero_v, acc_sh.at[pl.ds(s * ROWS_PER_TILE + i * 16, 16), :],
            zsem)
        return carry

    lax.fori_loop(0, ROWS_PER_TILE // 16, _zfire, 0)
    pltpu.async_copy(idx_hbm.at[start], idx_v.at[0], isem.at[0])

    def _zdrain(i, carry):
        pltpu.make_async_copy(
            zero_v, acc_sh.at[pl.ds(s * ROWS_PER_TILE + i * 16, 16), :],
            zsem).wait()
        return carry

    lax.fori_loop(0, ROWS_PER_TILE // 16, _zdrain, 0)
    plsc.subcore_barrier()

    def _start_idx(j):
        pltpu.async_copy(idx_hbm.at[start + j], idx_v.at[j % 3],
                         isem.at[j % 3])

    def _wait_idx(j):
        pltpu.make_async_copy(
            idx_hbm.at[start + j], idx_v.at[j % 3], isem.at[j % 3]).wait()

    def _start_gather(j):
        pltpu.async_copy(
            h_hbm.at[idx_v.at[j % 3, 0]], rows_v.at[j & 1], gsem.at[j & 1])

    def _wait_gather(j):
        pltpu.make_async_copy(
            h_hbm.at[idx_v.at[j % 3, 0]], rows_v.at[j & 1],
            gsem.at[j & 1]).wait()

    def _start_scatter(j):
        pltpu.async_copy(
            rows_v.at[j & 1], acc_sh.at[idx_v.at[j % 3, 1]], ssem.at[j & 1],
            add=True)

    def _wait_scatter(j):
        pltpu.make_async_copy(
            rows_v.at[j & 1], acc_sh.at[idx_v.at[j % 3, 1]],
            ssem.at[j & 1]).wait()

    def _body(j, carry):
        @pl.when(j >= 2)
        def _():
            _wait_scatter(j - 2)

        @pl.when(j + 1 < cnt)
        def _():
            _start_idx(j + 1)

        _wait_idx(j)
        _start_gather(j)

        @pl.when(j >= 1)
        def _():
            _wait_gather(j - 1)
            _start_scatter(j - 1)
        return carry

    lax.fori_loop(0, cnt, _body, 0)
    _wait_gather(cnt - 1)
    _start_scatter(cnt - 1)
    _wait_scatter(cnt - 2)
    _wait_scatter(cnt - 1)
    plsc.subcore_barrier()
    pltpu.sync_copy(
        acc_sh.at[pl.ds(s * ROWS_PER_TILE, ROWS_PER_TILE), :],
        out_hbm.at[c, pl.ds(s * ROWS_PER_TILE, ROWS_PER_TILE), :])


_BLK = 512
_NBLK = PAD_N // _BLK


def _mm_body(deg_ref, x_ref, w_ref, o_ref):
    degs = deg_ref[:, 0:1] + deg_ref[:, 1:2] + 1.0
    dinv = lax.rsqrt(degs)
    h = jnp.dot(x_ref[...], w_ref[...], preferred_element_type=jnp.float32)
    o_ref[...] = h * dinv


def _mm_call(degp_t, x, W):
    return pl.pallas_call(
        _mm_body,
        grid=(_NBLK,),
        in_specs=[
            pl.BlockSpec((_BLK, NC), lambda i: (i, 0)),
            pl.BlockSpec((_BLK, D), lambda i: (i, 0)),
            pl.BlockSpec((D, D), lambda i: (0, 0)),
        ],
        out_specs=pl.BlockSpec((_BLK, D), lambda i: (i, 0)),
        out_shape=jax.ShapeDtypeStruct((N_NODES, D), jnp.float32),
    )(degp_t, x, W)


def _fin_body(deg_ref, s_ref, h_ref, b_ref, a_ref, o_ref):
    degs = deg_ref[:, 0:1] + deg_ref[:, 1:2] + 1.0
    dinv = lax.rsqrt(degs)
    z = (s_ref[0] + s_ref[1] + h_ref[...]) * dinv + b_ref[...]
    o_ref[...] = jnp.where(z >= 0.0, z, a_ref[...] * z)


def _fin_call(degp_t, S, h, b, alpha):
    return pl.pallas_call(
        _fin_body,
        grid=(_NBLK,),
        in_specs=[
            pl.BlockSpec((_BLK, NC), lambda i: (i, 0)),
            pl.BlockSpec((NC, _BLK, D), lambda i: (0, i, 0)),
            pl.BlockSpec((_BLK, D), lambda i: (i, 0)),
            pl.BlockSpec((1, D), lambda i: (0, 0)),
            pl.BlockSpec((1, D), lambda i: (0, 0)),
        ],
        out_specs=pl.BlockSpec((_BLK, D), lambda i: (i, 0)),
        out_shape=jax.ShapeDtypeStruct((N_NODES, D), jnp.float32),
    )(degp_t, S, h, b, alpha)


def kernel(x, edge_index, W, b, alpha):
    ei = edge_index.astype(jnp.int32)
    src = jnp.concatenate(
        [ei[0], jnp.zeros((E_PAD - N_EDGES,), jnp.int32)]
    ).reshape(NCH_TOTAL, 1, CH)
    dst = jnp.concatenate(
        [ei[1], jnp.full((E_PAD - N_EDGES,), PAD_N - 1, jnp.int32)]
    ).reshape(NCH_TOTAL, 1, CH)
    idx = jnp.concatenate([src, dst], axis=1)
    degp = _deg_kernel(idx)
    degp_t = degp.T
    h = _mm_call(degp_t, x, W)
    S = _msg_kernel(idx, h)
    out = _fin_call(degp_t, S, h, b.reshape(1, D), alpha.reshape(1, D))
    return out

# --- scband reference (transcript-rebuilt; emitter-appended) ---
"""Pipeline reference for scband-encoder-dgi-24704651886798 (READ-ONLY COPY).

The authoritative reference and input builder live on the scoring server;
editing this copy changes nothing except your own understanding.
"""

import jax, jax.numpy as jnp
import numpy as np

N_NODES = 10000
N_EDGES = 320000
D_IN = 128
D_HID = 128

def setup_inputs(seed: int = 0) -> dict:
    key = jax.random.key(seed)
    k1, k2, k3, k4, k5 = jax.random.split(key, 5)
    x = jax.random.normal(k1, (N_NODES, D_IN), dtype=jnp.float32)
    edge_index = jax.random.randint(k2, (2, N_EDGES), 0, N_NODES, dtype=jnp.int64)
    # GCNConv learned params (glorot-ish scale)
    W = jax.random.normal(k3, (D_IN, D_HID), dtype=jnp.float32) * (1.0 / np.sqrt(D_IN))
    b = jnp.zeros((D_HID,), dtype=jnp.float32)
    # PReLU per-channel weight (torch init 0.25)
    alpha = jnp.full((D_HID,), 0.25, dtype=jnp.float32)
    return {"x": x, "edge_index": edge_index, "W": W, "b": b, "alpha": alpha}

def reference(x, edge_index, W, b, alpha):
    N = x.shape[0]
    # GCNConv: add self-loops, symmetric normalization D^-1/2 (A+I) D^-1/2
    loops = jnp.arange(N, dtype=edge_index.dtype)
    src = jnp.concatenate([edge_index[0], loops])
    dst = jnp.concatenate([edge_index[1], loops])
    ones = jnp.ones(src.shape[0], dtype=x.dtype)
    deg = jnp.zeros((N,), dtype=x.dtype).at[dst].add(ones)
    deg_inv_sqrt = jnp.where(deg > 0, jax.lax.rsqrt(jnp.where(deg > 0, deg, 1.0)), 0.0)
    norm = deg_inv_sqrt[src] * deg_inv_sqrt[dst]
    # linear transform then message passing (gather -> scale -> scatter-add)
    h = x @ W
    msg = h[src] * norm[:, None]
    agg = jax.ops.segment_sum(msg, dst, num_segments=N)
    out = agg + b
    # PReLU with per-channel alpha
    out = jnp.where(out >= 0, out, alpha * out)
    return out

if __name__ == "__main__":
    import jax
    _d = setup_inputs()
    print(jax.jit(kernel)(*tuple(_d.values())))

</pallas_src>

<mosaic_0001>
#map = affine_map<(d0, d1) -> (0, 0, 0)>
#map1 = affine_map<(d0, d1) -> (0, 0)>
module attributes {stable_mosaic.version = 14 : i64} {
  func.func @_deg_kernel(%arg0: i32, %arg1: i32, %arg2: memref<2528x2x128xi32, #tpu.memory_space<hbm>>, %arg3: memref<2x10240xf32, #tpu.memory_space<hbm>>, %arg4: memref<79x2x128xi32, #tpu.memory_space<vmem>>, %arg5: memref<128xf32, #tpu.memory_space<vmem>>, %arg6: memref<640xf32, #tpu.memory_space<vmem>>, %arg7: memref<10240xf32, #tpu.memory_space<vmem_shared>>, %arg8: memref<!tpu.dma_semaphore, #tpu.memory_space<semaphore_mem>>) attributes {dimension_semantics = [#tpu.dimension_semantics<core_parallel>, #tpu.dimension_semantics<subcore_parallel>], iteration_bounds = array<i64: 2, 16>, scalar_prefetch = 0 : i64, scratch_operands = 5 : i64, tpu.core_type = #tpu.core_type<sc_vector_subcore>, window_params = [{transform_indices = #map}, {transform_indices = #map1}]} {
    %mul3A = arith.constant 2 : i32
    %mul3A_0 = arith.muli %arg1, %mul3A : i32
    %add3A = arith.addi %mul3A_0, %arg0 : i32
    %broadcast_in_dim3A = arith.constant 1.000000e+00 : f32
    %broadcast_in_dim3A_1 = vector.broadcast %broadcast_in_dim3A : f32 to vector<16xf32>
    %swap3A = arith.constant 0 : index
    %swap3A_2 = tpu.vector_load %arg5[%swap3A] {strides = array<i32>} : memref<128xf32, #tpu.memory_space<vmem>>, vector<16xf32>,
    %swap3A_3 = vector.shape_cast %swap3A_2 : vector<16xf32> to vector<16xf32>
    %swap3A_4 = vector.shape_cast %broadcast_in_dim3A_1 : vector<16xf32> to vector<16xf32>
    tpu.vector_store %arg5[%swap3A], %swap3A_4 {strides = array<i32>} : memref<128xf32, #tpu.memory_space<vmem>>, vector<16xf32>,
    %broadcast_in_dim3A_5 = arith.constant 1.000000e+00 : f32
    %broadcast_in_dim3A_6 = vector.broadcast %broadcast_in_dim3A_5 : f32 to vector<16xf32>
    %swap3A_7 = arith.constant 16 : index
    %swap3A_8 = tpu.vector_load %arg5[%swap3A_7] {strides = array<i32>} : memref<128xf32, #tpu.memory_space<vmem>>, vector<16xf32>,
    %swap3A_9 = vector.shape_cast %swap3A_8 : vector<16xf32> to vector<16xf32>
    %swap3A_10 = vector.shape_cast %broadcast_in_dim3A_6 : vector<16xf32> to vector<16xf32>
    tpu.vector_store %arg5[%swap3A_7], %swap3A_10 {strides = array<i32>} : memref<128xf32, #tpu.memory_space<vmem>>, vector<16xf32>,
    %broadcast_in_dim3A_11 = arith.constant 1.000000e+00 : f32
    %broadcast_in_dim3A_12 = vector.broadcast %broadcast_in_dim3A_11 : f32 to vector<16xf32>
    %swap3A_13 = arith.constant 32 : index
    %swap3A_14 = tpu.vector_load %arg5[%swap3A_13] {strides = array<i32>} : memref<128xf32, #tpu.memory_space<vmem>>, vector<16xf32>,
    %swap3A_15 = vector.shape_cast %swap3A_14 : vector<16xf32> to vector<16xf32>
    %swap3A_16 = vector.shape_cast %broadcast_in_dim3A_12 : vector<16xf32> to vector<16xf32>
    tpu.vector_store %arg5[%swap3A_13], %swap3A_16 {strides = array<i32>} : memref<128xf32, #tpu.memory_space<vmem>>, vector<16xf32>,
    %broadcast_in_dim3A_17 = arith.constant 1.000000e+00 : f32
    %broadcast_in_dim3A_18 = vector.broadcast %broadcast_in_dim3A_17 : f32 to vector<16xf32>
    %swap3A_19 = arith.constant 48 : index
    %swap3A_20 = tpu.vector_load %arg5[%swap3A_19] {strides = array<i32>} : memref<128xf32, #tpu.memory_space<vmem>>, vector<16xf32>,
    %swap3A_21 = vector.shape_cast %swap3A_20 : vector<16xf32> to vector<16xf32>
    %swap3A_22 = vector.shape_cast %broadcast_in_dim3A_18 : vector<16xf32> to vector<16xf32>
    tpu.vector_store %arg5[%swap3A_19], %swap3A_22 {strides = array<i32>} : memref<128xf32, #tpu.memory_space<vmem>>, vector<16xf32>,
    %broadcast_in_dim3A_23 = arith.constant 1.000000e+00 : f32
    %broadcast_in_dim3A_24 = vector.broadcast %broadcast_in_dim3A_23 : f32 to vector<16xf32>
    %swap3A_25 = arith.constant 64 : index
    %swap3A_26 = tpu.vector_load %arg5[%swap3A_25] {strides = array<i32>} : memref<128xf32, #tpu.memory_space<vmem>>, vector<16xf32>,
    %swap3A_27 = vector.shape_cast %swap3A_26 : vector<16xf32> to vector<16xf32>
    %swap3A_28 = vector.shape_cast %broadcast_in_dim3A_24 : vector<16xf32> to vector<16xf32>
    tpu.vector_store %arg5[%swap3A_25], %swap3A_28 {strides = array<i32>} : memref<128xf32, #tpu.memory_space<vmem>>, vector<16xf32>,
    %broadcast_in_dim3A_29 = arith.constant 1.000000e+00 : f32
    %broadcast_in_dim3A_30 = vector.broadcast %broadcast_in_dim3A_29 : f32 to vector<16xf32>
    %swap3A_31 = arith.constant 80 : index
    %swap3A_32 = tpu.vector_load %arg5[%swap3A_31] {strides = array<i32>} : memref<128xf32, #tpu.memory_space<vmem>>, vector<16xf32>,
    %swap3A_33 = vector.shape_cast %swap3A_32 : vector<16xf32> to vector<16xf32>
    %swap3A_34 = vector.shape_cast %broadcast_in_dim3A_30 : vector<16xf32> to vector<16xf32>
    tpu.vector_store %arg5[%swap3A_31], %swap3A_34 {strides = array<i32>} : memref<128xf32, #tpu.memory_space<vmem>>, vector<16xf32>,
    %broadcast_in_dim3A_35 = arith.constant 1.000000e+00 : f32
    %broadcast_in_dim3A_36 = vector.broadcast %broadcast_in_dim3A_35 : f32 to vector<16xf32>
    %swap3A_37 = arith.constant 96 : index
    %swap3A_38 = tpu.vector_load %arg5[%swap3A_37] {strides = array<i32>} : memref<128xf32, #tpu.memory_space<vmem>>, vector<16xf32>,
    %swap3A_39 = vector.shape_cast %swap3A_38 : vector<16xf32> to vector<16xf32>
    %swap3A_40 = vector.shape_cast %broadcast_in_dim3A_36 : vector<16xf32> to vector<16xf32>
    tpu.vector_store %arg5[%swap3A_37], %swap3A_40 {strides = array<i32>} : memref<128xf32, #tpu.memory_space<vmem>>, vector<16xf32>,
    %broadcast_in_dim3A_41 = arith.constant 1.000000e+00 : f32
    %broadcast_in_dim3A_42 = vector.broadcast %broadcast_in_dim3A_41 : f32 to vector<16xf32>
    %swap3A_43 = arith.constant 112 : index
    %swap3A_44 = tpu.vector_load %arg5[%swap3A_43] {strides = array<i32>} : memref<128xf32, #tpu.memory_space<vmem>>, vector<16xf32>,
    %swap3A_45 = vector.shape_cast %swap3A_44 : vector<16xf32> to vector<16xf32>
    %swap3A_46 = vector.shape_cast %broadcast_in_dim3A_42 : vector<16xf32> to vector<16xf32>
    tpu.vector_store %arg5[%swap3A_43], %swap3A_46 {strides = array<i32>} : memref<128xf32, #tpu.memory_space<vmem>>, vector<16xf32>,
    %scan3A = arith.constant 0 : i32
    %scan3A_47 = arith.constant 0 : i32
    %scan3A_48 = arith.constant 40 : i32
    %scan3A_49 = arith.addi %scan3A_47, %scan3A_48 : i32
    %scan3A_50 = arith.constant 1 : i32
    scf.for %scan3A_282 = %scan3A_47 to %scan3A_49 step %scan3A_50  : i32 {
      %broadcast_in_dim3A_283 = arith.constant 0.000000e+00 : f32
      %broadcast_in_dim3A_284 = vector.broadcast %broadcast_in_dim3A_283 : f32 to vector<16xf32>
      %mul3A_285 = arith.constant 16 : i32
      %mul3A_286 = arith.muli %scan3A_282, %mul3A_285 : i32
      %swap3A_287 = arith.index_cast %mul3A_286 : i32 to index
      %swap3A_288 = tpu.vector_load %arg6[%swap3A_287] {strides = array<i32>} : memref<640xf32, #tpu.memory_space<vmem>>, vector<16xf32>,
      %swap3A_289 = vector.shape_cast %swap3A_288 : vector<16xf32> to vector<16xf32>
      %swap3A_290 = vector.shape_cast %broadcast_in_dim3A_284 : vector<16xf32> to vector<16xf32>
      tpu.vector_store %arg6[%swap3A_287], %swap3A_290 {strides = array<i32>} : memref<640xf32, #tpu.memory_space<vmem>>, vector<16xf32>,
    }
    %scan3A_51 = arith.constant 40 : i32
    %mul3A_52 = arith.constant 79 : i32
    %mul3A_53 = arith.muli %add3A, %mul3A_52 : i32
    "tpu.region"() ({
      %run_scoped3A = tpu.sem_alloc : memref<!tpu.dma_semaphore, #tpu.memory_space<semaphore_mem>>
      %dma_start3A_282 = arith.constant 0 : i32
      %dma_start3A_283 = arith.constant 0 : i32
      %dma_start3A_284 = tpu.memref_slice %arg2[%mul3A_53, %dma_start3A_282, %dma_start3A_283] : memref<2528x2x128xi32, #tpu.memory_space<hbm>> -> memref<79x2x128xi32, #tpu.memory_space<hbm>>
      %dma_start3A_285 = arith.constant 0 : i32
      %dma_start3A_286 = arith.constant 0 : i32
      %dma_start3A_287 = tpu.memref_slice %arg2[%mul3A_53, %dma_start3A_285, %dma_start3A_286] : memref<2528x2x128xi32, #tpu.memory_space<hbm>> -> memref<79x2x128xi32, #tpu.memory_space<hbm>>
      tpu.enqueue_dma source(%dma_start3A_287 : memref<79x2x128xi32, #tpu.memory_space<hbm>>) target(%arg4 : memref<79x2x128xi32, #tpu.memory_space<vmem>>) target_semaphore(%run_scoped3A : memref<!tpu.dma_semaphore, #tpu.memory_space<semaphore_mem>>)
      %dma_wait3A_288 = arith.constant 0 : i32
      %dma_wait3A_289 = arith.constant 0 : i32
      %dma_wait3A_290 = tpu.memref_slice %arg2[%mul3A_53, %dma_wait3A_288, %dma_wait3A_289] : memref<2528x2x128xi32, #tpu.memory_space<hbm>> -> memref<79x2x128xi32, #tpu.memory_space<hbm>>
      %dma_wait3A_291 = arith.constant 0 : i32
      %dma_wait3A_292 = arith.constant 0 : i32
      %dma_wait3A_293 = tpu.memref_slice %arg2[%mul3A_53, %dma_wait3A_291, %dma_wait3A_292] : memref<2528x2x128xi32, #tpu.memory_space<hbm>> -> memref<79x2x128xi32, #tpu.memory_space<hbm>>
      tpu.wait_dma2 semaphore(%run_scoped3A : memref<!tpu.dma_semaphore, #tpu.memory_space<semaphore_mem>>) src(%dma_wait3A_293 : memref<79x2x128xi32, #tpu.memory_space<hbm>>) dst(%arg4 : memref<79x2x128xi32, #tpu.memory_space<vmem>>)
      tpu.yield
    }) : () -> ()
    %mul3A_54 = arith.constant 640 : i32
    %mul3A_55 = arith.muli %arg1, %mul3A_54 : i32
    "tpu.region"() ({
      %run_scoped3A = tpu.sem_alloc : memref<!tpu.dma_semaphore, #tpu.memory_space<semaphore_mem>>
      %dma_start3A_282 = tpu.memref_slice %arg7[%mul3A_55] : memref<10240xf32, #tpu.memory_space<vmem_shared>> -> memref<640xf32, #tpu.memory_space<vmem_shared>>
      %dma_start3A_283 = tpu.memref_slice %arg7[%mul3A_55] : memref<10240xf32, #tpu.memory_space<vmem_shared>> -> memref<640xf32, #tpu.memory_space<vmem_shared>>
      tpu.enqueue_dma source(%arg6 : memref<640xf32, #tpu.memory_space<vmem>>) target(%dma_start3A_283 : memref<640xf32, #tpu.memory_space<vmem_shared>>) target_semaphore(%run_scoped3A : memref<!tpu.dma_semaphore, #tpu.memory_space<semaphore_mem>>)
      %dma_wait3A_284 = tpu.memref_slice %arg7[%mul3A_55] : memref<10240xf32, #tpu.memory_space<vmem_shared>> -> memref<640xf32, #tpu.memory_space<vmem_shared>>
      %dma_wait3A_285 = tpu.memref_slice %arg7[%mul3A_55] : memref<10240xf32, #tpu.memory_space<vmem_shared>> -> memref<640xf32, #tpu.memory_space<vmem_shared>>
      tpu.wait_dma2 semaphore(%run_scoped3A : memref<!tpu.dma_semaphore, #tpu.memory_space<semaphore_mem>>) src(%arg6 : memref<640xf32, #tpu.memory_space<vmem>>) dst(%dma_wait3A_285 : memref<640xf32, #tpu.memory_space<vmem_shared>>)
      tpu.yield
    }) : () -> ()
    %barrier3A = arith.constant 0 : index
    tpu.barrier barrier_id(%barrier3A)
    %dma_start3A = arith.constant 0 : i32
    %dma_start3A_56 = arith.constant 1 : i32
    %dma_start3A_57 = arith.constant 0 : i32
    %dma_start3A_58 = tpu.memref_slice %arg4[%dma_start3A, %dma_start3A_56, %dma_start3A_57] : memref<79x2x128xi32, #tpu.memory_space<vmem>> -> memref<1x1x128xi32, #tpu.memory_space<vmem>>
    %dma_start3A_59 = tpu.memref_squeeze %dma_start3A_58 : memref<1x1x128xi32, #tpu.memory_space<vmem>> -> memref<128xi32, #tpu.memory_space<vmem>>
    %dma_start3A_60 = arith.constant 0 : i32
    %dma_start3A_61 = tpu.memref_slice %arg7[%dma_start3A_60] : memref<10240xf32, #tpu.memory_space<vmem_shared>> -> memref<10240xf32, #tpu.memory_space<vmem_shared>>
    tpu.enqueue_indirect_dma source(%arg5 : memref<128xf32, #tpu.memory_space<vmem>>) target(%dma_start3A_61 : memref<10240xf32, #tpu.memory_space<vmem_shared>>) offsets(%dma_start3A_59 : memref<128xi32, #tpu.memory_space<vmem>>) semaphore(%arg8 : memref<!tpu.dma_semaphore, #tpu.memory_space<semaphore_mem>>) {add = true}
    %dma_start3A_62 = arith.constant 1 : i32
    %dma_start3A_63 = arith.constant 1 : i32
    %dma_start3A_64 = arith.constant 0 : i32
    %dma_start3A_65 = tpu.memref_slice %arg4[%dma_start3A_62, %dma_start3A_63, %dma_start3A_64] : memref<79x2x128xi32, #tpu.memory_space<vmem>> -> memref<1x1x128xi32, #tpu.memory_space<vmem>>
    %dma_start3A_66 = tpu.memref_squeeze %dma_start3A_65 : memref<1x1x128xi32, #tpu.memory_space<vmem>> -> memref<128xi32, #tpu.memory_space<vmem>>
    %dma_start3A_67 = arith.constant 0 : i32
    %dma_start3A_68 = tpu.memref_slice %arg7[%dma_start3A_67] : memref<10240xf32, #tpu.memory_space<vmem_shared>> -> memref<10240xf32, #tpu.memory_space<vmem_shared>>
    tpu.enqueue_indirect_dma source(%arg5 : memref<128xf32, #tpu.memory_space<vmem>>) target(%dma_start3A_68 : memref<10240xf32, #tpu.memory_space<vmem_shared>>) offsets(%dma_start3A_66 : memref<128xi32, #tpu.memory_space<vmem>>) semaphore(%arg8 : memref<!tpu.dma_semaphore, #tpu.memory_space<semaphore_mem>>) {add = true}
    %dma_start3A_69 = arith.constant 2 : i32
    %dma_start3A_70 = arith.constant 1 : i32
    %dma_start3A_71 = arith.constant 0 : i32
    %dma_start3A_72 = tpu.memref_slice %arg4[%dma_start3A_69, %dma_start3A_70, %dma_start3A_71] : memref<79x2x128xi32, #tpu.memory_space<vmem>> -> memref<1x1x128xi32, #tpu.memory_space<vmem>>
    %dma_start3A_73 = tpu.memref_squeeze %dma_start3A_72 : memref<1x1x128xi32, #tpu.memory_space<vmem>> -> memref<128xi32, #tpu.memory_space<vmem>>
    %dma_start3A_74 = arith.constant 0 : i32
    %dma_start3A_75 = tpu.memref_slice %arg7[%dma_start3A_74] : memref<10240xf32, #tpu.memory_space<vmem_shared>> -> memref<10240xf32, #tpu.memory_space<vmem_shared>>
    tpu.enqueue_indirect_dma source(%arg5 : memref<128xf32, #tpu.memory_space<vmem>>) target(%dma_start3A_75 : memref<10240xf32, #tpu.memory_space<vmem_shared>>) offsets(%dma_start3A_73 : memref<128xi32, #tpu.memory_space<vmem>>) semaphore(%arg8 : memref<!tpu.dma_semaphore, #tpu.memory_space<semaphore_mem>>) {add = true}
    %dma_start3A_76 = arith.constant 3 : i32
    %dma_start3A_77 = arith.constant 1 : i32
    %dma_start3A_78 = arith.constant 0 : i32
    %dma_start3A_79 = tpu.memref_slice %arg4[%dma_start3A_76, %dma_start3A_77, %dma_start3A_78] : memref<79x2x128xi32, #tpu.memory_space<vmem>> -> memref<1x1x128xi32, #tpu.memory_space<vmem>>
    %dma_start3A_80 = tpu.memref_squeeze %dma_start3A_79 : memref<1x1x128xi32, #tpu.memory_space<vmem>> -> memref<128xi32, #tpu.memory_space<vmem>>
    %dma_start3A_81 = arith.constant 0 : i32
    %dma_start3A_82 = tpu.memref_slice %arg7[%dma_start3A_81] : memref<10240xf32, #tpu.memory_space<vmem_shared>> -> memref<10240xf32, #tpu.memory_space<vmem_shared>>
    tpu.enqueue_indirect_dma source(%arg5 : memref<128xf32, #tpu.memory_space<vmem>>) target(%dma_start3A_82 : memref<10240xf32, #tpu.memory_space<vmem_shared>>) offsets(%dma_start3A_80 : memref<128xi32, #tpu.memory_space<vmem>>) semaphore(%arg8 : memref<!tpu.dma_semaphore, #tpu.memory_space<semaphore_mem>>) {add = true}
    %dma_start3A_83 = arith.constant 4 : i32
    %dma_start3A_84 = arith.constant 1 : i32
    %dma_start3A_85 = arith.constant 0 : i32
    %dma_start3A_86 = tpu.memref_slice %arg4[%dma_start3A_83, %dma_start3A_84, %dma_start3A_85] : memref<79x2x128xi32, #tpu.memory_space<vmem>> -> memref<1x1x128xi32, #tpu.memory_space<vmem>>
    %dma_start3A_87 = tpu.memref_squeeze %dma_start3A_86 : memref<1x1x128xi32, #tpu.memory_space<vmem>> -> memref<128xi32, #tpu.memory_space<vmem>>
    %dma_start3A_88 = arith.constant 0 : i32
    %dma_start3A_89 = tpu.memref_slice %arg7[%dma_start3A_88] : memref<10240xf32, #tpu.memory_space<vmem_shared>> -> memref<10240xf32, #tpu.memory_space<vmem_shared>>
    tpu.enqueue_indirect_dma source(%arg5 : memref<128xf32, #tpu.memory_space<vmem>>) target(%dma_start3A_89 : memref<10240xf32, #tpu.memory_space<vmem_shared>>) offsets(%dma_start3A_87 : memref<128xi32, #tpu.memory_space<vmem>>) semaphore(%arg8 : memref<!tpu.dma_semaphore, #tpu.memory_space<semaphore_mem>>) {add = true}
    %dma_start3A_90 = arith.constant 5 : i32
    %dma_start3A_91 = arith.constant 1 : i32
    %dma_start3A_92 = arith.constant 0 : i32
    %dma_start3A_93 = tpu.memref_slice %arg4[%dma_start3A_90, %dma_start3A_91, %dma_start3A_92] : memref<79x2x128xi32, #tpu.memory_space<vmem>> -> memref<1x1x128xi32, #tpu.memory_space<vmem>>
    %dma_start3A_94 = tpu.memref_squeeze %dma_start3A_93 : memref<1x1x128xi32, #tpu.memory_space<vmem>> -> memref<128xi32, #tpu.memory_space<vmem>>
    %dma_start3A_95 = arith.constant 0 : i32
    %dma_start3A_96 = tpu.memref_slice %arg7[%dma_start3A_95] : memref<10240xf32, #tpu.memory_space<vmem_shared>> -> memref<10240xf32, #tpu.memory_space<vmem_shared>>
    tpu.enqueue_indirect_dma source(%arg5 : memref<128xf32, #tpu.memory_space<vmem>>) target(%dma_start3A_96 : memref<10240xf32, #tpu.memory_space<vmem_shared>>) offsets(%dma_start3A_94 : memref<128xi32, #tpu.memory_space<vmem>>) semaphore(%arg8 : memref<!tpu.dma_semaphore, #tpu.memory_space<semaphore_mem>>) {add = true}
    %dma_start3A_97 = arith.constant 6 : i32
    %dma_start3A_98 = arith.constant 1 : i32
    %dma_start3A_99 = arith.constant 0 : i32
    %dma_start3A_100 = tpu.memref_slice %arg4[%dma_start3A_97, %dma_start3A_98, %dma_start3A_99] : memref<79x2x128xi32, #tpu.memory_space<vmem>> -> memref<1x1x128xi32, #tpu.memory_space<vmem>>
    %dma_start3A_101 = tpu.memref_squeeze %dma_start3A_100 : memref<1x1x128xi32, #tpu.memory_space<vmem>> -> memref<128xi32, #tpu.memory_space<vmem>>
    %dma_start3A_102 = arith.constant 0 : i32
    %dma_start3A_103 = tpu.memref_slice %arg7[%dma_start3A_102] : memref<10240xf32, #tpu.memory_space<vmem_shared>> -> memref<10240xf32, #tpu.memory_space<vmem_shared>>
    tpu.enqueue_indirect_dma source(%arg5 : memref<128xf32, #tpu.memory_space<vmem>>) target(%dma_start3A_103 : memref<10240xf32, #tpu.memory_space<vmem_shared>>) offsets(%dma_start3A_101 : memref<128xi32, #tpu.memory_space<vmem>>) semaphore(%arg8 : memref<!tpu.dma_semaphore, #tpu.memory_space<semaphore_mem>>) {add = true}
    %dma_start3A_104 = arith.constant 7 : i32
    %dma_start3A_105 = arith.constant 1 : i32
    %dma_start3A_106 = arith.constant 0 : i32
    %dma_start3A_107 = tpu.memref_slice %arg4[%dma_start3A_104, %dma_start3A_105, %dma_start3A_106] : memref<79x2x128xi32, #tpu.memory_space<vmem>> -> memref<1x1x128xi32, #tpu.memory_space<vmem>>
    %dma_start3A_108 = tpu.memref_squeeze %dma_start3A_107 : memref<1x1x128xi32, #tpu.memory_space<vmem>> -> memref<128xi32, #tpu.memory_space<vmem>>
    %dma_start3A_109 = arith.constant 0 : i32
    %dma_start3A_110 = tpu.memref_slice %arg7[%dma_start3A_109] : memref<10240xf32, #tpu.memory_space<vmem_shared>> -> memref<10240xf32, #tpu.memory_space<vmem_shared>>
    tpu.enqueue_indirect_dma source(%arg5 : memref<128xf32, #tpu.memory_space<vmem>>) target(%dma_start3A_110 : memref<10240xf32, #tpu.memory_space<vmem_shared>>) offsets(%dma_start3A_108 : memref<128xi32, #tpu.memory_space<vmem>>) semaphore(%arg8 : memref<!tpu.dma_semaphore, #tpu.memory_space<semaphore_mem>>) {add = true}
    %dma_start3A_111 = arith.constant 8 : i32
    %dma_start3A_112 = arith.constant 1 : i32
    %dma_start3A_113 = arith.constant 0 : i32
    %dma_start3A_114 = tpu.memref_slice %arg4[%dma_start3A_111, %dma_start3A_112, %dma_start3A_113] : memref<79x2x128xi32, #tpu.memory_space<vmem>> -> memref<1x1x128xi32, #tpu.memory_space<vmem>>
    %dma_start3A_115 = tpu.memref_squeeze %dma_start3A_114 : memref<1x1x128xi32, #tpu.memory_space<vmem>> -> memref<128xi32, #tpu.memory_space<vmem>>
    %dma_start3A_116 = arith.constant 0 : i32
    %dma_start3A_117 = tpu.memref_slice %arg7[%dma_start3A_116] : memref<10240xf32, #tpu.memory_space<vmem_shared>> -> memref<10240xf32, #tpu.memory_space<vmem_shared>>
    tpu.enqueue_indirect_dma source(%arg5 : memref<128xf32, #tpu.memory_space<vmem>>) target(%dma_start3A_117 : memref<10240xf32, #tpu.memory_space<vmem_shared>>) offsets(%dma_start3A_115 : memref<128xi32, #tpu.memory_space<vmem>>) semaphore(%arg8 : memref<!tpu.dma_semaphore, #tpu.memory_space<semaphore_mem>>) {add = true}
    %dma_start3A_118 = arith.constant 9 : i32
    %dma_start3A_119 = arith.constant 1 : i32
    %dma_start3A_120 = arith.constant 0 : i32
    %dma_start3A_121 = tpu.memref_slice %arg4[%dma_start3A_118, %dma_start3A_119, %dma_start3A_120] : memref<79x2x128xi32, #tpu.memory_space<vmem>> -> memref<1x1x128xi32, #tpu.memory_space<vmem>>
    %dma_start3A_122 = tpu.memref_squeeze %dma_start3A_121 : memref<1x1x128xi32, #tpu.memory_space<vmem>> -> memref<128xi32, #tpu.memory_space<vmem>>
    %dma_start3A_123 = arith.constant 0 : i32
    %dma_start3A_124 = tpu.memref_slice %arg7[%dma_start3A_123] : memref<10240xf32, #tpu.memory_space<vmem_shared>> -> memref<10240xf32, #tpu.memory_space<vmem_shared>>
    tpu.enqueue_indirect_dma source(%arg5 : memref<128xf32, #tpu.memory_space<vmem>>) target(%dma_start3A_124 : memref<10240xf32, #tpu.memory_space<vmem_shared>>) offsets(%dma_start3A_122 : memref<128xi32, #tpu.memory_space<vmem>>) semaphore(%arg8 : memref<!tpu.dma_semaphore, #tpu.memory_space<semaphore_mem>>) {add = true}
    %dma_start3A_125 = arith.constant 10 : i32
    %dma_start3A_126 = arith.constant 1 : i32
    %dma_start3A_127 = arith.constant 0 : i32
    %dma_start3A_128 = tpu.memref_slice %arg4[%dma_start3A_125, %dma_start3A_126, %dma_start3A_127] : memref<79x2x128xi32, #tpu.memory_space<vmem>> -> memref<1x1x128xi32, #tpu.memory_space<vmem>>
    %dma_start3A_129 = tpu.memref_squeeze %dma_start3A_128 : memref<1x1x128xi32, #tpu.memory_space<vmem>> -> memref<128xi32, #tpu.memory_space<vmem>>
    %dma_start3A_130 = arith.constant 0 : i32
    %dma_start3A_131 = tpu.memref_slice %arg7[%dma_start3A_130] : memref<10240xf32, #tpu.memory_space<vmem_shared>> -> memref<10240xf32, #tpu.memory_space<vmem_shared>>
    tpu.enqueue_indirect_dma source(%arg5 : memref<128xf32, #tpu.memory_space<vmem>>) target(%dma_start3A_131 : memref<10240xf32, #tpu.memory_space<vmem_shared>>) offsets(%dma_start3A_129 : memref<128xi32, #tpu.memory_space<vmem>>) semaphore(%arg8 : memref<!tpu.dma_semaphore, #tpu.memory_space<semaphore_mem>>) {add = true}
    %dma_start3A_132 = arith.constant 11 : i32
    %dma_start3A_133 = arith.constant 1 : i32
    %dma_start3A_134 = arith.constant 0 : i32
    %dma_start3A_135 = tpu.memref_slice %arg4[%dma_start3A_132, %dma_start3A_133, %dma_start3A_134] : memref<79x2x128xi32, #tpu.memory_space<vmem>> -> memref<1x1x128xi32, #tpu.memory_space<vmem>>
    %dma_start3A_136 = tpu.memref_squeeze %dma_start3A_135 : memref<1x1x128xi32, #tpu.memory_space<vmem>> -> memref<128xi32, #tpu.memory_space<vmem>>
    %dma_start3A_137 = arith.constant 0 : i32
    %dma_start3A_138 = tpu.memref_slice %arg7[%dma_start3A_137] : memref<10240xf32, #tpu.memory_space<vmem_shared>> -> memref<10240xf32, #tpu.memory_space<vmem_shared>>
    tpu.enqueue_indirect_dma source(%arg5 : memref<128xf32, #tpu.memory_space<vmem>>) target(%dma_start3A_138 : memref<10240xf32, #tpu.memory_space<vmem_shared>>) offsets(%dma_start3A_136 : memref<128xi32, #tpu.memory_space<vmem>>) semaphore(%arg8 : memref<!tpu.dma_semaphore, #tpu.memory_space<semaphore_mem>>) {add = true}
    %dma_start3A_139 = arith.constant 12 : i32
    %dma_start3A_140 = arith.constant 1 : i32
    %dma_start3A_141 = arith.constant 0 : i32
    %dma_start3A_142 = tpu.memref_slice %arg4[%dma_start3A_139, %dma_start3A_140, %dma_start3A_141] : memref<79x2x128xi32, #tpu.memory_space<vmem>> -> memref<1x1x128xi32, #tpu.memory_space<vmem>>
    %dma_start3A_143 = tpu.memref_squeeze %dma_start3A_142 : memref<1x1x128xi32, #tpu.memory_space<vmem>> -> memref<128xi32, #tpu.memory_space<vmem>>
    %dma_start3A_144 = arith.constant 0 : i32
    %dma_start3A_145 = tpu.memref_slice %arg7[%dma_start3A_144] : memref<10240xf32, #tpu.memory_space<vmem_shared>> -> memref<10240xf32, #tpu.memory_space<vmem_shared>>
    tpu.enqueue_indirect_dma source(%arg5 : memref<128xf32, #tpu.memory_space<vmem>>) target(%dma_start3A_145 : memref<10240xf32, #tpu.memory_space<vmem_shared>>) offsets(%dma_start3A_143 : memref<128xi32, #tpu.memory_space<vmem>>) semaphore(%arg8 : memref<!tpu.dma_semaphore, #tpu.memory_space<semaphore_mem>>) {add = true}
    %dma_start3A_146 = arith.constant 13 : i32
    %dma_start3A_147 = arith.constant 1 : i32
    %dma_start3A_148 = arith.constant 0 : i32
    %dma_start3A_149 = tpu.memref_slice %arg4[%dma_start3A_146, %dma_start3A_147, %dma_start3A_148] : memref<79x2x128xi32, #tpu.memory_space<vmem>> -> memref<1x1x128xi32, #tpu.memory_space<vmem>>
    %dma_start3A_150 = tpu.memref_squeeze %dma_start3A_149 : memref<1x1x128xi32, #tpu.memory_space<vmem>> -> memref<128xi32, #tpu.memory_space<vmem>>
    %dma_start3A_151 = arith.constant 0 : i32
    %dma_start3A_152 = tpu.memref_slice %arg7[%dma_start3A_151] : memref<10240xf32, #tpu.memory_space<vmem_shared>> -> memref<10240xf32, #tpu.memory_space<vmem_shared>>
    tpu.enqueue_indirect_dma source(%arg5 : memref<128xf32, #tpu.memory_space<vmem>>) target(%dma_start3A_152 : memref<10240xf32, #tpu.memory_space<vmem_shared>>) offsets(%dma_start3A_150 : memref<128xi32, #tpu.memory_space<vmem>>) semaphore(%arg8 : memref<!tpu.dma_semaphore, #tpu.memory_space<semaphore_mem>>) {add = true}
    %dma_start3A_153 = arith.constant 14 : i32
    %dma_start3A_154 = arith.constant 1 : i32
    %dma_start3A_155 = arith.constant 0 : i32
    %dma_start3A_156 = tpu.memref_slice %arg4[%dma_start3A_153, %dma_start3A_154, %dma_start3A_155] : memref<79x2x128xi32, #tpu.memory_space<vmem>> -> memref<1x1x128xi32, #tpu.memory_space<vmem>>
    %dma_start3A_157 = tpu.memref_squeeze %dma_start3A_156 : memref<1x1x128xi32, #tpu.memory_space<vmem>> -> memref<128xi32, #tpu.memory_space<vmem>>
    %dma_start3A_158 = arith.constant 0 : i32
    %dma_start3A_159 = tpu.memref_slice %arg7[%dma_start3A_158] : memref<10240xf32, #tpu.memory_space<vmem_shared>> -> memref<10240xf32, #tpu.memory_space<vmem_shared>>
    tpu.enqueue_indirect_dma source(%arg5 : memref<128xf32, #tpu.memory_space<vmem>>) target(%dma_start3A_159 : memref<10240xf32, #tpu.memory_space<vmem_shared>>) offsets(%dma_start3A_157 : memref<128xi32, #tpu.memory_space<vmem>>) semaphore(%arg8 : memref<!tpu.dma_semaphore, #tpu.memory_space<semaphore_mem>>) {add = true}
    %dma_start3A_160 = arith.constant 15 : i32
    %dma_start3A_161 = arith.constant 1 : i32
    %dma_start3A_162 = arith.constant 0 : i32
    %dma_start3A_163 = tpu.memref_slice %arg4[%dma_start3A_160, %dma_start3A_161, %dma_start3A_162] : memref<79x2x128xi32, #tpu.memory_space<vmem>> -> memref<1x1x128xi32, #tpu.memory_space<vmem>>
    %dma_start3A_164 = tpu.memref_squeeze %dma_start3A_163 : memref<1x1x128xi32, #tpu.memory_space<vmem>> -> memref<128xi32, #tpu.memory_space<vmem>>
    %dma_start3A_165 = arith.constant 0 : i32
    %dma_start3A_166 = tpu.memref_slice %arg7[%dma_start3A_165] : memref<10240xf32, #tpu.memory_space<vmem_shared>> -> memref<10240xf32, #tpu.memory_space<vmem_shared>>
    tpu.enqueue_indirect_dma source(%arg5 : memref<128xf32, #tpu.memory_space<vmem>>) target(%dma_start3A_166 : memref<10240xf32, #tpu.memory_space<vmem_shared>>) offsets(%dma_start3A_164 : memref<128xi32, #tpu.memory_space<vmem>>) semaphore(%arg8 : memref<!tpu.dma_semaphore, #tpu.memory_space<semaphore_mem>>) {add = true}
    %scan3A_167 = arith.constant 0 : i32
    %scan3A_168 = arith.constant 1 : i32
    %scan3A_169 = arith.constant 4 : i32
    %scan3A_170 = arith.addi %scan3A_168, %scan3A_169 : i32
    %scan3A_171 = arith.constant 1 : i32
    scf.for %scan3A_282 = %scan3A_168 to %scan3A_170 step %scan3A_171  : i32 {
      %mul3A_283 = arith.constant 16 : i32
      %mul3A_284 = arith.muli %scan3A_282, %mul3A_283 : i32
      %add3A_285 = arith.constant 0 : i32
      %add3A_286 = arith.addi %mul3A_284, %add3A_285 : i32
      %lt3A = arith.constant 79 : i32
      %lt3A_287 = arith.cmpi slt, %add3A_286, %lt3A : i32
      %convert_element_type3A = arith.extui %lt3A_287 : i1 to i32
      %cond3A = arith.constant 0 : i32
      %cond3A_288 = arith.cmpi ne, %convert_element_type3A, %cond3A : i32
      scf.if %cond3A_288 {
        %mul3A_569 = arith.constant 16 : i32
        %mul3A_570 = arith.muli %scan3A_282, %mul3A_569 : i32
        %add3A_571 = arith.constant 0 : i32
        %add3A_572 = arith.addi %mul3A_570, %add3A_571 : i32
        %dma_start3A_573 = arith.constant 1 : i32
        %dma_start3A_574 = arith.constant 0 : i32
        %dma_start3A_575 = tpu.memref_slice %arg4[%add3A_572, %dma_start3A_573, %dma_start3A_574] : memref<79x2x128xi32, #tpu.memory_space<vmem>> -> memref<1x1x128xi32, #tpu.memory_space<vmem>>
        %dma_start3A_576 = tpu.memref_squeeze %dma_start3A_575 : memref<1x1x128xi32, #tpu.memory_space<vmem>> -> memref<128xi32, #tpu.memory_space<vmem>>
        %dma_start3A_577 = arith.constant 0 : i32
        %dma_start3A_578 = tpu.memref_slice %arg7[%dma_start3A_577] : memref<10240xf32, #tpu.memory_space<vmem_shared>> -> memref<10240xf32, #tpu.memory_space<vmem_shared>>
        tpu.enqueue_indirect_dma source(%arg5 : memref<128xf32, #tpu.memory_space<vmem>>) target(%dma_start3A_578 : memref<10240xf32, #tpu.memory_space<vmem_shared>>) offsets(%dma_start3A_576 : memref<128xi32, #tpu.memory_space<vmem>>) semaphore(%arg8 : memref<!tpu.dma_semaphore, #tpu.memory_space<semaphore_mem>>) {add = true}
      } else {
      }
      %mul3A_289 = arith.constant 16 : i32
      %mul3A_290 = arith.muli %scan3A_282, %mul3A_289 : i32
      %add3A_291 = arith.constant 1 : i32
      %add3A_292 = arith.addi %mul3A_290, %add3A_291 : i32
      %lt3A_293 = arith.constant 79 : i32
      %lt3A_294 = arith.cmpi slt, %add3A_292, %lt3A_293 : i32
      %convert_element_type3A_295 = arith.extui %lt3A_294 : i1 to i32
      %cond3A_296 = arith.constant 0 : i32
      %cond3A_297 = arith.cmpi ne, %convert_element_type3A_295, %cond3A_296 : i32
      scf.if %cond3A_297 {
        %mul3A_569 = arith.constant 16 : i32
        %mul3A_570 = arith.muli %scan3A_282, %mul3A_569 : i32
        %add3A_571 = arith.constant 1 : i32
        %add3A_572 = arith.addi %mul3A_570, %add3A_571 : i32
        %dma_start3A_573 = arith.constant 1 : i32
        %dma_start3A_574 = arith.constant 0 : i32
        %dma_start3A_575 = tpu.memref_slice %arg4[%add3A_572, %dma_start3A_573, %dma_start3A_574] : memref<79x2x128xi32, #tpu.memory_space<vmem>> -> memref<1x1x128xi32, #tpu.memory_space<vmem>>
        %dma_start3A_576 = tpu.memref_squeeze %dma_start3A_575 : memref<1x1x128xi32, #tpu.memory_space<vmem>> -> memref<128xi32, #tpu.memory_space<vmem>>
        %dma_start3A_577 = arith.constant 0 : i32
        %dma_start3A_578 = tpu.memref_slice %arg7[%dma_start3A_577] : memref<10240xf32, #tpu.memory_space<vmem_shared>> -> memref<10240xf32, #tpu.memory_space<vmem_shared>>
        tpu.enqueue_indirect_dma source(%arg5 : memref<128xf32, #tpu.memory_space<vmem>>) target(%dma_start3A_578 : memref<10240xf32, #tpu.memory_space<vmem_shared>>) offsets(%dma_start3A_576 : memref<128xi32, #tpu.memory_space<vmem>>) semaphore(%arg8 : memref<!tpu.dma_semaphore, #tpu.memory_space<semaphore_mem>>) {add = true}
      } else {
      }
      %mul3A_298 = arith.constant 16 : i32
      %mul3A_299 = arith.muli %scan3A_282, %mul3A_298 : i32
      %add3A_300 = arith.constant 2 : i32
      %add3A_301 = arith.addi %mul3A_299, %add3A_300 : i32
      %lt3A_302 = arith.constant 79 : i32
      %lt3A_303 = arith.cmpi slt, %add3A_301, %lt3A_302 : i32
      %convert_element_type3A_304 = arith.extui %lt3A_303 : i1 to i32
      %cond3A_305 = arith.constant 0 : i32
      %cond3A_306 = arith.cmpi ne, %convert_element_type3A_304, %cond3A_305 : i32
      scf.if %cond3A_306 {
        %mul3A_569 = arith.constant 16 : i32
        %mul3A_570 = arith.muli %scan3A_282, %mul3A_569 : i32
        %add3A_571 = arith.constant 2 : i32
        %add3A_572 = arith.addi %mul3A_570, %add3A_571 : i32
        %dma_start3A_573 = arith.constant 1 : i32
        %dma_start3A_574 = arith.constant 0 : i32
        %dma_start3A_575 = tpu.memref_slice %arg4[%add3A_572, %dma_start3A_573, %dma_start3A_574] : memref<79x2x128xi32, #tpu.memory_space<vmem>> -> memref<1x1x128xi32, #tpu.memory_space<vmem>>
        %dma_start3A_576 = tpu.memref_squeeze %dma_start3A_575 : memref<1x1x128xi32, #tpu.memory_space<vmem>> -> memref<128xi32, #tpu.memory_space<vmem>>
        %dma_start3A_577 = arith.constant 0 : i32
        %dma_start3A_578 = tpu.memref_slice %arg7[%dma_start3A_577] : memref<10240xf32, #tpu.memory_space<vmem_shared>> -> memref<10240xf32, #tpu.memory_space<vmem_shared>>
        tpu.enqueue_indirect_dma source(%arg5 : memref<128xf32, #tpu.memory_space<vmem>>) target(%dma_start3A_578 : memref<10240xf32, #tpu.memory_space<vmem_shared>>) offsets(%dma_start3A_576 : memref<128xi32, #tpu.memory_space<vmem>>) semaphore(%arg8 : memref<!tpu.dma_semaphore, #tpu.memory_space<semaphore_mem>>) {add = true}
      } else {
      }
      %mul3A_307 = arith.constant 16 : i32
      %mul3A_308 = arith.muli %scan3A_282, %mul3A_307 : i32
      %add3A_309 = arith.constant 3 : i32
      %add3A_310 = arith.addi %mul3A_308, %add3A_309 : i32
      %lt3A_311 = arith.constant 79 : i32
      %lt3A_312 = arith.cmpi slt, %add3A_310, %lt3A_311 : i32
      %convert_element_type3A_313 = arith.extui %lt3A_312 : i1 to i32
      %cond3A_314 = arith.constant 0 : i32
      %cond3A_315 = arith.cmpi ne, %convert_element_type3A_313, %cond3A_314 : i32
      scf.if %cond3A_315 {
        %mul3A_569 = arith.constant 16 : i32
        %mul3A_570 = arith.muli %scan3A_282, %mul3A_569 : i32
        %add3A_571 = arith.constant 3 : i32
        %add3A_572 = arith.addi %mul3A_570, %add3A_571 : i32
        %dma_start3A_573 = arith.constant 1 : i32
        %dma_start3A_574 = arith.constant 0 : i32
        %dma_start3A_575 = tpu.memref_slice %arg4[%add3A_572, %dma_start3A_573, %dma_start3A_574] : memref<79x2x128xi32, #tpu.memory_space<vmem>> -> memref<1x1x128xi32, #tpu.memory_space<vmem>>
        %dma_start3A_576 = tpu.memref_squeeze %dma_start3A_575 : memref<1x1x128xi32, #tpu.memory_space<vmem>> -> memref<128xi32, #tpu.memory_space<vmem>>
        %dma_start3A_577 = arith.constant 0 : i32
        %dma_start3A_578 = tpu.memref_slice %arg7[%dma_start3A_577] : memref<10240xf32, #tpu.memory_space<vmem_shared>> -> memref<10240xf32, #tpu.memory_space<vmem_shared>>
        tpu.enqueue_indirect_dma source(%arg5 : memref<128xf32, #tpu.memory_space<vmem>>) target(%dma_start3A_578 : memref<10240xf32, #tpu.memory_space<vmem_shared>>) offsets(%dma_start3A_576 : memref<128xi32, #tpu.memory_space<vmem>>) semaphore(%arg8 : memref<!tpu.dma_semaphore, #tpu.memory_space<semaphore_mem>>) {add = true}
      } else {
      }
      %mul3A_316 = arith.constant 16 : i32
      %mul3A_317 = arith.muli %scan3A_282, %mul3A_316 : i32
      %add3A_318 = arith.constant 4 : i32
      %add3A_319 = arith.addi %mul3A_317, %add3A_318 : i32
      %lt3A_320 = arith.constant 79 : i32
      %lt3A_321 = arith.cmpi slt, %add3A_319, %lt3A_320 : i32
      %convert_element_type3A_322 = arith.extui %lt3A_321 : i1 to i32
      %cond3A_323 = arith.constant 0 : i32
      %cond3A_324 = arith.cmpi ne, %convert_element_type3A_322, %cond3A_323 : i32
      scf.if %cond3A_324 {
        %mul3A_569 = arith.constant 16 : i32
        %mul3A_570 = arith.muli %scan3A_282, %mul3A_569 : i32
        %add3A_571 = arith.constant 4 : i32
        %add3A_572 = arith.addi %mul3A_570, %add3A_571 : i32
        %dma_start3A_573 = arith.constant 1 : i32
        %dma_start3A_574 = arith.constant 0 : i32
        %dma_start3A_575 = tpu.memref_slice %arg4[%add3A_572, %dma_start3A_573, %dma_start3A_574] : memref<79x2x128xi32, #tpu.memory_space<vmem>> -> memref<1x1x128xi32, #tpu.memory_space<vmem>>
        %dma_start3A_576 = tpu.memref_squeeze %dma_start3A_575 : memref<1x1x128xi32, #tpu.memory_space<vmem>> -> memref<128xi32, #tpu.memory_space<vmem>>
        %dma_start3A_577 = arith.constant 0 : i32
        %dma_start3A_578 = tpu.memref_slice %arg7[%dma_start3A_577] : memref<10240xf32, #tpu.memory_space<vmem_shared>> -> memref<10240xf32, #tpu.memory_space<vmem_shared>>
        tpu.enqueue_indirect_dma source(%arg5 : memref<128xf32, #tpu.memory_space<vmem>>) target(%dma_start3A_578 : memref<10240xf32, #tpu.memory_space<vmem_shared>>) offsets(%dma_start3A_576 : memref<128xi32, #tpu.memory_space<vmem>>) semaphore(%arg8 : memref<!tpu.dma_semaphore, #tpu.memory_space<semaphore_mem>>) {add = true}
      } else {
      }
      %mul3A_325 = arith.constant 16 : i32
      %mul3A_326 = arith.muli %scan3A_282, %mul3A_325 : i32
      %add3A_327 = arith.constant 5 : i32
      %add3A_328 = arith.addi %mul3A_326, %add3A_327 : i32
      %lt3A_329 = arith.constant 79 : i32
      %lt3A_330 = arith.cmpi slt, %add3A_328, %lt3A_329 : i32
      %convert_element_type3A_331 = arith.extui %lt3A_330 : i1 to i32
      %cond3A_332 = arith.constant 0 : i32
      %cond3A_333 = arith.cmpi ne, %convert_element_type3A_331, %cond3A_332 : i32
      scf.if %cond3A_333 {
        %mul3A_569 = arith.constant 16 : i32
        %mul3A_570 = arith.muli %scan3A_282, %mul3A_569 : i32
        %add3A_571 = arith.constant 5 : i32
        %add3A_572 = arith.addi %mul3A_570, %add3A_571 : i32
        %dma_start3A_573 = arith.constant 1 : i32
        %dma_start3A_574 = arith.constant 0 : i32
        %dma_start3A_575 = tpu.memref_slice %arg4[%add3A_572, %dma_start3A_573, %dma_start3A_574] : memref<79x2x128xi32, #tpu.memory_space<vmem>> -> memref<1x1x128xi32, #tpu.memory_space<vmem>>
        %dma_start3A_576 = tpu.memref_squeeze %dma_start3A_575 : memref<1x1x128xi32, #tpu.memory_space<vmem>> -> memref<128xi32, #tpu.memory_space<vmem>>
        %dma_start3A_577 = arith.constant 0 : i32
        %dma_start3A_578 = tpu.memref_slice %arg7[%dma_start3A_577] : memref<10240xf32, #tpu.memory_space<vmem_shared>> -> memref<10240xf32, #tpu.memory_space<vmem_shared>>
        tpu.enqueue_indirect_dma source(%arg5 : memref<128xf32, #tpu.memory_space<vmem>>) target(%dma_start3A_578 : memref<10240xf32, #tpu.memory_space<vmem_shared>>) offsets(%dma_start3A_576 : memref<128xi32, #tpu.memory_space<vmem>>) semaphore(%arg8 : memref<!tpu.dma_semaphore, #tpu.memory_space<semaphore_mem>>) {add = true}
      } else {
      }
      %mul3A_334 = arith.constant 16 : i32
      %mul3A_335 = arith.muli %scan3A_282, %mul3A_334 : i32
      %add3A_336 = arith.constant 6 : i32
      %add3A_337 = arith.addi %mul3A_335, %add3A_336 : i32
      %lt3A_338 = arith.constant 79 : i32
      %lt3A_339 = arith.cmpi slt, %add3A_337, %lt3A_338 : i32
      %convert_element_type3A_340 = arith.extui %lt3A_339 : i1 to i32
      %cond3A_341 = arith.constant 0 : i32
      %cond3A_342 = arith.cmpi ne, %convert_element_type3A_340, %cond3A_341 : i32
      scf.if %cond3A_342 {
        %mul3A_569 = arith.constant 16 : i32
        %mul3A_570 = arith.muli %scan3A_282, %mul3A_569 : i32
        %add3A_571 = arith.constant 6 : i32
        %add3A_572 = arith.addi %mul3A_570, %add3A_571 : i32
        %dma_start3A_573 = arith.constant 1 : i32
        %dma_start3A_574 = arith.constant 0 : i32
        %dma_start3A_575 = tpu.memref_slice %arg4[%add3A_572, %dma_start3A_573, %dma_start3A_574] : memref<79x2x128xi32, #tpu.memory_space<vmem>> -> memref<1x1x128xi32, #tpu.memory_space<vmem>>
        %dma_start3A_576 = tpu.memref_squeeze %dma_start3A_575 : memref<1x1x128xi32, #tpu.memory_space<vmem>> -> memref<128xi32, #tpu.memory_space<vmem>>
        %dma_start3A_577 = arith.constant 0 : i32
        %dma_start3A_578 = tpu.memref_slice %arg7[%dma_start3A_577] : memref<10240xf32, #tpu.memory_space<vmem_shared>> -> memref<10240xf32, #tpu.memory_space<vmem_shared>>
        tpu.enqueue_indirect_dma source(%arg5 : memref<128xf32, #tpu.memory_space<vmem>>) target(%dma_start3A_578 : memref<10240xf32, #tpu.memory_space<vmem_shared>>) offsets(%dma_start3A_576 : memref<128xi32, #tpu.memory_space<vmem>>) semaphore(%arg8 : memref<!tpu.dma_semaphore, #tpu.memory_space<semaphore_mem>>) {add = true}
      } else {
      }
      %mul3A_343 = arith.constant 16 : i32
      %mul3A_344 = arith.muli %scan3A_282, %mul3A_343 : i32
      %add3A_345 = arith.constant 7 : i32
      %add3A_346 = arith.addi %mul3A_344, %add3A_345 : i32
      %lt3A_347 = arith.constant 79 : i32
      %lt3A_348 = arith.cmpi slt, %add3A_346, %lt3A_347 : i32
      %convert_element_type3A_349 = arith.extui %lt3A_348 : i1 to i32
      %cond3A_350 = arith.constant 0 : i32
      %cond3A_351 = arith.cmpi ne, %convert_element_type3A_349, %cond3A_350 : i32
      scf.if %cond3A_351 {
        %mul3A_569 = arith.constant 16 : i32
        %mul3A_570 = arith.muli %scan3A_282, %mul3A_569 : i32
        %add3A_571 = arith.constant 7 : i32
        %add3A_572 = arith.addi %mul3A_570, %add3A_571 : i32
        %dma_start3A_573 = arith.constant 1 : i32
        %dma_start3A_574 = arith.constant 0 : i32
        %dma_start3A_575 = tpu.memref_slice %arg4[%add3A_572, %dma_start3A_573, %dma_start3A_574] : memref<79x2x128xi32, #tpu.memory_space<vmem>> -> memref<1x1x128xi32, #tpu.memory_space<vmem>>
        %dma_start3A_576 = tpu.memref_squeeze %dma_start3A_575 : memref<1x1x128xi32, #tpu.memory_space<vmem>> -> memref<128xi32, #tpu.memory_space<vmem>>
        %dma_start3A_577 = arith.constant 0 : i32
        %dma_start3A_578 = tpu.memref_slice %arg7[%dma_start3A_577] : memref<10240xf32, #tpu.memory_space<vmem_shared>> -> memref<10240xf32, #tpu.memory_space<vmem_shared>>
        tpu.enqueue_indirect_dma source(%arg5 : memref<128xf32, #tpu.memory_space<vmem>>) target(%dma_start3A_578 : memref<10240xf32, #tpu.memory_space<vmem_shared>>) offsets(%dma_start3A_576 : memref<128xi32, #tpu.memory_space<vmem>>) semaphore(%arg8 : memref<!tpu.dma_semaphore, #tpu.memory_space<semaphore_mem>>) {add = true}
      } else {
      }
      %mul3A_352 = arith.constant 16 : i32
      %mul3A_353 = arith.muli %scan3A_282, %mul3A_352 : i32
      %add3A_354 = arith.constant 8 : i32
      %add3A_355 = arith.addi %mul3A_353, %add3A_354 : i32
      %lt3A_356 = arith.constant 79 : i32
      %lt3A_357 = arith.cmpi slt, %add3A_355, %lt3A_356 : i32
      %convert_element_type3A_358 = arith.extui %lt3A_357 : i1 to i32
      %cond3A_359 = arith.constant 0 : i32
      %cond3A_360 = arith.cmpi ne, %convert_element_type3A_358, %cond3A_359 : i32
      scf.if %cond3A_360 {
        %mul3A_569 = arith.constant 16 : i32
        %mul3A_570 = arith.muli %scan3A_282, %mul3A_569 : i32
        %add3A_571 = arith.constant 8 : i32
        %add3A_572 = arith.addi %mul3A_570, %add3A_571 : i32
        %dma_start3A_573 = arith.constant 1 : i32
        %dma_start3A_574 = arith.constant 0 : i32
        %dma_start3A_575 = tpu.memref_slice %arg4[%add3A_572, %dma_start3A_573, %dma_start3A_574] : memref<79x2x128xi32, #tpu.memory_space<vmem>> -> memref<1x1x128xi32, #tpu.memory_space<vmem>>
        %dma_start3A_576 = tpu.memref_squeeze %dma_start3A_575 : memref<1x1x128xi32, #tpu.memory_space<vmem>> -> memref<128xi32, #tpu.memory_space<vmem>>
        %dma_start3A_577 = arith.constant 0 : i32
        %dma_start3A_578 = tpu.memref_slice %arg7[%dma_start3A_577] : memref<10240xf32, #tpu.memory_space<vmem_shared>> -> memref<10240xf32, #tpu.memory_space<vmem_shared>>
        tpu.enqueue_indirect_dma source(%arg5 : memref<128xf32, #tpu.memory_space<vmem>>) target(%dma_start3A_578 : memref<10240xf32, #tpu.memory_space<vmem_shared>>) offsets(%dma_start3A_576 : memref<128xi32, #tpu.memory_space<vmem>>) semaphore(%arg8 : memref<!tpu.dma_semaphore, #tpu.memory_space<semaphore_mem>>) {add = true}
      } else {
      }
      %mul3A_361 = arith.constant 16 : i32
      %mul3A_362 = arith.muli %scan3A_282, %mul3A_361 : i32
      %add3A_363 = arith.constant 9 : i32
      %add3A_364 = arith.addi %mul3A_362, %add3A_363 : i32
      %lt3A_365 = arith.constant 79 : i32
      %lt3A_366 = arith.cmpi slt, %add3A_364, %lt3A_365 : i32
      %convert_element_type3A_367 = arith.extui %lt3A_366 : i1 to i32
      %cond3A_368 = arith.constant 0 : i32
      %cond3A_369 = arith.cmpi ne, %convert_element_type3A_367, %cond3A_368 : i32
      scf.if %cond3A_369 {
        %mul3A_569 = arith.constant 16 : i32
        %mul3A_570 = arith.muli %scan3A_282, %mul3A_569 : i32
        %add3A_571 = arith.constant 9 : i32
        %add3A_572 = arith.addi %mul3A_570, %add3A_571 : i32
        %dma_start3A_573 = arith.constant 1 : i32
        %dma_start3A_574 = arith.constant 0 : i32
        %dma_start3A_575 = tpu.memref_slice %arg4[%add3A_572, %dma_start3A_573, %dma_start3A_574] : memref<79x2x128xi32, #tpu.memory_space<vmem>> -> memref<1x1x128xi32, #tpu.memory_space<vmem>>
        %dma_start3A_576 = tpu.memref_squeeze %dma_start3A_575 : memref<1x1x128xi32, #tpu.memory_space<vmem>> -> memref<128xi32, #tpu.memory_space<vmem>>
        %dma_start3A_577 = arith.constant 0 : i32
        %dma_start3A_578 = tpu.memref_slice %arg7[%dma_start3A_577] : memref<10240xf32, #tpu.memory_space<vmem_shared>> -> memref<10240xf32, #tpu.memory_space<vmem_shared>>
        tpu.enqueue_indirect_dma source(%arg5 : memref<128xf32, #tpu.memory_space<vmem>>) target(%dma_start3A_578 : memref<10240xf32, #tpu.memory_space<vmem_shared>>) offsets(%dma_start3A_576 : memref<128xi32, #tpu.memory_space<vmem>>) semaphore(%arg8 : memref<!tpu.dma_semaphore, #tpu.memory_space<semaphore_mem>>) {add = true}
      } else {
      }
      %mul3A_370 = arith.constant 16 : i32
      %mul3A_371 = arith.muli %scan3A_282, %mul3A_370 : i32
      %add3A_372 = arith.constant 10 : i32
      %add3A_373 = arith.addi %mul3A_371, %add3A_372 : i32
      %lt3A_374 = arith.constant 79 : i32
      %lt3A_375 = arith.cmpi slt, %add3A_373, %lt3A_374 : i32
      %convert_element_type3A_376 = arith.extui %lt3A_375 : i1 to i32
      %cond3A_377 = arith.constant 0 : i32
      %cond3A_378 = arith.cmpi ne, %convert_element_type3A_376, %cond3A_377 : i32
      scf.if %cond3A_378 {
        %mul3A_569 = arith.constant 16 : i32
        %mul3A_570 = arith.muli %scan3A_282, %mul3A_569 : i32
        %add3A_571 = arith.constant 10 : i32
        %add3A_572 = arith.addi %mul3A_570, %add3A_571 : i32
        %dma_start3A_573 = arith.constant 1 : i32
        %dma_start3A_574 = arith.constant 0 : i32
        %dma_start3A_575 = tpu.memref_slice %arg4[%add3A_572, %dma_start3A_573, %dma_start3A_574] : memref<79x2x128xi32, #tpu.memory_space<vmem>> -> memref<1x1x128xi32, #tpu.memory_space<vmem>>
        %dma_start3A_576 = tpu.memref_squeeze %dma_start3A_575 : memref<1x1x128xi32, #tpu.memory_space<vmem>> -> memref<128xi32, #tpu.memory_space<vmem>>
        %dma_start3A_577 = arith.constant 0 : i32
        %dma_start3A_578 = tpu.memref_slice %arg7[%dma_start3A_577] : memref<10240xf32, #tpu.memory_space<vmem_shared>> -> memref<10240xf32, #tpu.memory_space<vmem_shared>>
        tpu.enqueue_indirect_dma source(%arg5 : memref<128xf32, #tpu.memory_space<vmem>>) target(%dma_start3A_578 : memref<10240xf32, #tpu.memory_space<vmem_shared>>) offsets(%dma_start3A_576 : memref<128xi32, #tpu.memory_space<vmem>>) semaphore(%arg8 : memref<!tpu.dma_semaphore, #tpu.memory_space<semaphore_mem>>) {add = true}
      } else {
      }
      %mul3A_379 = arith.constant 16 : i32
      %mul3A_380 = arith.muli %scan3A_282, %mul3A_379 : i32
      %add3A_381 = arith.constant 11 : i32
      %add3A_382 = arith.addi %mul3A_380, %add3A_381 : i32
      %lt3A_383 = arith.constant 79 : i32
      %lt3A_384 = arith.cmpi slt, %add3A_382, %lt3A_383 : i32
      %convert_element_type3A_385 = arith.extui %lt3A_384 : i1 to i32
      %cond3A_386 = arith.constant 0 : i32
      %cond3A_387 = arith.cmpi ne, %convert_element_type3A_385, %cond3A_386 : i32
      scf.if %cond3A_387 {
        %mul3A_569 = arith.constant 16 : i32
        %mul3A_570 = arith.muli %scan3A_282, %mul3A_569 : i32
        %add3A_571 = arith.constant 11 : i32
        %add3A_572 = arith.addi %mul3A_570, %add3A_571 : i32
        %dma_start3A_573 = arith.constant 1 : i32
        %dma_start3A_574 = arith.constant 0 : i32
        %dma_start3A_575 = tpu.memref_slice %arg4[%add3A_572, %dma_start3A_573, %dma_start3A_574] : memref<79x2x128xi32, #tpu.memory_space<vmem>> -> memref<1x1x128xi32, #tpu.memory_space<vmem>>
        %dma_start3A_576 = tpu.memref_squeeze %dma_start3A_575 : memref<1x1x128xi32, #tpu.memory_space<vmem>> -> memref<128xi32, #tpu.memory_space<vmem>>
        %dma_start3A_577 = arith.constant 0 : i32
        %dma_start3A_578 = tpu.memref_slice %arg7[%dma_start3A_577] : memref<10240xf32, #tpu.memory_space<vmem_shared>> -> memref<10240xf32, #tpu.memory_space<vmem_shared>>
        tpu.enqueue_indirect_dma source(%arg5 : memref<128xf32, #tpu.memory_space<vmem>>) target(%dma_start3A_578 : memref<10240xf32, #tpu.memory_space<vmem_shared>>) offsets(%dma_start3A_576 : memref<128xi32, #tpu.memory_space<vmem>>) semaphore(%arg8 : memref<!tpu.dma_semaphore, #tpu.memory_space<semaphore_mem>>) {add = true}
      } else {
      }
      %mul3A_388 = arith.constant 16 : i32
      %mul3A_389 = arith.muli %scan3A_282, %mul3A_388 : i32
      %add3A_390 = arith.constant 12 : i32
      %add3A_391 = arith.addi %mul3A_389, %add3A_390 : i32
      %lt3A_392 = arith.constant 79 : i32
      %lt3A_393 = arith.cmpi slt, %add3A_391, %lt3A_392 : i32
      %convert_element_type3A_394 = arith.extui %lt3A_393 : i1 to i32
      %cond3A_395 = arith.constant 0 : i32
      %cond3A_396 = arith.cmpi ne, %convert_element_type3A_394, %cond3A_395 : i32
      scf.if %cond3A_396 {
        %mul3A_569 = arith.constant 16 : i32
        %mul3A_570 = arith.muli %scan3A_282, %mul3A_569 : i32
        %add3A_571 = arith.constant 12 : i32
        %add3A_572 = arith.addi %mul3A_570, %add3A_571 : i32
        %dma_start3A_573 = arith.constant 1 : i32
        %dma_start3A_574 = arith.constant 0 : i32
        %dma_start3A_575 = tpu.memref_slice %arg4[%add3A_572, %dma_start3A_573, %dma_start3A_574] : memref<79x2x128xi32, #tpu.memory_space<vmem>> -> memref<1x1x128xi32, #tpu.memory_space<vmem>>
        %dma_start3A_576 = tpu.memref_squeeze %dma_start3A_575 : memref<1x1x128xi32, #tpu.memory_space<vmem>> -> memref<128xi32, #tpu.memory_space<vmem>>
        %dma_start3A_577 = arith.constant 0 : i32
        %dma_start3A_578 = tpu.memref_slice %arg7[%dma_start3A_577] : memref<10240xf32, #tpu.memory_space<vmem_shared>> -> memref<10240xf32, #tpu.memory_space<vmem_shared>>
        tpu.enqueue_indirect_dma source(%arg5 : memref<128xf32, #tpu.memory_space<vmem>>) target(%dma_start3A_578 : memref<10240xf32, #tpu.memory_space<vmem_shared>>) offsets(%dma_start3A_576 : memref<128xi32, #tpu.memory_space<vmem>>) semaphore(%arg8 : memref<!tpu.dma_semaphore, #tpu.memory_space<semaphore_mem>>) {add = true}
      } else {
      }
      %mul3A_397 = arith.constant 16 : i32
      %mul3A_398 = arith.muli %scan3A_282, %mul3A_397 : i32
      %add3A_399 = arith.constant 13 : i32
      %add3A_400 = arith.addi %mul3A_398, %add3A_399 : i32
      %lt3A_401 = arith.constant 79 : i32
      %lt3A_402 = arith.cmpi slt, %add3A_400, %lt3A_401 : i32
      %convert_element_type3A_403 = arith.extui %lt3A_402 : i1 to i32
      %cond3A_404 = arith.constant 0 : i32
      %cond3A_405 = arith.cmpi ne, %convert_element_type3A_403, %cond3A_404 : i32
      scf.if %cond3A_405 {
        %mul3A_569 = arith.constant 16 : i32
        %mul3A_570 = arith.muli %scan3A_282, %mul3A_569 : i32
        %add3A_571 = arith.constant 13 : i32
        %add3A_572 = arith.addi %mul3A_570, %add3A_571 : i32
        %dma_start3A_573 = arith.constant 1 : i32
        %dma_start3A_574 = arith.constant 0 : i32
        %dma_start3A_575 = tpu.memref_slice %arg4[%add3A_572, %dma_start3A_573, %dma_start3A_574] : memref<79x2x128xi32, #tpu.memory_space<vmem>> -> memref<1x1x128xi32, #tpu.memory_space<vmem>>
        %dma_start3A_576 = tpu.memref_squeeze %dma_start3A_575 : memref<1x1x128xi32, #tpu.memory_space<vmem>> -> memref<128xi32, #tpu.memory_space<vmem>>
        %dma_start3A_577 = arith.constant 0 : i32
        %dma_start3A_578 = tpu.memref_slice %arg7[%dma_start3A_577] : memref<10240xf32, #tpu.memory_space<vmem_shared>> -> memref<10240xf32, #tpu.memory_space<vmem_shared>>
        tpu.enqueue_indirect_dma source(%arg5 : memref<128xf32, #tpu.memory_space<vmem>>) target(%dma_start3A_578 : memref<10240xf32, #tpu.memory_space<vmem_shared>>) offsets(%dma_start3A_576 : memref<128xi32, #tpu.memory_space<vmem>>) semaphore(%arg8 : memref<!tpu.dma_semaphore, #tpu.memory_space<semaphore_mem>>) {add = true}
      } else {
      }
      %mul3A_406 = arith.constant 16 : i32
      %mul3A_407 = arith.muli %scan3A_282, %mul3A_406 : i32
      %add3A_408 = arith.constant 14 : i32
      %add3A_409 = arith.addi %mul3A_407, %add3A_408 : i32
      %lt3A_410 = arith.constant 79 : i32
      %lt3A_411 = arith.cmpi slt, %add3A_409, %lt3A_410 : i32
      %convert_element_type3A_412 = arith.extui %lt3A_411 : i1 to i32
      %cond3A_413 = arith.constant 0 : i32
      %cond3A_414 = arith.cmpi ne, %convert_element_type3A_412, %cond3A_413 : i32
      scf.if %cond3A_414 {
        %mul3A_569 = arith.constant 16 : i32
        %mul3A_570 = arith.muli %scan3A_282, %mul3A_569 : i32
        %add3A_571 = arith.constant 14 : i32
        %add3A_572 = arith.addi %mul3A_570, %add3A_571 : i32
        %dma_start3A_573 = arith.constant 1 : i32
        %dma_start3A_574 = arith.constant 0 : i32
        %dma_start3A_575 = tpu.memref_slice %arg4[%add3A_572, %dma_start3A_573, %dma_start3A_574] : memref<79x2x128xi32, #tpu.memory_space<vmem>> -> memref<1x1x128xi32, #tpu.memory_space<vmem>>
        %dma_start3A_576 = tpu.memref_squeeze %dma_start3A_575 : memref<1x1x128xi32, #tpu.memory_space<vmem>> -> memref<128xi32, #tpu.memory_space<vmem>>
        %dma_start3A_577 = arith.constant 0 : i32
        %dma_start3A_578 = tpu.memref_slice %arg7[%dma_start3A_577] : memref<10240xf32, #tpu.memory_space<vmem_shared>> -> memref<10240xf32, #tpu.memory_space<vmem_shared>>
        tpu.enqueue_indirect_dma source(%arg5 : memref<128xf32, #tpu.memory_space<vmem>>) target(%dma_start3A_578 : memref<10240xf32, #tpu.memory_space<vmem_shared>>) offsets(%dma_start3A_576 : memref<128xi32, #tpu.memory_space<vmem>>) semaphore(%arg8 : memref<!tpu.dma_semaphore, #tpu.memory_space<semaphore_mem>>) {add = true}
      } else {
      }
      %mul3A_415 = arith.constant 16 : i32
      %mul3A_416 = arith.muli %scan3A_282, %mul3A_415 : i32
      %add3A_417 = arith.constant 15 : i32
      %add3A_418 = arith.addi %mul3A_416, %add3A_417 : i32
      %lt3A_419 = arith.constant 79 : i32
      %lt3A_420 = arith.cmpi slt, %add3A_418, %lt3A_419 : i32
      %convert_element_type3A_421 = arith.extui %lt3A_420 : i1 to i32
      %cond3A_422 = arith.constant 0 : i32
      %cond3A_423 = arith.cmpi ne, %convert_element_type3A_421, %cond3A_422 : i32
      scf.if %cond3A_423 {
        %mul3A_569 = arith.constant 16 : i32
        %mul3A_570 = arith.muli %scan3A_282, %mul3A_569 : i32
        %add3A_571 = arith.constant 15 : i32
        %add3A_572 = arith.addi %mul3A_570, %add3A_571 : i32
        %dma_start3A_573 = arith.constant 1 : i32
        %dma_start3A_574 = arith.constant 0 : i32
        %dma_start3A_575 = tpu.memref_slice %arg4[%add3A_572, %dma_start3A_573, %dma_start3A_574] : memref<79x2x128xi32, #tpu.memory_space<vmem>> -> memref<1x1x128xi32, #tpu.memory_space<vmem>>
        %dma_start3A_576 = tpu.memref_squeeze %dma_start3A_575 : memref<1x1x128xi32, #tpu.memory_space<vmem>> -> memref<128xi32, #tpu.memory_space<vmem>>
        %dma_start3A_577 = arith.constant 0 : i32
        %dma_start3A_578 = tpu.memref_slice %arg7[%dma_start3A_577] : memref<10240xf32, #tpu.memory_space<vmem_shared>> -> memref<10240xf32, #tpu.memory_space<vmem_shared>>
        tpu.enqueue_indirect_dma source(%arg5 : memref<128xf32, #tpu.memory_space<vmem>>) target(%dma_start3A_578 : memref<10240xf32, #tpu.memory_space<vmem_shared>>) offsets(%dma_start3A_576 : memref<128xi32, #tpu.memory_space<vmem>>) semaphore(%arg8 : memref<!tpu.dma_semaphore, #tpu.memory_space<semaphore_mem>>) {add = true}
      } else {
      }
      %sub3A = arith.constant 1 : i32
      %sub3A_424 = arith.subi %scan3A_282, %sub3A : i32
      %mul3A_425 = arith.constant 16 : i32
      %mul3A_426 = arith.muli %sub3A_424, %mul3A_425 : i32
      %add3A_427 = arith.constant 0 : i32
      %add3A_428 = arith.addi %mul3A_426, %add3A_427 : i32
      %lt3A_429 = arith.constant 79 : i32
      %lt3A_430 = arith.cmpi slt, %add3A_428, %lt3A_429 : i32
      %convert_element_type3A_431 = arith.extui %lt3A_430 : i1 to i32
      %cond3A_432 = arith.constant 0 : i32
      %cond3A_433 = arith.cmpi ne, %convert_element_type3A_431, %cond3A_432 : i32
      scf.if %cond3A_433 {
        %mul3A_569 = arith.constant 16 : i32
        %mul3A_570 = arith.muli %sub3A_424, %mul3A_569 : i32
        %add3A_571 = arith.constant 0 : i32
        %add3A_572 = arith.addi %mul3A_570, %add3A_571 : i32
        %dma_wait3A_573 = arith.constant 1 : i32
        %dma_wait3A_574 = arith.constant 0 : i32
        %dma_wait3A_575 = tpu.memref_slice %arg4[%add3A_572, %dma_wait3A_573, %dma_wait3A_574] : memref<79x2x128xi32, #tpu.memory_space<vmem>> -> memref<1x1x128xi32, #tpu.memory_space<vmem>>
        %dma_wait3A_576 = tpu.memref_squeeze %dma_wait3A_575 : memref<1x1x128xi32, #tpu.memory_space<vmem>> -> memref<128xi32, #tpu.memory_space<vmem>>
        %dma_wait3A_577 = arith.constant 0 : i32
        %dma_wait3A_578 = tpu.memref_slice %arg7[%dma_wait3A_577] : memref<10240xf32, #tpu.memory_space<vmem_shared>> -> memref<10240xf32, #tpu.memory_space<vmem_shared>>
        tpu.wait_indirect_dma semaphore(%arg8 : memref<!tpu.dma_semaphore, #tpu.memory_space<semaphore_mem>>) src(%arg5 : memref<128xf32, #tpu.memory_space<vmem>>) dst(%dma_wait3A_578 : memref<10240xf32, #tpu.memory_space<vmem_shared>>)
      } else {
      }
      %mul3A_434 = arith.constant 16 : i32
      %mul3A_435 = arith.muli %sub3A_424, %mul3A_434 : i32
      %add3A_436 = arith.constant 1 : i32
      %add3A_437 = arith.addi %mul3A_435, %add3A_436 : i32
      %lt3A_438 = arith.constant 79 : i32
      %lt3A_439 = arith.cmpi slt, %add3A_437, %lt3A_438 : i32
      %convert_element_type3A_440 = arith.extui %lt3A_439 : i1 to i32
      %cond3A_441 = arith.constant 0 : i32
      %cond3A_442 = arith.cmpi ne, %convert_element_type3A_440, %cond3A_441 : i32
      scf.if %cond3A_442 {
        %mul3A_569 = arith.constant 16 : i32
        %mul3A_570 = arith.muli %sub3A_424, %mul3A_569 : i32
        %add3A_571 = arith.constant 1 : i32
        %add3A_572 = arith.addi %mul3A_570, %add3A_571 : i32
        %dma_wait3A_573 = arith.constant 1 : i32
        %dma_wait3A_574 = arith.constant 0 : i32
        %dma_wait3A_575 = tpu.memref_slice %arg4[%add3A_572, %dma_wait3A_573, %dma_wait3A_574] : memref<79x2x128xi32, #tpu.memory_space<vmem>> -> memref<1x1x128xi32, #tpu.memory_space<vmem>>
        %dma_wait3A_576 = tpu.memref_squeeze %dma_wait3A_575 : memref<1x1x128xi32, #tpu.memory_space<vmem>> -> memref<128xi32, #tpu.memory_space<vmem>>
        %dma_wait3A_577 = arith.constant 0 : i32
        %dma_wait3A_578 = tpu.memref_slice %arg7[%dma_wait3A_577] : memref<10240xf32, #tpu.memory_space<vmem_shared>> -> memref<10240xf32, #tpu.memory_space<vmem_shared>>
        tpu.wait_indirect_dma semaphore(%arg8 : memref<!tpu.dma_semaphore, #tpu.memory_space<semaphore_mem>>) src(%arg5 : memref<128xf32, #tpu.memory_space<vmem>>) dst(%dma_wait3A_578 : memref<10240xf32, #tpu.memory_space<vmem_shared>>)
      } else {
      }
      %mul3A_443 = arith.constant 16 : i32
      %mul3A_444 = arith.muli %sub3A_424, %mul3A_443 : i32
      %add3A_445 = arith.constant 2 : i32
      %add3A_446 = arith.addi %mul3A_444, %add3A_445 : i32
      %lt3A_447 = arith.constant 79 : i32
      %lt3A_448 = arith.cmpi slt, %add3A_446, %lt3A_447 : i32
      %convert_element_type3A_449 = arith.extui %lt3A_448 : i1 to i32
      %cond3A_450 = arith.constant 0 : i32
      %cond3A_451 = arith.cmpi ne, %convert_element_type3A_449, %cond3A_450 : i32
      scf.if %cond3A_451 {
        %mul3A_569 = arith.constant 16 : i32
        %mul3A_570 = arith.muli %sub3A_424, %mul3A_569 : i32
        %add3A_571 = arith.constant 2 : i32
        %add3A_572 = arith.addi %mul3A_570, %add3A_571 : i32
        %dma_wait3A_573 = arith.constant 1 : i32
        %dma_wait3A_574 = arith.constant 0 : i32
        %dma_wait3A_575 = tpu.memref_slice %arg4[%add3A_572, %dma_wait3A_573, %dma_wait3A_574] : memref<79x2x128xi32, #tpu.memory_space<vmem>> -> memref<1x1x128xi32, #tpu.memory_space<vmem>>
        %dma_wait3A_576 = tpu.memref_squeeze %dma_wait3A_575 : memref<1x1x128xi32, #tpu.memory_space<vmem>> -> memref<128xi32, #tpu.memory_space<vmem>>
        %dma_wait3A_577 = arith.constant 0 : i32
        %dma_wait3A_578 = tpu.memref_slice %arg7[%dma_wait3A_577] : memref<10240xf32, #tpu.memory_space<vmem_shared>> -> memref<10240xf32, #tpu.memory_space<vmem_shared>>
        tpu.wait_indirect_dma semaphore(%arg8 : memref<!tpu.dma_semaphore, #tpu.memory_space<semaphore_mem>>) src(%arg5 : memref<128xf32, #tpu.memory_space<vmem>>) dst(%dma_wait3A_578 : memref<10240xf32, #tpu.memory_space<vmem_shared>>)
      } else {
      }
      %mul3A_452 = arith.constant 16 : i32
      %mul3A_453 = arith.muli %sub3A_424, %mul3A_452 : i32
      %add3A_454 = arith.constant 3 : i32
      %add3A_455 = arith.addi %mul3A_453, %add3A_454 : i32
      %lt3A_456 = arith.constant 79 : i32
      %lt3A_457 = arith.cmpi slt, %add3A_455, %lt3A_456 : i32
      %convert_element_type3A_458 = arith.extui %lt3A_457 : i1 to i32
      %cond3A_459 = arith.constant 0 : i32
      %cond3A_460 = arith.cmpi ne, %convert_element_type3A_458, %cond3A_459 : i32
      scf.if %cond3A_460 {
        %mul3A_569 = arith.constant 16 : i32
        %mul3A_570 = arith.muli %sub3A_424, %mul3A_569 : i32
        %add3A_571 = arith.constant 3 : i32
        %add3A_572 = arith.addi %mul3A_570, %add3A_571 : i32
        %dma_wait3A_573 = arith.constant 1 : i32
        %dma_wait3A_574 = arith.constant 0 : i32
        %dma_wait3A_575 = tpu.memref_slice %arg4[%add3A_572, %dma_wait3A_573, %dma_wait3A_574] : memref<79x2x128xi32, #tpu.memory_space<vmem>> -> memref<1x1x128xi32, #tpu.memory_space<vmem>>
        %dma_wait3A_576 = tpu.memref_squeeze %dma_wait3A_575 : memref<1x1x128xi32, #tpu.memory_space<vmem>> -> memref<128xi32, #tpu.memory_space<vmem>>
        %dma_wait3A_577 = arith.constant 0 : i32
        %dma_wait3A_578 = tpu.memref_slice %arg7[%dma_wait3A_577] : memref<10240xf32, #tpu.memory_space<vmem_shared>> -> memref<10240xf32, #tpu.memory_space<vmem_shared>>
        tpu.wait_indirect_dma semaphore(%arg8 : memref<!tpu.dma_semaphore, #tpu.memory_space<semaphore_mem>>) src(%arg5 : memref<128xf32, #tpu.memory_space<vmem>>) dst(%dma_wait3A_578 : memref<10240xf32, #tpu.memory_space<vmem_shared>>)
      } else {
      }
      %mul3A_461 = arith.constant 16 : i32
      %mul3A_462 = arith.muli %sub3A_424, %mul3A_461 : i32
      %add3A_463 = arith.constant 4 : i32
      %add3A_464 = arith.addi %mul3A_462, %add3A_463 : i32
      %lt3A_465 = arith.constant 79 : i32
      %lt3A_466 = arith.cmpi slt, %add3A_464, %lt3A_465 : i32
      %convert_element_type3A_467 = arith.extui %lt3A_466 : i1 to i32
      %cond3A_468 = arith.constant 0 : i32
      %cond3A_469 = arith.cmpi ne, %convert_element_type3A_467, %cond3A_468 : i32
      scf.if %cond3A_469 {
        %mul3A_569 = arith.constant 16 : i32
        %mul3A_570 = arith.muli %sub3A_424, %mul3A_569 : i32
        %add3A_571 = arith.constant 4 : i32
        %add3A_572 = arith.addi %mul3A_570, %add3A_571 : i32
        %dma_wait3A_573 = arith.constant 1 : i32
        %dma_wait3A_574 = arith.constant 0 : i32
        %dma_wait3A_575 = tpu.memref_slice %arg4[%add3A_572, %dma_wait3A_573, %dma_wait3A_574] : memref<79x2x128xi32, #tpu.memory_space<vmem>> -> memref<1x1x128xi32, #tpu.memory_space<vmem>>
        %dma_wait3A_576 = tpu.memref_squeeze %dma_wait3A_575 : memref<1x1x128xi32, #tpu.memory_space<vmem>> -> memref<128xi32, #tpu.memory_space<vmem>>
        %dma_wait3A_577 = arith.constant 0 : i32
        %dma_wait3A_578 = tpu.memref_slice %arg7[%dma_wait3A_577] : memref<10240xf32, #tpu.memory_space<vmem_shared>> -> memref<10240xf32, #tpu.memory_space<vmem_shared>>
        tpu.wait_indirect_dma semaphore(%arg8 : memref<!tpu.dma_semaphore, #tpu.memory_space<semaphore_mem>>) src(%arg5 : memref<128xf32, #tpu.memory_space<vmem>>) dst(%dma_wait3A_578 : memref<10240xf32, #tpu.memory_space<vmem_shared>>)
      } else {
      }
      %mul3A_470 = arith.constant 16 : i32
      %mul3A_471 = arith.muli %sub3A_424, %mul3A_470 : i32
      %add3A_472 = arith.constant 5 : i32
      %add3A_473 = arith.addi %mul3A_471, %add3A_472 : i32
      %lt3A_474 = arith.constant 79 : i32
      %lt3A_475 = arith.cmpi slt, %add3A_473, %lt3A_474 : i32
      %convert_element_type3A_476 = arith.extui %lt3A_475 : i1 to i32
      %cond3A_477 = arith.constant 0 : i32
      %cond3A_478 = arith.cmpi ne, %convert_element_type3A_476, %cond3A_477 : i32
      scf.if %cond3A_478 {
        %mul3A_569 = arith.constant 16 : i32
        %mul3A_570 = arith.muli %sub3A_424, %mul3A_569 : i32
        %add3A_571 = arith.constant 5 : i32
        %add3A_572 = arith.addi %mul3A_570, %add3A_571 : i32
        %dma_wait3A_573 = arith.constant 1 : i32
        %dma_wait3A_574 = arith.constant 0 : i32
        %dma_wait3A_575 = tpu.memref_slice %arg4[%add3A_572, %dma_wait3A_573, %dma_wait3A_574] : memref<79x2x128xi32, #tpu.memory_space<vmem>> -> memref<1x1x128xi32, #tpu.memory_space<vmem>>
        %dma_wait3A_576 = tpu.memref_squeeze %dma_wait3A_575 : memref<1x1x128xi32, #tpu.memory_space<vmem>> -> memref<128xi32, #tpu.memory_space<vmem>>
        %dma_wait3A_577 = arith.constant 0 : i32
        %dma_wait3A_578 = tpu.memref_slice %arg7[%dma_wait3A_577] : memref<10240xf32, #tpu.memory_space<vmem_shared>> -> memref<10240xf32, #tpu.memory_space<vmem_shared>>
        tpu.wait_indirect_dma semaphore(%arg8 : memref<!tpu.dma_semaphore, #tpu.memory_space<semaphore_mem>>) src(%arg5 : memref<128xf32, #tpu.memory_space<vmem>>) dst(%dma_wait3A_578 : memref<10240xf32, #tpu.memory_space<vmem_shared>>)
      } else {
      }
      %mul3A_479 = arith.constant 16 : i32
      %mul3A_480 = arith.muli %sub3A_424, %mul3A_479 : i32
      %add3A_481 = arith.constant 6 : i32
      %add3A_482 = arith.addi %mul3A_480, %add3A_481 : i32
      %lt3A_483 = arith.constant 79 : i32
      %lt3A_484 = arith.cmpi slt, %add3A_482, %lt3A_483 : i32
      %convert_element_type3A_485 = arith.extui %lt3A_484 : i1 to i32
      %cond3A_486 = arith.constant 0 : i32
      %cond3A_487 = arith.cmpi ne, %convert_element_type3A_485, %cond3A_486 : i32
      scf.if %cond3A_487 {
        %mul3A_569 = arith.constant 16 : i32
        %mul3A_570 = arith.muli %sub3A_424, %mul3A_569 : i32
        %add3A_571 = arith.constant 6 : i32
        %add3A_572 = arith.addi %mul3A_570, %add3A_571 : i32
        %dma_wait3A_573 = arith.constant 1 : i32
        %dma_wait3A_574 = arith.constant 0 : i32
        %dma_wait3A_575 = tpu.memref_slice %arg4[%add3A_572, %dma_wait3A_573, %dma_wait3A_574] : memref<79x2x128xi32, #tpu.memory_space<vmem>> -> memref<1x1x128xi32, #tpu.memory_space<vmem>>
        %dma_wait3A_576 = tpu.memref_squeeze %dma_wait3A_575 : memref<1x1x128xi32, #tpu.memory_space<vmem>> -> memref<128xi32, #tpu.memory_space<vmem>>
        %dma_wait3A_577 = arith.constant 0 : i32
        %dma_wait3A_578 = tpu.memref_slice %arg7[%dma_wait3A_577] : memref<10240xf32, #tpu.memory_space<vmem_shared>> -> memref<10240xf32, #tpu.memory_space<vmem_shared>>
        tpu.wait_indirect_dma semaphore(%arg8 : memref<!tpu.dma_semaphore, #tpu.memory_space<semaphore_mem>>) src(%arg5 : memref<128xf32, #tpu.memory_space<vmem>>) dst(%dma_wait3A_578 : memref<10240xf32, #tpu.memory_space<vmem_shared>>)
      } else {
      }
      %mul3A_488 = arith.constant 16 : i32
      %mul3A_489 = arith.muli %sub3A_424, %mul3A_488 : i32
      %add3A_490 = arith.constant 7 : i32
      %add3A_491 = arith.addi %mul3A_489, %add3A_490 : i32
      %lt3A_492 = arith.constant 79 : i32
      %lt3A_493 = arith.cmpi slt, %add3A_491, %lt3A_492 : i32
      %convert_element_type3A_494 = arith.extui %lt3A_493 : i1 to i32
      %cond3A_495 = arith.constant 0 : i32
      %cond3A_496 = arith.cmpi ne, %convert_element_type3A_494, %cond3A_495 : i32
      scf.if %cond3A_496 {
        %mul3A_569 = arith.constant 16 : i32
        %mul3A_570 = arith.muli %sub3A_424, %mul3A_569 : i32
        %add3A_571 = arith.constant 7 : i32
        %add3A_572 = arith.addi %mul3A_570, %add3A_571 : i32
        %dma_wait3A_573 = arith.constant 1 : i32
        %dma_wait3A_574 = arith.constant 0 : i32
        %dma_wait3A_575 = tpu.memref_slice %arg4[%add3A_572, %dma_wait3A_573, %dma_wait3A_574] : memref<79x2x128xi32, #tpu.memory_space<vmem>> -> memref<1x1x128xi32, #tpu.memory_space<vmem>>
        %dma_wait3A_576 = tpu.memref_squeeze %dma_wait3A_575 : memref<1x1x128xi32, #tpu.memory_space<vmem>> -> memref<128xi32, #tpu.memory_space<vmem>>
        %dma_wait3A_577 = arith.constant 0 : i32
        %dma_wait3A_578 = tpu.memref_slice %arg7[%dma_wait3A_577] : memref<10240xf32, #tpu.memory_space<vmem_shared>> -> memref<10240xf32, #tpu.memory_space<vmem_shared>>
        tpu.wait_indirect_dma semaphore(%arg8 : memref<!tpu.dma_semaphore, #tpu.memory_space<semaphore_mem>>) src(%arg5 : memref<128xf32, #tpu.memory_space<vmem>>) dst(%dma_wait3A_578 : memref<10240xf32, #tpu.memory_space<vmem_shared>>)
      } else {
      }
      %mul3A_497 = arith.constant 16 : i32
      %mul3A_498 = arith.muli %sub3A_424, %mul3A_497 : i32
      %add3A_499 = arith.constant 8 : i32
      %add3A_500 = arith.addi %mul3A_498, %add3A_499 : i32
      %lt3A_501 = arith.constant 79 : i32
      %lt3A_502 = arith.cmpi slt, %add3A_500, %lt3A_501 : i32
      %convert_element_type3A_503 = arith.extui %lt3A_502 : i1 to i32
      %cond3A_504 = arith.constant 0 : i32
      %cond3A_505 = arith.cmpi ne, %convert_element_type3A_503, %cond3A_504 : i32
      scf.if %cond3A_505 {
        %mul3A_569 = arith.constant 16 : i32
        %mul3A_570 = arith.muli %sub3A_424, %mul3A_569 : i32
        %add3A_571 = arith.constant 8 : i32
        %add3A_572 = arith.addi %mul3A_570, %add3A_571 : i32
        %dma_wait3A_573 = arith.constant 1 : i32
        %dma_wait3A_574 = arith.constant 0 : i32
        %dma_wait3A_575 = tpu.memref_slice %arg4[%add3A_572, %dma_wait3A_573, %dma_wait3A_574] : memref<79x2x128xi32, #tpu.memory_space<vmem>> -> memref<1x1x128xi32, #tpu.memory_space<vmem>>
        %dma_wait3A_576 = tpu.memref_squeeze %dma_wait3A_575 : memref<1x1x128xi32, #tpu.memory_space<vmem>> -> memref<128xi32, #tpu.memory_space<vmem>>
        %dma_wait3A_577 = arith.constant 0 : i32
        %dma_wait3A_578 = tpu.memref_slice %arg7[%dma_wait3A_577] : memref<10240xf32, #tpu.memory_space<vmem_shared>> -> memref<10240xf32, #tpu.memory_space<vmem_shared>>
        tpu.wait_indirect_dma semaphore(%arg8 : memref<!tpu.dma_semaphore, #tpu.memory_space<semaphore_mem>>) src(%arg5 : memref<128xf32, #tpu.memory_space<vmem>>) dst(%dma_wait3A_578 : memref<10240xf32, #tpu.memory_space<vmem_shared>>)
      } else {
      }
      %mul3A_506 = arith.constant 16 : i32
      %mul3A_507 = arith.muli %sub3A_424, %mul3A_506 : i32
      %add3A_508 = arith.constant 9 : i32
      %add3A_509 = arith.addi %mul3A_507, %add3A_508 : i32
      %lt3A_510 = arith.constant 79 : i32
      %lt3A_511 = arith.cmpi slt, %add3A_509, %lt3A_510 : i32
      %convert_element_type3A_512 = arith.extui %lt3A_511 : i1 to i32
      %cond3A_513 = arith.constant 0 : i32
      %cond3A_514 = arith.cmpi ne, %convert_element_type3A_512, %cond3A_513 : i32
      scf.if %cond3A_514 {
        %mul3A_569 = arith.constant 16 : i32
        %mul3A_570 = arith.muli %sub3A_424, %mul3A_569 : i32
        %add3A_571 = arith.constant 9 : i32
        %add3A_572 = arith.addi %mul3A_570, %add3A_571 : i32
        %dma_wait3A_573 = arith.constant 1 : i32
        %dma_wait3A_574 = arith.constant 0 : i32
        %dma_wait3A_575 = tpu.memref_slice %arg4[%add3A_572, %dma_wait3A_573, %dma_wait3A_574] : memref<79x2x128xi32, #tpu.memory_space<vmem>> -> memref<1x1x128xi32, #tpu.memory_space<vmem>>
        %dma_wait3A_576 = tpu.memref_squeeze %dma_wait3A_575 : memref<1x1x128xi32, #tpu.memory_space<vmem>> -> memref<128xi32, #tpu.memory_space<vmem>>
        %dma_wait3A_577 = arith.constant 0 : i32
        %dma_wait3A_578 = tpu.memref_slice %arg7[%dma_wait3A_577] : memref<10240xf32, #tpu.memory_space<vmem_shared>> -> memref<10240xf32, #tpu.memory_space<vmem_shared>>
        tpu.wait_indirect_dma semaphore(%arg8 : memref<!tpu.dma_semaphore, #tpu.memory_space<semaphore_mem>>) src(%arg5 : memref<128xf32, #tpu.memory_space<vmem>>) dst(%dma_wait3A_578 : memref<10240xf32, #tpu.memory_space<vmem_shared>>)
      } else {
      }
      %mul3A_515 = arith.constant 16 : i32
      %mul3A_516 = arith.muli %sub3A_424, %mul3A_515 : i32
      %add3A_517 = arith.constant 10 : i32
      %add3A_518 = arith.addi %mul3A_516, %add3A_517 : i32
      %lt3A_519 = arith.constant 79 : i32
      %lt3A_520 = arith.cmpi slt, %add3A_518, %lt3A_519 : i32
      %convert_element_type3A_521 = arith.extui %lt3A_520 : i1 to i32
      %cond3A_522 = arith.constant 0 : i32
      %cond3A_523 = arith.cmpi ne, %convert_element_type3A_521, %cond3A_522 : i32
      scf.if %cond3A_523 {
        %mul3A_569 = arith.constant 16 : i32
        %mul3A_570 = arith.muli %sub3A_424, %mul3A_569 : i32
        %add3A_571 = arith.constant 10 : i32
        %add3A_572 = arith.addi %mul3A_570, %add3A_571 : i32
        %dma_wait3A_573 = arith.constant 1 : i32
        %dma_wait3A_574 = arith.constant 0 : i32
        %dma_wait3A_575 = tpu.memref_slice %arg4[%add3A_572, %dma_wait3A_573, %dma_wait3A_574] : memref<79x2x128xi32, #tpu.memory_space<vmem>> -> memref<1x1x128xi32, #tpu.memory_space<vmem>>
        %dma_wait3A_576 = tpu.memref_squeeze %dma_wait3A_575 : memref<1x1x128xi32, #tpu.memory_space<vmem>> -> memref<128xi32, #tpu.memory_space<vmem>>
        %dma_wait3A_577 = arith.constant 0 : i32
        %dma_wait3A_578 = tpu.memref_slice %arg7[%dma_wait3A_577] : memref<10240xf32, #tpu.memory_space<vmem_shared>> -> memref<10240xf32, #tpu.memory_space<vmem_shared>>
        tpu.wait_indirect_dma semaphore(%arg8 : memref<!tpu.dma_semaphore, #tpu.memory_space<semaphore_mem>>) src(%arg5 : memref<128xf32, #tpu.memory_space<vmem>>) dst(%dma_wait3A_578 : memref<10240xf32, #tpu.memory_space<vmem_shared>>)
      } else {
      }
      %mul3A_524 = arith.constant 16 : i32
      %mul3A_525 = arith.muli %sub3A_424, %mul3A_524 : i32
      %add3A_526 = arith.constant 11 : i32
      %add3A_527 = arith.addi %mul3A_525, %add3A_526 : i32
      %lt3A_528 = arith.constant 79 : i32
      %lt3A_529 = arith.cmpi slt, %add3A_527, %lt3A_528 : i32
      %convert_element_type3A_530 = arith.extui %lt3A_529 : i1 to i32
      %cond3A_531 = arith.constant 0 : i32
      %cond3A_532 = arith.cmpi ne, %convert_element_type3A_530, %cond3A_531 : i32
      scf.if %cond3A_532 {
        %mul3A_569 = arith.constant 16 : i32
        %mul3A_570 = arith.muli %sub3A_424, %mul3A_569 : i32
        %add3A_571 = arith.constant 11 : i32
        %add3A_572 = arith.addi %mul3A_570, %add3A_571 : i32
        %dma_wait3A_573 = arith.constant 1 : i32
        %dma_wait3A_574 = arith.constant 0 : i32
        %dma_wait3A_575 = tpu.memref_slice %arg4[%add3A_572, %dma_wait3A_573, %dma_wait3A_574] : memref<79x2x128xi32, #tpu.memory_space<vmem>> -> memref<1x1x128xi32, #tpu.memory_space<vmem>>
        %dma_wait3A_576 = tpu.memref_squeeze %dma_wait3A_575 : memref<1x1x128xi32, #tpu.memory_space<vmem>> -> memref<128xi32, #tpu.memory_space<vmem>>
        %dma_wait3A_577 = arith.constant 0 : i32
        %dma_wait3A_578 = tpu.memref_slice %arg7[%dma_wait3A_577] : memref<10240xf32, #tpu.memory_space<vmem_shared>> -> memref<10240xf32, #tpu.memory_space<vmem_shared>>
        tpu.wait_indirect_dma semaphore(%arg8 : memref<!tpu.dma_semaphore, #tpu.memory_space<semaphore_mem>>) src(%arg5 : memref<128xf32, #tpu.memory_space<vmem>>) dst(%dma_wait3A_578 : memref<10240xf32, #tpu.memory_space<vmem_shared>>)
      } else {
      }
      %mul3A_533 = arith.constant 16 : i32
      %mul3A_534 = arith.muli %sub3A_424, %mul3A_533 : i32
      %add3A_535 = arith.constant 12 : i32
      %add3A_536 = arith.addi %mul3A_534, %add3A_535 : i32
      %lt3A_537 = arith.constant 79 : i32
      %lt3A_538 = arith.cmpi slt, %add3A_536, %lt3A_537 : i32
      %convert_element_type3A_539 = arith.extui %lt3A_538 : i1 to i32
      %cond3A_540 = arith.constant 0 : i32
      %cond3A_541 = arith.cmpi ne, %convert_element_type3A_539, %cond3A_540 : i32
      scf.if %cond3A_541 {
        %mul3A_569 = arith.constant 16 : i32
        %mul3A_570 = arith.muli %sub3A_424, %mul3A_569 : i32
        %add3A_571 = arith.constant 12 : i32
        %add3A_572 = arith.addi %mul3A_570, %add3A_571 : i32
        %dma_wait3A_573 = arith.constant 1 : i32
        %dma_wait3A_574 = arith.constant 0 : i32
        %dma_wait3A_575 = tpu.memref_slice %arg4[%add3A_572, %dma_wait3A_573, %dma_wait3A_574] : memref<79x2x128xi32, #tpu.memory_space<vmem>> -> memref<1x1x128xi32, #tpu.memory_space<vmem>>
        %dma_wait3A_576 = tpu.memref_squeeze %dma_wait3A_575 : memref<1x1x128xi32, #tpu.memory_space<vmem>> -> memref<128xi32, #tpu.memory_space<vmem>>
        %dma_wait3A_577 = arith.constant 0 : i32
        %dma_wait3A_578 = tpu.memref_slice %arg7[%dma_wait3A_577] : memref<10240xf32, #tpu.memory_space<vmem_shared>> -> memref<10240xf32, #tpu.memory_space<vmem_shared>>
        tpu.wait_indirect_dma semaphore(%arg8 : memref<!tpu.dma_semaphore, #tpu.memory_space<semaphore_mem>>) src(%arg5 : memref<128xf32, #tpu.memory_space<vmem>>) dst(%dma_wait3A_578 : memref<10240xf32, #tpu.memory_space<vmem_shared>>)
      } else {
      }
      %mul3A_542 = arith.constant 16 : i32
      %mul3A_543 = arith.muli %sub3A_424, %mul3A_542 : i32
      %add3A_544 = arith.constant 13 : i32
      %add3A_545 = arith.addi %mul3A_543, %add3A_544 : i32
      %lt3A_546 = arith.constant 79 : i32
      %lt3A_547 = arith.cmpi slt, %add3A_545, %lt3A_546 : i32
      %convert_element_type3A_548 = arith.extui %lt3A_547 : i1 to i32
      %cond3A_549 = arith.constant 0 : i32
      %cond3A_550 = arith.cmpi ne, %convert_element_type3A_548, %cond3A_549 : i32
      scf.if %cond3A_550 {
        %mul3A_569 = arith.constant 16 : i32
        %mul3A_570 = arith.muli %sub3A_424, %mul3A_569 : i32
        %add3A_571 = arith.constant 13 : i32
        %add3A_572 = arith.addi %mul3A_570, %add3A_571 : i32
        %dma_wait3A_573 = arith.constant 1 : i32
        %dma_wait3A_574 = arith.constant 0 : i32
        %dma_wait3A_575 = tpu.memref_slice %arg4[%add3A_572, %dma_wait3A_573, %dma_wait3A_574] : memref<79x2x128xi32, #tpu.memory_space<vmem>> -> memref<1x1x128xi32, #tpu.memory_space<vmem>>
        %dma_wait3A_576 = tpu.memref_squeeze %dma_wait3A_575 : memref<1x1x128xi32, #tpu.memory_space<vmem>> -> memref<128xi32, #tpu.memory_space<vmem>>
        %dma_wait3A_577 = arith.constant 0 : i32
        %dma_wait3A_578 = tpu.memref_slice %arg7[%dma_wait3A_577] : memref<10240xf32, #tpu.memory_space<vmem_shared>> -> memref<10240xf32, #tpu.memory_space<vmem_shared>>
        tpu.wait_indirect_dma semaphore(%arg8 : memref<!tpu.dma_semaphore, #tpu.memory_space<semaphore_mem>>) src(%arg5 : memref<128xf32, #tpu.memory_space<vmem>>) dst(%dma_wait3A_578 : memref<10240xf32, #tpu.memory_space<vmem_shared>>)
      } else {
      }
      %mul3A_551 = arith.constant 16 : i32
      %mul3A_552 = arith.muli %sub3A_424, %mul3A_551 : i32
      %add3A_553 = arith.constant 14 : i32
      %add3A_554 = arith.addi %mul3A_552, %add3A_553 : i32
      %lt3A_555 = arith.constant 79 : i32
      %lt3A_556 = arith.cmpi slt, %add3A_554, %lt3A_555 : i32
      %convert_element_type3A_557 = arith.extui %lt3A_556 : i1 to i32
      %cond3A_558 = arith.constant 0 : i32
      %cond3A_559 = arith.cmpi ne, %convert_element_type3A_557, %cond3A_558 : i32
      scf.if %cond3A_559 {
        %mul3A_569 = arith.constant 16 : i32
        %mul3A_570 = arith.muli %sub3A_424, %mul3A_569 : i32
        %add3A_571 = arith.constant 14 : i32
        %add3A_572 = arith.addi %mul3A_570, %add3A_571 : i32
        %dma_wait3A_573 = arith.constant 1 : i32
        %dma_wait3A_574 = arith.constant 0 : i32
        %dma_wait3A_575 = tpu.memref_slice %arg4[%add3A_572, %dma_wait3A_573, %dma_wait3A_574] : memref<79x2x128xi32, #tpu.memory_space<vmem>> -> memref<1x1x128xi32, #tpu.memory_space<vmem>>
        %dma_wait3A_576 = tpu.memref_squeeze %dma_wait3A_575 : memref<1x1x128xi32, #tpu.memory_space<vmem>> -> memref<128xi32, #tpu.memory_space<vmem>>
        %dma_wait3A_577 = arith.constant 0 : i32
        %dma_wait3A_578 = tpu.memref_slice %arg7[%dma_wait3A_577] : memref<10240xf32, #tpu.memory_space<vmem_shared>> -> memref<10240xf32, #tpu.memory_space<vmem_shared>>
        tpu.wait_indirect_dma semaphore(%arg8 : memref<!tpu.dma_semaphore, #tpu.memory_space<semaphore_mem>>) src(%arg5 : memref<128xf32, #tpu.memory_space<vmem>>) dst(%dma_wait3A_578 : memref<10240xf32, #tpu.memory_space<vmem_shared>>)
      } else {
      }
      %mul3A_560 = arith.constant 16 : i32
      %mul3A_561 = arith.muli %sub3A_424, %mul3A_560 : i32
      %add3A_562 = arith.constant 15 : i32
      %add3A_563 = arith.addi %mul3A_561, %add3A_562 : i32
      %lt3A_564 = arith.constant 79 : i32
      %lt3A_565 = arith.cmpi slt, %add3A_563, %lt3A_564 : i32
      %convert_element_type3A_566 = arith.extui %lt3A_565 : i1 to i32
      %cond3A_567 = arith.constant 0 : i32
      %cond3A_568 = arith.cmpi ne, %convert_element_type3A_566, %cond3A_567 : i32
      scf.if %cond3A_568 {
        %mul3A_569 = arith.constant 16 : i32
        %mul3A_570 = arith.muli %sub3A_424, %mul3A_569 : i32
        %add3A_571 = arith.constant 15 : i32
        %add3A_572 = arith.addi %mul3A_570, %add3A_571 : i32
        %dma_wait3A_573 = arith.constant 1 : i32
        %dma_wait3A_574 = arith.constant 0 : i32
        %dma_wait3A_575 = tpu.memref_slice %arg4[%add3A_572, %dma_wait3A_573, %dma_wait3A_574] : memref<79x2x128xi32, #tpu.memory_space<vmem>> -> memref<1x1x128xi32, #tpu.memory_space<vmem>>
        %dma_wait3A_576 = tpu.memref_squeeze %dma_wait3A_575 : memref<1x1x128xi32, #tpu.memory_space<vmem>> -> memref<128xi32, #tpu.memory_space<vmem>>
        %dma_wait3A_577 = arith.constant 0 : i32
        %dma_wait3A_578 = tpu.memref_slice %arg7[%dma_wait3A_577] : memref<10240xf32, #tpu.memory_space<vmem_shared>> -> memref<10240xf32, #tpu.memory_space<vmem_shared>>
        tpu.wait_indirect_dma semaphore(%arg8 : memref<!tpu.dma_semaphore, #tpu.memory_space<semaphore_mem>>) src(%arg5 : memref<128xf32, #tpu.memory_space<vmem>>) dst(%dma_wait3A_578 : memref<10240xf32, #tpu.memory_space<vmem_shared>>)
      } else {
      }
    }
    %scan3A_172 = arith.constant 4 : i32
    %dma_wait3A = arith.constant 64 : i32
    %dma_wait3A_173 = arith.constant 1 : i32
    %dma_wait3A_174 = arith.constant 0 : i32
    %dma_wait3A_175 = tpu.memref_slice %arg4[%dma_wait3A, %dma_wait3A_173, %dma_wait3A_174] : memref<79x2x128xi32, #tpu.memory_space<vmem>> -> memref<1x1x128xi32, #tpu.memory_space<vmem>>
    %dma_wait3A_176 = tpu.memref_squeeze %dma_wait3A_175 : memref<1x1x128xi32, #tpu.memory_space<vmem>> -> memref<128xi32, #tpu.memory_space<vmem>>
    %dma_wait3A_177 = arith.constant 0 : i32
    %dma_wait3A_178 = tpu.memref_slice %arg7[%dma_wait3A_177] : memref<10240xf32, #tpu.memory_space<vmem_shared>> -> memref<10240xf32, #tpu.memory_space<vmem_shared>>
    tpu.wait_indirect_dma semaphore(%arg8 : memref<!tpu.dma_semaphore, #tpu.memory_space<semaphore_mem>>) src(%arg5 : memref<128xf32, #tpu.memory_space<vmem>>) dst(%dma_wait3A_178 : memref<10240xf32, #tpu.memory_space<vmem_shared>>)
    %dma_wait3A_179 = arith.constant 65 : i32
    %dma_wait3A_180 = arith.constant 1 : i32
    %dma_wait3A_181 = arith.constant 0 : i32
    %dma_wait3A_182 = tpu.memref_slice %arg4[%dma_wait3A_179, %dma_wait3A_180, %dma_wait3A_181] : memref<79x2x128xi32, #tpu.memory_space<vmem>> -> memref<1x1x128xi32, #tpu.memory_space<vmem>>
    %dma_wait3A_183 = tpu.memref_squeeze %dma_wait3A_182 : memref<1x1x128xi32, #tpu.memory_space<vmem>> -> memref<128xi32, #tpu.memory_space<vmem>>
    %dma_wait3A_184 = arith.constant 0 : i32
    %dma_wait3A_185 = tpu.memref_slice %arg7[%dma_wait3A_184] : memref<10240xf32, #tpu.memory_space<vmem_shared>> -> memref<10240xf32, #tpu.memory_space<vmem_shared>>
    tpu.wait_indirect_dma semaphore(%arg8 : memref<!tpu.dma_semaphore, #tpu.memory_space<semaphore_mem>>) src(%arg5 : memref<128xf32, #tpu.memory_space<vmem>>) dst(%dma_wait3A_185 : memref<10240xf32, #tpu.memory_space<vmem_shared>>)
    %dma_wait3A_186 = arith.constant 66 : i32
    %dma_wait3A_187 = arith.constant 1 : i32
    %dma_wait3A_188 = arith.constant 0 : i32
    %dma_wait3A_189 = tpu.memref_slice %arg4[%dma_wait3A_186, %dma_wait3A_187, %dma_wait3A_188] : memref<79x2x128xi32, #tpu.memory_space<vmem>> -> memref<1x1x128xi32, #tpu.memory_space<vmem>>
    %dma_wait3A_190 = tpu.memref_squeeze %dma_wait3A_189 : memref<1x1x128xi32, #tpu.memory_space<vmem>> -> memref<128xi32, #tpu.memory_space<vmem>>
    %dma_wait3A_191 = arith.constant 0 : i32
    %dma_wait3A_192 = tpu.memref_slice %arg7[%dma_wait3A_191] : memref<10240xf32, #tpu.memory_space<vmem_shared>> -> memref<10240xf32, #tpu.memory_space<vmem_shared>>
    tpu.wait_indirect_dma semaphore(%arg8 : memref<!tpu.dma_semaphore, #tpu.memory_space<semaphore_mem>>) src(%arg5 : memref<128xf32, #tpu.memory_space<vmem>>) dst(%dma_wait3A_192 : memref<10240xf32, #tpu.memory_space<vmem_shared>>)
    %dma_wait3A_193 = arith.constant 67 : i32
    %dma_wait3A_194 = arith.constant 1 : i32
    %dma_wait3A_195 = arith.constant 0 : i32
    %dma_wait3A_196 = tpu.memref_slice %arg4[%dma_wait3A_193, %dma_wait3A_194, %dma_wait3A_195] : memref<79x2x128xi32, #tpu.memory_space<vmem>> -> memref<1x1x128xi32, #tpu.memory_space<vmem>>
    %dma_wait3A_197 = tpu.memref_squeeze %dma_wait3A_196 : memref<1x1x128xi32, #tpu.memory_space<vmem>> -> memref<128xi32, #tpu.memory_space<vmem>>
    %dma_wait3A_198 = arith.constant 0 : i32
    %dma_wait3A_199 = tpu.memref_slice %arg7[%dma_wait3A_198] : memref<10240xf32, #tpu.memory_space<vmem_shared>> -> memref<10240xf32, #tpu.memory_space<vmem_shared>>
    tpu.wait_indirect_dma semaphore(%arg8 : memref<!tpu.dma_semaphore, #tpu.memory_space<semaphore_mem>>) src(%arg5 : memref<128xf32, #tpu.memory_space<vmem>>) dst(%dma_wait3A_199 : memref<10240xf32, #tpu.memory_space<vmem_shared>>)
    %dma_wait3A_200 = arith.constant 68 : i32
    %dma_wait3A_201 = arith.constant 1 : i32
    %dma_wait3A_202 = arith.constant 0 : i32
    %dma_wait3A_203 = tpu.memref_slice %arg4[%dma_wait3A_200, %dma_wait3A_201, %dma_wait3A_202] : memref<79x2x128xi32, #tpu.memory_space<vmem>> -> memref<1x1x128xi32, #tpu.memory_space<vmem>>
    %dma_wait3A_204 = tpu.memref_squeeze %dma_wait3A_203 : memref<1x1x128xi32, #tpu.memory_space<vmem>> -> memref<128xi32, #tpu.memory_space<vmem>>
    %dma_wait3A_205 = arith.constant 0 : i32
    %dma_wait3A_206 = tpu.memref_slice %arg7[%dma_wait3A_205] : memref<10240xf32, #tpu.memory_space<vmem_shared>> -> memref<10240xf32, #tpu.memory_space<vmem_shared>>
    tpu.wait_indirect_dma semaphore(%arg8 : memref<!tpu.dma_semaphore, #tpu.memory_space<semaphore_mem>>) src(%arg5 : memref<128xf32, #tpu.memory_space<vmem>>) dst(%dma_wait3A_206 : memref<10240xf32, #tpu.memory_space<vmem_shared>>)
    %dma_wait3A_207 = arith.constant 69 : i32
    %dma_wait3A_208 = arith.constant 1 : i32
    %dma_wait3A_209 = arith.constant 0 : i32
    %dma_wait3A_210 = tpu.memref_slice %arg4[%dma_wait3A_207, %dma_wait3A_208, %dma_wait3A_209] : memref<79x2x128xi32, #tpu.memory_space<vmem>> -> memref<1x1x128xi32, #tpu.memory_space<vmem>>
    %dma_wait3A_211 = tpu.memref_squeeze %dma_wait3A_210 : memref<1x1x128xi32, #tpu.memory_space<vmem>> -> memref<128xi32, #tpu.memory_space<vmem>>
    %dma_wait3A_212 = arith.constant 0 : i32
    %dma_wait3A_213 = tpu.memref_slice %arg7[%dma_wait3A_212] : memref<10240xf32, #tpu.memory_space<vmem_shared>> -> memref<10240xf32, #tpu.memory_space<vmem_shared>>
    tpu.wait_indirect_dma semaphore(%arg8 : memref<!tpu.dma_semaphore, #tpu.memory_space<semaphore_mem>>) src(%arg5 : memref<128xf32, #tpu.memory_space<vmem>>) dst(%dma_wait3A_213 : memref<10240xf32, #tpu.memory_space<vmem_shared>>)
    %dma_wait3A_214 = arith.constant 70 : i32
    %dma_wait3A_215 = arith.constant 1 : i32
    %dma_wait3A_216 = arith.constant 0 : i32
    %dma_wait3A_217 = tpu.memref_slice %arg4[%dma_wait3A_214, %dma_wait3A_215, %dma_wait3A_216] : memref<79x2x128xi32, #tpu.memory_space<vmem>> -> memref<1x1x128xi32, #tpu.memory_space<vmem>>
    %dma_wait3A_218 = tpu.memref_squeeze %dma_wait3A_217 : memref<1x1x128xi32, #tpu.memory_space<vmem>> -> memref<128xi32, #tpu.memory_space<vmem>>
    %dma_wait3A_219 = arith.constant 0 : i32
    %dma_wait3A_220 = tpu.memref_slice %arg7[%dma_wait3A_219] : memref<10240xf32, #tpu.memory_space<vmem_shared>> -> memref<10240xf32, #tpu.memory_space<vmem_shared>>
    tpu.wait_indirect_dma semaphore(%arg8 : memref<!tpu.dma_semaphore, #tpu.memory_space<semaphore_mem>>) src(%arg5 : memref<128xf32, #tpu.memory_space<vmem>>) dst(%dma_wait3A_220 : memref<10240xf32, #tpu.memory_space<vmem_shared>>)
    %dma_wait3A_221 = arith.constant 71 : i32
    %dma_wait3A_222 = arith.constant 1 : i32
    %dma_wait3A_223 = arith.constant 0 : i32
    %dma_wait3A_224 = tpu.memref_slice %arg4[%dma_wait3A_221, %dma_wait3A_222, %dma_wait3A_223] : memref<79x2x128xi32, #tpu.memory_space<vmem>> -> memref<1x1x128xi32, #tpu.memory_space<vmem>>
    %dma_wait3A_225 = tpu.memref_squeeze %dma_wait3A_224 : memref<1x1x128xi32, #tpu.memory_space<vmem>> -> memref<128xi32, #tpu.memory_space<vmem>>
    %dma_wait3A_226 = arith.constant 0 : i32
    %dma_wait3A_227 = tpu.memref_slice %arg7[%dma_wait3A_226] : memref<10240xf32, #tpu.memory_space<vmem_shared>> -> memref<10240xf32, #tpu.memory_space<vmem_shared>>
    tpu.wait_indirect_dma semaphore(%arg8 : memref<!tpu.dma_semaphore, #tpu.memory_space<semaphore_mem>>) src(%arg5 : memref<128xf32, #tpu.memory_space<vmem>>) dst(%dma_wait3A_227 : memref<10240xf32, #tpu.memory_space<vmem_shared>>)
    %dma_wait3A_228 = arith.constant 72 : i32
    %dma_wait3A_229 = arith.constant 1 : i32
    %dma_wait3A_230 = arith.constant 0 : i32
    %dma_wait3A_231 = tpu.memref_slice %arg4[%dma_wait3A_228, %dma_wait3A_229, %dma_wait3A_230] : memref<79x2x128xi32, #tpu.memory_space<vmem>> -> memref<1x1x128xi32, #tpu.memory_space<vmem>>
    %dma_wait3A_232 = tpu.memref_squeeze %dma_wait3A_231 : memref<1x1x128xi32, #tpu.memory_space<vmem>> -> memref<128xi32, #tpu.memory_space<vmem>>
    %dma_wait3A_233 = arith.constant 0 : i32
    %dma_wait3A_234 = tpu.memref_slice %arg7[%dma_wait3A_233] : memref<10240xf32, #tpu.memory_space<vmem_shared>> -> memref<10240xf32, #tpu.memory_space<vmem_shared>>
    tpu.wait_indirect_dma semaphore(%arg8 : memref<!tpu.dma_semaphore, #tpu.memory_space<semaphore_mem>>) src(%arg5 : memref<128xf32, #tpu.memory_space<vmem>>) dst(%dma_wait3A_234 : memref<10240xf32, #tpu.memory_space<vmem_shared>>)
    %dma_wait3A_235 = arith.constant 73 : i32
    %dma_wait3A_236 = arith.constant 1 : i32
    %dma_wait3A_237 = arith.constant 0 : i32
    %dma_wait3A_238 = tpu.memref_slice %arg4[%dma_wait3A_235, %dma_wait3A_236, %dma_wait3A_237] : memref<79x2x128xi32, #tpu.memory_space<vmem>> -> memref<1x1x128xi32, #tpu.memory_space<vmem>>
    %dma_wait3A_239 = tpu.memref_squeeze %dma_wait3A_238 : memref<1x1x128xi32, #tpu.memory_space<vmem>> -> memref<128xi32, #tpu.memory_space<vmem>>
    %dma_wait3A_240 = arith.constant 0 : i32
    %dma_wait3A_241 = tpu.memref_slice %arg7[%dma_wait3A_240] : memref<10240xf32, #tpu.memory_space<vmem_shared>> -> memref<10240xf32, #tpu.memory_space<vmem_shared>>
    tpu.wait_indirect_dma semaphore(%arg8 : memref<!tpu.dma_semaphore, #tpu.memory_space<semaphore_mem>>) src(%arg5 : memref<128xf32, #tpu.memory_space<vmem>>) dst(%dma_wait3A_241 : memref<10240xf32, #tpu.memory_space<vmem_shared>>)
    %dma_wait3A_242 = arith.constant 74 : i32
    %dma_wait3A_243 = arith.constant 1 : i32
    %dma_wait3A_244 = arith.constant 0 : i32
    %dma_wait3A_245 = tpu.memref_slice %arg4[%dma_wait3A_242, %dma_wait3A_243, %dma_wait3A_244] : memref<79x2x128xi32, #tpu.memory_space<vmem>> -> memref<1x1x128xi32, #tpu.memory_space<vmem>>
    %dma_wait3A_246 = tpu.memref_squeeze %dma_wait3A_245 : memref<1x1x128xi32, #tpu.memory_space<vmem>> -> memref<128xi32, #tpu.memory_space<vmem>>
    %dma_wait3A_247 = arith.constant 0 : i32
    %dma_wait3A_248 = tpu.memref_slice %arg7[%dma_wait3A_247] : memref<10240xf32, #tpu.memory_space<vmem_shared>> -> memref<10240xf32, #tpu.memory_space<vmem_shared>>
    tpu.wait_indirect_dma semaphore(%arg8 : memref<!tpu.dma_semaphore, #tpu.memory_space<semaphore_mem>>) src(%arg5 : memref<128xf32, #tpu.memory_space<vmem>>) dst(%dma_wait3A_248 : memref<10240xf32, #tpu.memory_space<vmem_shared>>)
    %dma_wait3A_249 = arith.constant 75 : i32
    %dma_wait3A_250 = arith.constant 1 : i32
    %dma_wait3A_251 = arith.constant 0 : i32
    %dma_wait3A_252 = tpu.memref_slice %arg4[%dma_wait3A_249, %dma_wait3A_250, %dma_wait3A_251] : memref<79x2x128xi32, #tpu.memory_space<vmem>> -> memref<1x1x128xi32, #tpu.memory_space<vmem>>
    %dma_wait3A_253 = tpu.memref_squeeze %dma_wait3A_252 : memref<1x1x128xi32, #tpu.memory_space<vmem>> -> memref<128xi32, #tpu.memory_space<vmem>>
    %dma_wait3A_254 = arith.constant 0 : i32
    %dma_wait3A_255 = tpu.memref_slice %arg7[%dma_wait3A_254] : memref<10240xf32, #tpu.memory_space<vmem_shared>> -> memref<10240xf32, #tpu.memory_space<vmem_shared>>
    tpu.wait_indirect_dma semaphore(%arg8 : memref<!tpu.dma_semaphore, #tpu.memory_space<semaphore_mem>>) src(%arg5 : memref<128xf32, #tpu.memory_space<vmem>>) dst(%dma_wait3A_255 : memref<10240xf32, #tpu.memory_space<vmem_shared>>)
    %dma_wait3A_256 = arith.constant 76 : i32
    %dma_wait3A_257 = arith.constant 1 : i32
    %dma_wait3A_258 = arith.constant 0 : i32
    %dma_wait3A_259 = tpu.memref_slice %arg4[%dma_wait3A_256, %dma_wait3A_257, %dma_wait3A_258] : memref<79x2x128xi32, #tpu.memory_space<vmem>> -> memref<1x1x128xi32, #tpu.memory_space<vmem>>
    %dma_wait3A_260 = tpu.memref_squeeze %dma_wait3A_259 : memref<1x1x128xi32, #tpu.memory_space<vmem>> -> memref<128xi32, #tpu.memory_space<vmem>>
    %dma_wait3A_261 = arith.constant 0 : i32
    %dma_wait3A_262 = tpu.memref_slice %arg7[%dma_wait3A_261] : memref<10240xf32, #tpu.memory_space<vmem_shared>> -> memref<10240xf32, #tpu.memory_space<vmem_shared>>
    tpu.wait_indirect_dma semaphore(%arg8 : memref<!tpu.dma_semaphore, #tpu.memory_space<semaphore_mem>>) src(%arg5 : memref<128xf32, #tpu.memory_space<vmem>>) dst(%dma_wait3A_262 : memref<10240xf32, #tpu.memory_space<vmem_shared>>)
    %dma_wait3A_263 = arith.constant 77 : i32
    %dma_wait3A_264 = arith.constant 1 : i32
    %dma_wait3A_265 = arith.constant 0 : i32
    %dma_wait3A_266 = tpu.memref_slice %arg4[%dma_wait3A_263, %dma_wait3A_264, %dma_wait3A_265] : memref<79x2x128xi32, #tpu.memory_space<vmem>> -> memref<1x1x128xi32, #tpu.memory_space<vmem>>
    %dma_wait3A_267 = tpu.memref_squeeze %dma_wait3A_266 : memref<1x1x128xi32, #tpu.memory_space<vmem>> -> memref<128xi32, #tpu.memory_space<vmem>>
    %dma_wait3A_268 = arith.constant 0 : i32
    %dma_wait3A_269 = tpu.memref_slice %arg7[%dma_wait3A_268] : memref<10240xf32, #tpu.memory_space<vmem_shared>> -> memref<10240xf32, #tpu.memory_space<vmem_shared>>
    tpu.wait_indirect_dma semaphore(%arg8 : memref<!tpu.dma_semaphore, #tpu.memory_space<semaphore_mem>>) src(%arg5 : memref<128xf32, #tpu.memory_space<vmem>>) dst(%dma_wait3A_269 : memref<10240xf32, #tpu.memory_space<vmem_shared>>)
    %dma_wait3A_270 = arith.constant 78 : i32
    %dma_wait3A_271 = arith.constant 1 : i32
    %dma_wait3A_272 = arith.constant 0 : i32
    %dma_wait3A_273 = tpu.memref_slice %arg4[%dma_wait3A_270, %dma_wait3A_271, %dma_wait3A_272] : memref<79x2x128xi32, #tpu.memory_space<vmem>> -> memref<1x1x128xi32, #tpu.memory_space<vmem>>
    %dma_wait3A_274 = tpu.memref_squeeze %dma_wait3A_273 : memref<1x1x128xi32, #tpu.memory_space<vmem>> -> memref<128xi32, #tpu.memory_space<vmem>>
    %dma_wait3A_275 = arith.constant 0 : i32
    %dma_wait3A_276 = tpu.memref_slice %arg7[%dma_wait3A_275] : memref<10240xf32, #tpu.memory_space<vmem_shared>> -> memref<10240xf32, #tpu.memory_space<vmem_shared>>
    tpu.wait_indirect_dma semaphore(%arg8 : memref<!tpu.dma_semaphore, #tpu.memory_space<semaphore_mem>>) src(%arg5 : memref<128xf32, #tpu.memory_space<vmem>>) dst(%dma_wait3A_276 : memref<10240xf32, #tpu.memory_space<vmem_shared>>)
    %barrier3A_277 = arith.constant 0 : index
    tpu.barrier barrier_id(%barrier3A_277)
    %mul3A_278 = arith.constant 640 : i32
    %mul3A_279 = arith.muli %arg1, %mul3A_278 : i32
    %mul3A_280 = arith.constant 640 : i32
    %mul3A_281 = arith.muli %arg1, %mul3A_280 : i32
    "tpu.region"() ({
      %run_scoped3A = tpu.sem_alloc : memref<!tpu.dma_semaphore, #tpu.memory_space<semaphore_mem>>
      %dma_start3A_282 = tpu.memref_slice %arg3[%arg0, %mul3A_281] : memref<2x10240xf32, #tpu.memory_space<hbm>> -> memref<1x640xf32, #tpu.memory_space<hbm>>
      %dma_start3A_283 = tpu.memref_squeeze %dma_start3A_282 : memref<1x640xf32, #tpu.memory_space<hbm>> -> memref<640xf32, #tpu.memory_space<hbm>>
      %dma_start3A_284 = tpu.memref_slice %arg7[%mul3A_279] : memref<10240xf32, #tpu.memory_space<vmem_shared>> -> memref<640xf32, #tpu.memory_space<vmem_shared>>
      tpu.enqueue_dma source(%dma_start3A_284 : memref<640xf32, #tpu.memory_space<vmem_shared>>) target(%dma_start3A_283 : memref<640xf32, #tpu.memory_space<hbm>>) target_semaphore(%run_scoped3A : memref<!tpu.dma_semaphore, #tpu.memory_space<semaphore_mem>>)
      %dma_wait3A_285 = tpu.memref_slice %arg3[%arg0, %mul3A_281] : memref<2x10240xf32, #tpu.memory_space<hbm>> -> memref<1x640xf32, #tpu.memory_space<hbm>>
      %dma_wait3A_286 = tpu.memref_squeeze %dma_wait3A_285 : memref<1x640xf32, #tpu.memory_space<hbm>> -> memref<640xf32, #tpu.memory_space<hbm>>
      %dma_wait3A_287 = tpu.memref_slice %arg7[%mul3A_279] : memref<10240xf32, #tpu.memory_space<vmem_shared>> -> memref<640xf32, #tpu.memory_space<vmem_shared>>
      tpu.wait_dma2 semaphore(%run_scoped3A : memref<!tpu.dma_semaphore, #tpu.memory_space<semaphore_mem>>) src(%dma_wait3A_287 : memref<640xf32, #tpu.memory_space<vmem_shared>>) dst(%dma_wait3A_286 : memref<640xf32, #tpu.memory_space<hbm>>)
      tpu.yield
    }) : () -> ()
    return
  }
}

#map = affine_map<(d0, d1) -> (0, 0, 0)>
#map1 = affine_map<(d0, d1) -> (0, 0)>
module attributes {stable_mosaic.version = 14 : i64} {
  func.func @_msg_kernel(%arg0: i32, %arg1: i32, %arg2: memref<2528x2x128xi32, #tpu.memory_space<hbm>>, %arg3: memref<10000x128xf32, #tpu.memory_space<hbm>>, %arg4: memref<2x10240x128xf32, #tpu.memory_space<hbm>>, %arg5: memref<3x2x128xi32, #tpu.memory_space<vmem>>, %arg6: memref<2x128x128xf32, #tpu.memory_space<vmem>>, %arg7: memref<16x128xf32, #tpu.memory_space<vmem>>, %arg8: memref<10240x128xf32, #tpu.memory_space<vmem_shared>>, %arg9: memref<3x!tpu.dma_semaphore, #tpu.memory_space<semaphore_mem>>, %arg10: memref<2x!tpu.dma_semaphore, #tpu.memory_space<semaphore_mem>>, %arg11: memref<2x!tpu.dma_semaphore, #tpu.memory_space<semaphore_mem>>, %arg12: memref<!tpu.dma_semaphore, #tpu.memory_space<semaphore_mem>>) attributes {dimension_semantics = [#tpu.dimension_semantics<core_parallel>, #tpu.dimension_semantics<subcore_parallel>], iteration_bounds = array<i64: 2, 16>, scalar_prefetch = 0 : i64, scratch_operands = 8 : i64, tpu.core_type = #tpu.core_type<sc_vector_subcore>, window_params = [{transform_indices = #map}, {transform_indices = #map1}, {transform_indices = #map}]} {
    %eq3A = arith.constant 0 : i32
    %eq3A_0 = arith.cmpi eq, %arg0, %eq3A : i32
    %mul3A = arith.constant 140 : i32
    %mul3A_1 = arith.muli %arg1, %mul3A : i32
    %mul3A_2 = arith.constant 18 : i32
    %mul3A_3 = arith.muli %arg1, %mul3A_2 : i32
    %add3A = arith.constant 2240 : i32
    %add3A_4 = arith.addi %add3A, %mul3A_3 : i32
    %select_n3A = arith.select %eq3A_0, %mul3A_1, %add3A_4 : i32
    %eq3A_5 = arith.constant 0 : i32
    %eq3A_6 = arith.cmpi eq, %arg0, %eq3A_5 : i32
    %jit3A = arith.constant 140 : i32
    %jit3A_7 = arith.constant 18 : i32
    %select_n3A_8 = arith.select %eq3A_6, %jit3A, %jit3A_7 : i32
    %broadcast_in_dim3A = arith.constant 0.000000e+00 : f32
    %broadcast_in_dim3A_9 = vector.broadcast %broadcast_in_dim3A : f32 to vector<16xf32>
    %swap3A = arith.constant 0 : i32
    %swap3A_10 = arith.index_cast %swap3A : i32 to index
    %swap3A_11 = arith.constant 0 : index
    %swap3A_12 = tpu.vector_load %arg7[%swap3A_10, %swap3A_11] {strides = array<i32>} : memref<16x128xf32, #tpu.memory_space<vmem>>, vector<1x16xf32>,
    %swap3A_13 = vector.shape_cast %swap3A_12 : vector<1x16xf32> to vector<16xf32>
    %swap3A_14 = vector.shape_cast %broadcast_in_dim3A_9 : vector<16xf32> to vector<1x16xf32>
    tpu.vector_store %arg7[%swap3A_10, %swap3A_11], %swap3A_14 {strides = array<i32>} : memref<16x128xf32, #tpu.memory_space<vmem>>, vector<1x16xf32>,
    %broadcast_in_dim3A_15 = arith.constant 0.000000e+00 : f32
    %broadcast_in_dim3A_16 = vector.broadcast %broadcast_in_dim3A_15 : f32 to vector<16xf32>
    %swap3A_17 = arith.constant 0 : i32
    %swap3A_18 = arith.index_cast %swap3A_17 : i32 to index
    %swap3A_19 = arith.constant 16 : index
    %swap3A_20 = tpu.vector_load %arg7[%swap3A_18, %swap3A_19] {strides = array<i32>} : memref<16x128xf32, #tpu.memory_space<vmem>>, vector<1x16xf32>,
    %swap3A_21 = vector.shape_cast %swap3A_20 : vector<1x16xf32> to vector<16xf32>
    %swap3A_22 = vector.shape_cast %broadcast_in_dim3A_16 : vector<16xf32> to vector<1x16xf32>
    tpu.vector_store %arg7[%swap3A_18, %swap3A_19], %swap3A_22 {strides = array<i32>} : memref<16x128xf32, #tpu.memory_space<vmem>>, vector<1x16xf32>,
    %broadcast_in_dim3A_23 = arith.constant 0.000000e+00 : f32
    %broadcast_in_dim3A_24 = vector.broadcast %broadcast_in_dim3A_23 : f32 to vector<16xf32>
    %swap3A_25 = arith.constant 0 : i32
    %swap3A_26 = arith.index_cast %swap3A_25 : i32 to index
    %swap3A_27 = arith.constant 32 : index
    %swap3A_28 = tpu.vector_load %arg7[%swap3A_26, %swap3A_27] {strides = array<i32>} : memref<16x128xf32, #tpu.memory_space<vmem>>, vector<1x16xf32>,
    %swap3A_29 = vector.shape_cast %swap3A_28 : vector<1x16xf32> to vector<16xf32>
    %swap3A_30 = vector.shape_cast %broadcast_in_dim3A_24 : vector<16xf32> to vector<1x16xf32>
    tpu.vector_store %arg7[%swap3A_26, %swap3A_27], %swap3A_30 {strides = array<i32>} : memref<16x128xf32, #tpu.memory_space<vmem>>, vector<1x16xf32>,
    %broadcast_in_dim3A_31 = arith.constant 0.000000e+00 : f32
    %broadcast_in_dim3A_32 = vector.broadcast %broadcast_in_dim3A_31 : f32 to vector<16xf32>
    %swap3A_33 = arith.constant 0 : i32
    %swap3A_34 = arith.index_cast %swap3A_33 : i32 to index
    %swap3A_35 = arith.constant 48 : index
    %swap3A_36 = tpu.vector_load %arg7[%swap3A_34, %swap3A_35] {strides = array<i32>} : memref<16x128xf32, #tpu.memory_space<vmem>>, vector<1x16xf32>,
    %swap3A_37 = vector.shape_cast %swap3A_36 : vector<1x16xf32> to vector<16xf32>
    %swap3A_38 = vector.shape_cast %broadcast_in_dim3A_32 : vector<16xf32> to vector<1x16xf32>
    tpu.vector_store %arg7[%swap3A_34, %swap3A_35], %swap3A_38 {strides = array<i32>} : memref<16x128xf32, #tpu.memory_space<vmem>>, vector<1x16xf32>,
    %broadcast_in_dim3A_39 = arith.constant 0.000000e+00 : f32
    %broadcast_in_dim3A_40 = vector.broadcast %broadcast_in_dim3A_39 : f32 to vector<16xf32>
    %swap3A_41 = arith.constant 0 : i32
    %swap3A_42 = arith.index_cast %swap3A_41 : i32 to index
    %swap3A_43 = arith.constant 64 : index
    %swap3A_44 = tpu.vector_load %arg7[%swap3A_42, %swap3A_43] {strides = array<i32>} : memref<16x128xf32, #tpu.memory_space<vmem>>, vector<1x16xf32>,
    %swap3A_45 = vector.shape_cast %swap3A_44 : vector<1x16xf32> to vector<16xf32>
    %swap3A_46 = vector.shape_cast %broadcast_in_dim3A_40 : vector<16xf32> to vector<1x16xf32>
    tpu.vector_store %arg7[%swap3A_42, %swap3A_43], %swap3A_46 {strides = array<i32>} : memref<16x128xf32, #tpu.memory_space<vmem>>, vector<1x16xf32>,
    %broadcast_in_dim3A_47 = arith.constant 0.000000e+00 : f32
    %broadcast_in_dim3A_48 = vector.broadcast %broadcast_in_dim3A_47 : f32 to vector<16xf32>
    %swap3A_49 = arith.constant 0 : i32
    %swap3A_50 = arith.index_cast %swap3A_49 : i32 to index
    %swap3A_51 = arith.constant 80 : index
    %swap3A_52 = tpu.vector_load %arg7[%swap3A_50, %swap3A_51] {strides = array<i32>} : memref<16x128xf32, #tpu.memory_space<vmem>>, vector<1x16xf32>,
    %swap3A_53 = vector.shape_cast %swap3A_52 : vector<1x16xf32> to vector<16xf32>
    %swap3A_54 = vector.shape_cast %broadcast_in_dim3A_48 : vector<16xf32> to vector<1x16xf32>
    tpu.vector_store %arg7[%swap3A_50, %swap3A_51], %swap3A_54 {strides = array<i32>} : memref<16x128xf32, #tpu.memory_space<vmem>>, vector<1x16xf32>,
    %broadcast_in_dim3A_55 = arith.constant 0.000000e+00 : f32
    %broadcast_in_dim3A_56 = vector.broadcast %broadcast_in_dim3A_55 : f32 to vector<16xf32>
    %swap3A_57 = arith.constant 0 : i32
    %swap3A_58 = arith.index_cast %swap3A_57 : i32 to index
    %swap3A_59 = arith.constant 96 : index
    %swap3A_60 = tpu.vector_load %arg7[%swap3A_58, %swap3A_59] {strides = array<i32>} : memref<16x128xf32, #tpu.memory_space<vmem>>, vector<1x16xf32>,
    %swap3A_61 = vector.shape_cast %swap3A_60 : vector<1x16xf32> to vector<16xf32>
    %swap3A_62 = vector.shape_cast %broadcast_in_dim3A_56 : vector<16xf32> to vector<1x16xf32>
    tpu.vector_store %arg7[%swap3A_58, %swap3A_59], %swap3A_62 {strides = array<i32>} : memref<16x128xf32, #tpu.memory_space<vmem>>, vector<1x16xf32>,
    %broadcast_in_dim3A_63 = arith.constant 0.000000e+00 : f32
    %broadcast_in_dim3A_64 = vector.broadcast %broadcast_in_dim3A_63 : f32 to vector<16xf32>
    %swap3A_65 = arith.constant 0 : i32
    %swap3A_66 = arith.index_cast %swap3A_65 : i32 to index
    %swap3A_67 = arith.constant 112 : index
    %swap3A_68 = tpu.vector_load %arg7[%swap3A_66, %swap3A_67] {strides = array<i32>} : memref<16x128xf32, #tpu.memory_space<vmem>>, vector<1x16xf32>,
    %swap3A_69 = vector.shape_cast %swap3A_68 : vector<1x16xf32> to vector<16xf32>
    %swap3A_70 = vector.shape_cast %broadcast_in_dim3A_64 : vector<16xf32> to vector<1x16xf32>
    tpu.vector_store %arg7[%swap3A_66, %swap3A_67], %swap3A_70 {strides = array<i32>} : memref<16x128xf32, #tpu.memory_space<vmem>>, vector<1x16xf32>,
    %broadcast_in_dim3A_71 = arith.constant 0.000000e+00 : f32
    %broadcast_in_dim3A_72 = vector.broadcast %broadcast_in_dim3A_71 : f32 to vector<16xf32>
    %swap3A_73 = arith.constant 1 : i32
    %swap3A_74 = arith.index_cast %swap3A_73 : i32 to index
    %swap3A_75 = arith.constant 0 : index
    %swap3A_76 = tpu.vector_load %arg7[%swap3A_74, %swap3A_75] {strides = array<i32>} : memref<16x128xf32, #tpu.memory_space<vmem>>, vector<1x16xf32>,
    %swap3A_77 = vector.shape_cast %swap3A_76 : vector<1x16xf32> to vector<16xf32>
    %swap3A_78 = vector.shape_cast %broadcast_in_dim3A_72 : vector<16xf32> to vector<1x16xf32>
    tpu.vector_store %arg7[%swap3A_74, %swap3A_75], %swap3A_78 {strides = array<i32>} : memref<16x128xf32, #tpu.memory_space<vmem>>, vector<1x16xf32>,
    %broadcast_in_dim3A_79 = arith.constant 0.000000e+00 : f32
    %broadcast_in_dim3A_80 = vector.broadcast %broadcast_in_dim3A_79 : f32 to vector<16xf32>
    %swap3A_81 = arith.constant 1 : i32
    %swap3A_82 = arith.index_cast %swap3A_81 : i32 to index
    %swap3A_83 = arith.constant 16 : index
    %swap3A_84 = tpu.vector_load %arg7[%swap3A_82, %swap3A_83] {strides = array<i32>} : memref<16x128xf32, #tpu.memory_space<vmem>>, vector<1x16xf32>,
    %swap3A_85 = vector.shape_cast %swap3A_84 : vector<1x16xf32> to vector<16xf32>
    %swap3A_86 = vector.shape_cast %broadcast_in_dim3A_80 : vector<16xf32> to vector<1x16xf32>
    tpu.vector_store %arg7[%swap3A_82, %swap3A_83], %swap3A_86 {strides = array<i32>} : memref<16x128xf32, #tpu.memory_space<vmem>>, vector<1x16xf32>,
    %broadcast_in_dim3A_87 = arith.constant 0.000000e+00 : f32
    %broadcast_in_dim3A_88 = vector.broadcast %broadcast_in_dim3A_87 : f32 to vector<16xf32>
    %swap3A_89 = arith.constant 1 : i32
    %swap3A_90 = arith.index_cast %swap3A_89 : i32 to index
    %swap3A_91 = arith.constant 32 : index
    %swap3A_92 = tpu.vector_load %arg7[%swap3A_90, %swap3A_91] {strides = array<i32>} : memref<16x128xf32, #tpu.memory_space<vmem>>, vector<1x16xf32>,
    %swap3A_93 = vector.shape_cast %swap3A_92 : vector<1x16xf32> to vector<16xf32>
    %swap3A_94 = vector.shape_cast %broadcast_in_dim3A_88 : vector<16xf32> to vector<1x16xf32>
    tpu.vector_store %arg7[%swap3A_90, %swap3A_91], %swap3A_94 {strides = array<i32>} : memref<16x128xf32, #tpu.memory_space<vmem>>, vector<1x16xf32>,
    %broadcast_in_dim3A_95 = arith.constant 0.000000e+00 : f32
    %broadcast_in_dim3A_96 = vector.broadcast %broadcast_in_dim3A_95 : f32 to vector<16xf32>
    %swap3A_97 = arith.constant 1 : i32
    %swap3A_98 = arith.index_cast %swap3A_97 : i32 to index
    %swap3A_99 = arith.constant 48 : index
    %swap3A_100 = tpu.vector_load %arg7[%swap3A_98, %swap3A_99] {strides = array<i32>} : memref<16x128xf32, #tpu.memory_space<vmem>>, vector<1x16xf32>,
    %swap3A_101 = vector.shape_cast %swap3A_100 : vector<1x16xf32> to vector<16xf32>
    %swap3A_102 = vector.shape_cast %broadcast_in_dim3A_96 : vector<16xf32> to vector<1x16xf32>
    tpu.vector_store %arg7[%swap3A_98, %swap3A_99], %swap3A_102 {strides = array<i32>} : memref<16x128xf32, #tpu.memory_space<vmem>>, vector<1x16xf32>,
    %broadcast_in_dim3A_103 = arith.constant 0.000000e+00 : f32
    %broadcast_in_dim3A_104 = vector.broadcast %broadcast_in_dim3A_103 : f32 to vector<16xf32>
    %swap3A_105 = arith.constant 1 : i32
    %swap3A_106 = arith.index_cast %swap3A_105 : i32 to index
    %swap3A_107 = arith.constant 64 : index
    %swap3A_108 = tpu.vector_load %arg7[%swap3A_106, %swap3A_107] {strides = array<i32>} : memref<16x128xf32, #tpu.memory_space<vmem>>, vector<1x16xf32>,
    %swap3A_109 = vector.shape_cast %swap3A_108 : vector<1x16xf32> to vector<16xf32>
    %swap3A_110 = vector.shape_cast %broadcast_in_dim3A_104 : vector<16xf32> to vector<1x16xf32>
    tpu.vector_store %arg7[%swap3A_106, %swap3A_107], %swap3A_110 {strides = array<i32>} : memref<16x128xf32, #tpu.memory_space<vmem>>, vector<1x16xf32>,
    %broadcast_in_dim3A_111 = arith.constant 0.000000e+00 : f32
    %broadcast_in_dim3A_112 = vector.broadcast %broadcast_in_dim3A_111 : f32 to vector<16xf32>
    %swap3A_113 = arith.constant 1 : i32
    %swap3A_114 = arith.index_cast %swap3A_113 : i32 to index
    %swap3A_115 = arith.constant 80 : index
    %swap3A_116 = tpu.vector_load %arg7[%swap3A_114, %swap3A_115] {strides = array<i32>} : memref<16x128xf32, #tpu.memory_space<vmem>>, vector<1x16xf32>,
    %swap3A_117 = vector.shape_cast %swap3A_116 : vector<1x16xf32> to vector<16xf32>
    %swap3A_118 = vector.shape_cast %broadcast_in_dim3A_112 : vector<16xf32> to vector<1x16xf32>
    tpu.vector_store %arg7[%swap3A_114, %swap3A_115], %swap3A_118 {strides = array<i32>} : memref<16x128xf32, #tpu.memory_space<vmem>>, vector<1x16xf32>,
    %broadcast_in_dim3A_119 = arith.constant 0.000000e+00 : f32
    %broadcast_in_dim3A_120 = vector.broadcast %broadcast_in_dim3A_119 : f32 to vector<16xf32>
    %swap3A_121 = arith.constant 1 : i32
    %swap3A_122 = arith.index_cast %swap3A_121 : i32 to index
    %swap3A_123 = arith.constant 96 : index
    %swap3A_124 = tpu.vector_load %arg7[%swap3A_122, %swap3A_123] {strides = array<i32>} : memref<16x128xf32, #tpu.memory_space<vmem>>, vector<1x16xf32>,
    %swap3A_125 = vector.shape_cast %swap3A_124 : vector<1x16xf32> to vector<16xf32>
    %swap3A_126 = vector.shape_cast %broadcast_in_dim3A_120 : vector<16xf32> to vector<1x16xf32>
    tpu.vector_store %arg7[%swap3A_122, %swap3A_123], %swap3A_126 {strides = array<i32>} : memref<16x128xf32, #tpu.memory_space<vmem>>, vector<1x16xf32>,
    %broadcast_in_dim3A_127 = arith.constant 0.000000e+00 : f32
    %broadcast_in_dim3A_128 = vector.broadcast %broadcast_in_dim3A_127 : f32 to vector<16xf32>
    %swap3A_129 = arith.constant 1 : i32
    %swap3A_130 = arith.index_cast %swap3A_129 : i32 to index
    %swap3A_131 = arith.constant 112 : index
    %swap3A_132 = tpu.vector_load %arg7[%swap3A_130, %swap3A_131] {strides = array<i32>} : memref<16x128xf32, #tpu.memory_space<vmem>>, vector<1x16xf32>,
    %swap3A_133 = vector.shape_cast %swap3A_132 : vector<1x16xf32> to vector<16xf32>
    %swap3A_134 = vector.shape_cast %broadcast_in_dim3A_128 : vector<16xf32> to vector<1x16xf32>
    tpu.vector_store %arg7[%swap3A_130, %swap3A_131], %swap3A_134 {strides = array<i32>} : memref<16x128xf32, #tpu.memory_space<vmem>>, vector<1x16xf32>,
    %broadcast_in_dim3A_135 = arith.constant 0.000000e+00 : f32
    %broadcast_in_dim3A_136 = vector.broadcast %broadcast_in_dim3A_135 : f32 to vector<16xf32>
    %swap3A_137 = arith.constant 2 : i32
    %swap3A_138 = arith.index_cast %swap3A_137 : i32 to index
    %swap3A_139 = arith.constant 0 : index
    %swap3A_140 = tpu.vector_load %arg7[%swap3A_138, %swap3A_139] {strides = array<i32>} : memref<16x128xf32, #tpu.memory_space<vmem>>, vector<1x16xf32>,
    %swap3A_141 = vector.shape_cast %swap3A_140 : vector<1x16xf32> to vector<16xf32>
    %swap3A_142 = vector.shape_cast %broadcast_in_dim3A_136 : vector<16xf32> to vector<1x16xf32>
    tpu.vector_store %arg7[%swap3A_138, %swap3A_139], %swap3A_142 {strides = array<i32>} : memref<16x128xf32, #tpu.memory_space<vmem>>, vector<1x16xf32>,
    %broadcast_in_dim3A_143 = arith.constant 0.000000e+00 : f32
    %broadcast_in_dim3A_144 = vector.broadcast %broadcast_in_dim3A_143 : f32 to vector<16xf32>
    %swap3A_145 = arith.constant 2 : i32
    %swap3A_146 = arith.index_cast %swap3A_145 : i32 to index
    %swap3A_147 = arith.constant 16 : index
    %swap3A_148 = tpu.vector_load %arg7[%swap3A_146, %swap3A_147] {strides = array<i32>} : memref<16x128xf32, #tpu.memory_space<vmem>>, vector<1x16xf32>,
    %swap3A_149 = vector.shape_cast %swap3A_148 : vector<1x16xf32> to vector<16xf32>
    %swap3A_150 = vector.shape_cast %broadcast_in_dim3A_144 : vector<16xf32> to vector<1x16xf32>
    tpu.vector_store %arg7[%swap3A_146, %swap3A_147], %swap3A_150 {strides = array<i32>} : memref<16x128xf32, #tpu.memory_space<vmem>>, vector<1x16xf32>,
    %broadcast_in_dim3A_151 = arith.constant 0.000000e+00 : f32
    %broadcast_in_dim3A_152 = vector.broadcast %broadcast_in_dim3A_151 : f32 to vector<16xf32>
    %swap3A_153 = arith.constant 2 : i32
    %swap3A_154 = arith.index_cast %swap3A_153 : i32 to index
    %swap3A_155 = arith.constant 32 : index
    %swap3A_156 = tpu.vector_load %arg7[%swap3A_154, %swap3A_155] {strides = array<i32>} : memref<16x128xf32, #tpu.memory_space<vmem>>, vector<1x16xf32>,
    %swap3A_157 = vector.shape_cast %swap3A_156 : vector<1x16xf32> to vector<16xf32>
    %swap3A_158 = vector.shape_cast %broadcast_in_dim3A_152 : vector<16xf32> to vector<1x16xf32>
    tpu.vector_store %arg7[%swap3A_154, %swap3A_155], %swap3A_158 {strides = array<i32>} : memref<16x128xf32, #tpu.memory_space<vmem>>, vector<1x16xf32>,
    %broadcast_in_dim3A_159 = arith.constant 0.000000e+00 : f32
    %broadcast_in_dim3A_160 = vector.broadcast %broadcast_in_dim3A_159 : f32 to vector<16xf32>
    %swap3A_161 = arith.constant 2 : i32
    %swap3A_162 = arith.index_cast %swap3A_161 : i32 to index
    %swap3A_163 = arith.constant 48 : index
    %swap3A_164 = tpu.vector_load %arg7[%swap3A_162, %swap3A_163] {strides = array<i32>} : memref<16x128xf32, #tpu.memory_space<vmem>>, vector<1x16xf32>,
    %swap3A_165 = vector.shape_cast %swap3A_164 : vector<1x16xf32> to vector<16xf32>
    %swap3A_166 = vector.shape_cast %broadcast_in_dim3A_160 : vector<16xf32> to vector<1x16xf32>
    tpu.vector_store %arg7[%swap3A_162, %swap3A_163], %swap3A_166 {strides = array<i32>} : memref<16x128xf32, #tpu.memory_space<vmem>>, vector<1x16xf32>,
    %broadcast_in_dim3A_167 = arith.constant 0.000000e+00 : f32
    %broadcast_in_dim3A_168 = vector.broadcast %broadcast_in_dim3A_167 : f32 to vector<16xf32>
    %swap3A_169 = arith.constant 2 : i32
    %swap3A_170 = arith.index_cast %swap3A_169 : i32 to index
    %swap3A_171 = arith.constant 64 : index
    %swap3A_172 = tpu.vector_load %arg7[%swap3A_170, %swap3A_171] {strides = array<i32>} : memref<16x128xf32, #tpu.memory_space<vmem>>, vector<1x16xf32>,
    %swap3A_173 = vector.shape_cast %swap3A_172 : vector<1x16xf32> to vector<16xf32>
    %swap3A_174 = vector.shape_cast %broadcast_in_dim3A_168 : vector<16xf32> to vector<1x16xf32>
    tpu.vector_store %arg7[%swap3A_170, %swap3A_171], %swap3A_174 {strides = array<i32>} : memref<16x128xf32, #tpu.memory_space<vmem>>, vector<1x16xf32>,
    %broadcast_in_dim3A_175 = arith.constant 0.000000e+00 : f32
    %broadcast_in_dim3A_176 = vector.broadcast %broadcast_in_dim3A_175 : f32 to vector<16xf32>
    %swap3A_177 = arith.constant 2 : i32
    %swap3A_178 = arith.index_cast %swap3A_177 : i32 to index
    %swap3A_179 = arith.constant 80 : index
    %swap3A_180 = tpu.vector_load %arg7[%swap3A_178, %swap3A_179] {strides = array<i32>} : memref<16x128xf32, #tpu.memory_space<vmem>>, vector<1x16xf32>,
    %swap3A_181 = vector.shape_cast %swap3A_180 : vector<1x16xf32> to vector<16xf32>
    %swap3A_182 = vector.shape_cast %broadcast_in_dim3A_176 : vector<16xf32> to vector<1x16xf32>
    tpu.vector_store %arg7[%swap3A_178, %swap3A_179], %swap3A_182 {strides = array<i32>} : memref<16x128xf32, #tpu.memory_space<vmem>>, vector<1x16xf32>,
    %broadcast_in_dim3A_183 = arith.constant 0.000000e+00 : f32
    %broadcast_in_dim3A_184 = vector.broadcast %broadcast_in_dim3A_183 : f32 to vector<16xf32>
    %swap3A_185 = arith.constant 2 : i32
    %swap3A_186 = arith.index_cast %swap3A_185 : i32 to index
    %swap3A_187 = arith.constant 96 : index
    %swap3A_188 = tpu.vector_load %arg7[%swap3A_186, %swap3A_187] {strides = array<i32>} : memref<16x128xf32, #tpu.memory_space<vmem>>, vector<1x16xf32>,
    %swap3A_189 = vector.shape_cast %swap3A_188 : vector<1x16xf32> to vector<16xf32>
    %swap3A_190 = vector.shape_cast %broadcast_in_dim3A_184 : vector<16xf32> to vector<1x16xf32>
    tpu.vector_store %arg7[%swap3A_186, %swap3A_187], %swap3A_190 {strides = array<i32>} : memref<16x128xf32, #tpu.memory_space<vmem>>, vector<1x16xf32>,
    %broadcast_in_dim3A_191 = arith.constant 0.000000e+00 : f32
    %broadcast_in_dim3A_192 = vector.broadcast %broadcast_in_dim3A_191 : f32 to vector<16xf32>
    %swap3A_193 = arith.constant 2 : i32
    %swap3A_194 = arith.index_cast %swap3A_193 : i32 to index
    %swap3A_195 = arith.constant 112 : index
    %swap3A_196 = tpu.vector_load %arg7[%swap3A_194, %swap3A_195] {strides = array<i32>} : memref<16x128xf32, #tpu.memory_space<vmem>>, vector<1x16xf32>,
    %swap3A_197 = vector.shape_cast %swap3A_196 : vector<1x16xf32> to vector<16xf32>
    %swap3A_198 = vector.shape_cast %broadcast_in_dim3A_192 : vector<16xf32> to vector<1x16xf32>
    tpu.vector_store %arg7[%swap3A_194, %swap3A_195], %swap3A_198 {strides = array<i32>} : memref<16x128xf32, #tpu.memory_space<vmem>>, vector<1x16xf32>,
    %broadcast_in_dim3A_199 = arith.constant 0.000000e+00 : f32
    %broadcast_in_dim3A_200 = vector.broadcast %broadcast_in_dim3A_199 : f32 to vector<16xf32>
    %swap3A_201 = arith.constant 3 : i32
    %swap3A_202 = arith.index_cast %swap3A_201 : i32 to index
    %swap3A_203 = arith.constant 0 : index
    %swap3A_204 = tpu.vector_load %arg7[%swap3A_202, %swap3A_203] {strides = array<i32>} : memref<16x128xf32, #tpu.memory_space<vmem>>, vector<1x16xf32>,
    %swap3A_205 = vector.shape_cast %swap3A_204 : vector<1x16xf32> to vector<16xf32>
    %swap3A_206 = vector.shape_cast %broadcast_in_dim3A_200 : vector<16xf32> to vector<1x16xf32>
    tpu.vector_store %arg7[%swap3A_202, %swap3A_203], %swap3A_206 {strides = array<i32>} : memref<16x128xf32, #tpu.memory_space<vmem>>, vector<1x16xf32>,
    %broadcast_in_dim3A_207 = arith.constant 0.000000e+00 : f32
    %broadcast_in_dim3A_208 = vector.broadcast %broadcast_in_dim3A_207 : f32 to vector<16xf32>
    %swap3A_209 = arith.constant 3 : i32
    %swap3A_210 = arith.index_cast %swap3A_209 : i32 to index
    %swap3A_211 = arith.constant 16 : index
    %swap3A_212 = tpu.vector_load %arg7[%swap3A_210, %swap3A_211] {strides = array<i32>} : memref<16x128xf32, #tpu.memory_space<vmem>>, vector<1x16xf32>,
    %swap3A_213 = vector.shape_cast %swap3A_212 : vector<1x16xf32> to vector<16xf32>
    %swap3A_214 = vector.shape_cast %broadcast_in_dim3A_208 : vector<16xf32> to vector<1x16xf32>
    tpu.vector_store %arg7[%swap3A_210, %swap3A_211], %swap3A_214 {strides = array<i32>} : memref<16x128xf32, #tpu.memory_space<vmem>>, vector<1x16xf32>,
    %broadcast_in_dim3A_215 = arith.constant 0.000000e+00 : f32
    %broadcast_in_dim3A_216 = vector.broadcast %broadcast_in_dim3A_215 : f32 to vector<16xf32>
    %swap3A_217 = arith.constant 3 : i32
    %swap3A_218 = arith.index_cast %swap3A_217 : i32 to index
    %swap3A_219 = arith.constant 32 : index
    %swap3A_220 = tpu.vector_load %arg7[%swap3A_218, %swap3A_219] {strides = array<i32>} : memref<16x128xf32, #tpu.memory_space<vmem>>, vector<1x16xf32>,
    %swap3A_221 = vector.shape_cast %swap3A_220 : vector<1x16xf32> to vector<16xf32>
    %swap3A_222 = vector.shape_cast %broadcast_in_dim3A_216 : vector<16xf32> to vector<1x16xf32>
    tpu.vector_store %arg7[%swap3A_218, %swap3A_219], %swap3A_222 {strides = array<i32>} : memref<16x128xf32, #tpu.memory_space<vmem>>, vector<1x16xf32>,
    %broadcast_in_dim3A_223 = arith.constant 0.000000e+00 : f32
    %broadcast_in_dim3A_224 = vector.broadcast %broadcast_in_dim3A_223 : f32 to vector<16xf32>
    %swap3A_225 = arith.constant 3 : i32
    %swap3A_226 = arith.index_cast %swap3A_225 : i32 to index
    %swap3A_227 = arith.constant 48 : index
    %swap3A_228 = tpu.vector_load %arg7[%swap3A_226, %swap3A_227] {strides = array<i32>} : memref<16x128xf32, #tpu.memory_space<vmem>>, vector<1x16xf32>,
    %swap3A_229 = vector.shape_cast %swap3A_228 : vector<1x16xf32> to vector<16xf32>
    %swap3A_230 = vector.shape_cast %broadcast_in_dim3A_224 : vector<16xf32> to vector<1x16xf32>
    tpu.vector_store %arg7[%swap3A_226, %swap3A_227], %swap3A_230 {strides = array<i32>} : memref<16x128xf32, #tpu.memory_space<vmem>>, vector<1x16xf32>,
    %broadcast_in_dim3A_231 = arith.constant 0.000000e+00 : f32
    %broadcast_in_dim3A_232 = vector.broadcast %broadcast_in_dim3A_231 : f32 to vector<16xf32>
    %swap3A_233 = arith.constant 3 : i32
    %swap3A_234 = arith.index_cast %swap3A_233 : i32 to index
    %swap3A_235 = arith.constant 64 : index
    %swap3A_236 = tpu.vector_load %arg7[%swap3A_234, %swap3A_235] {strides = array<i32>} : memref<16x128xf32, #tpu.memory_space<vmem>>, vector<1x16xf32>,
    %swap3A_237 = vector.shape_cast %swap3A_236 : vector<1x16xf32> to vector<16xf32>
    %swap3A_238 = vector.shape_cast %broadcast_in_dim3A_232 : vector<16xf32> to vector<1x16xf32>
    tpu.vector_store %arg7[%swap3A_234, %swap3A_235], %swap3A_238 {strides = array<i32>} : memref<16x128xf32, #tpu.memory_space<vmem>>, vector<1x16xf32>,
    %broadcast_in_dim3A_239 = arith.constant 0.000000e+00 : f32
    %broadcast_in_dim3A_240 = vector.broadcast %broadcast_in_dim3A_239 : f32 to vector<16xf32>
    %swap3A_241 = arith.constant 3 : i32
    %swap3A_242 = arith.index_cast %swap3A_241 : i32 to index
    %swap3A_243 = arith.constant 80 : index
    %swap3A_244 = tpu.vector_load %arg7[%swap3A_242, %swap3A_243] {strides = array<i32>} : memref<16x128xf32, #tpu.memory_space<vmem>>, vector<1x16xf32>,
    %swap3A_245 = vector.shape_cast %swap3A_244 : vector<1x16xf32> to vector<16xf32>
    %swap3A_246 = vector.shape_cast %broadcast_in_dim3A_240 : vector<16xf32> to vector<1x16xf32>
    tpu.vector_store %arg7[%swap3A_242, %swap3A_243], %swap3A_246 {strides = array<i32>} : memref<16x128xf32, #tpu.memory_space<vmem>>, vector<1x16xf32>,
    %broadcast_in_dim3A_247 = arith.constant 0.000000e+00 : f32
    %broadcast_in_dim3A_248 = vector.broadcast %broadcast_in_dim3A_247 : f32 to vector<16xf32>
    %swap3A_249 = arith.constant 3 : i32
    %swap3A_250 = arith.index_cast %swap3A_249 : i32 to index
    %swap3A_251 = arith.constant 96 : index
    %swap3A_252 = tpu.vector_load %arg7[%swap3A_250, %swap3A_251] {strides = array<i32>} : memref<16x128xf32, #tpu.memory_space<vmem>>, vector<1x16xf32>,
    %swap3A_253 = vector.shape_cast %swap3A_252 : vector<1x16xf32> to vector<16xf32>
    %swap3A_254 = vector.shape_cast %broadcast_in_dim3A_248 : vector<16xf32> to vector<1x16xf32>
    tpu.vector_store %arg7[%swap3A_250, %swap3A_251], %swap3A_254 {strides = array<i32>} : memref<16x128xf32, #tpu.memory_space<vmem>>, vector<1x16xf32>,
    %broadcast_in_dim3A_255 = arith.constant 0.000000e+00 : f32
    %broadcast_in_dim3A_256 = vector.broadcast %broadcast_in_dim3A_255 : f32 to vector<16xf32>
    %swap3A_257 = arith.constant 3 : i32
    %swap3A_258 = arith.index_cast %swap3A_257 : i32 to index
    %swap3A_259 = arith.constant 112 : index
    %swap3A_260 = tpu.vector_load %arg7[%swap3A_258, %swap3A_259] {strides = array<i32>} : memref<16x128xf32, #tpu.memory_space<vmem>>, vector<1x16xf32>,
    %swap3A_261 = vector.shape_cast %swap3A_260 : vector<1x16xf32> to vector<16xf32>
    %swap3A_262 = vector.shape_cast %broadcast_in_dim3A_256 : vector<16xf32> to vector<1x16xf32>
    tpu.vector_store %arg7[%swap3A_258, %swap3A_259], %swap3A_262 {strides = array<i32>} : memref<16x128xf32, #tpu.memory_space<vmem>>, vector<1x16xf32>,
    %broadcast_in_dim3A_263 = arith.constant 0.000000e+00 : f32
    %broadcast_in_dim3A_264 = vector.broadcast %broadcast_in_dim3A_263 : f32 to vector<16xf32>
    %swap3A_265 = arith.constant 4 : i32
    %swap3A_266 = arith.index_cast %swap3A_265 : i32 to index
    %swap3A_267 = arith.constant 0 : index
    %swap3A_268 = tpu.vector_load %arg7[%swap3A_266, %swap3A_267] {strides = array<i32>} : memref<16x128xf32, #tpu.memory_space<vmem>>, vector<1x16xf32>,
    %swap3A_269 = vector.shape_cast %swap3A_268 : vector<1x16xf32> to vector<16xf32>
    %swap3A_270 = vector.shape_cast %broadcast_in_dim3A_264 : vector<16xf32> to vector<1x16xf32>
    tpu.vector_store %arg7[%swap3A_266, %swap3A_267], %swap3A_270 {strides = array<i32>} : memref<16x128xf32, #tpu.memory_space<vmem>>, vector<1x16xf32>,
    %broadcast_in_dim3A_271 = arith.constant 0.000000e+00 : f32
    %broadcast_in_dim3A_272 = vector.broadcast %broadcast_in_dim3A_271 : f32 to vector<16xf32>
    %swap3A_273 = arith.constant 4 : i32
    %swap3A_274 = arith.index_cast %swap3A_273 : i32 to index
    %swap3A_275 = arith.constant 16 : index
    %swap3A_276 = tpu.vector_load %arg7[%swap3A_274, %swap3A_275] {strides = array<i32>} : memref<16x128xf32, #tpu.memory_space<vmem>>, vector<1x16xf32>,
    %swap3A_277 = vector.shape_cast %swap3A_276 : vector<1x16xf32> to vector<16xf32>
    %swap3A_278 = vector.shape_cast %broadcast_in_dim3A_272 : vector<16xf32> to vector<1x16xf32>
    tpu.vector_store %arg7[%swap3A_274, %swap3A_275], %swap3A_278 {strides = array<i32>} : memref<16x128xf32, #tpu.memory_space<vmem>>, vector<1x16xf32>,
    %broadcast_in_dim3A_279 = arith.constant 0.000000e+00 : f32
    %broadcast_in_dim3A_280 = vector.broadcast %broadcast_in_dim3A_279 : f32 to vector<16xf32>
    %swap3A_281 = arith.constant 4 : i32
    %swap3A_282 = arith.index_cast %swap3A_281 : i32 to index
    %swap3A_283 = arith.constant 32 : index
    %swap3A_284 = tpu.vector_load %arg7[%swap3A_282, %swap3A_283] {strides = array<i32>} : memref<16x128xf32, #tpu.memory_space<vmem>>, vector<1x16xf32>,
    %swap3A_285 = vector.shape_cast %swap3A_284 : vector<1x16xf32> to vector<16xf32>
    %swap3A_286 = vector.shape_cast %broadcast_in_dim3A_280 : vector<16xf32> to vector<1x16xf32>
    tpu.vector_store %arg7[%swap3A_282, %swap3A_283], %swap3A_286 {strides = array<i32>} : memref<16x128xf32, #tpu.memory_space<vmem>>, vector<1x16xf32>,
    %broadcast_in_dim3A_287 = arith.constant 0.000000e+00 : f32
    %broadcast_in_dim3A_288 = vector.broadcast %broadcast_in_dim3A_287 : f32 to vector<16xf32>
    %swap3A_289 = arith.constant 4 : i32
    %swap3A_290 = arith.index_cast %swap3A_289 : i32 to index
    %swap3A_291 = arith.constant 48 : index
    %swap3A_292 = tpu.vector_load %arg7[%swap3A_290, %swap3A_291] {strides = array<i32>} : memref<16x128xf32, #tpu.memory_space<vmem>>, vector<1x16xf32>,
    %swap3A_293 = vector.shape_cast %swap3A_292 : vector<1x16xf32> to vector<16xf32>
    %swap3A_294 = vector.shape_cast %broadcast_in_dim3A_288 : vector<16xf32> to vector<1x16xf32>
    tpu.vector_store %arg7[%swap3A_290, %swap3A_291], %swap3A_294 {strides = array<i32>} : memref<16x128xf32, #tpu.memory_space<vmem>>, vector<1x16xf32>,
    %broadcast_in_dim3A_295 = arith.constant 0.000000e+00 : f32
    %broadcast_in_dim3A_296 = vector.broadcast %broadcast_in_dim3A_295 : f32 to vector<16xf32>
    %swap3A_297 = arith.constant 4 : i32
    %swap3A_298 = arith.index_cast %swap3A_297 : i32 to index
    %swap3A_299 = arith.constant 64 : index
    %swap3A_300 = tpu.vector_load %arg7[%swap3A_298, %swap3A_299] {strides = array<i32>} : memref<16x128xf32, #tpu.memory_space<vmem>>, vector<1x16xf32>,
    %swap3A_301 = vector.shape_cast %swap3A_300 : vector<1x16xf32> to vector<16xf32>
    %swap3A_302 = vector.shape_cast %broadcast_in_dim3A_296 : vector<16xf32> to vector<1x16xf32>
    tpu.vector_store %arg7[%swap3A_298, %swap3A_299], %swap3A_302 {strides = array<i32>} : memref<16x128xf32, #tpu.memory_space<vmem>>, vector<1x16xf32>,
    %broadcast_in_dim3A_303 = arith.constant 0.000000e+00 : f32
    %broadcast_in_dim3A_304 = vector.broadcast %broadcast_in_dim3A_303 : f32 to vector<16xf32>
    %swap3A_305 = arith.constant 4 : i32
    %swap3A_306 = arith.index_cast %swap3A_305 : i32 to index
    %swap3A_307 = arith.constant 80 : index
    %swap3A_308 = tpu.vector_load %arg7[%swap3A_306, %swap3A_307] {strides = array<i32>} : memref<16x128xf32, #tpu.memory_space<vmem>>, vector<1x16xf32>,
    %swap3A_309 = vector.shape_cast %swap3A_308 : vector<1x16xf32> to vector<16xf32>
    %swap3A_310 = vector.shape_cast %broadcast_in_dim3A_304 : vector<16xf32> to vector<1x16xf32>
    tpu.vector_store %arg7[%swap3A_306, %swap3A_307], %swap3A_310 {strides = array<i32>} : memref<16x128xf32, #tpu.memory_space<vmem>>, vector<1x16xf32>,
    %broadcast_in_dim3A_311 = arith.constant 0.000000e+00 : f32
    %broadcast_in_dim3A_312 = vector.broadcast %broadcast_in_dim3A_311 : f32 to vector<16xf32>
    %swap3A_313 = arith.constant 4 : i32
    %swap3A_314 = arith.index_cast %swap3A_313 : i32 to index
    %swap3A_315 = arith.constant 96 : index
    %swap3A_316 = tpu.vector_load %arg7[%swap3A_314, %swap3A_315] {strides = array<i32>} : memref<16x128xf32, #tpu.memory_space<vmem>>, vector<1x16xf32>,
    %swap3A_317 = vector.shape_cast %swap3A_316 : vector<1x16xf32> to vector<16xf32>
    %swap3A_318 = vector.shape_cast %broadcast_in_dim3A_312 : vector<16xf32> to vector<1x16xf32>
    tpu.vector_store %arg7[%swap3A_314, %swap3A_315], %swap3A_318 {strides = array<i32>} : memref<16x128xf32, #tpu.memory_space<vmem>>, vector<1x16xf32>,
    %broadcast_in_dim3A_319 = arith.constant 0.000000e+00 : f32
    %broadcast_in_dim3A_320 = vector.broadcast %broadcast_in_dim3A_319 : f32 to vector<16xf32>
    %swap3A_321 = arith.constant 4 : i32
    %swap3A_322 = arith.index_cast %swap3A_321 : i32 to index
    %swap3A_323 = arith.constant 112 : index
    %swap3A_324 = tpu.vector_load %arg7[%swap3A_322, %swap3A_323] {strides = array<i32>} : memref<16x128xf32, #tpu.memory_space<vmem>>, vector<1x16xf32>,
    %swap3A_325 = vector.shape_cast %swap3A_324 : vector<1x16xf32> to vector<16xf32>
    %swap3A_326 = vector.shape_cast %broadcast_in_dim3A_320 : vector<16xf32> to vector<1x16xf32>
    tpu.vector_store %arg7[%swap3A_322, %swap3A_323], %swap3A_326 {strides = array<i32>} : memref<16x128xf32, #tpu.memory_space<vmem>>, vector<1x16xf32>,
    %broadcast_in_dim3A_327 = arith.constant 0.000000e+00 : f32
    %broadcast_in_dim3A_328 = vector.broadcast %broadcast_in_dim3A_327 : f32 to vector<16xf32>
    %swap3A_329 = arith.constant 5 : i32
    %swap3A_330 = arith.index_cast %swap3A_329 : i32 to index
    %swap3A_331 = arith.constant 0 : index
    %swap3A_332 = tpu.vector_load %arg7[%swap3A_330, %swap3A_331] {strides = array<i32>} : memref<16x128xf32, #tpu.memory_space<vmem>>, vector<1x16xf32>,
    %swap3A_333 = vector.shape_cast %swap3A_332 : vector<1x16xf32> to vector<16xf32>
    %swap3A_334 = vector.shape_cast %broadcast_in_dim3A_328 : vector<16xf32> to vector<1x16xf32>
    tpu.vector_store %arg7[%swap3A_330, %swap3A_331], %swap3A_334 {strides = array<i32>} : memref<16x128xf32, #tpu.memory_space<vmem>>, vector<1x16xf32>,
    %broadcast_in_dim3A_335 = arith.constant 0.000000e+00 : f32
    %broadcast_in_dim3A_336 = vector.broadcast %broadcast_in_dim3A_335 : f32 to vector<16xf32>
    %swap3A_337 = arith.constant 5 : i32
    %swap3A_338 = arith.index_cast %swap3A_337 : i32 to index
    %swap3A_339 = arith.constant 16 : index
    %swap3A_340 = tpu.vector_load %arg7[%swap3A_338, %swap3A_339] {strides = array<i32>} : memref<16x128xf32, #tpu.memory_space<vmem>>, vector<1x16xf32>,
    %swap3A_341 = vector.shape_cast %swap3A_340 : vector<1x16xf32> to vector<16xf32>
    %swap3A_342 = vector.shape_cast %broadcast_in_dim3A_336 : vector<16xf32> to vector<1x16xf32>
    tpu.vector_store %arg7[%swap3A_338, %swap3A_339], %swap3A_342 {strides = array<i32>} : memref<16x128xf32, #tpu.memory_space<vmem>>, vector<1x16xf32>,
    %broadcast_in_dim3A_343 = arith.constant 0.000000e+00 : f32
    %broadcast_in_dim3A_344 = vector.broadcast %broadcast_in_dim3A_343 : f32 to vector<16xf32>
    %swap3A_345 = arith.constant 5 : i32
    %swap3A_346 = arith.index_cast %swap3A_345 : i32 to index
    %swap3A_347 = arith.constant 32 : index
    %swap3A_348 = tpu.vector_load %arg7[%swap3A_346, %swap3A_347] {strides = array<i32>} : memref<16x128xf32, #tpu.memory_space<vmem>>, vector<1x16xf32>,
    %swap3A_349 = vector.shape_cast %swap3A_348 : vector<1x16xf32> to vector<16xf32>
    %swap3A_350 = vector.shape_cast %broadcast_in_dim3A_344 : vector<16xf32> to vector<1x16xf32>
    tpu.vector_store %arg7[%swap3A_346, %swap3A_347], %swap3A_350 {strides = array<i32>} : memref<16x128xf32, #tpu.memory_space<vmem>>, vector<1x16xf32>,
    %broadcast_in_dim3A_351 = arith.constant 0.000000e+00 : f32
    %broadcast_in_dim3A_352 = vector.broadcast %broadcast_in_dim3A_351 : f32 to vector<16xf32>
    %swap3A_353 = arith.constant 5 : i32
    %swap3A_354 = arith.index_cast %swap3A_353 : i32 to index
    %swap3A_355 = arith.constant 48 : index
    %swap3A_356 = tpu.vector_load %arg7[%swap3A_354, %swap3A_355] {strides = array<i32>} : memref<16x128xf32, #tpu.memory_space<vmem>>, vector<1x16xf32>,
    %swap3A_357 = vector.shape_cast %swap3A_356 : vector<1x16xf32> to vector<16xf32>
    %swap3A_358 = vector.shape_cast %broadcast_in_dim3A_352 : vector<16xf32> to vector<1x16xf32>
    tpu.vector_store %arg7[%swap3A_354, %swap3A_355], %swap3A_358 {strides = array<i32>} : memref<16x128xf32, #tpu.memory_space<vmem>>, vector<1x16xf32>,
    %broadcast_in_dim3A_359 = arith.constant 0.000000e+00 : f32
    %broadcast_in_dim3A_360 = vector.broadcast %broadcast_in_dim3A_359 : f32 to vector<16xf32>
    %swap3A_361 = arith.constant 5 : i32
    %swap3A_362 = arith.index_cast %swap3A_361 : i32 to index
    %swap3A_363 = arith.constant 64 : index
    %swap3A_364 = tpu.vector_load %arg7[%swap3A_362, %swap3A_363] {strides = array<i32>} : memref<16x128xf32, #tpu.memory_space<vmem>>, vector<1x16xf32>,
    %swap3A_365 = vector.shape_cast %swap3A_364 : vector<1x16xf32> to vector<16xf32>
    %swap3A_366 = vector.shape_cast %broadcast_in_dim3A_360 : vector<16xf32> to vector<1x16xf32>
    tpu.vector_store %arg7[%swap3A_362, %swap3A_363], %swap3A_366 {strides = array<i32>} : memref<16x128xf32, #tpu.memory_space<vmem>>, vector<1x16xf32>,
    %broadcast_in_dim3A_367 = arith.constant 0.000000e+00 : f32
    %broadcast_in_dim3A_368 = vector.broadcast %broadcast_in_dim3A_367 : f32 to vector<16xf32>
    %swap3A_369 = arith.constant 5 : i32
    %swap3A_370 = arith.index_cast %swap3A_369 : i32 to index
    %swap3A_371 = arith.constant 80 : index
    %swap3A_372 = tpu.vector_load %arg7[%swap3A_370, %swap3A_371] {strides = array<i32>} : memref<16x128xf32, #tpu.memory_space<vmem>>, vector<1x16xf32>,
    %swap3A_373 = vector.shape_cast %swap3A_372 : vector<1x16xf32> to vector<16xf32>
    %swap3A_374 = vector.shape_cast %broadcast_in_dim3A_368 : vector<16xf32> to vector<1x16xf32>
    tpu.vector_store %arg7[%swap3A_370, %swap3A_371], %swap3A_374 {strides = array<i32>} : memref<16x128xf32, #tpu.memory_space<vmem>>, vector<1x16xf32>,
    %broadcast_in_dim3A_375 = arith.constant 0.000000e+00 : f32
    %broadcast_in_dim3A_376 = vector.broadcast %broadcast_in_dim3A_375 : f32 to vector<16xf32>
    %swap3A_377 = arith.constant 5 : i32
    %swap3A_378 = arith.index_cast %swap3A_377 : i32 to index
    %swap3A_379 = arith.constant 96 : index
    %swap3A_380 = tpu.vector_load %arg7[%swap3A_378, %swap3A_379] {strides = array<i32>} : memref<16x128xf32, #tpu.memory_space<vmem>>, vector<1x16xf32>,
    %swap3A_381 = vector.shape_cast %swap3A_380 : vector<1x16xf32> to vector<16xf32>
    %swap3A_382 = vector.shape_cast %broadcast_in_dim3A_376 : vector<16xf32> to vector<1x16xf32>
    tpu.vector_store %arg7[%swap3A_378, %swap3A_379], %swap3A_382 {strides = array<i32>} : memref<16x128xf32, #tpu.memory_space<vmem>>, vector<1x16xf32>,
    %broadcast_in_dim3A_383 = arith.constant 0.000000e+00 : f32
    %broadcast_in_dim3A_384 = vector.broadcast %broadcast_in_dim3A_383 : f32 to vector<16xf32>
    %swap3A_385 = arith.constant 5 : i32
    %swap3A_386 = arith.index_cast %swap3A_385 : i32 to index
    %swap3A_387 = arith.constant 112 : index
    %swap3A_388 = tpu.vector_load %arg7[%swap3A_386, %swap3A_387] {strides = array<i32>} : memref<16x128xf32, #tpu.memory_space<vmem>>, vector<1x16xf32>,
    %swap3A_389 = vector.shape_cast %swap3A_388 : vector<1x16xf32> to vector<16xf32>
    %swap3A_390 = vector.shape_cast %broadcast_in_dim3A_384 : vector<16xf32> to vector<1x16xf32>
    tpu.vector_store %arg7[%swap3A_386, %swap3A_387], %swap3A_390 {strides = array<i32>} : memref<16x128xf32, #tpu.memory_space<vmem>>, vector<1x16xf32>,
    %broadcast_in_dim3A_391 = arith.constant 0.000000e+00 : f32
    %broadcast_in_dim3A_392 = vector.broadcast %broadcast_in_dim3A_391 : f32 to vector<16xf32>
    %swap3A_393 = arith.constant 6 : i32
    %swap3A_394 = arith.index_cast %swap3A_393 : i32 to index
    %swap3A_395 = arith.constant 0 : index
    %swap3A_396 = tpu.vector_load %arg7[%swap3A_394, %swap3A_395] {strides = array<i32>} : memref<16x128xf32, #tpu.memory_space<vmem>>, vector<1x16xf32>,
    %swap3A_397 = vector.shape_cast %swap3A_396 : vector<1x16xf32> to vector<16xf32>
    %swap3A_398 = vector.shape_cast %broadcast_in_dim3A_392 : vector<16xf32> to vector<1x16xf32>
    tpu.vector_store %arg7[%swap3A_394, %swap3A_395], %swap3A_398 {strides = array<i32>} : memref<16x128xf32, #tpu.memory_space<vmem>>, vector<1x16xf32>,
    %broadcast_in_dim3A_399 = arith.constant 0.000000e+00 : f32
    %broadcast_in_dim3A_400 = vector.broadcast %broadcast_in_dim3A_399 : f32 to vector<16xf32>
    %swap3A_401 = arith.constant 6 : i32
    %swap3A_402 = arith.index_cast %swap3A_401 : i32 to index
    %swap3A_403 = arith.constant 16 : index
    %swap3A_404 = tpu.vector_load %arg7[%swap3A_402, %swap3A_403] {strides = array<i32>} : memref<16x128xf32, #tpu.memory_space<vmem>>, vector<1x16xf32>,
    %swap3A_405 = vector.shape_cast %swap3A_404 : vector<1x16xf32> to vector<16xf32>
    %swap3A_406 = vector.shape_cast %broadcast_in_dim3A_400 : vector<16xf32> to vector<1x16xf32>
    tpu.vector_store %arg7[%swap3A_402, %swap3A_403], %swap3A_406 {strides = array<i32>} : memref<16x128xf32, #tpu.memory_space<vmem>>, vector<1x16xf32>,
    %broadcast_in_dim3A_407 = arith.constant 0.000000e+00 : f32
    %broadcast_in_dim3A_408 = vector.broadcast %broadcast_in_dim3A_407 : f32 to vector<16xf32>
    %swap3A_409 = arith.constant 6 : i32
    %swap3A_410 = arith.index_cast %swap3A_409 : i32 to index
    %swap3A_411 = arith.constant 32 : index
    %swap3A_412 = tpu.vector_load %arg7[%swap3A_410, %swap3A_411] {strides = array<i32>} : memref<16x128xf32, #tpu.memory_space<vmem>>, vector<1x16xf32>,
    %swap3A_413 = vector.shape_cast %swap3A_412 : vector<1x16xf32> to vector<16xf32>
    %swap3A_414 = vector.shape_cast %broadcast_in_dim3A_408 : vector<16xf32> to vector<1x16xf32>
    tpu.vector_store %arg7[%swap3A_410, %swap3A_411], %swap3A_414 {strides = array<i32>} : memref<16x128xf32, #tpu.memory_space<vmem>>, vector<1x16xf32>,
    %broadcast_in_dim3A_415 = arith.constant 0.000000e+00 : f32
    %broadcast_in_dim3A_416 = vector.broadcast %broadcast_in_dim3A_415 : f32 to vector<16xf32>
    %swap3A_417 = arith.constant 6 : i32
    %swap3A_418 = arith.index_cast %swap3A_417 : i32 to index
    %swap3A_419 = arith.constant 48 : index
    %swap3A_420 = tpu.vector_load %arg7[%swap3A_418, %swap3A_419] {strides = array<i32>} : memref<16x128xf32, #tpu.memory_space<vmem>>, vector<1x16xf32>,
    %swap3A_421 = vector.shape_cast %swap3A_420 : vector<1x16xf32> to vector<16xf32>
    %swap3A_422 = vector.shape_cast %broadcast_in_dim3A_416 : vector<16xf32> to vector<1x16xf32>
    tpu.vector_store %arg7[%swap3A_418, %swap3A_419], %swap3A_422 {strides = array<i32>} : memref<16x128xf32, #tpu.memory_space<vmem>>, vector<1x16xf32>,
    %broadcast_in_dim3A_423 = arith.constant 0.000000e+00 : f32
    %broadcast_in_dim3A_424 = vector.broadcast %broadcast_in_dim3A_423 : f32 to vector<16xf32>
    %swap3A_425 = arith.constant 6 : i32
    %swap3A_426 = arith.index_cast %swap3A_425 : i32 to index
    %swap3A_427 = arith.constant 64 : index
    %swap3A_428 = tpu.vector_load %arg7[%swap3A_426, %swap3A_427] {strides = array<i32>} : memref<16x128xf32, #tpu.memory_space<vmem>>, vector<1x16xf32>,
    %swap3A_429 = vector.shape_cast %swap3A_428 : vector<1x16xf32> to vector<16xf32>
    %swap3A_430 = vector.shape_cast %broadcast_in_dim3A_424 : vector<16xf32> to vector<1x16xf32>
    tpu.vector_store %arg7[%swap3A_426, %swap3A_427], %swap3A_430 {strides = array<i32>} : memref<16x128xf32, #tpu.memory_space<vmem>>, vector<1x16xf32>,
    %broadcast_in_dim3A_431 = arith.constant 0.000000e+00 : f32
    %broadcast_in_dim3A_432 = vector.broadcast %broadcast_in_dim3A_431 : f32 to vector<16xf32>
    %swap3A_433 = arith.constant 6 : i32
    %swap3A_434 = arith.index_cast %swap3A_433 : i32 to index
    %swap3A_435 = arith.constant 80 : index
    %swap3A_436 = tpu.vector_load %arg7[%swap3A_434, %swap3A_435] {strides = array<i32>} : memref<16x128xf32, #tpu.memory_space<vmem>>, vector<1x16xf32>,
    %swap3A_437 = vector.shape_cast %swap3A_436 : vector<1x16xf32> to vector<16xf32>
    %swap3A_438 = vector.shape_cast %broadcast_in_dim3A_432 : vector<16xf32> to vector<1x16xf32>
    tpu.vector_store %arg7[%swap3A_434, %swap3A_435], %swap3A_438 {strides = array<i32>} : memref<16x128xf32, #tpu.memory_space<vmem>>, vector<1x16xf32>,
    %broadcast_in_dim3A_439 = arith.constant 0.000000e+00 : f32
    %broadcast_in_dim3A_440 = vector.broadcast %broadcast_in_dim3A_439 : f32 to vector<16xf32>
    %swap3A_441 = arith.constant 6 : i32
    %swap3A_442 = arith.index_cast %swap3A_441 : i32 to index
    %swap3A_443 = arith.constant 96 : index
    %swap3A_444 = tpu.vector_load %arg7[%swap3A_442, %swap3A_443] {strides = array<i32>} : memref<16x128xf32, #tpu.memory_space<vmem>>, vector<1x16xf32>,
    %swap3A_445 = vector.shape_cast %swap3A_444 : vector<1x16xf32> to vector<16xf32>
    %swap3A_446 = vector.shape_cast %broadcast_in_dim3A_440 : vector<16xf32> to vector<1x16xf32>
    tpu.vector_store %arg7[%swap3A_442, %swap3A_443], %swap3A_446 {strides = array<i32>} : memref<16x128xf32, #tpu.memory_space<vmem>>, vector<1x16xf32>,
    %broadcast_in_dim3A_447 = arith.constant 0.000000e+00 : f32
    %broadcast_in_dim3A_448 = vector.broadcast %broadcast_in_dim3A_447 : f32 to vector<16xf32>
    %swap3A_449 = arith.constant 6 : i32
    %swap3A_450 = arith.index_cast %swap3A_449 : i32 to index
    %swap3A_451 = arith.constant 112 : index
    %swap3A_452 = tpu.vector_load %arg7[%swap3A_450, %swap3A_451] {strides = array<i32>} : memref<16x128xf32, #tpu.memory_space<vmem>>, vector<1x16xf32>,
    %swap3A_453 = vector.shape_cast %swap3A_452 : vector<1x16xf32> to vector<16xf32>
    %swap3A_454 = vector.shape_cast %broadcast_in_dim3A_448 : vector<16xf32> to vector<1x16xf32>
    tpu.vector_store %arg7[%swap3A_450, %swap3A_451], %swap3A_454 {strides = array<i32>} : memref<16x128xf32, #tpu.memory_space<vmem>>, vector<1x16xf32>,
    %broadcast_in_dim3A_455 = arith.constant 0.000000e+00 : f32
    %broadcast_in_dim3A_456 = vector.broadcast %broadcast_in_dim3A_455 : f32 to vector<16xf32>
    %swap3A_457 = arith.constant 7 : i32
    %swap3A_458 = arith.index_cast %swap3A_457 : i32 to index
    %swap3A_459 = arith.constant 0 : index
    %swap3A_460 = tpu.vector_load %arg7[%swap3A_458, %swap3A_459] {strides = array<i32>} : memref<16x128xf32, #tpu.memory_space<vmem>>, vector<1x16xf32>,
    %swap3A_461 = vector.shape_cast %swap3A_460 : vector<1x16xf32> to vector<16xf32>
    %swap3A_462 = vector.shape_cast %broadcast_in_dim3A_456 : vector<16xf32> to vector<1x16xf32>
    tpu.vector_store %arg7[%swap3A_458, %swap3A_459], %swap3A_462 {strides = array<i32>} : memref<16x128xf32, #tpu.memory_space<vmem>>, vector<1x16xf32>,
    %broadcast_in_dim3A_463 = arith.constant 0.000000e+00 : f32
    %broadcast_in_dim3A_464 = vector.broadcast %broadcast_in_dim3A_463 : f32 to vector<16xf32>
    %swap3A_465 = arith.constant 7 : i32
    %swap3A_466 = arith.index_cast %swap3A_465 : i32 to index
    %swap3A_467 = arith.constant 16 : index
    %swap3A_468 = tpu.vector_load %arg7[%swap3A_466, %swap3A_467] {strides = array<i32>} : memref<16x128xf32, #tpu.memory_space<vmem>>, vector<1x16xf32>,
    %swap3A_469 = vector.shape_cast %swap3A_468 : vector<1x16xf32> to vector<16xf32>
    %swap3A_470 = vector.shape_cast %broadcast_in_dim3A_464 : vector<16xf32> to vector<1x16xf32>
    tpu.vector_store %arg7[%swap3A_466, %swap3A_467], %swap3A_470 {strides = array<i32>} : memref<16x128xf32, #tpu.memory_space<vmem>>, vector<1x16xf32>,
    %broadcast_in_dim3A_471 = arith.constant 0.000000e+00 : f32
    %broadcast_in_dim3A_472 = vector.broadcast %broadcast_in_dim3A_471 : f32 to vector<16xf32>
    %swap3A_473 = arith.constant 7 : i32
    %swap3A_474 = arith.index_cast %swap3A_473 : i32 to index
    %swap3A_475 = arith.constant 32 : index
    %swap3A_476 = tpu.vector_load %arg7[%swap3A_474, %swap3A_475] {strides = array<i32>} : memref<16x128xf32, #tpu.memory_space<vmem>>, vector<1x16xf32>,
    %swap3A_477 = vector.shape_cast %swap3A_476 : vector<1x16xf32> to vector<16xf32>
    %swap3A_478 = vector.shape_cast %broadcast_in_dim3A_472 : vector<16xf32> to vector<1x16xf32>
    tpu.vector_store %arg7[%swap3A_474, %swap3A_475], %swap3A_478 {strides = array<i32>} : memref<16x128xf32, #tpu.memory_space<vmem>>, vector<1x16xf32>,
    %broadcast_in_dim3A_479 = arith.constant 0.000000e+00 : f32
    %broadcast_in_dim3A_480 = vector.broadcast %broadcast_in_dim3A_479 : f32 to vector<16xf32>
    %swap3A_481 = arith.constant 7 : i32
    %swap3A_482 = arith.index_cast %swap3A_481 : i32 to index
    %swap3A_483 = arith.constant 48 : index
    %swap3A_484 = tpu.vector_load %arg7[%swap3A_482, %swap3A_483] {strides = array<i32>} : memref<16x128xf32, #tpu.memory_space<vmem>>, vector<1x16xf32>,
    %swap3A_485 = vector.shape_cast %swap3A_484 : vector<1x16xf32> to vector<16xf32>
    %swap3A_486 = vector.shape_cast %broadcast_in_dim3A_480 : vector<16xf32> to vector<1x16xf32>
    tpu.vector_store %arg7[%swap3A_482, %swap3A_483], %swap3A_486 {strides = array<i32>} : memref<16x128xf32, #tpu.memory_space<vmem>>, vector<1x16xf32>,
    %broadcast_in_dim3A_487 = arith.constant 0.000000e+00 : f32
    %broadcast_in_dim3A_488 = vector.broadcast %broadcast_in_dim3A_487 : f32 to vector<16xf32>
    %swap3A_489 = arith.constant 7 : i32
    %swap3A_490 = arith.index_cast %swap3A_489 : i32 to index
    %swap3A_491 = arith.constant 64 : index
    %swap3A_492 = tpu.vector_load %arg7[%swap3A_490, %swap3A_491] {strides = array<i32>} : memref<16x128xf32, #tpu.memory_space<vmem>>, vector<1x16xf32>,
    %swap3A_493 = vector.shape_cast %swap3A_492 : vector<1x16xf32> to vector<16xf32>
    %swap3A_494 = vector.shape_cast %broadcast_in_dim3A_488 : vector<16xf32> to vector<1x16xf32>
    tpu.vector_store %arg7[%swap3A_490, %swap3A_491], %swap3A_494 {strides = array<i32>} : memref<16x128xf32, #tpu.memory_space<vmem>>, vector<1x16xf32>,
    %broadcast_in_dim3A_495 = arith.constant 0.000000e+00 : f32
    %broadcast_in_dim3A_496 = vector.broadcast %broadcast_in_dim3A_495 : f32 to vector<16xf32>
    %swap3A_497 = arith.constant 7 : i32
    %swap3A_498 = arith.index_cast %swap3A_497 : i32 to index
    %swap3A_499 = arith.constant 80 : index
    %swap3A_500 = tpu.vector_load %arg7[%swap3A_498, %swap3A_499] {strides = array<i32>} : memref<16x128xf32, #tpu.memory_space<vmem>>, vector<1x16xf32>,
    %swap3A_501 = vector.shape_cast %swap3A_500 : vector<1x16xf32> to vector<16xf32>
    %swap3A_502 = vector.shape_cast %broadcast_in_dim3A_496 : vector<16xf32> to vector<1x16xf32>
    tpu.vector_store %arg7[%swap3A_498, %swap3A_499], %swap3A_502 {strides = array<i32>} : memref<16x128xf32, #tpu.memory_space<vmem>>, vector<1x16xf32>,
    %broadcast_in_dim3A_503 = arith.constant 0.000000e+00 : f32
    %broadcast_in_dim3A_504 = vector.broadcast %broadcast_in_dim3A_503 : f32 to vector<16xf32>
    %swap3A_505 = arith.constant 7 : i32
    %swap3A_506 = arith.index_cast %swap3A_505 : i32 to index
    %swap3A_507 = arith.constant 96 : index
    %swap3A_508 = tpu.vector_load %arg7[%swap3A_506, %swap3A_507] {strides = array<i32>} : memref<16x128xf32, #tpu.memory_space<vmem>>, vector<1x16xf32>,
    %swap3A_509 = vector.shape_cast %swap3A_508 : vector<1x16xf32> to vector<16xf32>
    %swap3A_510 = vector.shape_cast %broadcast_in_dim3A_504 : vector<16xf32> to vector<1x16xf32>
    tpu.vector_store %arg7[%swap3A_506, %swap3A_507], %swap3A_510 {strides = array<i32>} : memref<16x128xf32, #tpu.memory_space<vmem>>, vector<1x16xf32>,
    %broadcast_in_dim3A_511 = arith.constant 0.000000e+00 : f32
    %broadcast_in_dim3A_512 = vector.broadcast %broadcast_in_dim3A_511 : f32 to vector<16xf32>
    %swap3A_513 = arith.constant 7 : i32
    %swap3A_514 = arith.index_cast %swap3A_513 : i32 to index
    %swap3A_515 = arith.constant 112 : index
    %swap3A_516 = tpu.vector_load %arg7[%swap3A_514, %swap3A_515] {strides = array<i32>} : memref<16x128xf32, #tpu.memory_space<vmem>>, vector<1x16xf32>,
    %swap3A_517 = vector.shape_cast %swap3A_516 : vector<1x16xf32> to vector<16xf32>
    %swap3A_518 = vector.shape_cast %broadcast_in_dim3A_512 : vector<16xf32> to vector<1x16xf32>
    tpu.vector_store %arg7[%swap3A_514, %swap3A_515], %swap3A_518 {strides = array<i32>} : memref<16x128xf32, #tpu.memory_space<vmem>>, vector<1x16xf32>,
    %broadcast_in_dim3A_519 = arith.constant 0.000000e+00 : f32
    %broadcast_in_dim3A_520 = vector.broadcast %broadcast_in_dim3A_519 : f32 to vector<16xf32>
    %swap3A_521 = arith.constant 8 : i32
    %swap3A_522 = arith.index_cast %swap3A_521 : i32 to index
    %swap3A_523 = arith.constant 0 : index
    %swap3A_524 = tpu.vector_load %arg7[%swap3A_522, %swap3A_523] {strides = array<i32>} : memref<16x128xf32, #tpu.memory_space<vmem>>, vector<1x16xf32>,
    %swap3A_525 = vector.shape_cast %swap3A_524 : vector<1x16xf32> to vector<16xf32>
    %swap3A_526 = vector.shape_cast %broadcast_in_dim3A_520 : vector<16xf32> to vector<1x16xf32>
    tpu.vector_store %arg7[%swap3A_522, %swap3A_523], %swap3A_526 {strides = array<i32>} : memref<16x128xf32, #tpu.memory_space<vmem>>, vector<1x16xf32>,
    %broadcast_in_dim3A_527 = arith.constant 0.000000e+00 : f32
    %broadcast_in_dim3A_528 = vector.broadcast %broadcast_in_dim3A_527 : f32 to vector<16xf32>
    %swap3A_529 = arith.constant 8 : i32
    %swap3A_530 = arith.index_cast %swap3A_529 : i32 to index
    %swap3A_531 = arith.constant 16 : index
    %swap3A_532 = tpu.vector_load %arg7[%swap3A_530, %swap3A_531] {strides = array<i32>} : memref<16x128xf32, #tpu.memory_space<vmem>>, vector<1x16xf32>,
    %swap3A_533 = vector.shape_cast %swap3A_532 : vector<1x16xf32> to vector<16xf32>
    %swap3A_534 = vector.shape_cast %broadcast_in_dim3A_528 : vector<16xf32> to vector<1x16xf32>
    tpu.vector_store %arg7[%swap3A_530, %swap3A_531], %swap3A_534 {strides = array<i32>} : memref<16x128xf32, #tpu.memory_space<vmem>>, vector<1x16xf32>,
    %broadcast_in_dim3A_535 = arith.constant 0.000000e+00 : f32
    %broadcast_in_dim3A_536 = vector.broadcast %broadcast_in_dim3A_535 : f32 to vector<16xf32>
    %swap3A_537 = arith.constant 8 : i32
    %swap3A_538 = arith.index_cast %swap3A_537 : i32 to index
    %swap3A_539 = arith.constant 32 : index
    %swap3A_540 = tpu.vector_load %arg7[%swap3A_538, %swap3A_539] {strides = array<i32>} : memref<16x128xf32, #tpu.memory_space<vmem>>, vector<1x16xf32>,
    %swap3A_541 = vector.shape_cast %swap3A_540 : vector<1x16xf32> to vector<16xf32>
    %swap3A_542 = vector.shape_cast %broadcast_in_dim3A_536 : vector<16xf32> to vector<1x16xf32>
    tpu.vector_store %arg7[%swap3A_538, %swap3A_539], %swap3A_542 {strides = array<i32>} : memref<16x128xf32, #tpu.memory_space<vmem>>, vector<1x16xf32>,
    %broadcast_in_dim3A_543 = arith.constant 0.000000e+00 : f32
    %broadcast_in_dim3A_544 = vector.broadcast %broadcast_in_dim3A_543 : f32 to vector<16xf32>
    %swap3A_545 = arith.constant 8 : i32
    %swap3A_546 = arith.index_cast %swap3A_545 : i32 to index
    %swap3A_547 = arith.constant 48 : index
    %swap3A_548 = tpu.vector_load %arg7[%swap3A_546, %swap3A_547] {strides = array<i32>} : memref<16x128xf32, #tpu.memory_space<vmem>>, vector<1x16xf32>,
    %swap3A_549 = vector.shape_cast %swap3A_548 : vector<1x16xf32> to vector<16xf32>
    %swap3A_550 = vector.shape_cast %broadcast_in_dim3A_544 : vector<16xf32> to vector<1x16xf32>
    tpu.vector_store %arg7[%swap3A_546, %swap3A_547], %swap3A_550 {strides = array<i32>} : memref<16x128xf32, #tpu.memory_space<vmem>>, vector<1x16xf32>,
    %broadcast_in_dim3A_551 = arith.constant 0.000000e+00 : f32
    %broadcast_in_dim3A_552 = vector.broadcast %broadcast_in_dim3A_551 : f32 to vector<16xf32>
    %swap3A_553 = arith.constant 8 : i32
    %swap3A_554 = arith.index_cast %swap3A_553 : i32 to index
    %swap3A_555 = arith.constant 64 : index
    %swap3A_556 = tpu.vector_load %arg7[%swap3A_554, %swap3A_555] {strides = array<i32>} : memref<16x128xf32, #tpu.memory_space<vmem>>, vector<1x16xf32>,
    %swap3A_557 = vector.shape_cast %swap3A_556 : vector<1x16xf32> to vector<16xf32>
    %swap3A_558 = vector.shape_cast %broadcast_in_dim3A_552 : vector<16xf32> to vector<1x16xf32>
    tpu.vector_store %arg7[%swap3A_554, %swap3A_555], %swap3A_558 {strides = array<i32>} : memref<16x128xf32, #tpu.memory_space<vmem>>, vector<1x16xf32>,
    %broadcast_in_dim3A_559 = arith.constant 0.000000e+00 : f32
    %broadcast_in_dim3A_560 = vector.broadcast %broadcast_in_dim3A_559 : f32 to vector<16xf32>
    %swap3A_561 = arith.constant 8 : i32
    %swap3A_562 = arith.index_cast %swap3A_561 : i32 to index
    %swap3A_563 = arith.constant 80 : index
    %swap3A_564 = tpu.vector_load %arg7[%swap3A_562, %swap3A_563] {strides = array<i32>} : memref<16x128xf32, #tpu.memory_space<vmem>>, vector<1x16xf32>,
    %swap3A_565 = vector.shape_cast %swap3A_564 : vector<1x16xf32> to vector<16xf32>
    %swap3A_566 = vector.shape_cast %broadcast_in_dim3A_560 : vector<16xf32> to vector<1x16xf32>
    tpu.vector_store %arg7[%swap3A_562, %swap3A_563], %swap3A_566 {strides = array<i32>} : memref<16x128xf32, #tpu.memory_space<vmem>>, vector<1x16xf32>,
    %broadcast_in_dim3A_567 = arith.constant 0.000000e+00 : f32
    %broadcast_in_dim3A_568 = vector.broadcast %broadcast_in_dim3A_567 : f32 to vector<16xf32>
    %swap3A_569 = arith.constant 8 : i32
    %swap3A_570 = arith.index_cast %swap3A_569 : i32 to index
    %swap3A_571 = arith.constant 96 : index
    %swap3A_572 = tpu.vector_load %arg7[%swap3A_570, %swap3A_571] {strides = array<i32>} : memref<16x128xf32, #tpu.memory_space<vmem>>, vector<1x16xf32>,
    %swap3A_573 = vector.shape_cast %swap3A_572 : vector<1x16xf32> to vector<16xf32>
    %swap3A_574 = vector.shape_cast %broadcast_in_dim3A_568 : vector<16xf32> to vector<1x16xf32>
    tpu.vector_store %arg7[%swap3A_570, %swap3A_571], %swap3A_574 {strides = array<i32>} : memref<16x128xf32, #tpu.memory_space<vmem>>, vector<1x16xf32>,
    %broadcast_in_dim3A_575 = arith.constant 0.000000e+00 : f32
    %broadcast_in_dim3A_576 = vector.broadcast %broadcast_in_dim3A_575 : f32 to vector<16xf32>
    %swap3A_577 = arith.constant 8 : i32
    %swap3A_578 = arith.index_cast %swap3A_577 : i32 to index
    %swap3A_579 = arith.constant 112 : index
    %swap3A_580 = tpu.vector_load %arg7[%swap3A_578, %swap3A_579] {strides = array<i32>} : memref<16x128xf32, #tpu.memory_space<vmem>>, vector<1x16xf32>,
    %swap3A_581 = vector.shape_cast %swap3A_580 : vector<1x16xf32> to vector<16xf32>
    %swap3A_582 = vector.shape_cast %broadcast_in_dim3A_576 : vector<16xf32> to vector<1x16xf32>
    tpu.vector_store %arg7[%swap3A_578, %swap3A_579], %swap3A_582 {strides = array<i32>} : memref<16x128xf32, #tpu.memory_space<vmem>>, vector<1x16xf32>,
    %broadcast_in_dim3A_583 = arith.constant 0.000000e+00 : f32
    %broadcast_in_dim3A_584 = vector.broadcast %broadcast_in_dim3A_583 : f32 to vector<16xf32>
    %swap3A_585 = arith.constant 9 : i32
    %swap3A_586 = arith.index_cast %swap3A_585 : i32 to index
    %swap3A_587 = arith.constant 0 : index
    %swap3A_588 = tpu.vector_load %arg7[%swap3A_586, %swap3A_587] {strides = array<i32>} : memref<16x128xf32, #tpu.memory_space<vmem>>, vector<1x16xf32>,
    %swap3A_589 = vector.shape_cast %swap3A_588 : vector<1x16xf32> to vector<16xf32>
    %swap3A_590 = vector.shape_cast %broadcast_in_dim3A_584 : vector<16xf32> to vector<1x16xf32>
    tpu.vector_store %arg7[%swap3A_586, %swap3A_587], %swap3A_590 {strides = array<i32>} : memref<16x128xf32, #tpu.memory_space<vmem>>, vector<1x16xf32>,
    %broadcast_in_dim3A_591 = arith.constant 0.000000e+00 : f32
    %broadcast_in_dim3A_592 = vector.broadcast %broadcast_in_dim3A_591 : f32 to vector<16xf32>
    %swap3A_593 = arith.constant 9 : i32
    %swap3A_594 = arith.index_cast %swap3A_593 : i32 to index
    %swap3A_595 = arith.constant 16 : index
    %swap3A_596 = tpu.vector_load %arg7[%swap3A_594, %swap3A_595] {strides = array<i32>} : memref<16x128xf32, #tpu.memory_space<vmem>>, vector<1x16xf32>,
    %swap3A_597 = vector.shape_cast %swap3A_596 : vector<1x16xf32> to vector<16xf32>
    %swap3A_598 = vector.shape_cast %broadcast_in_dim3A_592 : vector<16xf32> to vector<1x16xf32>
    tpu.vector_store %arg7[%swap3A_594, %swap3A_595], %swap3A_598 {strides = array<i32>} : memref<16x128xf32, #tpu.memory_space<vmem>>, vector<1x16xf32>,
    %broadcast_in_dim3A_599 = arith.constant 0.000000e+00 : f32
    %broadcast_in_dim3A_600 = vector.broadcast %broadcast_in_dim3A_599 : f32 to vector<16xf32>
    %swap3A_601 = arith.constant 9 : i32
    %swap3A_602 = arith.index_cast %swap3A_601 : i32 to index
    %swap3A_603 = arith.constant 32 : index
    %swap3A_604 = tpu.vector_load %arg7[%swap3A_602, %swap3A_603] {strides = array<i32>} : memref<16x128xf32, #tpu.memory_space<vmem>>, vector<1x16xf32>,
    %swap3A_605 = vector.shape_cast %swap3A_604 : vector<1x16xf32> to vector<16xf32>
    %swap3A_606 = vector.shape_cast %broadcast_in_dim3A_600 : vector<16xf32> to vector<1x16xf32>
    tpu.vector_store %arg7[%swap3A_602, %swap3A_603], %swap3A_606 {strides = array<i32>} : memref<16x128xf32, #tpu.memory_space<vmem>>, vector<1x16xf32>,
    %broadcast_in_dim3A_607 = arith.constant 0.000000e+00 : f32
    %broadcast_in_dim3A_608 = vector.broadcast %broadcast_in_dim3A_607 : f32 to vector<16xf32>
    %swap3A_609 = arith.constant 9 : i32
    %swap3A_610 = arith.index_cast %swap3A_609 : i32 to index
    %swap3A_611 = arith.constant 48 : index
    %swap3A_612 = tpu.vector_load %arg7[%swap3A_610, %swap3A_611] {strides = array<i32>} : memref<16x128xf32, #tpu.memory_space<vmem>>, vector<1x16xf32>,
    %swap3A_613 = vector.shape_cast %swap3A_612 : vector<1x16xf32> to vector<16xf32>
    %swap3A_614 = vector.shape_cast %broadcast_in_dim3A_608 : vector<16xf32> to vector<1x16xf32>
    tpu.vector_store %arg7[%swap3A_610, %swap3A_611], %swap3A_614 {strides = array<i32>} : memref<16x128xf32, #tpu.memory_space<vmem>>, vector<1x16xf32>,
    %broadcast_in_dim3A_615 = arith.constant 0.000000e+00 : f32
    %broadcast_in_dim3A_616 = vector.broadcast %broadcast_in_dim3A_615 : f32 to vector<16xf32>
    %swap3A_617 = arith.constant 9 : i32
    %swap3A_618 = arith.index_cast %swap3A_617 : i32 to index
    %swap3A_619 = arith.constant 64 : index
    %swap3A_620 = tpu.vector_load %arg7[%swap3A_618, %swap3A_619] {strides = array<i32>} : memref<16x128xf32, #tpu.memory_space<vmem>>, vector<1x16xf32>,
    %swap3A_621 = vector.shape_cast %swap3A_620 : vector<1x16xf32> to vector<16xf32>
    %swap3A_622 = vector.shape_cast %broadcast_in_dim3A_616 : vector<16xf32> to vector<1x16xf32>
    tpu.vector_store %arg7[%swap3A_618, %swap3A_619], %swap3A_622 {strides = array<i32>} : memref<16x128xf32, #tpu.memory_space<vmem>>, vector<1x16xf32>,
    %broadcast_in_dim3A_623 = arith.constant 0.000000e+00 : f32
    %broadcast_in_dim3A_624 = vector.broadcast %broadcast_in_dim3A_623 : f32 to vector<16xf32>
    %swap3A_625 = arith.constant 9 : i32
    %swap3A_626 = arith.index_cast %swap3A_625 : i32 to index
    %swap3A_627 = arith.constant 80 : index
    %swap3A_628 = tpu.vector_load %arg7[%swap3A_626, %swap3A_627] {strides = array<i32>} : memref<16x128xf32, #tpu.memory_space<vmem>>, vector<1x16xf32>,
    %swap3A_629 = vector.shape_cast %swap3A_628 : vector<1x16xf32> to vector<16xf32>
    %swap3A_630 = vector.shape_cast %broadcast_in_dim3A_624 : vector<16xf32> to vector<1x16xf32>
    tpu.vector_store %arg7[%swap3A_626, %swap3A_627], %swap3A_630 {strides = array<i32>} : memref<16x128xf32, #tpu.memory_space<vmem>>, vector<1x16xf32>,
    %broadcast_in_dim3A_631 = arith.constant 0.000000e+00 : f32
    %broadcast_in_dim3A_632 = vector.broadcast %broadcast_in_dim3A_631 : f32 to vector<16xf32>
    %swap3A_633 = arith.constant 9 : i32
    %swap3A_634 = arith.index_cast %swap3A_633 : i32 to index
    %swap3A_635 = arith.constant 96 : index
    %swap3A_636 = tpu.vector_load %arg7[%swap3A_634, %swap3A_635] {strides = array<i32>} : memref<16x128xf32, #tpu.memory_space<vmem>>, vector<1x16xf32>,
    %swap3A_637 = vector.shape_cast %swap3A_636 : vector<1x16xf32> to vector<16xf32>
    %swap3A_638 = vector.shape_cast %broadcast_in_dim3A_632 : vector<16xf32> to vector<1x16xf32>
    tpu.vector_store %arg7[%swap3A_634, %swap3A_635], %swap3A_638 {strides = array<i32>} : memref<16x128xf32, #tpu.memory_space<vmem>>, vector<1x16xf32>,
    %broadcast_in_dim3A_639 = arith.constant 0.000000e+00 : f32
    %broadcast_in_dim3A_640 = vector.broadcast %broadcast_in_dim3A_639 : f32 to vector<16xf32>
    %swap3A_641 = arith.constant 9 : i32
    %swap3A_642 = arith.index_cast %swap3A_641 : i32 to index
    %swap3A_643 = arith.constant 112 : index
    %swap3A_644 = tpu.vector_load %arg7[%swap3A_642, %swap3A_643] {strides = array<i32>} : memref<16x128xf32, #tpu.memory_space<vmem>>, vector<1x16xf32>,
    %swap3A_645 = vector.shape_cast %swap3A_644 : vector<1x16xf32> to vector<16xf32>
    %swap3A_646 = vector.shape_cast %broadcast_in_dim3A_640 : vector<16xf32> to vector<1x16xf32>
    tpu.vector_store %arg7[%swap3A_642, %swap3A_643], %swap3A_646 {strides = array<i32>} : memref<16x128xf32, #tpu.memory_space<vmem>>, vector<1x16xf32>,
    %broadcast_in_dim3A_647 = arith.constant 0.000000e+00 : f32
    %broadcast_in_dim3A_648 = vector.broadcast %broadcast_in_dim3A_647 : f32 to vector<16xf32>
    %swap3A_649 = arith.constant 10 : i32
    %swap3A_650 = arith.index_cast %swap3A_649 : i32 to index
    %swap3A_651 = arith.constant 0 : index
    %swap3A_652 = tpu.vector_load %arg7[%swap3A_650, %swap3A_651] {strides = array<i32>} : memref<16x128xf32, #tpu.memory_space<vmem>>, vector<1x16xf32>,
    %swap3A_653 = vector.shape_cast %swap3A_652 : vector<1x16xf32> to vector<16xf32>
    %swap3A_654 = vector.shape_cast %broadcast_in_dim3A_648 : vector<16xf32> to vector<1x16xf32>
    tpu.vector_store %arg7[%swap3A_650, %swap3A_651], %swap3A_654 {strides = array<i32>} : memref<16x128xf32, #tpu.memory_space<vmem>>, vector<1x16xf32>,
    %broadcast_in_dim3A_655 = arith.constant 0.000000e+00 : f32
    %broadcast_in_dim3A_656 = vector.broadcast %broadcast_in_dim3A_655 : f32 to vector<16xf32>
    %swap3A_657 = arith.constant 10 : i32
    %swap3A_658 = arith.index_cast %swap3A_657 : i32 to index
    %swap3A_659 = arith.constant 16 : index
    %swap3A_660 = tpu.vector_load %arg7[%swap3A_658, %swap3A_659] {strides = array<i32>} : memref<16x128xf32, #tpu.memory_space<vmem>>, vector<1x16xf32>,
    %swap3A_661 = vector.shape_cast %swap3A_660 : vector<1x16xf32> to vector<16xf32>
    %swap3A_662 = vector.shape_cast %broadcast_in_dim3A_656 : vector<16xf32> to vector<1x16xf32>
    tpu.vector_store %arg7[%swap3A_658, %swap3A_659], %swap3A_662 {strides = array<i32>} : memref<16x128xf32, #tpu.memory_space<vmem>>, vector<1x16xf32>,
    %broadcast_in_dim3A_663 = arith.constant 0.000000e+00 : f32
    %broadcast_in_dim3A_664 = vector.broadcast %broadcast_in_dim3A_663 : f32 to vector<16xf32>
    %swap3A_665 = arith.constant 10 : i32
    %swap3A_666 = arith.index_cast %swap3A_665 : i32 to index
    %swap3A_667 = arith.constant 32 : index
    %swap3A_668 = tpu.vector_load %arg7[%swap3A_666, %swap3A_667] {strides = array<i32>} : memref<16x128xf32, #tpu.memory_space<vmem>>, vector<1x16xf32>,
    %swap3A_669 = vector.shape_cast %swap3A_668 : vector<1x16xf32> to vector<16xf32>
    %swap3A_670 = vector.shape_cast %broadcast_in_dim3A_664 : vector<16xf32> to vector<1x16xf32>
    tpu.vector_store %arg7[%swap3A_666, %swap3A_667], %swap3A_670 {strides = array<i32>} : memref<16x128xf32, #tpu.memory_space<vmem>>, vector<1x16xf32>,
    %broadcast_in_dim3A_671 = arith.constant 0.000000e+00 : f32
    %broadcast_in_dim3A_672 = vector.broadcast %broadcast_in_dim3A_671 : f32 to vector<16xf32>
    %swap3A_673 = arith.constant 10 : i32
    %swap3A_674 = arith.index_cast %swap3A_673 : i32 to index
    %swap3A_675 = arith.constant 48 : index
    %swap3A_676 = tpu.vector_load %arg7[%swap3A_674, %swap3A_675] {strides = array<i32>} : memref<16x128xf32, #tpu.memory_space<vmem>>, vector<1x16xf32>,
    %swap3A_677 = vector.shape_cast %swap3A_676 : vector<1x16xf32> to vector<16xf32>
    %swap3A_678 = vector.shape_cast %broadcast_in_dim3A_672 : vector<16xf32> to vector<1x16xf32>
    tpu.vector_store %arg7[%swap3A_674, %swap3A_675], %swap3A_678 {strides = array<i32>} : memref<16x128xf32, #tpu.memory_space<vmem>>, vector<1x16xf32>,
    %broadcast_in_dim3A_679 = arith.constant 0.000000e+00 : f32
    %broadcast_in_dim3A_680 = vector.broadcast %broadcast_in_dim3A_679 : f32 to vector<16xf32>
    %swap3A_681 = arith.constant 10 : i32
    %swap3A_682 = arith.index_cast %swap3A_681 : i32 to index
    %swap3A_683 = arith.constant 64 : index
    %swap3A_684 = tpu.vector_load %arg7[%swap3A_682, %swap3A_683] {strides = array<i32>} : memref<16x128xf32, #tpu.memory_space<vmem>>, vector<1x16xf32>,
    %swap3A_685 = vector.shape_cast %swap3A_684 : vector<1x16xf32> to vector<16xf32>
    %swap3A_686 = vector.shape_cast %broadcast_in_dim3A_680 : vector<16xf32> to vector<1x16xf32>
    tpu.vector_store %arg7[%swap3A_682, %swap3A_683], %swap3A_686 {strides = array<i32>} : memref<16x128xf32, #tpu.memory_space<vmem>>, vector<1x16xf32>,
    %broadcast_in_dim3A_687 = arith.constant 0.000000e+00 : f32
    %broadcast_in_dim3A_688 = vector.broadcast %broadcast_in_dim3A_687 : f32 to vector<16xf32>
    %swap3A_689 = arith.constant 10 : i32
    %swap3A_690 = arith.index_cast %swap3A_689 : i32 to index
    %swap3A_691 = arith.constant 80 : index
    %swap3A_692 = tpu.vector_load %arg7[%swap3A_690, %swap3A_691] {strides = array<i32>} : memref<16x128xf32, #tpu.memory_space<vmem>>, vector<1x16xf32>,
    %swap3A_693 = vector.shape_cast %swap3A_692 : vector<1x16xf32> to vector<16xf32>
    %swap3A_694 = vector.shape_cast %broadcast_in_dim3A_688 : vector<16xf32> to vector<1x16xf32>
    tpu.vector_store %arg7[%swap3A_690, %swap3A_691], %swap3A_694 {strides = array<i32>} : memref<16x128xf32, #tpu.memory_space<vmem>>, vector<1x16xf32>,
    %broadcast_in_dim3A_695 = arith.constant 0.000000e+00 : f32
    %broadcast_in_dim3A_696 = vector.broadcast %broadcast_in_dim3A_695 : f32 to vector<16xf32>
    %swap3A_697 = arith.constant 10 : i32
    %swap3A_698 = arith.index_cast %swap3A_697 : i32 to index
    %swap3A_699 = arith.constant 96 : index
    %swap3A_700 = tpu.vector_load %arg7[%swap3A_698, %swap3A_699] {strides = array<i32>} : memref<16x128xf32, #tpu.memory_space<vmem>>, vector<1x16xf32>,
    %swap3A_701 = vector.shape_cast %swap3A_700 : vector<1x16xf32> to vector<16xf32>
    %swap3A_702 = vector.shape_cast %broadcast_in_dim3A_696 : vector<16xf32> to vector<1x16xf32>
    tpu.vector_store %arg7[%swap3A_698, %swap3A_699], %swap3A_702 {strides = array<i32>} : memref<16x128xf32, #tpu.memory_space<vmem>>, vector<1x16xf32>,
    %broadcast_in_dim3A_703 = arith.constant 0.000000e+00 : f32
    %broadcast_in_dim3A_704 = vector.broadcast %broadcast_in_dim3A_703 : f32 to vector<16xf32>
    %swap3A_705 = arith.constant 10 : i32
    %swap3A_706 = arith.index_cast %swap3A_705 : i32 to index
    %swap3A_707 = arith.constant 112 : index
    %swap3A_708 = tpu.vector_load %arg7[%swap3A_706, %swap3A_707] {strides = array<i32>} : memref<16x128xf32, #tpu.memory_space<vmem>>, vector<1x16xf32>,
    %swap3A_709 = vector.shape_cast %swap3A_708 : vector<1x16xf32> to vector<16xf32>
    %swap3A_710 = vector.shape_cast %broadcast_in_dim3A_704 : vector<16xf32> to vector<1x16xf32>
    tpu.vector_store %arg7[%swap3A_706, %swap3A_707], %swap3A_710 {strides = array<i32>} : memref<16x128xf32, #tpu.memory_space<vmem>>, vector<1x16xf32>,
    %broadcast_in_dim3A_711 = arith.constant 0.000000e+00 : f32
    %broadcast_in_dim3A_712 = vector.broadcast %broadcast_in_dim3A_711 : f32 to vector<16xf32>
    %swap3A_713 = arith.constant 11 : i32
    %swap3A_714 = arith.index_cast %swap3A_713 : i32 to index
    %swap3A_715 = arith.constant 0 : index
    %swap3A_716 = tpu.vector_load %arg7[%swap3A_714, %swap3A_715] {strides = array<i32>} : memref<16x128xf32, #tpu.memory_space<vmem>>, vector<1x16xf32>,
    %swap3A_717 = vector.shape_cast %swap3A_716 : vector<1x16xf32> to vector<16xf32>
    %swap3A_718 = vector.shape_cast %broadcast_in_dim3A_712 : vector<16xf32> to vector<1x16xf32>
    tpu.vector_store %arg7[%swap3A_714, %swap3A_715], %swap3A_718 {strides = array<i32>} : memref<16x128xf32, #tpu.memory_space<vmem>>, vector<1x16xf32>,
    %broadcast_in_dim3A_719 = arith.constant 0.000000e+00 : f32
    %broadcast_in_dim3A_720 = vector.broadcast %broadcast_in_dim3A_719 : f32 to vector<16xf32>
    %swap3A_721 = arith.constant 11 : i32
    %swap3A_722 = arith.index_cast %swap3A_721 : i32 to index
    %swap3A_723 = arith.constant 16 : index
    %swap3A_724 = tpu.vector_load %arg7[%swap3A_722, %swap3A_723] {strides = array<i32>} : memref<16x128xf32, #tpu.memory_space<vmem>>, vector<1x16xf32>,
    %swap3A_725 = vector.shape_cast %swap3A_724 : vector<1x16xf32> to vector<16xf32>
    %swap3A_726 = vector.shape_cast %broadcast_in_dim3A_720 : vector<16xf32> to vector<1x16xf32>
    tpu.vector_store %arg7[%swap3A_722, %swap3A_723], %swap3A_726 {strides = array<i32>} : memref<16x128xf32, #tpu.memory_space<vmem>>, vector<1x16xf32>,
    %broadcast_in_dim3A_727 = arith.constant 0.000000e+00 : f32
    %broadcast_in_dim3A_728 = vector.broadcast %broadcast_in_dim3A_727 : f32 to vector<16xf32>
    %swap3A_729 = arith.constant 11 : i32
    %swap3A_730 = arith.index_cast %swap3A_729 : i32 to index
    %swap3A_731 = arith.constant 32 : index
    %swap3A_732 = tpu.vector_load %arg7[%swap3A_730, %swap3A_731] {strides = array<i32>} : memref<16x128xf32, #tpu.memory_space<vmem>>, vector<1x16xf32>,
    %swap3A_733 = vector.shape_cast %swap3A_732 : vector<1x16xf32> to vector<16xf32>
    %swap3A_734 = vector.shape_cast %broadcast_in_dim3A_728 : vector<16xf32> to vector<1x16xf32>
    tpu.vector_store %arg7[%swap3A_730, %swap3A_731], %swap3A_734 {strides = array<i32>} : memref<16x128xf32, #tpu.memory_space<vmem>>, vector<1x16xf32>,
    %broadcast_in_dim3A_735 = arith.constant 0.000000e+00 : f32
    %broadcast_in_dim3A_736 = vector.broadcast %broadcast_in_dim3A_735 : f32 to vector<16xf32>
    %swap3A_737 = arith.constant 11 : i32
    %swap3A_738 = arith.index_cast %swap3A_737 : i32 to index
    %swap3A_739 = arith.constant 48 : index
    %swap3A_740 = tpu.vector_load %arg7[%swap3A_738, %swap3A_739] {strides = array<i32>} : memref<16x128xf32, #tpu.memory_space<vmem>>, vector<1x16xf32>,
    %swap3A_741 = vector.shape_cast %swap3A_740 : vector<1x16xf32> to vector<16xf32>
    %swap3A_742 = vector.shape_cast %broadcast_in_dim3A_736 : vector<16xf32> to vector<1x16xf32>
    tpu.vector_store %arg7[%swap3A_738, %swap3A_739], %swap3A_742 {strides = array<i32>} : memref<16x128xf32, #tpu.memory_space<vmem>>, vector<1x16xf32>,
    %broadcast_in_dim3A_743 = arith.constant 0.000000e+00 : f32
    %broadcast_in_dim3A_744 = vector.broadcast %broadcast_in_dim3A_743 : f32 to vector<16xf32>
    %swap3A_745 = arith.constant 11 : i32
    %swap3A_746 = arith.index_cast %swap3A_745 : i32 to index
    %swap3A_747 = arith.constant 64 : index
    %swap3A_748 = tpu.vector_load %arg7[%swap3A_746, %swap3A_747] {strides = array<i32>} : memref<16x128xf32, #tpu.memory_space<vmem>>, vector<1x16xf32>,
    %swap3A_749 = vector.shape_cast %swap3A_748 : vector<1x16xf32> to vector<16xf32>
    %swap3A_750 = vector.shape_cast %broadcast_in_dim3A_744 : vector<16xf32> to vector<1x16xf32>
    tpu.vector_store %arg7[%swap3A_746, %swap3A_747], %swap3A_750 {strides = array<i32>} : memref<16x128xf32, #tpu.memory_space<vmem>>, vector<1x16xf32>,
    %broadcast_in_dim3A_751 = arith.constant 0.000000e+00 : f32
    %broadcast_in_dim3A_752 = vector.broadcast %broadcast_in_dim3A_751 : f32 to vector<16xf32>
    %swap3A_753 = arith.constant 11 : i32
    %swap3A_754 = arith.index_cast %swap3A_753 : i32 to index
    %swap3A_755 = arith.constant 80 : index
    %swap3A_756 = tpu.vector_load %arg7[%swap3A_754, %swap3A_755] {strides = array<i32>} : memref<16x128xf32, #tpu.memory_space<vmem>>, vector<1x16xf32>,
    %swap3A_757 = vector.shape_cast %swap3A_756 : vector<1x16xf32> to vector<16xf32>
    %swap3A_758 = vector.shape_cast %broadcast_in_dim3A_752 : vector<16xf32> to vector<1x16xf32>
    tpu.vector_store %arg7[%swap3A_754, %swap3A_755], %swap3A_758 {strides = array<i32>} : memref<16x128xf32, #tpu.memory_space<vmem>>, vector<1x16xf32>,
    %broadcast_in_dim3A_759 = arith.constant 0.000000e+00 : f32
    %broadcast_in_dim3A_760 = vector.broadcast %broadcast_in_dim3A_759 : f32 to vector<16xf32>
    %swap3A_761 = arith.constant 11 : i32
    %swap3A_762 = arith.index_cast %swap3A_761 : i32 to index
    %swap3A_763 = arith.constant 96 : index
    %swap3A_764 = tpu.vector_load %arg7[%swap3A_762, %swap3A_763] {strides = array<i32>} : memref<16x128xf32, #tpu.memory_space<vmem>>, vector<1x16xf32>,
    %swap3A_765 = vector.shape_cast %swap3A_764 : vector<1x16xf32> to vector<16xf32>
    %swap3A_766 = vector.shape_cast %broadcast_in_dim3A_760 : vector<16xf32> to vector<1x16xf32>
    tpu.vector_store %arg7[%swap3A_762, %swap3A_763], %swap3A_766 {strides = array<i32>} : memref<16x128xf32, #tpu.memory_space<vmem>>, vector<1x16xf32>,
    %broadcast_in_dim3A_767 = arith.constant 0.000000e+00 : f32
    %broadcast_in_dim3A_768 = vector.broadcast %broadcast_in_dim3A_767 : f32 to vector<16xf32>
    %swap3A_769 = arith.constant 11 : i32
    %swap3A_770 = arith.index_cast %swap3A_769 : i32 to index
    %swap3A_771 = arith.constant 112 : index
    %swap3A_772 = tpu.vector_load %arg7[%swap3A_770, %swap3A_771] {strides = array<i32>} : memref<16x128xf32, #tpu.memory_space<vmem>>, vector<1x16xf32>,
    %swap3A_773 = vector.shape_cast %swap3A_772 : vector<1x16xf32> to vector<16xf32>
    %swap3A_774 = vector.shape_cast %broadcast_in_dim3A_768 : vector<16xf32> to vector<1x16xf32>
    tpu.vector_store %arg7[%swap3A_770, %swap3A_771], %swap3A_774 {strides = array<i32>} : memref<16x128xf32, #tpu.memory_space<vmem>>, vector<1x16xf32>,
    %broadcast_in_dim3A_775 = arith.constant 0.000000e+00 : f32
    %broadcast_in_dim3A_776 = vector.broadcast %broadcast_in_dim3A_775 : f32 to vector<16xf32>
    %swap3A_777 = arith.constant 12 : i32
    %swap3A_778 = arith.index_cast %swap3A_777 : i32 to index
    %swap3A_779 = arith.constant 0 : index
    %swap3A_780 = tpu.vector_load %arg7[%swap3A_778, %swap3A_779] {strides = array<i32>} : memref<16x128xf32, #tpu.memory_space<vmem>>, vector<1x16xf32>,
    %swap3A_781 = vector.shape_cast %swap3A_780 : vector<1x16xf32> to vector<16xf32>
    %swap3A_782 = vector.shape_cast %broadcast_in_dim3A_776 : vector<16xf32> to vector<1x16xf32>
    tpu.vector_store %arg7[%swap3A_778, %swap3A_779], %swap3A_782 {strides = array<i32>} : memref<16x128xf32, #tpu.memory_space<vmem>>, vector<1x16xf32>,
    %broadcast_in_dim3A_783 = arith.constant 0.000000e+00 : f32
    %broadcast_in_dim3A_784 = vector.broadcast %broadcast_in_dim3A_783 : f32 to vector<16xf32>
    %swap3A_785 = arith.constant 12 : i32
    %swap3A_786 = arith.index_cast %swap3A_785 : i32 to index
    %swap3A_787 = arith.constant 16 : index
    %swap3A_788 = tpu.vector_load %arg7[%swap3A_786, %swap3A_787] {strides = array<i32>} : memref<16x128xf32, #tpu.memory_space<vmem>>, vector<1x16xf32>,
    %swap3A_789 = vector.shape_cast %swap3A_788 : vector<1x16xf32> to vector<16xf32>
    %swap3A_790 = vector.shape_cast %broadcast_in_dim3A_784 : vector<16xf32> to vector<1x16xf32>
    tpu.vector_store %arg7[%swap3A_786, %swap3A_787], %swap3A_790 {strides = array<i32>} : memref<16x128xf32, #tpu.memory_space<vmem>>, vector<1x16xf32>,
    %broadcast_in_dim3A_791 = arith.constant 0.000000e+00 : f32
    %broadcast_in_dim3A_792 = vector.broadcast %broadcast_in_dim3A_791 : f32 to vector<16xf32>
    %swap3A_793 = arith.constant 12 : i32
    %swap3A_794 = arith.index_cast %swap3A_793 : i32 to index
    %swap3A_795 = arith.constant 32 : index
    %swap3A_796 = tpu.vector_load %arg7[%swap3A_794, %swap3A_795] {strides = array<i32>} : memref<16x128xf32, #tpu.memory_space<vmem>>, vector<1x16xf32>,
    %swap3A_797 = vector.shape_cast %swap3A_796 : vector<1x16xf32> to vector<16xf32>
    %swap3A_798 = vector.shape_cast %broadcast_in_dim3A_792 : vector<16xf32> to vector<1x16xf32>
    tpu.vector_store %arg7[%swap3A_794, %swap3A_795], %swap3A_798 {strides = array<i32>} : memref<16x128xf32, #tpu.memory_space<vmem>>, vector<1x16xf32>,
    %broadcast_in_dim3A_799 = arith.constant 0.000000e+00 : f32
    %broadcast_in_dim3A_800 = vector.broadcast %broadcast_in_dim3A_799 : f32 to vector<16xf32>
    %swap3A_801 = arith.constant 12 : i32
    %swap3A_802 = arith.index_cast %swap3A_801 : i32 to index
    %swap3A_803 = arith.constant 48 : index
    %swap3A_804 = tpu.vector_load %arg7[%swap3A_802, %swap3A_803] {strides = array<i32>} : memref<16x128xf32, #tpu.memory_space<vmem>>, vector<1x16xf32>,
    %swap3A_805 = vector.shape_cast %swap3A_804 : vector<1x16xf32> to vector<16xf32>
    %swap3A_806 = vector.shape_cast %broadcast_in_dim3A_800 : vector<16xf32> to vector<1x16xf32>
    tpu.vector_store %arg7[%swap3A_802, %swap3A_803], %swap3A_806 {strides = array<i32>} : memref<16x128xf32, #tpu.memory_space<vmem>>, vector<1x16xf32>,
    %broadcast_in_dim3A_807 = arith.constant 0.000000e+00 : f32
    %broadcast_in_dim3A_808 = vector.broadcast %broadcast_in_dim3A_807 : f32 to vector<16xf32>
    %swap3A_809 = arith.constant 12 : i32
    %swap3A_810 = arith.index_cast %swap3A_809 : i32 to index
    %swap3A_811 = arith.constant 64 : index
    %swap3A_812 = tpu.vector_load %arg7[%swap3A_810, %swap3A_811] {strides = array<i32>} : memref<16x128xf32, #tpu.memory_space<vmem>>, vector<1x16xf32>,
    %swap3A_813 = vector.shape_cast %swap3A_812 : vector<1x16xf32> to vector<16xf32>
    %swap3A_814 = vector.shape_cast %broadcast_in_dim3A_808 : vector<16xf32> to vector<1x16xf32>
    tpu.vector_store %arg7[%swap3A_810, %swap3A_811], %swap3A_814 {strides = array<i32>} : memref<16x128xf32, #tpu.memory_space<vmem>>, vector<1x16xf32>,
    %broadcast_in_dim3A_815 = arith.constant 0.000000e+00 : f32
    %broadcast_in_dim3A_816 = vector.broadcast %broadcast_in_dim3A_815 : f32 to vector<16xf32>
    %swap3A_817 = arith.constant 12 : i32
    %swap3A_818 = arith.index_cast %swap3A_817 : i32 to index
    %swap3A_819 = arith.constant 80 : index
    %swap3A_820 = tpu.vector_load %arg7[%swap3A_818, %swap3A_819] {strides = array<i32>} : memref<16x128xf32, #tpu.memory_space<vmem>>, vector<1x16xf32>,
    %swap3A_821 = vector.shape_cast %swap3A_820 : vector<1x16xf32> to vector<16xf32>
    %swap3A_822 = vector.shape_cast %broadcast_in_dim3A_816 : vector<16xf32> to vector<1x16xf32>
    tpu.vector_store %arg7[%swap3A_818, %swap3A_819], %swap3A_822 {strides = array<i32>} : memref<16x128xf32, #tpu.memory_space<vmem>>, vector<1x16xf32>,
    %broadcast_in_dim3A_823 = arith.constant 0.000000e+00 : f32
    %broadcast_in_dim3A_824 = vector.broadcast %broadcast_in_dim3A_823 : f32 to vector<16xf32>
    %swap3A_825 = arith.constant 12 : i32
    %swap3A_826 = arith.index_cast %swap3A_825 : i32 to index
    %swap3A_827 = arith.constant 96 : index
    %swap3A_828 = tpu.vector_load %arg7[%swap3A_826, %swap3A_827] {strides = array<i32>} : memref<16x128xf32, #tpu.memory_space<vmem>>, vector<1x16xf32>,
    %swap3A_829 = vector.shape_cast %swap3A_828 : vector<1x16xf32> to vector<16xf32>
    %swap3A_830 = vector.shape_cast %broadcast_in_dim3A_824 : vector<16xf32> to vector<1x16xf32>
    tpu.vector_store %arg7[%swap3A_826, %swap3A_827], %swap3A_830 {strides = array<i32>} : memref<16x128xf32, #tpu.memory_space<vmem>>, vector<1x16xf32>,
    %broadcast_in_dim3A_831 = arith.constant 0.000000e+00 : f32
    %broadcast_in_dim3A_832 = vector.broadcast %broadcast_in_dim3A_831 : f32 to vector<16xf32>
    %swap3A_833 = arith.constant 12 : i32
    %swap3A_834 = arith.index_cast %swap3A_833 : i32 to index
    %swap3A_835 = arith.constant 112 : index
    %swap3A_836 = tpu.vector_load %arg7[%swap3A_834, %swap3A_835] {strides = array<i32>} : memref<16x128xf32, #tpu.memory_space<vmem>>, vector<1x16xf32>,
    %swap3A_837 = vector.shape_cast %swap3A_836 : vector<1x16xf32> to vector<16xf32>
    %swap3A_838 = vector.shape_cast %broadcast_in_dim3A_832 : vector<16xf32> to vector<1x16xf32>
    tpu.vector_store %arg7[%swap3A_834, %swap3A_835], %swap3A_838 {strides = array<i32>} : memref<16x128xf32, #tpu.memory_space<vmem>>, vector<1x16xf32>,
    %broadcast_in_dim3A_839 = arith.constant 0.000000e+00 : f32
    %broadcast_in_dim3A_840 = vector.broadcast %broadcast_in_dim3A_839 : f32 to vector<16xf32>
    %swap3A_841 = arith.constant 13 : i32
    %swap3A_842 = arith.index_cast %swap3A_841 : i32 to index
    %swap3A_843 = arith.constant 0 : index
    %swap3A_844 = tpu.vector_load %arg7[%swap3A_842, %swap3A_843] {strides = array<i32>} : memref<16x128xf32, #tpu.memory_space<vmem>>, vector<1x16xf32>,
    %swap3A_845 = vector.shape_cast %swap3A_844 : vector<1x16xf32> to vector<16xf32>
    %swap3A_846 = vector.shape_cast %broadcast_in_dim3A_840 : vector<16xf32> to vector<1x16xf32>
    tpu.vector_store %arg7[%swap3A_842, %swap3A_843], %swap3A_846 {strides = array<i32>} : memref<16x128xf32, #tpu.memory_space<vmem>>, vector<1x16xf32>,
    %broadcast_in_dim3A_847 = arith.constant 0.000000e+00 : f32
    %broadcast_in_dim3A_848 = vector.broadcast %broadcast_in_dim3A_847 : f32 to vector<16xf32>
    %swap3A_849 = arith.constant 13 : i32
    %swap3A_850 = arith.index_cast %swap3A_849 : i32 to index
    %swap3A_851 = arith.constant 16 : index
    %swap3A_852 = tpu.vector_load %arg7[%swap3A_850, %swap3A_851] {strides = array<i32>} : memref<16x128xf32, #tpu.memory_space<vmem>>, vector<1x16xf32>,
    %swap3A_853 = vector.shape_cast %swap3A_852 : vector<1x16xf32> to vector<16xf32>
    %swap3A_854 = vector.shape_cast %broadcast_in_dim3A_848 : vector<16xf32> to vector<1x16xf32>
    tpu.vector_store %arg7[%swap3A_850, %swap3A_851], %swap3A_854 {strides = array<i32>} : memref<16x128xf32, #tpu.memory_space<vmem>>, vector<1x16xf32>,
    %broadcast_in_dim3A_855 = arith.constant 0.000000e+00 : f32
    %broadcast_in_dim3A_856 = vector.broadcast %broadcast_in_dim3A_855 : f32 to vector<16xf32>
    %swap3A_857 = arith.constant 13 : i32
    %swap3A_858 = arith.index_cast %swap3A_857 : i32 to index
    %swap3A_859 = arith.constant 32 : index
    %swap3A_860 = tpu.vector_load %arg7[%swap3A_858, %swap3A_859] {strides = array<i32>} : memref<16x128xf32, #tpu.memory_space<vmem>>, vector<1x16xf32>,
    %swap3A_861 = vector.shape_cast %swap3A_860 : vector<1x16xf32> to vector<16xf32>
    %swap3A_862 = vector.shape_cast %broadcast_in_dim3A_856 : vector<16xf32> to vector<1x16xf32>
    tpu.vector_store %arg7[%swap3A_858, %swap3A_859], %swap3A_862 {strides = array<i32>} : memref<16x128xf32, #tpu.memory_space<vmem>>, vector<1x16xf32>,
    %broadcast_in_dim3A_863 = arith.constant 0.000000e+00 : f32
    %broadcast_in_dim3A_864 = vector.broadcast %broadcast_in_dim3A_863 : f32 to vector<16xf32>
    %swap3A_865 = arith.constant 13 : i32
    %swap3A_866 = arith.index_cast %swap3A_865 : i32 to index
    %swap3A_867 = arith.constant 48 : index
    %swap3A_868 = tpu.vector_load %arg7[%swap3A_866, %swap3A_867] {strides = array<i32>} : memref<16x128xf32, #tpu.memory_space<vmem>>, vector<1x16xf32>,
    %swap3A_869 = vector.shape_cast %swap3A_868 : vector<1x16xf32> to vector<16xf32>
    %swap3A_870 = vector.shape_cast %broadcast_in_dim3A_864 : vector<16xf32> to vector<1x16xf32>
    tpu.vector_store %arg7[%swap3A_866, %swap3A_867], %swap3A_870 {strides = array<i32>} : memref<16x128xf32, #tpu.memory_space<vmem>>, vector<1x16xf32>,
    %broadcast_in_dim3A_871 = arith.constant 0.000000e+00 : f32
    %broadcast_in_dim3A_872 = vector.broadcast %broadcast_in_dim3A_871 : f32 to vector<16xf32>
    %swap3A_873 = arith.constant 13 : i32
    %swap3A_874 = arith.index_cast %swap3A_873 : i32 to index
    %swap3A_875 = arith.constant 64 : index
    %swap3A_876 = tpu.vector_load %arg7[%swap3A_874, %swap3A_875] {strides = array<i32>} : memref<16x128xf32, #tpu.memory_space<vmem>>, vector<1x16xf32>,
    %swap3A_877 = vector.shape_cast %swap3A_876 : vector<1x16xf32> to vector<16xf32>
    %swap3A_878 = vector.shape_cast %broadcast_in_dim3A_872 : vector<16xf32> to vector<1x16xf32>
    tpu.vector_store %arg7[%swap3A_874, %swap3A_875], %swap3A_878 {strides = array<i32>} : memref<16x128xf32, #tpu.memory_space<vmem>>, vector<1x16xf32>,
    %broadcast_in_dim3A_879 = arith.constant 0.000000e+00 : f32
    %broadcast_in_dim3A_880 = vector.broadcast %broadcast_in_dim3A_879 : f32 to vector<16xf32>
    %swap3A_881 = arith.constant 13 : i32
    %swap3A_882 = arith.index_cast %swap3A_881 : i32 to index
    %swap3A_883 = arith.constant 80 : index
    %swap3A_884 = tpu.vector_load %arg7[%swap3A_882, %swap3A_883] {strides = array<i32>} : memref<16x128xf32, #tpu.memory_space<vmem>>, vector<1x16xf32>,
    %swap3A_885 = vector.shape_cast %swap3A_884 : vector<1x16xf32> to vector<16xf32>
    %swap3A_886 = vector.shape_cast %broadcast_in_dim3A_880 : vector<16xf32> to vector<1x16xf32>
    tpu.vector_store %arg7[%swap3A_882, %swap3A_883], %swap3A_886 {strides = array<i32>} : memref<16x128xf32, #tpu.memory_space<vmem>>, vector<1x16xf32>,
    %broadcast_in_dim3A_887 = arith.constant 0.000000e+00 : f32
    %broadcast_in_dim3A_888 = vector.broadcast %broadcast_in_dim3A_887 : f32 to vector<16xf32>
    %swap3A_889 = arith.constant 13 : i32
    %swap3A_890 = arith.index_cast %swap3A_889 : i32 to index
    %swap3A_891 = arith.constant 96 : index
    %swap3A_892 = tpu.vector_load %arg7[%swap3A_890, %swap3A_891] {strides = array<i32>} : memref<16x128xf32, #tpu.memory_space<vmem>>, vector<1x16xf32>,
    %swap3A_893 = vector.shape_cast %swap3A_892 : vector<1x16xf32> to vector<16xf32>
    %swap3A_894 = vector.shape_cast %broadcast_in_dim3A_888 : vector<16xf32> to vector<1x16xf32>
    tpu.vector_store %arg7[%swap3A_890, %swap3A_891], %swap3A_894 {strides = array<i32>} : memref<16x128xf32, #tpu.memory_space<vmem>>, vector<1x16xf32>,
    %broadcast_in_dim3A_895 = arith.constant 0.000000e+00 : f32
    %broadcast_in_dim3A_896 = vector.broadcast %broadcast_in_dim3A_895 : f32 to vector<16xf32>
    %swap3A_897 = arith.constant 13 : i32
    %swap3A_898 = arith.index_cast %swap3A_897 : i32 to index
    %swap3A_899 = arith.constant 112 : index
    %swap3A_900 = tpu.vector_load %arg7[%swap3A_898, %swap3A_899] {strides = array<i32>} : memref<16x128xf32, #tpu.memory_space<vmem>>, vector<1x16xf32>,
    %swap3A_901 = vector.shape_cast %swap3A_900 : vector<1x16xf32> to vector<16xf32>
    %swap3A_902 = vector.shape_cast %broadcast_in_dim3A_896 : vector<16xf32> to vector<1x16xf32>
    tpu.vector_store %arg7[%swap3A_898, %swap3A_899], %swap3A_902 {strides = array<i32>} : memref<16x128xf32, #tpu.memory_space<vmem>>, vector<1x16xf32>,
    %broadcast_in_dim3A_903 = arith.constant 0.000000e+00 : f32
    %broadcast_in_dim3A_904 = vector.broadcast %broadcast_in_dim3A_903 : f32 to vector<16xf32>
    %swap3A_905 = arith.constant 14 : i32
    %swap3A_906 = arith.index_cast %swap3A_905 : i32 to index
    %swap3A_907 = arith.constant 0 : index
    %swap3A_908 = tpu.vector_load %arg7[%swap3A_906, %swap3A_907] {strides = array<i32>} : memref<16x128xf32, #tpu.memory_space<vmem>>, vector<1x16xf32>,
    %swap3A_909 = vector.shape_cast %swap3A_908 : vector<1x16xf32> to vector<16xf32>
    %swap3A_910 = vector.shape_cast %broadcast_in_dim3A_904 : vector<16xf32> to vector<1x16xf32>
    tpu.vector_store %arg7[%swap3A_906, %swap3A_907], %swap3A_910 {strides = array<i32>} : memref<16x128xf32, #tpu.memory_space<vmem>>, vector<1x16xf32>,
    %broadcast_in_dim3A_911 = arith.constant 0.000000e+00 : f32
    %broadcast_in_dim3A_912 = vector.broadcast %broadcast_in_dim3A_911 : f32 to vector<16xf32>
    %swap3A_913 = arith.constant 14 : i32
    %swap3A_914 = arith.index_cast %swap3A_913 : i32 to index
    %swap3A_915 = arith.constant 16 : index
    %swap3A_916 = tpu.vector_load %arg7[%swap3A_914, %swap3A_915] {strides = array<i32>} : memref<16x128xf32, #tpu.memory_space<vmem>>, vector<1x16xf32>,
    %swap3A_917 = vector.shape_cast %swap3A_916 : vector<1x16xf32> to vector<16xf32>
    %swap3A_918 = vector.shape_cast %broadcast_in_dim3A_912 : vector<16xf32> to vector<1x16xf32>
    tpu.vector_store %arg7[%swap3A_914, %swap3A_915], %swap3A_918 {strides = array<i32>} : memref<16x128xf32, #tpu.memory_space<vmem>>, vector<1x16xf32>,
    %broadcast_in_dim3A_919 = arith.constant 0.000000e+00 : f32
    %broadcast_in_dim3A_920 = vector.broadcast %broadcast_in_dim3A_919 : f32 to vector<16xf32>
    %swap3A_921 = arith.constant 14 : i32
    %swap3A_922 = arith.index_cast %swap3A_921 : i32 to index
    %swap3A_923 = arith.constant 32 : index
    %swap3A_924 = tpu.vector_load %arg7[%swap3A_922, %swap3A_923] {strides = array<i32>} : memref<16x128xf32, #tpu.memory_space<vmem>>, vector<1x16xf32>,
    %swap3A_925 = vector.shape_cast %swap3A_924 : vector<1x16xf32> to vector<16xf32>
    %swap3A_926 = vector.shape_cast %broadcast_in_dim3A_920 : vector<16xf32> to vector<1x16xf32>
    tpu.vector_store %arg7[%swap3A_922, %swap3A_923], %swap3A_926 {strides = array<i32>} : memref<16x128xf32, #tpu.memory_space<vmem>>, vector<1x16xf32>,
    %broadcast_in_dim3A_927 = arith.constant 0.000000e+00 : f32
    %broadcast_in_dim3A_928 = vector.broadcast %broadcast_in_dim3A_927 : f32 to vector<16xf32>
    %swap3A_929 = arith.constant 14 : i32
    %swap3A_930 = arith.index_cast %swap3A_929 : i32 to index
    %swap3A_931 = arith.constant 48 : index
    %swap3A_932 = tpu.vector_load %arg7[%swap3A_930, %swap3A_931] {strides = array<i32>} : memref<16x128xf32, #tpu.memory_space<vmem>>, vector<1x16xf32>,
    %swap3A_933 = vector.shape_cast %swap3A_932 : vector<1x16xf32> to vector<16xf32>
    %swap3A_934 = vector.shape_cast %broadcast_in_dim3A_928 : vector<16xf32> to vector<1x16xf32>
    tpu.vector_store %arg7[%swap3A_930, %swap3A_931], %swap3A_934 {strides = array<i32>} : memref<16x128xf32, #tpu.memory_space<vmem>>, vector<1x16xf32>,
    %broadcast_in_dim3A_935 = arith.constant 0.000000e+00 : f32
    %broadcast_in_dim3A_936 = vector.broadcast %broadcast_in_dim3A_935 : f32 to vector<16xf32>
    %swap3A_937 = arith.constant 14 : i32
    %swap3A_938 = arith.index_cast %swap3A_937 : i32 to index
    %swap3A_939 = arith.constant 64 : index
    %swap3A_940 = tpu.vector_load %arg7[%swap3A_938, %swap3A_939] {strides = array<i32>} : memref<16x128xf32, #tpu.memory_space<vmem>>, vector<1x16xf32>,
    %swap3A_941 = vector.shape_cast %swap3A_940 : vector<1x16xf32> to vector<16xf32>
    %swap3A_942 = vector.shape_cast %broadcast_in_dim3A_936 : vector<16xf32> to vector<1x16xf32>
    tpu.vector_store %arg7[%swap3A_938, %swap3A_939], %swap3A_942 {strides = array<i32>} : memref<16x128xf32, #tpu.memory_space<vmem>>, vector<1x16xf32>,
    %broadcast_in_dim3A_943 = arith.constant 0.000000e+00 : f32
    %broadcast_in_dim3A_944 = vector.broadcast %broadcast_in_dim3A_943 : f32 to vector<16xf32>
    %swap3A_945 = arith.constant 14 : i32
    %swap3A_946 = arith.index_cast %swap3A_945 : i32 to index
    %swap3A_947 = arith.constant 80 : index
    %swap3A_948 = tpu.vector_load %arg7[%swap3A_946, %swap3A_947] {strides = array<i32>} : memref<16x128xf32, #tpu.memory_space<vmem>>, vector<1x16xf32>,
    %swap3A_949 = vector.shape_cast %swap3A_948 : vector<1x16xf32> to vector<16xf32>
    %swap3A_950 = vector.shape_cast %broadcast_in_dim3A_944 : vector<16xf32> to vector<1x16xf32>
    tpu.vector_store %arg7[%swap3A_946, %swap3A_947], %swap3A_950 {strides = array<i32>} : memref<16x128xf32, #tpu.memory_space<vmem>>, vector<1x16xf32>,
    %broadcast_in_dim3A_951 = arith.constant 0.000000e+00 : f32
    %broadcast_in_dim3A_952 = vector.broadcast %broadcast_in_dim3A_951 : f32 to vector<16xf32>
    %swap3A_953 = arith.constant 14 : i32
    %swap3A_954 = arith.index_cast %swap3A_953 : i32 to index
    %swap3A_955 = arith.constant 96 : index
    %swap3A_956 = tpu.vector_load %arg7[%swap3A_954, %swap3A_955] {strides = array<i32>} : memref<16x128xf32, #tpu.memory_space<vmem>>, vector<1x16xf32>,
    %swap3A_957 = vector.shape_cast %swap3A_956 : vector<1x16xf32> to vector<16xf32>
    %swap3A_958 = vector.shape_cast %broadcast_in_dim3A_952 : vector<16xf32> to vector<1x16xf32>
    tpu.vector_store %arg7[%swap3A_954, %swap3A_955], %swap3A_958 {strides = array<i32>} : memref<16x128xf32, #tpu.memory_space<vmem>>, vector<1x16xf32>,
    %broadcast_in_dim3A_959 = arith.constant 0.000000e+00 : f32
    %broadcast_in_dim3A_960 = vector.broadcast %broadcast_in_dim3A_959 : f32 to vector<16xf32>
    %swap3A_961 = arith.constant 14 : i32
    %swap3A_962 = arith.index_cast %swap3A_961 : i32 to index
    %swap3A_963 = arith.constant 112 : index
    %swap3A_964 = tpu.vector_load %arg7[%swap3A_962, %swap3A_963] {strides = array<i32>} : memref<16x128xf32, #tpu.memory_space<vmem>>, vector<1x16xf32>,
    %swap3A_965 = vector.shape_cast %swap3A_964 : vector<1x16xf32> to vector<16xf32>
    %swap3A_966 = vector.shape_cast %broadcast_in_dim3A_960 : vector<16xf32> to vector<1x16xf32>
    tpu.vector_store %arg7[%swap3A_962, %swap3A_963], %swap3A_966 {strides = array<i32>} : memref<16x128xf32, #tpu.memory_space<vmem>>, vector<1x16xf32>,
    %broadcast_in_dim3A_967 = arith.constant 0.000000e+00 : f32
    %broadcast_in_dim3A_968 = vector.broadcast %broadcast_in_dim3A_967 : f32 to vector<16xf32>
    %swap3A_969 = arith.constant 15 : i32
    %swap3A_970 = arith.index_cast %swap3A_969 : i32 to index
    %swap3A_971 = arith.constant 0 : index
    %swap3A_972 = tpu.vector_load %arg7[%swap3A_970, %swap3A_971] {strides = array<i32>} : memref<16x128xf32, #tpu.memory_space<vmem>>, vector<1x16xf32>,
    %swap3A_973 = vector.shape_cast %swap3A_972 : vector<1x16xf32> to vector<16xf32>
    %swap3A_974 = vector.shape_cast %broadcast_in_dim3A_968 : vector<16xf32> to vector<1x16xf32>
    tpu.vector_store %arg7[%swap3A_970, %swap3A_971], %swap3A_974 {strides = array<i32>} : memref<16x128xf32, #tpu.memory_space<vmem>>, vector<1x16xf32>,
    %broadcast_in_dim3A_975 = arith.constant 0.000000e+00 : f32
    %broadcast_in_dim3A_976 = vector.broadcast %broadcast_in_dim3A_975 : f32 to vector<16xf32>
    %swap3A_977 = arith.constant 15 : i32
    %swap3A_978 = arith.index_cast %swap3A_977 : i32 to index
    %swap3A_979 = arith.constant 16 : index
    %swap3A_980 = tpu.vector_load %arg7[%swap3A_978, %swap3A_979] {strides = array<i32>} : memref<16x128xf32, #tpu.memory_space<vmem>>, vector<1x16xf32>,
    %swap3A_981 = vector.shape_cast %swap3A_980 : vector<1x16xf32> to vector<16xf32>
    %swap3A_982 = vector.shape_cast %broadcast_in_dim3A_976 : vector<16xf32> to vector<1x16xf32>
    tpu.vector_store %arg7[%swap3A_978, %swap3A_979], %swap3A_982 {strides = array<i32>} : memref<16x128xf32, #tpu.memory_space<vmem>>, vector<1x16xf32>,
    %broadcast_in_dim3A_983 = arith.constant 0.000000e+00 : f32
    %broadcast_in_dim3A_984 = vector.broadcast %broadcast_in_dim3A_983 : f32 to vector<16xf32>
    %swap3A_985 = arith.constant 15 : i32
    %swap3A_986 = arith.index_cast %swap3A_985 : i32 to index
    %swap3A_987 = arith.constant 32 : index
    %swap3A_988 = tpu.vector_load %arg7[%swap3A_986, %swap3A_987] {strides = array<i32>} : memref<16x128xf32, #tpu.memory_space<vmem>>, vector<1x16xf32>,
    %swap3A_989 = vector.shape_cast %swap3A_988 : vector<1x16xf32> to vector<16xf32>
    %swap3A_990 = vector.shape_cast %broadcast_in_dim3A_984 : vector<16xf32> to vector<1x16xf32>
    tpu.vector_store %arg7[%swap3A_986, %swap3A_987], %swap3A_990 {strides = array<i32>} : memref<16x128xf32, #tpu.memory_space<vmem>>, vector<1x16xf32>,
    %broadcast_in_dim3A_991 = arith.constant 0.000000e+00 : f32
    %broadcast_in_dim3A_992 = vector.broadcast %broadcast_in_dim3A_991 : f32 to vector<16xf32>
    %swap3A_993 = arith.constant 15 : i32
    %swap3A_994 = arith.index_cast %swap3A_993 : i32 to index
    %swap3A_995 = arith.constant 48 : index
    %swap3A_996 = tpu.vector_load %arg7[%swap3A_994, %swap3A_995] {strides = array<i32>} : memref<16x128xf32, #tpu.memory_space<vmem>>, vector<1x16xf32>,
    %swap3A_997 = vector.shape_cast %swap3A_996 : vector<1x16xf32> to vector<16xf32>
    %swap3A_998 = vector.shape_cast %broadcast_in_dim3A_992 : vector<16xf32> to vector<1x16xf32>
    tpu.vector_store %arg7[%swap3A_994, %swap3A_995], %swap3A_998 {strides = array<i32>} : memref<16x128xf32, #tpu.memory_space<vmem>>, vector<1x16xf32>,
    %broadcast_in_dim3A_999 = arith.constant 0.000000e+00 : f32
    %broadcast_in_dim3A_1000 = vector.broadcast %broadcast_in_dim3A_999 : f32 to vector<16xf32>
    %swap3A_1001 = arith.constant 15 : i32
    %swap3A_1002 = arith.index_cast %swap3A_1001 : i32 to index
    %swap3A_1003 = arith.constant 64 : index
    %swap3A_1004 = tpu.vector_load %arg7[%swap3A_1002, %swap3A_1003] {strides = array<i32>} : memref<16x128xf32, #tpu.memory_space<vmem>>, vector<1x16xf32>,
    %swap3A_1005 = vector.shape_cast %swap3A_1004 : vector<1x16xf32> to vector<16xf32>
    %swap3A_1006 = vector.shape_cast %broadcast_in_dim3A_1000 : vector<16xf32> to vector<1x16xf32>
    tpu.vector_store %arg7[%swap3A_1002, %swap3A_1003], %swap3A_1006 {strides = array<i32>} : memref<16x128xf32, #tpu.memory_space<vmem>>, vector<1x16xf32>,
    %broadcast_in_dim3A_1007 = arith.constant 0.000000e+00 : f32
    %broadcast_in_dim3A_1008 = vector.broadcast %broadcast_in_dim3A_1007 : f32 to vector<16xf32>
    %swap3A_1009 = arith.constant 15 : i32
    %swap3A_1010 = arith.index_cast %swap3A_1009 : i32 to index
    %swap3A_1011 = arith.constant 80 : index
    %swap3A_1012 = tpu.vector_load %arg7[%swap3A_1010, %swap3A_1011] {strides = array<i32>} : memref<16x128xf32, #tpu.memory_space<vmem>>, vector<1x16xf32>,
    %swap3A_1013 = vector.shape_cast %swap3A_1012 : vector<1x16xf32> to vector<16xf32>
    %swap3A_1014 = vector.shape_cast %broadcast_in_dim3A_1008 : vector<16xf32> to vector<1x16xf32>
    tpu.vector_store %arg7[%swap3A_1010, %swap3A_1011], %swap3A_1014 {strides = array<i32>} : memref<16x128xf32, #tpu.memory_space<vmem>>, vector<1x16xf32>,
    %broadcast_in_dim3A_1015 = arith.constant 0.000000e+00 : f32
    %broadcast_in_dim3A_1016 = vector.broadcast %broadcast_in_dim3A_1015 : f32 to vector<16xf32>
    %swap3A_1017 = arith.constant 15 : i32
    %swap3A_1018 = arith.index_cast %swap3A_1017 : i32 to index
    %swap3A_1019 = arith.constant 96 : index
    %swap3A_1020 = tpu.vector_load %arg7[%swap3A_1018, %swap3A_1019] {strides = array<i32>} : memref<16x128xf32, #tpu.memory_space<vmem>>, vector<1x16xf32>,
    %swap3A_1021 = vector.shape_cast %swap3A_1020 : vector<1x16xf32> to vector<16xf32>
    %swap3A_1022 = vector.shape_cast %broadcast_in_dim3A_1016 : vector<16xf32> to vector<1x16xf32>
    tpu.vector_store %arg7[%swap3A_1018, %swap3A_1019], %swap3A_1022 {strides = array<i32>} : memref<16x128xf32, #tpu.memory_space<vmem>>, vector<1x16xf32>,
    %broadcast_in_dim3A_1023 = arith.constant 0.000000e+00 : f32
    %broadcast_in_dim3A_1024 = vector.broadcast %broadcast_in_dim3A_1023 : f32 to vector<16xf32>
    %swap3A_1025 = arith.constant 15 : i32
    %swap3A_1026 = arith.index_cast %swap3A_1025 : i32 to index
    %swap3A_1027 = arith.constant 112 : index
    %swap3A_1028 = tpu.vector_load %arg7[%swap3A_1026, %swap3A_1027] {strides = array<i32>} : memref<16x128xf32, #tpu.memory_space<vmem>>, vector<1x16xf32>,
    %swap3A_1029 = vector.shape_cast %swap3A_1028 : vector<1x16xf32> to vector<16xf32>
    %swap3A_1030 = vector.shape_cast %broadcast_in_dim3A_1024 : vector<16xf32> to vector<1x16xf32>
    tpu.vector_store %arg7[%swap3A_1026, %swap3A_1027], %swap3A_1030 {strides = array<i32>} : memref<16x128xf32, #tpu.memory_space<vmem>>, vector<1x16xf32>,
    %scan3A = arith.constant 0 : i32
    %scan3A_1031 = arith.constant 0 : i32
    %scan3A_1032 = arith.constant 40 : i32
    %scan3A_1033 = arith.addi %scan3A_1031, %scan3A_1032 : i32
    %scan3A_1034 = arith.constant 1 : i32
    scf.for %scan3A_1209 = %scan3A_1031 to %scan3A_1033 step %scan3A_1034  : i32 {
      %mul3A_1210 = arith.constant 640 : i32
      %mul3A_1211 = arith.muli %arg1, %mul3A_1210 : i32
      %mul3A_1212 = arith.constant 16 : i32
      %mul3A_1213 = arith.muli %scan3A_1209, %mul3A_1212 : i32
      %add3A_1214 = arith.addi %mul3A_1211, %mul3A_1213 : i32
      %dma_start3A_1215 = arith.constant 0 : i32
      %dma_start3A_1216 = tpu.memref_slice %arg8[%add3A_1214, %dma_start3A_1215] : memref<10240x128xf32, #tpu.memory_space<vmem_shared>> -> memref<16x128xf32, #tpu.memory_space<vmem_shared>>
      %dma_start3A_1217 = arith.constant 0 : i32
      %dma_start3A_1218 = tpu.memref_slice %arg8[%add3A_1214, %dma_start3A_1217] : memref<10240x128xf32, #tpu.memory_space<vmem_shared>> -> memref<16x128xf32, #tpu.memory_space<vmem_shared>>
      tpu.enqueue_dma source(%arg7 : memref<16x128xf32, #tpu.memory_space<vmem>>) target(%dma_start3A_1218 : memref<16x128xf32, #tpu.memory_space<vmem_shared>>) target_semaphore(%arg12 : memref<!tpu.dma_semaphore, #tpu.memory_space<semaphore_mem>>)
    }
    %scan3A_1035 = arith.constant 40 : i32
    %dma_start3A = arith.constant 0 : i32
    %dma_start3A_1036 = arith.constant 0 : i32
    %dma_start3A_1037 = arith.constant 0 : i32
    %dma_start3A_1038 = arith.constant 0 : i32
    %dma_start3A_1039 = tpu.memref_slice %arg5[%dma_start3A, %dma_start3A_1037, %dma_start3A_1038] : memref<3x2x128xi32, #tpu.memory_space<vmem>> -> memref<1x2x128xi32, #tpu.memory_space<vmem>>
    %dma_start3A_1040 = tpu.memref_squeeze %dma_start3A_1039 : memref<1x2x128xi32, #tpu.memory_space<vmem>> -> memref<2x128xi32, #tpu.memory_space<vmem>>
    %dma_start3A_1041 = arith.constant 0 : i32
    %dma_start3A_1042 = arith.constant 0 : i32
    %dma_start3A_1043 = tpu.memref_slice %arg2[%select_n3A, %dma_start3A_1041, %dma_start3A_1042] : memref<2528x2x128xi32, #tpu.memory_space<hbm>> -> memref<1x2x128xi32, #tpu.memory_space<hbm>>
    %dma_start3A_1044 = tpu.memref_squeeze %dma_start3A_1043 : memref<1x2x128xi32, #tpu.memory_space<hbm>> -> memref<2x128xi32, #tpu.memory_space<hbm>>
    %dma_start3A_1045 = tpu.memref_slice %arg9[%dma_start3A_1036] : memref<3x!tpu.dma_semaphore, #tpu.memory_space<semaphore_mem>> -> memref<1x!tpu.dma_semaphore, #tpu.memory_space<semaphore_mem>>
    %dma_start3A_1046 = tpu.memref_squeeze %dma_start3A_1045 : memref<1x!tpu.dma_semaphore, #tpu.memory_space<semaphore_mem>> -> memref<!tpu.dma_semaphore, #tpu.memory_space<semaphore_mem>>
    %dma_start3A_1047 = arith.constant 0 : i32
    %dma_start3A_1048 = arith.constant 0 : i32
    %dma_start3A_1049 = tpu.memref_slice %arg5[%dma_start3A, %dma_start3A_1047, %dma_start3A_1048] : memref<3x2x128xi32, #tpu.memory_space<vmem>> -> memref<1x2x128xi32, #tpu.memory_space<vmem>>
    %dma_start3A_1050 = tpu.memref_squeeze %dma_start3A_1049 : memref<1x2x128xi32, #tpu.memory_space<vmem>> -> memref<2x128xi32, #tpu.memory_space<vmem>>
    %dma_start3A_1051 = arith.constant 0 : i32
    %dma_start3A_1052 = arith.constant 0 : i32
    %dma_start3A_1053 = tpu.memref_slice %arg2[%select_n3A, %dma_start3A_1051, %dma_start3A_1052] : memref<2528x2x128xi32, #tpu.memory_space<hbm>> -> memref<1x2x128xi32, #tpu.memory_space<hbm>>
    %dma_start3A_1054 = tpu.memref_squeeze %dma_start3A_1053 : memref<1x2x128xi32, #tpu.memory_space<hbm>> -> memref<2x128xi32, #tpu.memory_space<hbm>>
    tpu.enqueue_dma source(%dma_start3A_1054 : memref<2x128xi32, #tpu.memory_space<hbm>>) target(%dma_start3A_1050 : memref<2x128xi32, #tpu.memory_space<vmem>>) target_semaphore(%dma_start3A_1046 : memref<!tpu.dma_semaphore, #tpu.memory_space<semaphore_mem>>)
    %scan3A_1055 = arith.constant 0 : i32
    %scan3A_1056 = arith.constant 0 : i32
    %scan3A_1057 = arith.constant 40 : i32
    %scan3A_1058 = arith.addi %scan3A_1056, %scan3A_1057 : i32
    %scan3A_1059 = arith.constant 1 : i32
    scf.for %scan3A_1209 = %scan3A_1056 to %scan3A_1058 step %scan3A_1059  : i32 {
      %mul3A_1210 = arith.constant 640 : i32
      %mul3A_1211 = arith.muli %arg1, %mul3A_1210 : i32
      %mul3A_1212 = arith.constant 16 : i32
      %mul3A_1213 = arith.muli %scan3A_1209, %mul3A_1212 : i32
      %add3A_1214 = arith.addi %mul3A_1211, %mul3A_1213 : i32
      %dma_wait3A_1215 = arith.constant 0 : i32
      %dma_wait3A_1216 = tpu.memref_slice %arg8[%add3A_1214, %dma_wait3A_1215] : memref<10240x128xf32, #tpu.memory_space<vmem_shared>> -> memref<16x128xf32, #tpu.memory_space<vmem_shared>>
      %dma_wait3A_1217 = arith.constant 0 : i32
      %dma_wait3A_1218 = tpu.memref_slice %arg8[%add3A_1214, %dma_wait3A_1217] : memref<10240x128xf32, #tpu.memory_space<vmem_shared>> -> memref<16x128xf32, #tpu.memory_space<vmem_shared>>
      tpu.wait_dma2 semaphore(%arg12 : memref<!tpu.dma_semaphore, #tpu.memory_space<semaphore_mem>>) src(%arg7 : memref<16x128xf32, #tpu.memory_space<vmem>>) dst(%dma_wait3A_1218 : memref<16x128xf32, #tpu.memory_space<vmem_shared>>)
    }
    %scan3A_1060 = arith.constant 40 : i32
    %barrier3A = arith.constant 0 : index
    tpu.barrier barrier_id(%barrier3A)
    %while3A = arith.constant 0 : i32
    %while3A_1061 = arith.constant 0 : i32
    %while3A_1062 = arith.subi %select_n3A_8, %while3A_1061 : i32
    %while3A_1063 = arith.addi %while3A_1061, %while3A_1062 : i32
    %while3A_1064 = arith.constant 1 : i32
    %while3A_1065 = arith.divsi %while3A_1062, %while3A_1064 : i32
    %while3A_1066 = arith.muli %while3A_1065, %while3A_1064 : i32
    %while3A_1067 = arith.addi %while3A_1061, %while3A_1066 : i32
    %while3A_1068 = arith.constant 1 : i32
    scf.for %while3A_1209 = %while3A_1061 to %while3A_1067 step %while3A_1068  : i32 {
      %ge3A = arith.constant 2 : i32
      %ge3A_1210 = arith.cmpi sge, %while3A_1209, %ge3A : i32
      %convert_element_type3A = arith.extui %ge3A_1210 : i1 to i32
      %cond3A = arith.constant 0 : i32
      %cond3A_1211 = arith.cmpi ne, %convert_element_type3A, %cond3A : i32
      scf.if %cond3A_1211 {
        %sub3A_1307 = arith.constant 2 : i32
        %sub3A_1308 = arith.subi %while3A_1209, %sub3A_1307 : i32
        %and3A_1309 = arith.constant 1 : i32
        %and3A_1310 = arith.andi %sub3A_1308, %and3A_1309 : i32
        %jit3A_1311 = arith.constant 3 : i32
        %eq3A_1312 = arith.constant 0 : i32
        %eq3A_1313 = arith.cmpi eq, %jit3A_1311, %eq3A_1312 : i32
        %jit3A_1314 = arith.constant 1 : i32
        %select_n3A_1315 = arith.select %eq3A_1313, %jit3A_1314, %jit3A_1311 : i32
        %rem3A_1316 = arith.remsi %sub3A_1308, %select_n3A_1315 : i32
        %ne3A_1317 = arith.constant 0 : i32
        %ne3A_1318 = arith.cmpi ne, %rem3A_1316, %ne3A_1317 : i32
        %lt3A_1319 = arith.constant 0 : i32
        %lt3A_1320 = arith.cmpi slt, %rem3A_1316, %lt3A_1319 : i32
        %lt3A_1321 = arith.constant 0 : i32
        %lt3A_1322 = arith.cmpi slt, %select_n3A_1315, %lt3A_1321 : i32
        %ne3A_1323 = arith.xori %lt3A_1320, %lt3A_1322 : i1
        %and3A_1324 = arith.andi %ne3A_1323, %ne3A_1318 : i1
        %add3A_1325 = arith.addi %rem3A_1316, %select_n3A_1315 : i32
        %select_n3A_1326 = arith.select %and3A_1324, %add3A_1325, %rem3A_1316 : i32
        %and3A_1327 = arith.constant 1 : i32
        %and3A_1328 = arith.andi %sub3A_1308, %and3A_1327 : i32
        %dma_wait3A_1329 = arith.constant 1 : i32
        %dma_wait3A_1330 = arith.constant 0 : i32
        %dma_wait3A_1331 = arith.constant 0 : i32
        %dma_wait3A_1332 = tpu.memref_slice %arg6[%and3A_1310, %dma_wait3A_1330, %dma_wait3A_1331] : memref<2x128x128xf32, #tpu.memory_space<vmem>> -> memref<1x128x128xf32, #tpu.memory_space<vmem>>
        %dma_wait3A_1333 = tpu.memref_squeeze %dma_wait3A_1332 : memref<1x128x128xf32, #tpu.memory_space<vmem>> -> memref<128x128xf32, #tpu.memory_space<vmem>>
        %dma_wait3A_1334 = arith.constant 0 : i32
        %dma_wait3A_1335 = tpu.memref_slice %arg5[%select_n3A_1326, %dma_wait3A_1329, %dma_wait3A_1334] : memref<3x2x128xi32, #tpu.memory_space<vmem>> -> memref<1x1x128xi32, #tpu.memory_space<vmem>>
        %dma_wait3A_1336 = tpu.memref_squeeze %dma_wait3A_1335 : memref<1x1x128xi32, #tpu.memory_space<vmem>> -> memref<128xi32, #tpu.memory_space<vmem>>
        %dma_wait3A_1337 = arith.constant 0 : i32
        %dma_wait3A_1338 = arith.constant 0 : i32
        %dma_wait3A_1339 = tpu.memref_slice %arg8[%dma_wait3A_1337, %dma_wait3A_1338] : memref<10240x128xf32, #tpu.memory_space<vmem_shared>> -> memref<10240x128xf32, #tpu.memory_space<vmem_shared>>
        %dma_wait3A_1340 = tpu.memref_slice %arg11[%and3A_1328] : memref<2x!tpu.dma_semaphore, #tpu.memory_space<semaphore_mem>> -> memref<1x!tpu.dma_semaphore, #tpu.memory_space<semaphore_mem>>
        %dma_wait3A_1341 = tpu.memref_squeeze %dma_wait3A_1340 : memref<1x!tpu.dma_semaphore, #tpu.memory_space<semaphore_mem>> -> memref<!tpu.dma_semaphore, #tpu.memory_space<semaphore_mem>>
        tpu.wait_indirect_dma semaphore(%dma_wait3A_1341 : memref<!tpu.dma_semaphore, #tpu.memory_space<semaphore_mem>>) src(%dma_wait3A_1333 : memref<128x128xf32, #tpu.memory_space<vmem>>) dst(%dma_wait3A_1339 : memref<10240x128xf32, #tpu.memory_space<vmem_shared>>)
      } else {
      }
      %add3A_1212 = arith.constant 1 : i32
      %add3A_1213 = arith.addi %while3A_1209, %add3A_1212 : i32
      %lt3A_1214 = arith.cmpi slt, %add3A_1213, %select_n3A_8 : i32
      %convert_element_type3A_1215 = arith.extui %lt3A_1214 : i1 to i32
      %cond3A_1216 = arith.constant 0 : i32
      %cond3A_1217 = arith.cmpi ne, %convert_element_type3A_1215, %cond3A_1216 : i32
      scf.if %cond3A_1217 {
        %add3A_1307 = arith.constant 1 : i32
        %add3A_1308 = arith.addi %while3A_1209, %add3A_1307 : i32
        %add3A_1309 = arith.addi %select_n3A, %add3A_1308 : i32
        %jit3A_1310 = arith.constant 3 : i32
        %eq3A_1311 = arith.constant 0 : i32
        %eq3A_1312 = arith.cmpi eq, %jit3A_1310, %eq3A_1311 : i32
        %jit3A_1313 = arith.constant 1 : i32
        %select_n3A_1314 = arith.select %eq3A_1312, %jit3A_1313, %jit3A_1310 : i32
        %rem3A_1315 = arith.remsi %add3A_1308, %select_n3A_1314 : i32
        %ne3A_1316 = arith.constant 0 : i32
        %ne3A_1317 = arith.cmpi ne, %rem3A_1315, %ne3A_1316 : i32
        %lt3A_1318 = arith.constant 0 : i32
        %lt3A_1319 = arith.cmpi slt, %rem3A_1315, %lt3A_1318 : i32
        %lt3A_1320 = arith.constant 0 : i32
        %lt3A_1321 = arith.cmpi slt, %select_n3A_1314, %lt3A_1320 : i32
        %ne3A_1322 = arith.xori %lt3A_1319, %lt3A_1321 : i1
        %and3A_1323 = arith.andi %ne3A_1322, %ne3A_1317 : i1
        %add3A_1324 = arith.addi %rem3A_1315, %select_n3A_1314 : i32
        %select_n3A_1325 = arith.select %and3A_1323, %add3A_1324, %rem3A_1315 : i32
        %jit3A_1326 = arith.constant 3 : i32
        %eq3A_1327 = arith.constant 0 : i32
        %eq3A_1328 = arith.cmpi eq, %jit3A_1326, %eq3A_1327 : i32
        %jit3A_1329 = arith.constant 1 : i32
        %select_n3A_1330 = arith.select %eq3A_1328, %jit3A_1329, %jit3A_1326 : i32
        %rem3A_1331 = arith.remsi %add3A_1308, %select_n3A_1330 : i32
        %ne3A_1332 = arith.constant 0 : i32
        %ne3A_1333 = arith.cmpi ne, %rem3A_1331, %ne3A_1332 : i32
        %lt3A_1334 = arith.constant 0 : i32
        %lt3A_1335 = arith.cmpi slt, %rem3A_1331, %lt3A_1334 : i32
        %lt3A_1336 = arith.constant 0 : i32
        %lt3A_1337 = arith.cmpi slt, %select_n3A_1330, %lt3A_1336 : i32
        %ne3A_1338 = arith.xori %lt3A_1335, %lt3A_1337 : i1
        %and3A_1339 = arith.andi %ne3A_1338, %ne3A_1333 : i1
        %add3A_1340 = arith.addi %rem3A_1331, %select_n3A_1330 : i32
        %select_n3A_1341 = arith.select %and3A_1339, %add3A_1340, %rem3A_1331 : i32
        %dma_start3A_1342 = arith.constant 0 : i32
        %dma_start3A_1343 = arith.constant 0 : i32
        %dma_start3A_1344 = tpu.memref_slice %arg5[%select_n3A_1325, %dma_start3A_1342, %dma_start3A_1343] : memref<3x2x128xi32, #tpu.memory_space<vmem>> -> memref<1x2x128xi32, #tpu.memory_space<vmem>>
        %dma_start3A_1345 = tpu.memref_squeeze %dma_start3A_1344 : memref<1x2x128xi32, #tpu.memory_space<vmem>> -> memref<2x128xi32, #tpu.memory_space<vmem>>
        %dma_start3A_1346 = arith.constant 0 : i32
        %dma_start3A_1347 = arith.constant 0 : i32
        %dma_start3A_1348 = tpu.memref_slice %arg2[%add3A_1309, %dma_start3A_1346, %dma_start3A_1347] : memref<2528x2x128xi32, #tpu.memory_space<hbm>> -> memref<1x2x128xi32, #tpu.memory_space<hbm>>
        %dma_start3A_1349 = tpu.memref_squeeze %dma_start3A_1348 : memref<1x2x128xi32, #tpu.memory_space<hbm>> -> memref<2x128xi32, #tpu.memory_space<hbm>>
        %dma_start3A_1350 = tpu.memref_slice %arg9[%select_n3A_1341] : memref<3x!tpu.dma_semaphore, #tpu.memory_space<semaphore_mem>> -> memref<1x!tpu.dma_semaphore, #tpu.memory_space<semaphore_mem>>
        %dma_start3A_1351 = tpu.memref_squeeze %dma_start3A_1350 : memref<1x!tpu.dma_semaphore, #tpu.memory_space<semaphore_mem>> -> memref<!tpu.dma_semaphore, #tpu.memory_space<semaphore_mem>>
        %dma_start3A_1352 = arith.constant 0 : i32
        %dma_start3A_1353 = arith.constant 0 : i32
        %dma_start3A_1354 = tpu.memref_slice %arg5[%select_n3A_1325, %dma_start3A_1352, %dma_start3A_1353] : memref<3x2x128xi32, #tpu.memory_space<vmem>> -> memref<1x2x128xi32, #tpu.memory_space<vmem>>
        %dma_start3A_1355 = tpu.memref_squeeze %dma_start3A_1354 : memref<1x2x128xi32, #tpu.memory_space<vmem>> -> memref<2x128xi32, #tpu.memory_space<vmem>>
        %dma_start3A_1356 = arith.constant 0 : i32
        %dma_start3A_1357 = arith.constant 0 : i32
        %dma_start3A_1358 = tpu.memref_slice %arg2[%add3A_1309, %dma_start3A_1356, %dma_start3A_1357] : memref<2528x2x128xi32, #tpu.memory_space<hbm>> -> memref<1x2x128xi32, #tpu.memory_space<hbm>>
        %dma_start3A_1359 = tpu.memref_squeeze %dma_start3A_1358 : memref<1x2x128xi32, #tpu.memory_space<hbm>> -> memref<2x128xi32, #tpu.memory_space<hbm>>
        tpu.enqueue_dma source(%dma_start3A_1359 : memref<2x128xi32, #tpu.memory_space<hbm>>) target(%dma_start3A_1355 : memref<2x128xi32, #tpu.memory_space<vmem>>) target_semaphore(%dma_start3A_1351 : memref<!tpu.dma_semaphore, #tpu.memory_space<semaphore_mem>>)
      } else {
      }
      %add3A_1218 = arith.addi %select_n3A, %while3A_1209 : i32
      %jit3A_1219 = arith.constant 3 : i32
      %eq3A_1220 = arith.constant 0 : i32
      %eq3A_1221 = arith.cmpi eq, %jit3A_1219, %eq3A_1220 : i32
      %jit3A_1222 = arith.constant 1 : i32
      %select_n3A_1223 = arith.select %eq3A_1221, %jit3A_1222, %jit3A_1219 : i32
      %rem3A_1224 = arith.remsi %while3A_1209, %select_n3A_1223 : i32
      %ne3A_1225 = arith.constant 0 : i32
      %ne3A_1226 = arith.cmpi ne, %rem3A_1224, %ne3A_1225 : i32
      %lt3A_1227 = arith.constant 0 : i32
      %lt3A_1228 = arith.cmpi slt, %rem3A_1224, %lt3A_1227 : i32
      %lt3A_1229 = arith.constant 0 : i32
      %lt3A_1230 = arith.cmpi slt, %select_n3A_1223, %lt3A_1229 : i32
      %ne3A_1231 = arith.xori %lt3A_1228, %lt3A_1230 : i1
      %and3A_1232 = arith.andi %ne3A_1231, %ne3A_1226 : i1
      %add3A_1233 = arith.addi %rem3A_1224, %select_n3A_1223 : i32
      %select_n3A_1234 = arith.select %and3A_1232, %add3A_1233, %rem3A_1224 : i32
      %jit3A_1235 = arith.constant 3 : i32
      %eq3A_1236 = arith.constant 0 : i32
      %eq3A_1237 = arith.cmpi eq, %jit3A_1235, %eq3A_1236 : i32
      %jit3A_1238 = arith.constant 1 : i32
      %select_n3A_1239 = arith.select %eq3A_1237, %jit3A_1238, %jit3A_1235 : i32
      %rem3A_1240 = arith.remsi %while3A_1209, %select_n3A_1239 : i32
      %ne3A_1241 = arith.constant 0 : i32
      %ne3A_1242 = arith.cmpi ne, %rem3A_1240, %ne3A_1241 : i32
      %lt3A_1243 = arith.constant 0 : i32
      %lt3A_1244 = arith.cmpi slt, %rem3A_1240, %lt3A_1243 : i32
      %lt3A_1245 = arith.constant 0 : i32
      %lt3A_1246 = arith.cmpi slt, %select_n3A_1239, %lt3A_1245 : i32
      %ne3A_1247 = arith.xori %lt3A_1244, %lt3A_1246 : i1
      %and3A_1248 = arith.andi %ne3A_1247, %ne3A_1242 : i1
      %add3A_1249 = arith.addi %rem3A_1240, %select_n3A_1239 : i32
      %select_n3A_1250 = arith.select %and3A_1248, %add3A_1249, %rem3A_1240 : i32
      %dma_wait3A_1251 = arith.constant 0 : i32
      %dma_wait3A_1252 = arith.constant 0 : i32
      %dma_wait3A_1253 = tpu.memref_slice %arg5[%select_n3A_1234, %dma_wait3A_1251, %dma_wait3A_1252] : memref<3x2x128xi32, #tpu.memory_space<vmem>> -> memref<1x2x128xi32, #tpu.memory_space<vmem>>
      %dma_wait3A_1254 = tpu.memref_squeeze %dma_wait3A_1253 : memref<1x2x128xi32, #tpu.memory_space<vmem>> -> memref<2x128xi32, #tpu.memory_space<vmem>>
      %dma_wait3A_1255 = arith.constant 0 : i32
      %dma_wait3A_1256 = arith.constant 0 : i32
      %dma_wait3A_1257 = tpu.memref_slice %arg2[%add3A_1218, %dma_wait3A_1255, %dma_wait3A_1256] : memref<2528x2x128xi32, #tpu.memory_space<hbm>> -> memref<1x2x128xi32, #tpu.memory_space<hbm>>
      %dma_wait3A_1258 = tpu.memref_squeeze %dma_wait3A_1257 : memref<1x2x128xi32, #tpu.memory_space<hbm>> -> memref<2x128xi32, #tpu.memory_space<hbm>>
      %dma_wait3A_1259 = tpu.memref_slice %arg9[%select_n3A_1250] : memref<3x!tpu.dma_semaphore, #tpu.memory_space<semaphore_mem>> -> memref<1x!tpu.dma_semaphore, #tpu.memory_space<semaphore_mem>>
      %dma_wait3A_1260 = tpu.memref_squeeze %dma_wait3A_1259 : memref<1x!tpu.dma_semaphore, #tpu.memory_space<semaphore_mem>> -> memref<!tpu.dma_semaphore, #tpu.memory_space<semaphore_mem>>
      %dma_wait3A_1261 = arith.constant 0 : i32
      %dma_wait3A_1262 = arith.constant 0 : i32
      %dma_wait3A_1263 = tpu.memref_slice %arg5[%select_n3A_1234, %dma_wait3A_1261, %dma_wait3A_1262] : memref<3x2x128xi32, #tpu.memory_space<vmem>> -> memref<1x2x128xi32, #tpu.memory_space<vmem>>
      %dma_wait3A_1264 = tpu.memref_squeeze %dma_wait3A_1263 : memref<1x2x128xi32, #tpu.memory_space<vmem>> -> memref<2x128xi32, #tpu.memory_space<vmem>>
      %dma_wait3A_1265 = arith.constant 0 : i32
      %dma_wait3A_1266 = arith.constant 0 : i32
      %dma_wait3A_1267 = tpu.memref_slice %arg2[%add3A_1218, %dma_wait3A_1265, %dma_wait3A_1266] : memref<2528x2x128xi32, #tpu.memory_space<hbm>> -> memref<1x2x128xi32, #tpu.memory_space<hbm>>
      %dma_wait3A_1268 = tpu.memref_squeeze %dma_wait3A_1267 : memref<1x2x128xi32, #tpu.memory_space<hbm>> -> memref<2x128xi32, #tpu.memory_space<hbm>>
      tpu.wait_dma2 semaphore(%dma_wait3A_1260 : memref<!tpu.dma_semaphore, #tpu.memory_space<semaphore_mem>>) src(%dma_wait3A_1268 : memref<2x128xi32, #tpu.memory_space<hbm>>) dst(%dma_wait3A_1264 : memref<2x128xi32, #tpu.memory_space<vmem>>)
      %jit3A_1269 = arith.constant 3 : i32
      %eq3A_1270 = arith.constant 0 : i32
      %eq3A_1271 = arith.cmpi eq, %jit3A_1269, %eq3A_1270 : i32
      %jit3A_1272 = arith.constant 1 : i32
      %select_n3A_1273 = arith.select %eq3A_1271, %jit3A_1272, %jit3A_1269 : i32
      %rem3A_1274 = arith.remsi %while3A_1209, %select_n3A_1273 : i32
      %ne3A_1275 = arith.constant 0 : i32
      %ne3A_1276 = arith.cmpi ne, %rem3A_1274, %ne3A_1275 : i32
      %lt3A_1277 = arith.constant 0 : i32
      %lt3A_1278 = arith.cmpi slt, %rem3A_1274, %lt3A_1277 : i32
      %lt3A_1279 = arith.constant 0 : i32
      %lt3A_1280 = arith.cmpi slt, %select_n3A_1273, %lt3A_1279 : i32
      %ne3A_1281 = arith.xori %lt3A_1278, %lt3A_1280 : i1
      %and3A_1282 = arith.andi %ne3A_1281, %ne3A_1276 : i1
      %add3A_1283 = arith.addi %rem3A_1274, %select_n3A_1273 : i32
      %select_n3A_1284 = arith.select %and3A_1282, %add3A_1283, %rem3A_1274 : i32
      %and3A_1285 = arith.constant 1 : i32
      %and3A_1286 = arith.andi %while3A_1209, %and3A_1285 : i32
      %and3A_1287 = arith.constant 1 : i32
      %and3A_1288 = arith.andi %while3A_1209, %and3A_1287 : i32
      %dma_start3A_1289 = arith.constant 0 : i32
      %dma_start3A_1290 = arith.constant 0 : i32
      %dma_start3A_1291 = arith.constant 0 : i32
      %dma_start3A_1292 = tpu.memref_slice %arg6[%and3A_1286, %dma_start3A_1290, %dma_start3A_1291] : memref<2x128x128xf32, #tpu.memory_space<vmem>> -> memref<1x128x128xf32, #tpu.memory_space<vmem>>
      %dma_start3A_1293 = tpu.memref_squeeze %dma_start3A_1292 : memref<1x128x128xf32, #tpu.memory_space<vmem>> -> memref<128x128xf32, #tpu.memory_space<vmem>>
      %dma_start3A_1294 = arith.constant 0 : i32
      %dma_start3A_1295 = tpu.memref_slice %arg5[%select_n3A_1284, %dma_start3A_1289, %dma_start3A_1294] : memref<3x2x128xi32, #tpu.memory_space<vmem>> -> memref<1x1x128xi32, #tpu.memory_space<vmem>>
      %dma_start3A_1296 = tpu.memref_squeeze %dma_start3A_1295 : memref<1x1x128xi32, #tpu.memory_space<vmem>> -> memref<128xi32, #tpu.memory_space<vmem>>
      %dma_start3A_1297 = arith.constant 0 : i32
      %dma_start3A_1298 = arith.constant 0 : i32
      %dma_start3A_1299 = tpu.memref_slice %arg3[%dma_start3A_1297, %dma_start3A_1298] : memref<10000x128xf32, #tpu.memory_space<hbm>> -> memref<10000x128xf32, #tpu.memory_space<hbm>>
      %dma_start3A_1300 = tpu.memref_slice %arg10[%and3A_1288] : memref<2x!tpu.dma_semaphore, #tpu.memory_space<semaphore_mem>> -> memref<1x!tpu.dma_semaphore, #tpu.memory_space<semaphore_mem>>
      %dma_start3A_1301 = tpu.memref_squeeze %dma_start3A_1300 : memref<1x!tpu.dma_semaphore, #tpu.memory_space<semaphore_mem>> -> memref<!tpu.dma_semaphore, #tpu.memory_space<semaphore_mem>>
      tpu.enqueue_indirect_dma source(%dma_start3A_1299 : memref<10000x128xf32, #tpu.memory_space<hbm>>) target(%dma_start3A_1293 : memref<128x128xf32, #tpu.memory_space<vmem>>) offsets(%dma_start3A_1296 : memref<128xi32, #tpu.memory_space<vmem>>) semaphore(%dma_start3A_1301 : memref<!tpu.dma_semaphore, #tpu.memory_space<semaphore_mem>>)
      %ge3A_1302 = arith.constant 1 : i32
      %ge3A_1303 = arith.cmpi sge, %while3A_1209, %ge3A_1302 : i32
      %convert_element_type3A_1304 = arith.extui %ge3A_1303 : i1 to i32
      %cond3A_1305 = arith.constant 0 : i32
      %cond3A_1306 = arith.cmpi ne, %convert_element_type3A_1304, %cond3A_1305 : i32
      scf.if %cond3A_1306 {
        %sub3A_1307 = arith.constant 1 : i32
        %sub3A_1308 = arith.subi %while3A_1209, %sub3A_1307 : i32
        %jit3A_1309 = arith.constant 3 : i32
        %eq3A_1310 = arith.constant 0 : i32
        %eq3A_1311 = arith.cmpi eq, %jit3A_1309, %eq3A_1310 : i32
        %jit3A_1312 = arith.constant 1 : i32
        %select_n3A_1313 = arith.select %eq3A_1311, %jit3A_1312, %jit3A_1309 : i32
        %rem3A_1314 = arith.remsi %sub3A_1308, %select_n3A_1313 : i32
        %ne3A_1315 = arith.constant 0 : i32
        %ne3A_1316 = arith.cmpi ne, %rem3A_1314, %ne3A_1315 : i32
        %lt3A_1317 = arith.constant 0 : i32
        %lt3A_1318 = arith.cmpi slt, %rem3A_1314, %lt3A_1317 : i32
        %lt3A_1319 = arith.constant 0 : i32
        %lt3A_1320 = arith.cmpi slt, %select_n3A_1313, %lt3A_1319 : i32
        %ne3A_1321 = arith.xori %lt3A_1318, %lt3A_1320 : i1
        %and3A_1322 = arith.andi %ne3A_1321, %ne3A_1316 : i1
        %add3A_1323 = arith.addi %rem3A_1314, %select_n3A_1313 : i32
        %select_n3A_1324 = arith.select %and3A_1322, %add3A_1323, %rem3A_1314 : i32
        %and3A_1325 = arith.constant 1 : i32
        %and3A_1326 = arith.andi %sub3A_1308, %and3A_1325 : i32
        %and3A_1327 = arith.constant 1 : i32
        %and3A_1328 = arith.andi %sub3A_1308, %and3A_1327 : i32
        %dma_wait3A_1329 = arith.constant 0 : i32
        %dma_wait3A_1330 = arith.constant 0 : i32
        %dma_wait3A_1331 = arith.constant 0 : i32
        %dma_wait3A_1332 = tpu.memref_slice %arg6[%and3A_1326, %dma_wait3A_1330, %dma_wait3A_1331] : memref<2x128x128xf32, #tpu.memory_space<vmem>> -> memref<1x128x128xf32, #tpu.memory_space<vmem>>
        %dma_wait3A_1333 = tpu.memref_squeeze %dma_wait3A_1332 : memref<1x128x128xf32, #tpu.memory_space<vmem>> -> memref<128x128xf32, #tpu.memory_space<vmem>>
        %dma_wait3A_1334 = arith.constant 0 : i32
        %dma_wait3A_1335 = tpu.memref_slice %arg5[%select_n3A_1324, %dma_wait3A_1329, %dma_wait3A_1334] : memref<3x2x128xi32, #tpu.memory_space<vmem>> -> memref<1x1x128xi32, #tpu.memory_space<vmem>>
        %dma_wait3A_1336 = tpu.memref_squeeze %dma_wait3A_1335 : memref<1x1x128xi32, #tpu.memory_space<vmem>> -> memref<128xi32, #tpu.memory_space<vmem>>
        %dma_wait3A_1337 = arith.constant 0 : i32
        %dma_wait3A_1338 = arith.constant 0 : i32
        %dma_wait3A_1339 = tpu.memref_slice %arg3[%dma_wait3A_1337, %dma_wait3A_1338] : memref<10000x128xf32, #tpu.memory_space<hbm>> -> memref<10000x128xf32, #tpu.memory_space<hbm>>
        %dma_wait3A_1340 = tpu.memref_slice %arg10[%and3A_1328] : memref<2x!tpu.dma_semaphore, #tpu.memory_space<semaphore_mem>> -> memref<1x!tpu.dma_semaphore, #tpu.memory_space<semaphore_mem>>
        %dma_wait3A_1341 = tpu.memref_squeeze %dma_wait3A_1340 : memref<1x!tpu.dma_semaphore, #tpu.memory_space<semaphore_mem>> -> memref<!tpu.dma_semaphore, #tpu.memory_space<semaphore_mem>>
        tpu.wait_indirect_dma semaphore(%dma_wait3A_1341 : memref<!tpu.dma_semaphore, #tpu.memory_space<semaphore_mem>>) src(%dma_wait3A_1339 : memref<10000x128xf32, #tpu.memory_space<hbm>>) dst(%dma_wait3A_1333 : memref<128x128xf32, #tpu.memory_space<vmem>>)
        %sub3A_1342 = arith.constant 1 : i32
        %sub3A_1343 = arith.subi %while3A_1209, %sub3A_1342 : i32
        %and3A_1344 = arith.constant 1 : i32
        %and3A_1345 = arith.andi %sub3A_1343, %and3A_1344 : i32
        %jit3A_1346 = arith.constant 3 : i32
        %eq3A_1347 = arith.constant 0 : i32
        %eq3A_1348 = arith.cmpi eq, %jit3A_1346, %eq3A_1347 : i32
        %jit3A_1349 = arith.constant 1 : i32
        %select_n3A_1350 = arith.select %eq3A_1348, %jit3A_1349, %jit3A_1346 : i32
        %rem3A_1351 = arith.remsi %sub3A_1343, %select_n3A_1350 : i32
        %ne3A_1352 = arith.constant 0 : i32
        %ne3A_1353 = arith.cmpi ne, %rem3A_1351, %ne3A_1352 : i32
        %lt3A_1354 = arith.constant 0 : i32
        %lt3A_1355 = arith.cmpi slt, %rem3A_1351, %lt3A_1354 : i32
        %lt3A_1356 = arith.constant 0 : i32
        %lt3A_1357 = arith.cmpi slt, %select_n3A_1350, %lt3A_1356 : i32
        %ne3A_1358 = arith.xori %lt3A_1355, %lt3A_1357 : i1
        %and3A_1359 = arith.andi %ne3A_1358, %ne3A_1353 : i1
        %add3A_1360 = arith.addi %rem3A_1351, %select_n3A_1350 : i32
        %select_n3A_1361 = arith.select %and3A_1359, %add3A_1360, %rem3A_1351 : i32
        %and3A_1362 = arith.constant 1 : i32
        %and3A_1363 = arith.andi %sub3A_1343, %and3A_1362 : i32
        %dma_start3A_1364 = arith.constant 1 : i32
        %dma_start3A_1365 = arith.constant 0 : i32
        %dma_start3A_1366 = arith.constant 0 : i32
        %dma_start3A_1367 = tpu.memref_slice %arg6[%and3A_1345, %dma_start3A_1365, %dma_start3A_1366] : memref<2x128x128xf32, #tpu.memory_space<vmem>> -> memref<1x128x128xf32, #tpu.memory_space<vmem>>
        %dma_start3A_1368 = tpu.memref_squeeze %dma_start3A_1367 : memref<1x128x128xf32, #tpu.memory_space<vmem>> -> memref<128x128xf32, #tpu.memory_space<vmem>>
        %dma_start3A_1369 = arith.constant 0 : i32
        %dma_start3A_1370 = tpu.memref_slice %arg5[%select_n3A_1361, %dma_start3A_1364, %dma_start3A_1369] : memref<3x2x128xi32, #tpu.memory_space<vmem>> -> memref<1x1x128xi32, #tpu.memory_space<vmem>>
        %dma_start3A_1371 = tpu.memref_squeeze %dma_start3A_1370 : memref<1x1x128xi32, #tpu.memory_space<vmem>> -> memref<128xi32, #tpu.memory_space<vmem>>
        %dma_start3A_1372 = arith.constant 0 : i32
        %dma_start3A_1373 = arith.constant 0 : i32
        %dma_start3A_1374 = tpu.memref_slice %arg8[%dma_start3A_1372, %dma_start3A_1373] : memref<10240x128xf32, #tpu.memory_space<vmem_shared>> -> memref<10240x128xf32, #tpu.memory_space<vmem_shared>>
        %dma_start3A_1375 = tpu.memref_slice %arg11[%and3A_1363] : memref<2x!tpu.dma_semaphore, #tpu.memory_space<semaphore_mem>> -> memref<1x!tpu.dma_semaphore, #tpu.memory_space<semaphore_mem>>
        %dma_start3A_1376 = tpu.memref_squeeze %dma_start3A_1375 : memref<1x!tpu.dma_semaphore, #tpu.memory_space<semaphore_mem>> -> memref<!tpu.dma_semaphore, #tpu.memory_space<semaphore_mem>>
        tpu.enqueue_indirect_dma source(%dma_start3A_1368 : memref<128x128xf32, #tpu.memory_space<vmem>>) target(%dma_start3A_1374 : memref<10240x128xf32, #tpu.memory_space<vmem_shared>>) offsets(%dma_start3A_1371 : memref<128xi32, #tpu.memory_space<vmem>>) semaphore(%dma_start3A_1376 : memref<!tpu.dma_semaphore, #tpu.memory_space<semaphore_mem>>) {add = true}
      } else {
      }
    }
    %while3A_1069 = arith.constant 1 : i32
    scf.for %while3A_1209 = %while3A_1067 to %while3A_1063 step %while3A_1069  : i32 {
      %ge3A = arith.constant 2 : i32
      %ge3A_1210 = arith.cmpi sge, %while3A_1209, %ge3A : i32
      %convert_element_type3A = arith.extui %ge3A_1210 : i1 to i32
      %cond3A = arith.constant 0 : i32
      %cond3A_1211 = arith.cmpi ne, %convert_element_type3A, %cond3A : i32
      scf.if %cond3A_1211 {
        %sub3A_1307 = arith.constant 2 : i32
        %sub3A_1308 = arith.subi %while3A_1209, %sub3A_1307 : i32
        %and3A_1309 = arith.constant 1 : i32
        %and3A_1310 = arith.andi %sub3A_1308, %and3A_1309 : i32
        %jit3A_1311 = arith.constant 3 : i32
        %eq3A_1312 = arith.constant 0 : i32
        %eq3A_1313 = arith.cmpi eq, %jit3A_1311, %eq3A_1312 : i32
        %jit3A_1314 = arith.constant 1 : i32
        %select_n3A_1315 = arith.select %eq3A_1313, %jit3A_1314, %jit3A_1311 : i32
        %rem3A_1316 = arith.remsi %sub3A_1308, %select_n3A_1315 : i32
        %ne3A_1317 = arith.constant 0 : i32
        %ne3A_1318 = arith.cmpi ne, %rem3A_1316, %ne3A_1317 : i32
        %lt3A_1319 = arith.constant 0 : i32
        %lt3A_1320 = arith.cmpi slt, %rem3A_1316, %lt3A_1319 : i32
        %lt3A_1321 = arith.constant 0 : i32
        %lt3A_1322 = arith.cmpi slt, %select_n3A_1315, %lt3A_1321 : i32
        %ne3A_1323 = arith.xori %lt3A_1320, %lt3A_1322 : i1
        %and3A_1324 = arith.andi %ne3A_1323, %ne3A_1318 : i1
        %add3A_1325 = arith.addi %rem3A_1316, %select_n3A_1315 : i32
        %select_n3A_1326 = arith.select %and3A_1324, %add3A_1325, %rem3A_1316 : i32
        %and3A_1327 = arith.constant 1 : i32
        %and3A_1328 = arith.andi %sub3A_1308, %and3A_1327 : i32
        %dma_wait3A_1329 = arith.constant 1 : i32
        %dma_wait3A_1330 = arith.constant 0 : i32
        %dma_wait3A_1331 = arith.constant 0 : i32
        %dma_wait3A_1332 = tpu.memref_slice %arg6[%and3A_1310, %dma_wait3A_1330, %dma_wait3A_1331] : memref<2x128x128xf32, #tpu.memory_space<vmem>> -> memref<1x128x128xf32, #tpu.memory_space<vmem>>
        %dma_wait3A_1333 = tpu.memref_squeeze %dma_wait3A_1332 : memref<1x128x128xf32, #tpu.memory_space<vmem>> -> memref<128x128xf32, #tpu.memory_space<vmem>>
        %dma_wait3A_1334 = arith.constant 0 : i32
        %dma_wait3A_1335 = tpu.memref_slice %arg5[%select_n3A_1326, %dma_wait3A_1329, %dma_wait3A_1334] : memref<3x2x128xi32, #tpu.memory_space<vmem>> -> memref<1x1x128xi32, #tpu.memory_space<vmem>>
        %dma_wait3A_1336 = tpu.memref_squeeze %dma_wait3A_1335 : memref<1x1x128xi32, #tpu.memory_space<vmem>> -> memref<128xi32, #tpu.memory_space<vmem>>
        %dma_wait3A_1337 = arith.constant 0 : i32
        %dma_wait3A_1338 = arith.constant 0 : i32
        %dma_wait3A_1339 = tpu.memref_slice %arg8[%dma_wait3A_1337, %dma_wait3A_1338] : memref<10240x128xf32, #tpu.memory_space<vmem_shared>> -> memref<10240x128xf32, #tpu.memory_space<vmem_shared>>
        %dma_wait3A_1340 = tpu.memref_slice %arg11[%and3A_1328] : memref<2x!tpu.dma_semaphore, #tpu.memory_space<semaphore_mem>> -> memref<1x!tpu.dma_semaphore, #tpu.memory_space<semaphore_mem>>
        %dma_wait3A_1341 = tpu.memref_squeeze %dma_wait3A_1340 : memref<1x!tpu.dma_semaphore, #tpu.memory_space<semaphore_mem>> -> memref<!tpu.dma_semaphore, #tpu.memory_space<semaphore_mem>>
        tpu.wait_indirect_dma semaphore(%dma_wait3A_1341 : memref<!tpu.dma_semaphore, #tpu.memory_space<semaphore_mem>>) src(%dma_wait3A_1333 : memref<128x128xf32, #tpu.memory_space<vmem>>) dst(%dma_wait3A_1339 : memref<10240x128xf32, #tpu.memory_space<vmem_shared>>)
      } else {
      }
      %add3A_1212 = arith.constant 1 : i32
      %add3A_1213 = arith.addi %while3A_1209, %add3A_1212 : i32
      %lt3A_1214 = arith.cmpi slt, %add3A_1213, %select_n3A_8 : i32
      %convert_element_type3A_1215 = arith.extui %lt3A_1214 : i1 to i32
      %cond3A_1216 = arith.constant 0 : i32
      %cond3A_1217 = arith.cmpi ne, %convert_element_type3A_1215, %cond3A_1216 : i32
      scf.if %cond3A_1217 {
        %add3A_1307 = arith.constant 1 : i32
        %add3A_1308 = arith.addi %while3A_1209, %add3A_1307 : i32
        %add3A_1309 = arith.addi %select_n3A, %add3A_1308 : i32
        %jit3A_1310 = arith.constant 3 : i32
        %eq3A_1311 = arith.constant 0 : i32
        %eq3A_1312 = arith.cmpi eq, %jit3A_1310, %eq3A_1311 : i32
        %jit3A_1313 = arith.constant 1 : i32
        %select_n3A_1314 = arith.select %eq3A_1312, %jit3A_1313, %jit3A_1310 : i32
        %rem3A_1315 = arith.remsi %add3A_1308, %select_n3A_1314 : i32
        %ne3A_1316 = arith.constant 0 : i32
        %ne3A_1317 = arith.cmpi ne, %rem3A_1315, %ne3A_1316 : i32
        %lt3A_1318 = arith.constant 0 : i32
        %lt3A_1319 = arith.cmpi slt, %rem3A_1315, %lt3A_1318 : i32
        %lt3A_1320 = arith.constant 0 : i32
        %lt3A_1321 = arith.cmpi slt, %select_n3A_1314, %lt3A_1320 : i32
        %ne3A_1322 = arith.xori %lt3A_1319, %lt3A_1321 : i1
        %and3A_1323 = arith.andi %ne3A_1322, %ne3A_1317 : i1
        %add3A_1324 = arith.addi %rem3A_1315, %select_n3A_1314 : i32
        %select_n3A_1325 = arith.select %and3A_1323, %add3A_1324, %rem3A_1315 : i32
        %jit3A_1326 = arith.constant 3 : i32
        %eq3A_1327 = arith.constant 0 : i32
        %eq3A_1328 = arith.cmpi eq, %jit3A_1326, %eq3A_1327 : i32
        %jit3A_1329 = arith.constant 1 : i32
        %select_n3A_1330 = arith.select %eq3A_1328, %jit3A_1329, %jit3A_1326 : i32
        %rem3A_1331 = arith.remsi %add3A_1308, %select_n3A_1330 : i32
        %ne3A_1332 = arith.constant 0 : i32
        %ne3A_1333 = arith.cmpi ne, %rem3A_1331, %ne3A_1332 : i32
        %lt3A_1334 = arith.constant 0 : i32
        %lt3A_1335 = arith.cmpi slt, %rem3A_1331, %lt3A_1334 : i32
        %lt3A_1336 = arith.constant 0 : i32
        %lt3A_1337 = arith.cmpi slt, %select_n3A_1330, %lt3A_1336 : i32
        %ne3A_1338 = arith.xori %lt3A_1335, %lt3A_1337 : i1
        %and3A_1339 = arith.andi %ne3A_1338, %ne3A_1333 : i1
        %add3A_1340 = arith.addi %rem3A_1331, %select_n3A_1330 : i32
        %select_n3A_1341 = arith.select %and3A_1339, %add3A_1340, %rem3A_1331 : i32
        %dma_start3A_1342 = arith.constant 0 : i32
        %dma_start3A_1343 = arith.constant 0 : i32
        %dma_start3A_1344 = tpu.memref_slice %arg5[%select_n3A_1325, %dma_start3A_1342, %dma_start3A_1343] : memref<3x2x128xi32, #tpu.memory_space<vmem>> -> memref<1x2x128xi32, #tpu.memory_space<vmem>>
        %dma_start3A_1345 = tpu.memref_squeeze %dma_start3A_1344 : memref<1x2x128xi32, #tpu.memory_space<vmem>> -> memref<2x128xi32, #tpu.memory_space<vmem>>
        %dma_start3A_1346 = arith.constant 0 : i32
        %dma_start3A_1347 = arith.constant 0 : i32
        %dma_start3A_1348 = tpu.memref_slice %arg2[%add3A_1309, %dma_start3A_1346, %dma_start3A_1347] : memref<2528x2x128xi32, #tpu.memory_space<hbm>> -> memref<1x2x128xi32, #tpu.memory_space<hbm>>
        %dma_start3A_1349 = tpu.memref_squeeze %dma_start3A_1348 : memref<1x2x128xi32, #tpu.memory_space<hbm>> -> memref<2x128xi32, #tpu.memory_space<hbm>>
        %dma_start3A_1350 = tpu.memref_slice %arg9[%select_n3A_1341] : memref<3x!tpu.dma_semaphore, #tpu.memory_space<semaphore_mem>> -> memref<1x!tpu.dma_semaphore, #tpu.memory_space<semaphore_mem>>
        %dma_start3A_1351 = tpu.memref_squeeze %dma_start3A_1350 : memref<1x!tpu.dma_semaphore, #tpu.memory_space<semaphore_mem>> -> memref<!tpu.dma_semaphore, #tpu.memory_space<semaphore_mem>>
        %dma_start3A_1352 = arith.constant 0 : i32
        %dma_start3A_1353 = arith.constant 0 : i32
        %dma_start3A_1354 = tpu.memref_slice %arg5[%select_n3A_1325, %dma_start3A_1352, %dma_start3A_1353] : memref<3x2x128xi32, #tpu.memory_space<vmem>> -> memref<1x2x128xi32, #tpu.memory_space<vmem>>
        %dma_start3A_1355 = tpu.memref_squeeze %dma_start3A_1354 : memref<1x2x128xi32, #tpu.memory_space<vmem>> -> memref<2x128xi32, #tpu.memory_space<vmem>>
        %dma_start3A_1356 = arith.constant 0 : i32
        %dma_start3A_1357 = arith.constant 0 : i32
        %dma_start3A_1358 = tpu.memref_slice %arg2[%add3A_1309, %dma_start3A_1356, %dma_start3A_1357] : memref<2528x2x128xi32, #tpu.memory_space<hbm>> -> memref<1x2x128xi32, #tpu.memory_space<hbm>>
        %dma_start3A_1359 = tpu.memref_squeeze %dma_start3A_1358 : memref<1x2x128xi32, #tpu.memory_space<hbm>> -> memref<2x128xi32, #tpu.memory_space<hbm>>
        tpu.enqueue_dma source(%dma_start3A_1359 : memref<2x128xi32, #tpu.memory_space<hbm>>) target(%dma_start3A_1355 : memref<2x128xi32, #tpu.memory_space<vmem>>) target_semaphore(%dma_start3A_1351 : memref<!tpu.dma_semaphore, #tpu.memory_space<semaphore_mem>>)
      } else {
      }
      %add3A_1218 = arith.addi %select_n3A, %while3A_1209 : i32
      %jit3A_1219 = arith.constant 3 : i32
      %eq3A_1220 = arith.constant 0 : i32
      %eq3A_1221 = arith.cmpi eq, %jit3A_1219, %eq3A_1220 : i32
      %jit3A_1222 = arith.constant 1 : i32
      %select_n3A_1223 = arith.select %eq3A_1221, %jit3A_1222, %jit3A_1219 : i32
      %rem3A_1224 = arith.remsi %while3A_1209, %select_n3A_1223 : i32
      %ne3A_1225 = arith.constant 0 : i32
      %ne3A_1226 = arith.cmpi ne, %rem3A_1224, %ne3A_1225 : i32
      %lt3A_1227 = arith.constant 0 : i32
      %lt3A_1228 = arith.cmpi slt, %rem3A_1224, %lt3A_1227 : i32
      %lt3A_1229 = arith.constant 0 : i32
      %lt3A_1230 = arith.cmpi slt, %select_n3A_1223, %lt3A_1229 : i32
      %ne3A_1231 = arith.xori %lt3A_1228, %lt3A_1230 : i1
      %and3A_1232 = arith.andi %ne3A_1231, %ne3A_1226 : i1
      %add3A_1233 = arith.addi %rem3A_1224, %select_n3A_1223 : i32
      %select_n3A_1234 = arith.select %and3A_1232, %add3A_1233, %rem3A_1224 : i32
      %jit3A_1235 = arith.constant 3 : i32
      %eq3A_1236 = arith.constant 0 : i32
      %eq3A_1237 = arith.cmpi eq, %jit3A_1235, %eq3A_1236 : i32
      %jit3A_1238 = arith.constant 1 : i32
      %select_n3A_1239 = arith.select %eq3A_1237, %jit3A_1238, %jit3A_1235 : i32
      %rem3A_1240 = arith.remsi %while3A_1209, %select_n3A_1239 : i32
      %ne3A_1241 = arith.constant 0 : i32
      %ne3A_1242 = arith.cmpi ne, %rem3A_1240, %ne3A_1241 : i32
      %lt3A_1243 = arith.constant 0 : i32
      %lt3A_1244 = arith.cmpi slt, %rem3A_1240, %lt3A_1243 : i32
      %lt3A_1245 = arith.constant 0 : i32
      %lt3A_1246 = arith.cmpi slt, %select_n3A_1239, %lt3A_1245 : i32
      %ne3A_1247 = arith.xori %lt3A_1244, %lt3A_1246 : i1
      %and3A_1248 = arith.andi %ne3A_1247, %ne3A_1242 : i1
      %add3A_1249 = arith.addi %rem3A_1240, %select_n3A_1239 : i32
      %select_n3A_1250 = arith.select %and3A_1248, %add3A_1249, %rem3A_1240 : i32
      %dma_wait3A_1251 = arith.constant 0 : i32
      %dma_wait3A_1252 = arith.constant 0 : i32
      %dma_wait3A_1253 = tpu.memref_slice %arg5[%select_n3A_1234, %dma_wait3A_1251, %dma_wait3A_1252] : memref<3x2x128xi32, #tpu.memory_space<vmem>> -> memref<1x2x128xi32, #tpu.memory_space<vmem>>
      %dma_wait3A_1254 = tpu.memref_squeeze %dma_wait3A_1253 : memref<1x2x128xi32, #tpu.memory_space<vmem>> -> memref<2x128xi32, #tpu.memory_space<vmem>>
      %dma_wait3A_1255 = arith.constant 0 : i32
      %dma_wait3A_1256 = arith.constant 0 : i32
      %dma_wait3A_1257 = tpu.memref_slice %arg2[%add3A_1218, %dma_wait3A_1255, %dma_wait3A_1256] : memref<2528x2x128xi32, #tpu.memory_space<hbm>> -> memref<1x2x128xi32, #tpu.memory_space<hbm>>
      %dma_wait3A_1258 = tpu.memref_squeeze %dma_wait3A_1257 : memref<1x2x128xi32, #tpu.memory_space<hbm>> -> memref<2x128xi32, #tpu.memory_space<hbm>>
      %dma_wait3A_1259 = tpu.memref_slice %arg9[%select_n3A_1250] : memref<3x!tpu.dma_semaphore, #tpu.memory_space<semaphore_mem>> -> memref<1x!tpu.dma_semaphore, #tpu.memory_space<semaphore_mem>>
      %dma_wait3A_1260 = tpu.memref_squeeze %dma_wait3A_1259 : memref<1x!tpu.dma_semaphore, #tpu.memory_space<semaphore_mem>> -> memref<!tpu.dma_semaphore, #tpu.memory_space<semaphore_mem>>
      %dma_wait3A_1261 = arith.constant 0 : i32
      %dma_wait3A_1262 = arith.constant 0 : i32
      %dma_wait3A_1263 = tpu.memref_slice %arg5[%select_n3A_1234, %dma_wait3A_1261, %dma_wait3A_1262] : memref<3x2x128xi32, #tpu.memory_space<vmem>> -> memref<1x2x128xi32, #tpu.memory_space<vmem>>
      %dma_wait3A_1264 = tpu.memref_squeeze %dma_wait3A_1263 : memref<1x2x128xi32, #tpu.memory_space<vmem>> -> memref<2x128xi32, #tpu.memory_space<vmem>>
      %dma_wait3A_1265 = arith.constant 0 : i32
      %dma_wait3A_1266 = arith.constant 0 : i32
      %dma_wait3A_1267 = tpu.memref_slice %arg2[%add3A_1218, %dma_wait3A_1265, %dma_wait3A_1266] : memref<2528x2x128xi32, #tpu.memory_space<hbm>> -> memref<1x2x128xi32, #tpu.memory_space<hbm>>
      %dma_wait3A_1268 = tpu.memref_squeeze %dma_wait3A_1267 : memref<1x2x128xi32, #tpu.memory_space<hbm>> -> memref<2x128xi32, #tpu.memory_space<hbm>>
      tpu.wait_dma2 semaphore(%dma_wait3A_1260 : memref<!tpu.dma_semaphore, #tpu.memory_space<semaphore_mem>>) src(%dma_wait3A_1268 : memref<2x128xi32, #tpu.memory_space<hbm>>) dst(%dma_wait3A_1264 : memref<2x128xi32, #tpu.memory_space<vmem>>)
      %jit3A_1269 = arith.constant 3 : i32
      %eq3A_1270 = arith.constant 0 : i32
      %eq3A_1271 = arith.cmpi eq, %jit3A_1269, %eq3A_1270 : i32
      %jit3A_1272 = arith.constant 1 : i32
      %select_n3A_1273 = arith.select %eq3A_1271, %jit3A_1272, %jit3A_1269 : i32
      %rem3A_1274 = arith.remsi %while3A_1209, %select_n3A_1273 : i32
      %ne3A_1275 = arith.constant 0 : i32
      %ne3A_1276 = arith.cmpi ne, %rem3A_1274, %ne3A_1275 : i32
      %lt3A_1277 = arith.constant 0 : i32
      %lt3A_1278 = arith.cmpi slt, %rem3A_1274, %lt3A_1277 : i32
      %lt3A_1279 = arith.constant 0 : i32
      %lt3A_1280 = arith.cmpi slt, %select_n3A_1273, %lt3A_1279 : i32
      %ne3A_1281 = arith.xori %lt3A_1278, %lt3A_1280 : i1
      %and3A_1282 = arith.andi %ne3A_1281, %ne3A_1276 : i1
      %add3A_1283 = arith.addi %rem3A_1274, %select_n3A_1273 : i32
      %select_n3A_1284 = arith.select %and3A_1282, %add3A_1283, %rem3A_1274 : i32
      %and3A_1285 = arith.constant 1 : i32
      %and3A_1286 = arith.andi %while3A_1209, %and3A_1285 : i32
      %and3A_1287 = arith.constant 1 : i32
      %and3A_1288 = arith.andi %while3A_1209, %and3A_1287 : i32
      %dma_start3A_1289 = arith.constant 0 : i32
      %dma_start3A_1290 = arith.constant 0 : i32
      %dma_start3A_1291 = arith.constant 0 : i32
      %dma_start3A_1292 = tpu.memref_slice %arg6[%and3A_1286, %dma_start3A_1290, %dma_start3A_1291] : memref<2x128x128xf32, #tpu.memory_space<vmem>> -> memref<1x128x128xf32, #tpu.memory_space<vmem>>
      %dma_start3A_1293 = tpu.memref_squeeze %dma_start3A_1292 : memref<1x128x128xf32, #tpu.memory_space<vmem>> -> memref<128x128xf32, #tpu.memory_space<vmem>>
      %dma_start3A_1294 = arith.constant 0 : i32
      %dma_start3A_1295 = tpu.memref_slice %arg5[%select_n3A_1284, %dma_start3A_1289, %dma_start3A_1294] : memref<3x2x128xi32, #tpu.memory_space<vmem>> -> memref<1x1x128xi32, #tpu.memory_space<vmem>>
      %dma_start3A_1296 = tpu.memref_squeeze %dma_start3A_1295 : memref<1x1x128xi32, #tpu.memory_space<vmem>> -> memref<128xi32, #tpu.memory_space<vmem>>
      %dma_start3A_1297 = arith.constant 0 : i32
      %dma_start3A_1298 = arith.constant 0 : i32
      %dma_start3A_1299 = tpu.memref_slice %arg3[%dma_start3A_1297, %dma_start3A_1298] : memref<10000x128xf32, #tpu.memory_space<hbm>> -> memref<10000x128xf32, #tpu.memory_space<hbm>>
      %dma_start3A_1300 = tpu.memref_slice %arg10[%and3A_1288] : memref<2x!tpu.dma_semaphore, #tpu.memory_space<semaphore_mem>> -> memref<1x!tpu.dma_semaphore, #tpu.memory_space<semaphore_mem>>
      %dma_start3A_1301 = tpu.memref_squeeze %dma_start3A_1300 : memref<1x!tpu.dma_semaphore, #tpu.memory_space<semaphore_mem>> -> memref<!tpu.dma_semaphore, #tpu.memory_space<semaphore_mem>>
      tpu.enqueue_indirect_dma source(%dma_start3A_1299 : memref<10000x128xf32, #tpu.memory_space<hbm>>) target(%dma_start3A_1293 : memref<128x128xf32, #tpu.memory_space<vmem>>) offsets(%dma_start3A_1296 : memref<128xi32, #tpu.memory_space<vmem>>) semaphore(%dma_start3A_1301 : memref<!tpu.dma_semaphore, #tpu.memory_space<semaphore_mem>>)
      %ge3A_1302 = arith.constant 1 : i32
      %ge3A_1303 = arith.cmpi sge, %while3A_1209, %ge3A_1302 : i32
      %convert_element_type3A_1304 = arith.extui %ge3A_1303 : i1 to i32
      %cond3A_1305 = arith.constant 0 : i32
      %cond3A_1306 = arith.cmpi ne, %convert_element_type3A_1304, %cond3A_1305 : i32
      scf.if %cond3A_1306 {
        %sub3A_1307 = arith.constant 1 : i32
        %sub3A_1308 = arith.subi %while3A_1209, %sub3A_1307 : i32
        %jit3A_1309 = arith.constant 3 : i32
        %eq3A_1310 = arith.constant 0 : i32
        %eq3A_1311 = arith.cmpi eq, %jit3A_1309, %eq3A_1310 : i32
        %jit3A_1312 = arith.constant 1 : i32
        %select_n3A_1313 = arith.select %eq3A_1311, %jit3A_1312, %jit3A_1309 : i32
        %rem3A_1314 = arith.remsi %sub3A_1308, %select_n3A_1313 : i32
        %ne3A_1315 = arith.constant 0 : i32
        %ne3A_1316 = arith.cmpi ne, %rem3A_1314, %ne3A_1315 : i32
        %lt3A_1317 = arith.constant 0 : i32
        %lt3A_1318 = arith.cmpi slt, %rem3A_1314, %lt3A_1317 : i32
        %lt3A_1319 = arith.constant 0 : i32
        %lt3A_1320 = arith.cmpi slt, %select_n3A_1313, %lt3A_1319 : i32
        %ne3A_1321 = arith.xori %lt3A_1318, %lt3A_1320 : i1
        %and3A_1322 = arith.andi %ne3A_1321, %ne3A_1316 : i1
        %add3A_1323 = arith.addi %rem3A_1314, %select_n3A_1313 : i32
        %select_n3A_1324 = arith.select %and3A_1322, %add3A_1323, %rem3A_1314 : i32
        %and3A_1325 = arith.constant 1 : i32
        %and3A_1326 = arith.andi %sub3A_1308, %and3A_1325 : i32
        %and3A_1327 = arith.constant 1 : i32
        %and3A_1328 = arith.andi %sub3A_1308, %and3A_1327 : i32
        %dma_wait3A_1329 = arith.constant 0 : i32
        %dma_wait3A_1330 = arith.constant 0 : i32
        %dma_wait3A_1331 = arith.constant 0 : i32
        %dma_wait3A_1332 = tpu.memref_slice %arg6[%and3A_1326, %dma_wait3A_1330, %dma_wait3A_1331] : memref<2x128x128xf32, #tpu.memory_space<vmem>> -> memref<1x128x128xf32, #tpu.memory_space<vmem>>
        %dma_wait3A_1333 = tpu.memref_squeeze %dma_wait3A_1332 : memref<1x128x128xf32, #tpu.memory_space<vmem>> -> memref<128x128xf32, #tpu.memory_space<vmem>>
        %dma_wait3A_1334 = arith.constant 0 : i32
        %dma_wait3A_1335 = tpu.memref_slice %arg5[%select_n3A_1324, %dma_wait3A_1329, %dma_wait3A_1334] : memref<3x2x128xi32, #tpu.memory_space<vmem>> -> memref<1x1x128xi32, #tpu.memory_space<vmem>>
        %dma_wait3A_1336 = tpu.memref_squeeze %dma_wait3A_1335 : memref<1x1x128xi32, #tpu.memory_space<vmem>> -> memref<128xi32, #tpu.memory_space<vmem>>
        %dma_wait3A_1337 = arith.constant 0 : i32
        %dma_wait3A_1338 = arith.constant 0 : i32
        %dma_wait3A_1339 = tpu.memref_slice %arg3[%dma_wait3A_1337, %dma_wait3A_1338] : memref<10000x128xf32, #tpu.memory_space<hbm>> -> memref<10000x128xf32, #tpu.memory_space<hbm>>
        %dma_wait3A_1340 = tpu.memref_slice %arg10[%and3A_1328] : memref<2x!tpu.dma_semaphore, #tpu.memory_space<semaphore_mem>> -> memref<1x!tpu.dma_semaphore, #tpu.memory_space<semaphore_mem>>
        %dma_wait3A_1341 = tpu.memref_squeeze %dma_wait3A_1340 : memref<1x!tpu.dma_semaphore, #tpu.memory_space<semaphore_mem>> -> memref<!tpu.dma_semaphore, #tpu.memory_space<semaphore_mem>>
        tpu.wait_indirect_dma semaphore(%dma_wait3A_1341 : memref<!tpu.dma_semaphore, #tpu.memory_space<semaphore_mem>>) src(%dma_wait3A_1339 : memref<10000x128xf32, #tpu.memory_space<hbm>>) dst(%dma_wait3A_1333 : memref<128x128xf32, #tpu.memory_space<vmem>>)
        %sub3A_1342 = arith.constant 1 : i32
        %sub3A_1343 = arith.subi %while3A_1209, %sub3A_1342 : i32
        %and3A_1344 = arith.constant 1 : i32
        %and3A_1345 = arith.andi %sub3A_1343, %and3A_1344 : i32
        %jit3A_1346 = arith.constant 3 : i32
        %eq3A_1347 = arith.constant 0 : i32
        %eq3A_1348 = arith.cmpi eq, %jit3A_1346, %eq3A_1347 : i32
        %jit3A_1349 = arith.constant 1 : i32
        %select_n3A_1350 = arith.select %eq3A_1348, %jit3A_1349, %jit3A_1346 : i32
        %rem3A_1351 = arith.remsi %sub3A_1343, %select_n3A_1350 : i32
        %ne3A_1352 = arith.constant 0 : i32
        %ne3A_1353 = arith.cmpi ne, %rem3A_1351, %ne3A_1352 : i32
        %lt3A_1354 = arith.constant 0 : i32
        %lt3A_1355 = arith.cmpi slt, %rem3A_1351, %lt3A_1354 : i32
        %lt3A_1356 = arith.constant 0 : i32
        %lt3A_1357 = arith.cmpi slt, %select_n3A_1350, %lt3A_1356 : i32
        %ne3A_1358 = arith.xori %lt3A_1355, %lt3A_1357 : i1
        %and3A_1359 = arith.andi %ne3A_1358, %ne3A_1353 : i1
        %add3A_1360 = arith.addi %rem3A_1351, %select_n3A_1350 : i32
        %select_n3A_1361 = arith.select %and3A_1359, %add3A_1360, %rem3A_1351 : i32
        %and3A_1362 = arith.constant 1 : i32
        %and3A_1363 = arith.andi %sub3A_1343, %and3A_1362 : i32
        %dma_start3A_1364 = arith.constant 1 : i32
        %dma_start3A_1365 = arith.constant 0 : i32
        %dma_start3A_1366 = arith.constant 0 : i32
        %dma_start3A_1367 = tpu.memref_slice %arg6[%and3A_1345, %dma_start3A_1365, %dma_start3A_1366] : memref<2x128x128xf32, #tpu.memory_space<vmem>> -> memref<1x128x128xf32, #tpu.memory_space<vmem>>
        %dma_start3A_1368 = tpu.memref_squeeze %dma_start3A_1367 : memref<1x128x128xf32, #tpu.memory_space<vmem>> -> memref<128x128xf32, #tpu.memory_space<vmem>>
        %dma_start3A_1369 = arith.constant 0 : i32
        %dma_start3A_1370 = tpu.memref_slice %arg5[%select_n3A_1361, %dma_start3A_1364, %dma_start3A_1369] : memref<3x2x128xi32, #tpu.memory_space<vmem>> -> memref<1x1x128xi32, #tpu.memory_space<vmem>>
        %dma_start3A_1371 = tpu.memref_squeeze %dma_start3A_1370 : memref<1x1x128xi32, #tpu.memory_space<vmem>> -> memref<128xi32, #tpu.memory_space<vmem>>
        %dma_start3A_1372 = arith.constant 0 : i32
        %dma_start3A_1373 = arith.constant 0 : i32
        %dma_start3A_1374 = tpu.memref_slice %arg8[%dma_start3A_1372, %dma_start3A_1373] : memref<10240x128xf32, #tpu.memory_space<vmem_shared>> -> memref<10240x128xf32, #tpu.memory_space<vmem_shared>>
        %dma_start3A_1375 = tpu.memref_slice %arg11[%and3A_1363] : memref<2x!tpu.dma_semaphore, #tpu.memory_space<semaphore_mem>> -> memref<1x!tpu.dma_semaphore, #tpu.memory_space<semaphore_mem>>
        %dma_start3A_1376 = tpu.memref_squeeze %dma_start3A_1375 : memref<1x!tpu.dma_semaphore, #tpu.memory_space<semaphore_mem>> -> memref<!tpu.dma_semaphore, #tpu.memory_space<semaphore_mem>>
        tpu.enqueue_indirect_dma source(%dma_start3A_1368 : memref<128x128xf32, #tpu.memory_space<vmem>>) target(%dma_start3A_1374 : memref<10240x128xf32, #tpu.memory_space<vmem_shared>>) offsets(%dma_start3A_1371 : memref<128xi32, #tpu.memory_space<vmem>>) semaphore(%dma_start3A_1376 : memref<!tpu.dma_semaphore, #tpu.memory_space<semaphore_mem>>) {add = true}
      } else {
      }
    }
    %sub3A = arith.constant 1 : i32
    %sub3A_1070 = arith.subi %select_n3A_8, %sub3A : i32
    %jit3A_1071 = arith.constant 3 : i32
    %eq3A_1072 = arith.constant 0 : i32
    %eq3A_1073 = arith.cmpi eq, %jit3A_1071, %eq3A_1072 : i32
    %jit3A_1074 = arith.constant 1 : i32
    %select_n3A_1075 = arith.select %eq3A_1073, %jit3A_1074, %jit3A_1071 : i32
    %rem3A = arith.remsi %sub3A_1070, %select_n3A_1075 : i32
    %ne3A = arith.constant 0 : i32
    %ne3A_1076 = arith.cmpi ne, %rem3A, %ne3A : i32
    %lt3A = arith.constant 0 : i32
    %lt3A_1077 = arith.cmpi slt, %rem3A, %lt3A : i32
    %lt3A_1078 = arith.constant 0 : i32
    %lt3A_1079 = arith.cmpi slt, %select_n3A_1075, %lt3A_1078 : i32
    %ne3A_1080 = arith.xori %lt3A_1077, %lt3A_1079 : i1
    %and3A = arith.andi %ne3A_1080, %ne3A_1076 : i1
    %add3A_1081 = arith.addi %rem3A, %select_n3A_1075 : i32
    %select_n3A_1082 = arith.select %and3A, %add3A_1081, %rem3A : i32
    %and3A_1083 = arith.constant 1 : i32
    %and3A_1084 = arith.andi %sub3A_1070, %and3A_1083 : i32
    %and3A_1085 = arith.constant 1 : i32
    %and3A_1086 = arith.andi %sub3A_1070, %and3A_1085 : i32
    %dma_wait3A = arith.constant 0 : i32
    %dma_wait3A_1087 = arith.constant 0 : i32
    %dma_wait3A_1088 = arith.constant 0 : i32
    %dma_wait3A_1089 = tpu.memref_slice %arg6[%and3A_1084, %dma_wait3A_1087, %dma_wait3A_1088] : memref<2x128x128xf32, #tpu.memory_space<vmem>> -> memref<1x128x128xf32, #tpu.memory_space<vmem>>
    %dma_wait3A_1090 = tpu.memref_squeeze %dma_wait3A_1089 : memref<1x128x128xf32, #tpu.memory_space<vmem>> -> memref<128x128xf32, #tpu.memory_space<vmem>>
    %dma_wait3A_1091 = arith.constant 0 : i32
    %dma_wait3A_1092 = tpu.memref_slice %arg5[%select_n3A_1082, %dma_wait3A, %dma_wait3A_1091] : memref<3x2x128xi32, #tpu.memory_space<vmem>> -> memref<1x1x128xi32, #tpu.memory_space<vmem>>
    %dma_wait3A_1093 = tpu.memref_squeeze %dma_wait3A_1092 : memref<1x1x128xi32, #tpu.memory_space<vmem>> -> memref<128xi32, #tpu.memory_space<vmem>>
    %dma_wait3A_1094 = arith.constant 0 : i32
    %dma_wait3A_1095 = arith.constant 0 : i32
    %dma_wait3A_1096 = tpu.memref_slice %arg3[%dma_wait3A_1094, %dma_wait3A_1095] : memref<10000x128xf32, #tpu.memory_space<hbm>> -> memref<10000x128xf32, #tpu.memory_space<hbm>>
    %dma_wait3A_1097 = tpu.memref_slice %arg10[%and3A_1086] : memref<2x!tpu.dma_semaphore, #tpu.memory_space<semaphore_mem>> -> memref<1x!tpu.dma_semaphore, #tpu.memory_space<semaphore_mem>>
    %dma_wait3A_1098 = tpu.memref_squeeze %dma_wait3A_1097 : memref<1x!tpu.dma_semaphore, #tpu.memory_space<semaphore_mem>> -> memref<!tpu.dma_semaphore, #tpu.memory_space<semaphore_mem>>
    tpu.wait_indirect_dma semaphore(%dma_wait3A_1098 : memref<!tpu.dma_semaphore, #tpu.memory_space<semaphore_mem>>) src(%dma_wait3A_1096 : memref<10000x128xf32, #tpu.memory_space<hbm>>) dst(%dma_wait3A_1090 : memref<128x128xf32, #tpu.memory_space<vmem>>)
    %sub3A_1099 = arith.constant 1 : i32
    %sub3A_1100 = arith.subi %select_n3A_8, %sub3A_1099 : i32
    %and3A_1101 = arith.constant 1 : i32
    %and3A_1102 = arith.andi %sub3A_1100, %and3A_1101 : i32
    %jit3A_1103 = arith.constant 3 : i32
    %eq3A_1104 = arith.constant 0 : i32
    %eq3A_1105 = arith.cmpi eq, %jit3A_1103, %eq3A_1104 : i32
    %jit3A_1106 = arith.constant 1 : i32
    %select_n3A_1107 = arith.select %eq3A_1105, %jit3A_1106, %jit3A_1103 : i32
    %rem3A_1108 = arith.remsi %sub3A_1100, %select_n3A_1107 : i32
    %ne3A_1109 = arith.constant 0 : i32
    %ne3A_1110 = arith.cmpi ne, %rem3A_1108, %ne3A_1109 : i32
    %lt3A_1111 = arith.constant 0 : i32
    %lt3A_1112 = arith.cmpi slt, %rem3A_1108, %lt3A_1111 : i32
    %lt3A_1113 = arith.constant 0 : i32
    %lt3A_1114 = arith.cmpi slt, %select_n3A_1107, %lt3A_1113 : i32
    %ne3A_1115 = arith.xori %lt3A_1112, %lt3A_1114 : i1
    %and3A_1116 = arith.andi %ne3A_1115, %ne3A_1110 : i1
    %add3A_1117 = arith.addi %rem3A_1108, %select_n3A_1107 : i32
    %select_n3A_1118 = arith.select %and3A_1116, %add3A_1117, %rem3A_1108 : i32
    %and3A_1119 = arith.constant 1 : i32
    %and3A_1120 = arith.andi %sub3A_1100, %and3A_1119 : i32
    %dma_start3A_1121 = arith.constant 1 : i32
    %dma_start3A_1122 = arith.constant 0 : i32
    %dma_start3A_1123 = arith.constant 0 : i32
    %dma_start3A_1124 = tpu.memref_slice %arg6[%and3A_1102, %dma_start3A_1122, %dma_start3A_1123] : memref<2x128x128xf32, #tpu.memory_space<vmem>> -> memref<1x128x128xf32, #tpu.memory_space<vmem>>
    %dma_start3A_1125 = tpu.memref_squeeze %dma_start3A_1124 : memref<1x128x128xf32, #tpu.memory_space<vmem>> -> memref<128x128xf32, #tpu.memory_space<vmem>>
    %dma_start3A_1126 = arith.constant 0 : i32
    %dma_start3A_1127 = tpu.memref_slice %arg5[%select_n3A_1118, %dma_start3A_1121, %dma_start3A_1126] : memref<3x2x128xi32, #tpu.memory_space<vmem>> -> memref<1x1x128xi32, #tpu.memory_space<vmem>>
    %dma_start3A_1128 = tpu.memref_squeeze %dma_start3A_1127 : memref<1x1x128xi32, #tpu.memory_space<vmem>> -> memref<128xi32, #tpu.memory_space<vmem>>
    %dma_start3A_1129 = arith.constant 0 : i32
    %dma_start3A_1130 = arith.constant 0 : i32
    %dma_start3A_1131 = tpu.memref_slice %arg8[%dma_start3A_1129, %dma_start3A_1130] : memref<10240x128xf32, #tpu.memory_space<vmem_shared>> -> memref<10240x128xf32, #tpu.memory_space<vmem_shared>>
    %dma_start3A_1132 = tpu.memref_slice %arg11[%and3A_1120] : memref<2x!tpu.dma_semaphore, #tpu.memory_space<semaphore_mem>> -> memref<1x!tpu.dma_semaphore, #tpu.memory_space<semaphore_mem>>
    %dma_start3A_1133 = tpu.memref_squeeze %dma_start3A_1132 : memref<1x!tpu.dma_semaphore, #tpu.memory_space<semaphore_mem>> -> memref<!tpu.dma_semaphore, #tpu.memory_space<semaphore_mem>>
    tpu.enqueue_indirect_dma source(%dma_start3A_1125 : memref<128x128xf32, #tpu.memory_space<vmem>>) target(%dma_start3A_1131 : memref<10240x128xf32, #tpu.memory_space<vmem_shared>>) offsets(%dma_start3A_1128 : memref<128xi32, #tpu.memory_space<vmem>>) semaphore(%dma_start3A_1133 : memref<!tpu.dma_semaphore, #tpu.memory_space<semaphore_mem>>) {add = true}
    %sub3A_1134 = arith.constant 2 : i32
    %sub3A_1135 = arith.subi %select_n3A_8, %sub3A_1134 : i32
    %and3A_1136 = arith.constant 1 : i32
    %and3A_1137 = arith.andi %sub3A_1135, %and3A_1136 : i32
    %jit3A_1138 = arith.constant 3 : i32
    %eq3A_1139 = arith.constant 0 : i32
    %eq3A_1140 = arith.cmpi eq, %jit3A_1138, %eq3A_1139 : i32
    %jit3A_1141 = arith.constant 1 : i32
    %select_n3A_1142 = arith.select %eq3A_1140, %jit3A_1141, %jit3A_1138 : i32
    %rem3A_1143 = arith.remsi %sub3A_1135, %select_n3A_1142 : i32
    %ne3A_1144 = arith.constant 0 : i32
    %ne3A_1145 = arith.cmpi ne, %rem3A_1143, %ne3A_1144 : i32
    %lt3A_1146 = arith.constant 0 : i32
    %lt3A_1147 = arith.cmpi slt, %rem3A_1143, %lt3A_1146 : i32
    %lt3A_1148 = arith.constant 0 : i32
    %lt3A_1149 = arith.cmpi slt, %select_n3A_1142, %lt3A_1148 : i32
    %ne3A_1150 = arith.xori %lt3A_1147, %lt3A_1149 : i1
    %and3A_1151 = arith.andi %ne3A_1150, %ne3A_1145 : i1
    %add3A_1152 = arith.addi %rem3A_1143, %select_n3A_1142 : i32
    %select_n3A_1153 = arith.select %and3A_1151, %add3A_1152, %rem3A_1143 : i32
    %and3A_1154 = arith.constant 1 : i32
    %and3A_1155 = arith.andi %sub3A_1135, %and3A_1154 : i32
    %dma_wait3A_1156 = arith.constant 1 : i32
    %dma_wait3A_1157 = arith.constant 0 : i32
    %dma_wait3A_1158 = arith.constant 0 : i32
    %dma_wait3A_1159 = tpu.memref_slice %arg6[%and3A_1137, %dma_wait3A_1157, %dma_wait3A_1158] : memref<2x128x128xf32, #tpu.memory_space<vmem>> -> memref<1x128x128xf32, #tpu.memory_space<vmem>>
    %dma_wait3A_1160 = tpu.memref_squeeze %dma_wait3A_1159 : memref<1x128x128xf32, #tpu.memory_space<vmem>> -> memref<128x128xf32, #tpu.memory_space<vmem>>
    %dma_wait3A_1161 = arith.constant 0 : i32
    %dma_wait3A_1162 = tpu.memref_slice %arg5[%select_n3A_1153, %dma_wait3A_1156, %dma_wait3A_1161] : memref<3x2x128xi32, #tpu.memory_space<vmem>> -> memref<1x1x128xi32, #tpu.memory_space<vmem>>
    %dma_wait3A_1163 = tpu.memref_squeeze %dma_wait3A_1162 : memref<1x1x128xi32, #tpu.memory_space<vmem>> -> memref<128xi32, #tpu.memory_space<vmem>>
    %dma_wait3A_1164 = arith.constant 0 : i32
    %dma_wait3A_1165 = arith.constant 0 : i32
    %dma_wait3A_1166 = tpu.memref_slice %arg8[%dma_wait3A_1164, %dma_wait3A_1165] : memref<10240x128xf32, #tpu.memory_space<vmem_shared>> -> memref<10240x128xf32, #tpu.memory_space<vmem_shared>>
    %dma_wait3A_1167 = tpu.memref_slice %arg11[%and3A_1155] : memref<2x!tpu.dma_semaphore, #tpu.memory_space<semaphore_mem>> -> memref<1x!tpu.dma_semaphore, #tpu.memory_space<semaphore_mem>>
    %dma_wait3A_1168 = tpu.memref_squeeze %dma_wait3A_1167 : memref<1x!tpu.dma_semaphore, #tpu.memory_space<semaphore_mem>> -> memref<!tpu.dma_semaphore, #tpu.memory_space<semaphore_mem>>
    tpu.wait_indirect_dma semaphore(%dma_wait3A_1168 : memref<!tpu.dma_semaphore, #tpu.memory_space<semaphore_mem>>) src(%dma_wait3A_1160 : memref<128x128xf32, #tpu.memory_space<vmem>>) dst(%dma_wait3A_1166 : memref<10240x128xf32, #tpu.memory_space<vmem_shared>>)
    %sub3A_1169 = arith.constant 1 : i32
    %sub3A_1170 = arith.subi %select_n3A_8, %sub3A_1169 : i32
    %and3A_1171 = arith.constant 1 : i32
    %and3A_1172 = arith.andi %sub3A_1170, %and3A_1171 : i32
    %jit3A_1173 = arith.constant 3 : i32
    %eq3A_1174 = arith.constant 0 : i32
    %eq3A_1175 = arith.cmpi eq, %jit3A_1173, %eq3A_1174 : i32
    %jit3A_1176 = arith.constant 1 : i32
    %select_n3A_1177 = arith.select %eq3A_1175, %jit3A_1176, %jit3A_1173 : i32
    %rem3A_1178 = arith.remsi %sub3A_1170, %select_n3A_1177 : i32
    %ne3A_1179 = arith.constant 0 : i32
    %ne3A_1180 = arith.cmpi ne, %rem3A_1178, %ne3A_1179 : i32
    %lt3A_1181 = arith.constant 0 : i32
    %lt3A_1182 = arith.cmpi slt, %rem3A_1178, %lt3A_1181 : i32
    %lt3A_1183 = arith.constant 0 : i32
    %lt3A_1184 = arith.cmpi slt, %select_n3A_1177, %lt3A_1183 : i32
    %ne3A_1185 = arith.xori %lt3A_1182, %lt3A_1184 : i1
    %and3A_1186 = arith.andi %ne3A_1185, %ne3A_1180 : i1
    %add3A_1187 = arith.addi %rem3A_1178, %select_n3A_1177 : i32
    %select_n3A_1188 = arith.select %and3A_1186, %add3A_1187, %rem3A_1178 : i32
    %and3A_1189 = arith.constant 1 : i32
    %and3A_1190 = arith.andi %sub3A_1170, %and3A_1189 : i32
    %dma_wait3A_1191 = arith.constant 1 : i32
    %dma_wait3A_1192 = arith.constant 0 : i32
    %dma_wait3A_1193 = arith.constant 0 : i32
    %dma_wait3A_1194 = tpu.memref_slice %arg6[%and3A_1172, %dma_wait3A_1192, %dma_wait3A_1193] : memref<2x128x128xf32, #tpu.memory_space<vmem>> -> memref<1x128x128xf32, #tpu.memory_space<vmem>>
    %dma_wait3A_1195 = tpu.memref_squeeze %dma_wait3A_1194 : memref<1x128x128xf32, #tpu.memory_space<vmem>> -> memref<128x128xf32, #tpu.memory_space<vmem>>
    %dma_wait3A_1196 = arith.constant 0 : i32
    %dma_wait3A_1197 = tpu.memref_slice %arg5[%select_n3A_1188, %dma_wait3A_1191, %dma_wait3A_1196] : memref<3x2x128xi32, #tpu.memory_space<vmem>> -> memref<1x1x128xi32, #tpu.memory_space<vmem>>
    %dma_wait3A_1198 = tpu.memref_squeeze %dma_wait3A_1197 : memref<1x1x128xi32, #tpu.memory_space<vmem>> -> memref<128xi32, #tpu.memory_space<vmem>>
    %dma_wait3A_1199 = arith.constant 0 : i32
    %dma_wait3A_1200 = arith.constant 0 : i32
    %dma_wait3A_1201 = tpu.memref_slice %arg8[%dma_wait3A_1199, %dma_wait3A_1200] : memref<10240x128xf32, #tpu.memory_space<vmem_shared>> -> memref<10240x128xf32, #tpu.memory_space<vmem_shared>>
    %dma_wait3A_1202 = tpu.memref_slice %arg11[%and3A_1190] : memref<2x!tpu.dma_semaphore, #tpu.memory_space<semaphore_mem>> -> memref<1x!tpu.dma_semaphore, #tpu.memory_space<semaphore_mem>>
    %dma_wait3A_1203 = tpu.memref_squeeze %dma_wait3A_1202 : memref<1x!tpu.dma_semaphore, #tpu.memory_space<semaphore_mem>> -> memref<!tpu.dma_semaphore, #tpu.memory_space<semaphore_mem>>
    tpu.wait_indirect_dma semaphore(%dma_wait3A_1203 : memref<!tpu.dma_semaphore, #tpu.memory_space<semaphore_mem>>) src(%dma_wait3A_1195 : memref<128x128xf32, #tpu.memory_space<vmem>>) dst(%dma_wait3A_1201 : memref<10240x128xf32, #tpu.memory_space<vmem_shared>>)
    %barrier3A_1204 = arith.constant 0 : index
    tpu.barrier barrier_id(%barrier3A_1204)
    %mul3A_1205 = arith.constant 640 : i32
    %mul3A_1206 = arith.muli %arg1, %mul3A_1205 : i32
    %mul3A_1207 = arith.constant 640 : i32
    %mul3A_1208 = arith.muli %arg1, %mul3A_1207 : i32
    "tpu.region"() ({
      %run_scoped3A = tpu.sem_alloc : memref<!tpu.dma_semaphore, #tpu.memory_space<semaphore_mem>>
      %dma_start3A_1209 = arith.constant 0 : i32
      %dma_start3A_1210 = tpu.memref_slice %arg4[%arg0, %mul3A_1208, %dma_start3A_1209] : memref<2x10240x128xf32, #tpu.memory_space<hbm>> -> memref<1x640x128xf32, #tpu.memory_space<hbm>>
      %dma_start3A_1211 = tpu.memref_squeeze %dma_start3A_1210 : memref<1x640x128xf32, #tpu.memory_space<hbm>> -> memref<640x128xf32, #tpu.memory_space<hbm>>
      %dma_start3A_1212 = arith.constant 0 : i32
      %dma_start3A_1213 = tpu.memref_slice %arg8[%mul3A_1206, %dma_start3A_1212] : memref<10240x128xf32, #tpu.memory_space<vmem_shared>> -> memref<640x128xf32, #tpu.memory_space<vmem_shared>>
      tpu.enqueue_dma source(%dma_start3A_1213 : memref<640x128xf32, #tpu.memory_space<vmem_shared>>) target(%dma_start3A_1211 : memref<640x128xf32, #tpu.memory_space<hbm>>) target_semaphore(%run_scoped3A : memref<!tpu.dma_semaphore, #tpu.memory_space<semaphore_mem>>)
      %dma_wait3A_1214 = arith.constant 0 : i32
      %dma_wait3A_1215 = tpu.memref_slice %arg4[%arg0, %mul3A_1208, %dma_wait3A_1214] : memref<2x10240x128xf32, #tpu.memory_space<hbm>> -> memref<1x640x128xf32, #tpu.memory_space<hbm>>
      %dma_wait3A_1216 = tpu.memref_squeeze %dma_wait3A_1215 : memref<1x640x128xf32, #tpu.memory_space<hbm>> -> memref<640x128xf32, #tpu.memory_space<hbm>>
      %dma_wait3A_1217 = arith.constant 0 : i32
      %dma_wait3A_1218 = tpu.memref_slice %arg8[%mul3A_1206, %dma_wait3A_1217] : memref<10240x128xf32, #tpu.memory_space<vmem_shared>> -> memref<640x128xf32, #tpu.memory_space<vmem_shared>>
      tpu.wait_dma2 semaphore(%run_scoped3A : memref<!tpu.dma_semaphore, #tpu.memory_space<semaphore_mem>>) src(%dma_wait3A_1218 : memref<640x128xf32, #tpu.memory_space<vmem_shared>>) dst(%dma_wait3A_1216 : memref<640x128xf32, #tpu.memory_space<hbm>>)
      tpu.yield
    }) : () -> ()
    return
  }
}

module attributes {stable_mosaic.version = 14 : i64} {
  func.func @_mm_body(%arg0: i32, %arg1: memref<512x2xf32, #tpu.memory_space<vmem>>, %arg2: memref<512x128xf32, #tpu.memory_space<vmem>>, %arg3: memref<128x128xf32, #tpu.memory_space<vmem>>, %arg4: memref<512x128xf32, #tpu.memory_space<vmem>>) attributes {dimension_semantics = [#tpu.dimension_semantics<arbitrary>], iteration_bounds = array<i64: 20>, scalar_prefetch = 0 : i64, scratch_operands = 0 : i64, tpu.core_type = #tpu.core_type<tc>, window_params = [{transform_indices = @transform_0, window_bounds = array<i64: 512, 2>}, {transform_indices = @transform_1, window_bounds = array<i64: 512, 128>}, {pipeline_mode = #tpu.pipeline_mode<synchronous>, transform_indices = @transform_2, window_bounds = array<i64: 128, 128>}, {transform_indices = @transform_3, window_bounds = array<i64: 512, 128>}]} {
    %get3A = arith.constant 0 : index
    %get3A_0 = arith.constant 0 : index
    %get3A_1 = vector.load %arg1[%get3A, %get3A_0] : memref<512x2xf32, #tpu.memory_space<vmem>>, vector<512x1xf32>
    %get3A_2 = arith.constant 0 : index
    %get3A_3 = arith.constant 1 : index
    %get3A_4 = vector.load %arg1[%get3A_2, %get3A_3] : memref<512x2xf32, #tpu.memory_space<vmem>>, vector<512x1xf32>
    %add3A = arith.addf %get3A_1, %get3A_4 : vector<512x1xf32>
    %add3A_5 = arith.constant 1.000000e+00 : f32
    %add3A_6 = vector.broadcast %add3A_5 : f32 to vector<512x1xf32>
    %add3A_7 = arith.addf %add3A, %add3A_6 : vector<512x1xf32>
    %rsqrt3A = math.rsqrt %add3A_7 : vector<512x1xf32>
    %get3A_8 = arith.constant 0 : index
    %get3A_9 = arith.constant 0 : index
    %get3A_10 = vector.load %arg2[%get3A_8, %get3A_9] : memref<512x128xf32, #tpu.memory_space<vmem>>, vector<512x128xf32>
    %get3A_11 = arith.constant 0 : index
    %get3A_12 = arith.constant 0 : index
    %get3A_13 = vector.load %arg3[%get3A_11, %get3A_12] : memref<128x128xf32, #tpu.memory_space<vmem>>, vector<128x128xf32>
    %dot_general3A = arith.constant dense<0.000000e+00> : vector<512x128xf32>
    %dot_general3A_14 = tpu.matmul %get3A_10, %get3A_13, %dot_general3A {dimension_numbers = #tpu.dot_dimension_numbers<[1], [0], [0], [1], [0, 0, 1, 1], [], []>, transpose_lhs_hint = false} : vector<512x128xf32>, vector<128x128xf32>, vector<512x128xf32> -> vector<512x128xf32>
    %mul3A = vector.broadcast %rsqrt3A : vector<512x1xf32> to vector<512x128xf32>
    %mul3A_15 = arith.mulf %dot_general3A_14, %mul3A : vector<512x128xf32>
    %swap3A = arith.constant 0 : index
    %swap3A_16 = arith.constant 0 : index
    %swap3A_17 = vector.load %arg4[%swap3A, %swap3A_16] : memref<512x128xf32, #tpu.memory_space<vmem>>, vector<512x128xf32>
    tpu.vector_store %arg4[%swap3A, %swap3A_16], %mul3A_15 {strides = array<i32>} : memref<512x128xf32, #tpu.memory_space<vmem>>, vector<512x128xf32>,
    return
  }
  func.func @transform_0(%arg0: i32) -> (i32, i32) {
    %c0_i32 = arith.constant 0 : i32
    %c0_i32_0 = arith.constant 0 : i32
    return %arg0, %c0_i32 : i32, i32
  }
  func.func @transform_1(%arg0: i32) -> (i32, i32) {
    %c0_i32 = arith.constant 0 : i32
    %c0_i32_0 = arith.constant 0 : i32
    return %arg0, %c0_i32 : i32, i32
  }
  func.func @transform_2(%arg0: i32) -> (i32, i32) {
    %c0_i32 = arith.constant 0 : i32
    %c0_i32_0 = arith.constant 0 : i32
    %c0_i32_1 = arith.constant 0 : i32
    return %c0_i32, %c0_i32_0 : i32, i32
  }
  func.func @transform_3(%arg0: i32) -> (i32, i32) {
    %c0_i32 = arith.constant 0 : i32
    %c0_i32_0 = arith.constant 0 : i32
    return %arg0, %c0_i32 : i32, i32
  }
}

module attributes {stable_mosaic.version = 14 : i64} {
  func.func @_fin_body(%arg0: i32, %arg1: memref<512x2xf32, #tpu.memory_space<vmem>>, %arg2: memref<2x512x128xf32, #tpu.memory_space<vmem>>, %arg3: memref<512x128xf32, #tpu.memory_space<vmem>>, %arg4: memref<1x128xf32, #tpu.memory_space<vmem>>, %arg5: memref<1x128xf32, #tpu.memory_space<vmem>>, %arg6: memref<512x128xf32, #tpu.memory_space<vmem>>) attributes {dimension_semantics = [#tpu.dimension_semantics<arbitrary>], iteration_bounds = array<i64: 20>, scalar_prefetch = 0 : i64, scratch_operands = 0 : i64, tpu.core_type = #tpu.core_type<tc>, window_params = [{transform_indices = @transform_0, window_bounds = array<i64: 512, 2>}, {transform_indices = @transform_1, window_bounds = array<i64: 2, 512, 128>}, {transform_indices = @transform_2, window_bounds = array<i64: 512, 128>}, {pipeline_mode = #tpu.pipeline_mode<synchronous>, transform_indices = @transform_3, window_bounds = array<i64: 1, 128>}, {pipeline_mode = #tpu.pipeline_mode<synchronous>, transform_indices = @transform_4, window_bounds = array<i64: 1, 128>}, {transform_indices = @transform_5, window_bounds = array<i64: 512, 128>}]} {
    %get3A = arith.constant 0 : index
    %get3A_0 = arith.constant 0 : index
    %get3A_1 = vector.load %arg1[%get3A, %get3A_0] : memref<512x2xf32, #tpu.memory_space<vmem>>, vector<512x1xf32>
    %get3A_2 = arith.constant 0 : index
    %get3A_3 = arith.constant 1 : index
    %get3A_4 = vector.load %arg1[%get3A_2, %get3A_3] : memref<512x2xf32, #tpu.memory_space<vmem>>, vector<512x1xf32>
    %add3A = arith.addf %get3A_1, %get3A_4 : vector<512x1xf32>
    %add3A_5 = arith.constant 1.000000e+00 : f32
    %add3A_6 = vector.broadcast %add3A_5 : f32 to vector<512x1xf32>
    %add3A_7 = arith.addf %add3A, %add3A_6 : vector<512x1xf32>
    %rsqrt3A = math.rsqrt %add3A_7 : vector<512x1xf32>
    %get3A_8 = arith.constant 0 : index
    %get3A_9 = arith.constant 0 : index
    %get3A_10 = arith.constant 0 : index
    %get3A_11 = vector.load %arg2[%get3A_8, %get3A_9, %get3A_10] : memref<2x512x128xf32, #tpu.memory_space<vmem>>, vector<1x512x128xf32>
    %get3A_12 = vector.shape_cast %get3A_11 : vector<1x512x128xf32> to vector<512x128xf32>
    %get3A_13 = arith.constant 1 : index
    %get3A_14 = arith.constant 0 : index
    %get3A_15 = arith.constant 0 : index
    %get3A_16 = vector.load %arg2[%get3A_13, %get3A_14, %get3A_15] : memref<2x512x128xf32, #tpu.memory_space<vmem>>, vector<1x512x128xf32>
    %get3A_17 = vector.shape_cast %get3A_16 : vector<1x512x128xf32> to vector<512x128xf32>
    %add3A_18 = arith.addf %get3A_12, %get3A_17 : vector<512x128xf32>
    %get3A_19 = arith.constant 0 : index
    %get3A_20 = arith.constant 0 : index
    %get3A_21 = vector.load %arg3[%get3A_19, %get3A_20] : memref<512x128xf32, #tpu.memory_space<vmem>>, vector<512x128xf32>
    %add3A_22 = arith.addf %add3A_18, %get3A_21 : vector<512x128xf32>
    %mul3A = vector.broadcast %rsqrt3A : vector<512x1xf32> to vector<512x128xf32>
    %mul3A_23 = arith.mulf %add3A_22, %mul3A : vector<512x128xf32>
    %get3A_24 = arith.constant 0 : index
    %get3A_25 = arith.constant 0 : index
    %get3A_26 = vector.load %arg4[%get3A_24, %get3A_25] : memref<1x128xf32, #tpu.memory_space<vmem>>, vector<1x128xf32>
    %add3A_27 = vector.broadcast %get3A_26 : vector<1x128xf32> to vector<512x128xf32>
    %add3A_28 = arith.addf %mul3A_23, %add3A_27 : vector<512x128xf32>
    %ge3A = arith.constant 0.000000e+00 : f32
    %ge3A_29 = vector.broadcast %ge3A : f32 to vector<512x128xf32>
    %ge3A_30 = arith.cmpf oge, %add3A_28, %ge3A_29 : vector<512x128xf32>
    %get3A_31 = arith.constant 0 : index
    %get3A_32 = arith.constant 0 : index
    %get3A_33 = vector.load %arg5[%get3A_31, %get3A_32] : memref<1x128xf32, #tpu.memory_space<vmem>>, vector<1x128xf32>
    %mul3A_34 = vector.broadcast %get3A_33 : vector<1x128xf32> to vector<512x128xf32>
    %mul3A_35 = arith.mulf %mul3A_34, %add3A_28 : vector<512x128xf32>
    %select_n3A = arith.select %ge3A_30, %add3A_28, %mul3A_35 : vector<512x128xi1>, vector<512x128xf32>
    %swap3A = arith.constant 0 : index
    %swap3A_36 = arith.constant 0 : index
    %swap3A_37 = vector.load %arg6[%swap3A, %swap3A_36] : memref<512x128xf32, #tpu.memory_space<vmem>>, vector<512x128xf32>
    tpu.vector_store %arg6[%swap3A, %swap3A_36], %select_n3A {strides = array<i32>} : memref<512x128xf32, #tpu.memory_space<vmem>>, vector<512x128xf32>,
    return
  }
  func.func @transform_0(%arg0: i32) -> (i32, i32) {
    %c0_i32 = arith.constant 0 : i32
    %c0_i32_0 = arith.constant 0 : i32
    return %arg0, %c0_i32 : i32, i32
  }
  func.func @transform_1(%arg0: i32) -> (i32, i32, i32) {
    %c0_i32 = arith.constant 0 : i32
    %c0_i32_0 = arith.constant 0 : i32
    %c0_i32_1 = arith.constant 0 : i32
    return %c0_i32, %arg0, %c0_i32_0 : i32, i32, i32
  }
  func.func @transform_2(%arg0: i32) -> (i32, i32) {
    %c0_i32 = arith.constant 0 : i32
    %c0_i32_0 = arith.constant 0 : i32
    return %arg0, %c0_i32 : i32, i32
  }
  func.func @transform_3(%arg0: i32) -> (i32, i32) {
    %c0_i32 = arith.constant 0 : i32
    %c0_i32_0 = arith.constant 0 : i32
    %c0_i32_1 = arith.constant 0 : i32
    return %c0_i32, %c0_i32_0 : i32, i32
  }
  func.func @transform_4(%arg0: i32) -> (i32, i32) {
    %c0_i32 = arith.constant 0 : i32
    %c0_i32_0 = arith.constant 0 : i32
    %c0_i32_1 = arith.constant 0 : i32
    return %c0_i32, %c0_i32_0 : i32, i32
  }
  func.func @transform_5(%arg0: i32) -> (i32, i32) {
    %c0_i32 = arith.constant 0 : i32
    %c0_i32_0 = arith.constant 0 : i32
    return %arg0, %c0_i32 : i32, i32
  }
}

</mosaic_0001>

<sc_bundles>
// kernel: kernel.6.cloned.1.call-start
scs
__scs_entry_jumppad:
0x0: {  	(pc) =	sbr.rel $0x88, $3  }
0x1: {  	(tag) =	ssettag $0x0;
	lr =	simm.s32 $0x1  }
0x2: {  	[smem:$0x3F9C] =	sst lr;
	_ =	strace $0xD0000000  }
0x3: {  	_ = 	snop  }
0x4: {  	_ = 	snop  }
0x5: {  	_ = 	snop  }
0x6: {  	_ = 	snop  }
0x7: {  	_ = 	snop  }
__scs_overlays_trampoline_lowered:
0x8: {  	[smem:$0x3FAB] =	sst s0  }
0x9: {  	[smem:$0x3FAC] =	sst s1  }
0xa: {  	[smem:$0x3FAD] =	sst s2  }
0xb: {  	[smem:$0x3FAE] =	sst s3  }
0xc: {  	[smem:$0x3FAF] =	sst s4  }
0xd: {  	[smem:$0x3FB0] =	sst s5  }
0xe: {  	[smem:$0x3FB1] =	sst s6  }
0xf: {  	[smem:$0x3FB2] =	sst s7  }
0x10: {  	[smem:$0x3FB3] =	sst s8  }
0x11: {  	[smem:$0x3FB4] =	sst s9;
	s0 =	simm.s32 @!p0 $0x0  }
0x12: {  	s1 =	sld [smem:$0x3F9A];
	s0 =	simm.s32 @p0 $0x1  }
0x13: {  	[smem:$0x3FB5] =	sst s0;
	s0 =	simm.s32 @!p1 $0x0  }
0x14: {  	s2 =	sld [smem:$0x3F99];
	s0 =	simm.s32 @p1 $0x1  }
0x15: {  	[smem:$0x3FB6] =	sst s0;
	s0 =	simm.s32 @!p2 $0x0  }
0x16: {  	s3 =	sld [smem:$0x3FDB];
	s0 =	simm.s32 @p2 $0x1  }
0x17: {  	s4 =	simm.s32 $0x1BF5;
	[smem:$0x3FB8] =	sst s0  }
0x18: {  	s0 =	sld [smem:$0x3F9B];
	_ =	swait.ge [sflag:s4], $0x0  }
0x19: {  	s7 =	sld [smem:$0x3F9C]  }
0x1a: {  	s8 =	sadd.s32 $0xFFFFE003, lr  }
0x1b: {  	s9 =	sadd.s32 $0xFFFFFEF7, lr;
	s5 =	simm.s32 $0xFFFFFFFF;
	p2 =	slt.u32 s8, $0xFFFFF086  }
0x1c: {  	p1 =	slt.u32 s9, $0xF7A;
	s5 =	simm.s32 @!p2 $0x0  }
0x1d: {  	s5 =	simm.s32 @p1 $0x1;
	p0 =	seq.s32 s7, s2  }
0x1e: {  	s7 =	smul.u32 @!p0 $0xF7A, s2;
	p2 =	seq.s32 @!p0 s5, $0x0  }
0x1f: {  	s9 =	smul.u32 $0xF7A, s1;
	s8 =	simm.s32 @!p0 $0x1BF5;
	p2 =	por !p2, p0  }
0x20: {  	[sflag:s8] =	ssyncset.s32 @!p0 $0xFFFFF086;
	s6 =	sadd.s32 @!p0 s3, s7;
	s7 =	simm.s32 @!p0 $0x108  }
0x21: {  	s3 =	sadd.s32 s3, s9;
	s6 =	sadd.s32 @!p0 $0x88, s6;
	s7 =	simm.s32 @p2 $0x1082  }
0x22: {  	[simem:s7], [sflag:s8] =	dma.local @!p0 [hbm:s6], $0xF7A  }
0x23: {  	s9 =	sor.u32 $0xD0000000, s2;
	s6 =	simm.s32 $0x108;
	_ =	swait.ge @!p0 [sflag:s8], $0x0  }
0x24: {  	s3 =	sadd.s32 $0x88, s3;
	s6 =	simm.s32 @!p1 $0x1082;
	[sflag:s4] =	ssyncset.s32 $0xFFFFF086  }
0x25: {  	[simem:s6], [sflag:s4] =	dma.local [hbm:s3], $0xF7A  }
0x26: {  	[smem:$0x3F9C] =	sst s1;
	(tag) =	ssettag s2;
	_ =	strace s9  }
0x27: {  	s1 =	sld [smem:$0x3FAC]  }
0x28: {  	s2 =	sld [smem:$0x3FAD]  }
0x29: {  	s4 =	sld [smem:$0x3FAF]  }
0x2a: {  	p0 =	seq.s32 s5, $0x0;
	s5 =	sld [smem:$0x3FB0]  }
0x2b: {  	s6 =	sld [smem:$0x3FB1]  }
0x2c: {  	s7 =	sld [smem:$0x3FB2]  }
0x2d: {  	s3 =	simm.s32 $0x108;
	s8 =	sld [smem:$0x3FB3]  }
0x2e: {  	s3 =	simm.s32 @!p0 $0x1082;
	s9 =	sld [smem:$0x3FB4]  }
0x2f: {  	lr =	sadd.s32 s0, s3;
	s0 =	sld [smem:$0x3FAB]  }
0x30: {  	s3 =	sld [smem:$0x3FAE]  }
0x31: {  	[smem:$0x3FB7] =	sst s10  }
0x32: {  	s10 =	sld [smem:$0x3FB5];
	_ =	sdelay $0x3  }
0x33: {  	p0 =	seq.s32 s10, $0x1;
	s10 =	sld [smem:$0x3FB7];
	_ =	sdelay $0x3  }
0x34: {  	[smem:$0x3FB7] =	sst s10  }
0x35: {  	s10 =	sld [smem:$0x3FB6];
	_ =	sdelay $0x3  }
0x36: {  	p1 =	seq.s32 s10, $0x1;
	s10 =	sld [smem:$0x3FB7];
	_ =	sdelay $0x3  }
0x37: {  	[smem:$0x3FB7] =	sst s10  }
0x38: {  	s10 =	sld [smem:$0x3FB8]  }
0x39: {  	_ = 	snop;
	(pc) =	sbr.ind lr, $3  }
0x3a: {  	_ = 	snop  }
0x3b: {  	_ = 	snop  }
0x3c: {  	p2 =	seq.s32 s10, $0x1;
	s10 =	sld [smem:$0x3FB7]  }
0x3d: {  	_ =	shalt  }
0x3e: {  	_ =	shalt  }
0x3f: {  	_ =	shalt  }
0x40: {  	_ =	shalt  }
0x41: {  	_ =	shalt  }
0x42: {  	_ =	shalt  }
0x43: {  	_ =	shalt  }
0x44: {  	_ =	shalt  }
0x45: {  	_ =	shalt  }
0x46: {  	_ =	shalt  }
0x47: {  	_ =	shalt  }
0x48: {  	_ =	shalt  }
0x49: {  	_ =	shalt  }
0x4a: {  	_ =	shalt  }
0x4b: {  	_ =	shalt  }
0x4c: {  	_ =	shalt  }
0x4d: {  	_ =	shalt  }
0x4e: {  	_ =	shalt  }
0x4f: {  	_ =	shalt  }
0x50: {  	_ =	shalt  }
0x51: {  	_ =	shalt  }
0x52: {  	_ =	shalt  }
0x53: {  	_ =	shalt  }
0x54: {  	_ =	shalt  }
0x55: {  	_ =	shalt  }
0x56: {  	_ =	shalt  }
0x57: {  	_ =	shalt  }
0x58: {  	_ =	shalt  }
0x59: {  	_ =	shalt  }
0x5a: {  	_ =	shalt  }
0x5b: {  	_ =	shalt  }
0x5c: {  	_ =	shalt  }
0x5d: {  	_ =	shalt  }
0x5e: {  	_ =	shalt  }
0x5f: {  	_ =	shalt  }
0x60: {  	_ =	shalt  }
0x61: {  	_ =	shalt  }
0x62: {  	_ =	shalt  }
0x63: {  	_ =	shalt  }
0x64: {  	_ =	shalt  }
0x65: {  	_ =	shalt  }
0x66: {  	_ =	shalt  }
0x67: {  	_ =	shalt  }
0x68: {  	_ =	shalt  }
0x69: {  	_ =	shalt  }
0x6a: {  	_ =	shalt  }
0x6b: {  	_ =	shalt  }
0x6c: {  	_ =	shalt  }
0x6d: {  	_ =	shalt  }
0x6e: {  	_ =	shalt  }
0x6f: {  	_ =	shalt  }
0x70: {  	_ =	shalt  }
0x71: {  	_ =	shalt  }
0x72: {  	_ =	shalt  }
0x73: {  	_ =	shalt  }
0x74: {  	_ =	shalt  }
0x75: {  	_ =	shalt  }
0x76: {  	_ =	shalt  }
0x77: {  	_ =	shalt  }
0x78: {  	_ =	shalt  }
0x79: {  	_ =	shalt  }
0x7a: {  	_ =	shalt  }
0x7b: {  	_ =	shalt  }
0x7c: {  	_ =	shalt  }
0x7d: {  	_ =	shalt  }
0x7e: {  	_ =	shalt  }
0x7f: {  	_ =	shalt  }
0x80: {  	_ =	shalt  }
0x81: {  	_ =	shalt  }
0x82: {  	_ =	shalt  }
0x83: {  	_ =	shalt  }
0x84: {  	_ =	shalt  }
0x85: {  	_ =	shalt  }
0x86: {  	_ =	shalt  }
0x87: {  	_ =	shalt  }
.Lfunc_end0:
.L_simem_size_0:
called_computation_lowered:
.L_overlay_start_0:
0x88: {  	s2 =	sld [smem:$0x3FD9]  }
0x89: {  	s3 =	sld [smem:$0x3FFE];
	_ =	sdelay $0x1  }
0x8a: {  	s1 =	srdreg.scid  }
0x8b: {  	s0 =	sand.u32 $0x1, s1  }
0x8c: {  	s17 =	sshll.u32 s0, $0xA;
	s2 =	sadd.s32 s3, s2  }
0x8d: {  	s2 =	sadd.s32 s2, s17  }
0x8e: {  	[smem:$0x3FC3] =	sst s2  }
0x8f: {  	_ = 	snop  }
0x90: {  	s2 =	sld [smem:$0x3FD0];
	(tm) =	ssettm $0x1  }
0x91: {  	s18 =	sld [smem:$0x3FFB];
	_ =	sdelay $0x3  }
0x92: {  	_ =	strace s18  }
0x93: {  	s3 =	sld [smem:$0x3FFC];
	_ =	sdelay $0x3  }
0x94: {  	_ =	strace s3  }
0x95: {  	s3 =	sld [smem:$0x3FFD];
	_ =	sdelay $0x3  }
0x96: {  	_ =	strace s3  }
0x97: {  	_ =	strace $0x8FFFFFFF  }
0x98: {  	s19 =	sld [smem:$0x3FDB];
	_ =	sdelay $0x1  }
0x99: {  	s4 =	simm.s32 $_scs_section_size  }
0x9a: {  	s5 =	simm.s32 $_size__tile_overlayer_lowered;
	s6 =	simm.s32 $_tile_overlayer_lowered  }
0x9b: {  	s22 =	simm.s32 $0x1BFF;
	s21 =	sshll.u32 s6, $0x1;
	s3 =	sadd.s32 s4, s19  }
0x9c: {  	s7 =	simm.s32 $0x0;
	s20 =	sshll.u32 s5, $0x1;
	s5 =	sadd.s32 s21, s3  }
0x9d: {  	[timem:s7], [sflag:s22] =	dma.local [hbm:s5], s20  }
0x9e: {  	_ =	swait.ge [sflag:s22], s20  }
0x9f: {  	s4 =	ssub.s32 $0x0, s20;
	[sflag:s22] =	ssyncset.done $0x0  }
0xa0: {  	[sflag:s22] =	ssyncadd.s32 s4;
	_ =	sdelay $0x1  }
0xa1: {  	s23 =	simm.s32 $0x1B8B  }
0xa2: {  	_ =	swait.ge [sflag:s23], $0x1  }
0xa3: {  	[sflag:s23] =	ssyncset.done $0x0  }
0xa4: {  	s25 =	simm.s32 $0x1B8E;
	s24 =	sld [smem:$0x3FFE];
	[sflag:s23] =	ssyncadd.s32 $0xFFFFFFFF  }
0xa5: {  	s26 =	simm.s32 $execute0_lowered;
	[smem:$0x3FD2] =	sst s25  }
0xa6: {  	s5 =	sshll.u32 s26, $0x1;
	_ =	strace $0x80000046;
	[dreg:$0x1] =	wrdreg $0xFFFFFFFF  }
0xa7: {  	s28 =	simm.s32 $_size_execute0_lowered;
	s3 =	sadd.s32 s3, s5;
	[dreg:$0x0] =	wrdreg $0x0  }
0xa8: {  	s5 =	sshll.u32 s28, $0x1;
	[dreg:$0x2] =	wrdreg s3  }
0xa9: {  	[dreg:$0x3] =	wrdreg s5  }
0xaa: {  	[dreg:$0x4] =	wrdreg $0xC0  }
0xab: {  	_ =	task [dreg:s7], $0x5FFFF  }
0xac: {  	[dreg:$0x1] =	wrdreg $0xFFFFFFFF  }
0xad: {  	[dreg:$0x0] =	wrdreg $0x60  }
0xae: {  	[dreg:$0x2] =	wrdreg s24  }
0xaf: {  	[dreg:$0x3] =	wrdreg s2  }
0xb0: {  	[dreg:$0x4] =	wrdreg $0x52000  }
0xb1: {  	[dreg:$0x5] =	wrdreg $0x9  }
0xb2: {  	_ =	task.clear_ibuf [dreg:s7], $0x6FFFF;
	_ =	strace $0x90000046  }
0xb3: {  	s29 =	simm.s32 $0x9;
	_ =	strace $0x80000048  }
0xb4: {  	_ =	swait.ge [sflag:s29], $0x1  }
0xb5: {  	[sflag:s29] =	ssyncadd.s32 $0xFFFFFFFF  }
0xb6: {  	_ =	strace $0x90000048  }
0xb7: {  	_ =	sfence  }
0xb8: {  	s30 =	sld [smem:$0x0];
	_ =	sdelay $0x2  }
0xb9: {  	s31 =	sshll.u32 s1, $0xD;
	s1 =	sshrl.u32 s1, $0x2  }
0xba: {  	s3 =	sand.u32 $0x4000, s31;
	s1 =	sadd.s32 s1, s30  }
0xbb: {  	s0 =	sor.u32 s3, s0;
	s1 =	sshll.u32 s1, $0x11  }
0xbc: {  	s0 =	sor.u32 s1, s0  }
0xbd: {  	s0 =	sadd.s32 $0x8F2B, s0  }
0xbe: {  	[sflag:s0] =	ssyncadd.remote.s32 $0x1  }
0xbf: {  	_ =	sfence.sel $0xFFFF  }
0xc0: {  	[dreg:$0x0] =	wrdreg $0xFFFFFFFF;
	(pc) =	sbr.abs _section_cstart, $3  }
0xc1: {  	[dreg:$0x1] =	wrdreg $0xFFFFFFFF  }
0xc2: {  	_ =	task.clear_ibuf [dreg:s7], $0x2FFFF;
	_ =	strace $0x9FFFFFFF  }
0xc3: {  	(tm) =	ssettm $0x7FFFFFFF  }
tec
execute0_lowered:
.L_overlay_start_1:
0x0: {  	(tag) =	ssettag $0x1  }
0x1: {  	s1 =	rddreg [dreg:$0x0]  }
0x2: {  	s3 =	rddreg [dreg:$0x1];
	s4 =	srdreg.scid  }
0x3: {  	s0 =	stileid.u32;
	s2 =	rddreg [dreg:$0x2];
	s6 =	simm.s32 $0x0  }
0x4: {  	s10 =	simm.s32 $0x80;
	s11 =	simm.s32 $0x4F00;
	s28 =	simm.s32 $0x1  }
0x5: {  	s29 =	simm.s32 $0x4080;
	s30 =	simm.s32 $0x4180;
	s31 =	simm.s32 $0x4280  }
0x6: {  	s9 =	simm.s32 $0x4580;
	s12 =	simm.s32 $0x4680;
	s13 =	simm.s32 $0x4780  }
0x7: {  	s14 =	simm.s32 $0x4880;
	s15 =	simm.s32 $0x4980;
	s16 =	simm.s32 $0x4A80  }
0x8: {  	s17 =	simm.s32 $0x4B80;
	s18 =	simm.s32 $0x4C80;
	s19 =	simm.s32 $0x4D80  }
0x9: {  	s20 =	simm.s32 $0x4E80;
	s21 =	simm.s32 $0x20;
	s22 =	simm.s32 $0x10  }
0xa: {  	s23 =	simm.s32 $0x0;
	s4 =	sand.u32 $0x1, s4;
	s24 =	smul.u32 $0x500, s0  }
0xb: {  	s5 =	sshll.u32 s0, $0x1;
	[smem:$0x7FF] =	sst s6;
	s8 =	smul.u32 $0xA00, s0  }
0xc: {  	s5 =	sor.u32 s4, s5;
	_ =	strace $0x80000047;
	s7 =	ssub.s32 $0x2, s4  }
0xd: {  	s4 =	sshll.u32 s4, $0x7;
	s5 =	smul.u32 $0x9E0, s5;
	s25 =	sshrl.u32 s7, $0x1  }
0xe: {  	s4 =	sor.u32 s4, s24;
	s26 =	sshrl.u32 s8, $0x2;
	s8 =	simm.s32 $0x2  }
0xf: {  	s7 =	ssub.s32 s7, s25;
	s6 =	sshrl.u32 s4, $0x3;
	s1 =	sadd.s32 s5, s1  }
0x10: {  	s5 =	sadd.s32 s26, s2;
	s6 =	sadd.s32 s3, s6;
	s7 =	smax.u32 s7, $0x1  }
0x11: {  	v0 =	vimm.f32 $1.000000000e+00;
	v1 =	vimm.f32 $0.0e+00;
	s3 =	simm.s32 $0x4480;
	s4 =	sadd.s32 $0x1400, s1;
	s1 =	simm.s32 $0x4380  }
.LBB2_1:
0x12: {  	[tilespmem:$0x4F00] =	vst v0  }
0x13: {  	[tilespmem:$0x4F10] =	vst v0  }
0x14: {  	[tilespmem:$0x4F20] =	vst v0  }
0x15: {  	[tilespmem:$0x4F30] =	vst v0  }
0x16: {  	[tilespmem:$0x4F40] =	vst v0  }
0x17: {  	[tilespmem:$0x4F50] =	vst v0  }
0x18: {  	[tilespmem:$0x4F60] =	vst v0  }
0x19: {  	[tilespmem:$0x4F70] =	vst v0  }
0x1a: {  	[tilespmem:$0x4F80] =	vst v1  }
0x1b: {  	[tilespmem:$0x4F90] =	vst v1  }
0x1c: {  	[tilespmem:$0x4FA0] =	vst v1  }
0x1d: {  	[tilespmem:$0x4FB0] =	vst v1  }
0x1e: {  	[tilespmem:$0x4FC0] =	vst v1  }
0x1f: {  	[tilespmem:$0x4FD0] =	vst v1  }
0x20: {  	[tilespmem:$0x4FE0] =	vst v1  }
0x21: {  	[tilespmem:$0x4FF0] =	vst v1  }
0x22: {  	[tilespmem:$0x5000] =	vst v1  }
0x23: {  	[tilespmem:$0x5010] =	vst v1  }
0x24: {  	[tilespmem:$0x5020] =	vst v1  }
0x25: {  	[tilespmem:$0x5030] =	vst v1  }
0x26: {  	[tilespmem:$0x5040] =	vst v1  }
0x27: {  	[tilespmem:$0x5050] =	vst v1  }
0x28: {  	[tilespmem:$0x5060] =	vst v1  }
0x29: {  	[tilespmem:$0x5070] =	vst v1  }
0x2a: {  	[tilespmem:$0x5080] =	vst v1  }
0x2b: {  	[tilespmem:$0x5090] =	vst v1  }
0x2c: {  	[tilespmem:$0x50A0] =	vst v1  }
0x2d: {  	[tilespmem:$0x50B0] =	vst v1  }
0x2e: {  	[tilespmem:$0x50C0] =	vst v1  }
0x2f: {  	[tilespmem:$0x50D0] =	vst v1  }
0x30: {  	[tilespmem:$0x50E0] =	vst v1  }
0x31: {  	[tilespmem:$0x50F0] =	vst v1  }
0x32: {  	[tilespmem:$0x5100] =	vst v1  }
0x33: {  	[tilespmem:$0x5110] =	vst v1  }
0x34: {  	[tilespmem:$0x5120] =	vst v1  }
0x35: {  	[tilespmem:$0x5130] =	vst v1  }
0x36: {  	[tilespmem:$0x5140] =	vst v1  }
0x37: {  	[tilespmem:$0x5150] =	vst v1  }
0x38: {  	[tilespmem:$0x5160] =	vst v1  }
0x39: {  	[tilespmem:$0x5170] =	vst v1  }
0x3a: {  	[tilespmem:$0x5180] =	vst v1  }
0x3b: {  	[tilespmem:$0x5190] =	vst v1  }
0x3c: {  	[tilespmem:$0x51A0] =	vst v1  }
0x3d: {  	[tilespmem:$0x51B0] =	vst v1  }
0x3e: {  	[tilespmem:$0x51C0] =	vst v1  }
0x3f: {  	[tilespmem:$0x51D0] =	vst v1  }
0x40: {  	[tilespmem:$0x51E0] =	vst v1  }
0x41: {  	[tilespmem:$0x51F0] =	vst v1;
	s24 =	simm.s32 $0x0  }
0x42: {  	[tilespmem:s24], [sflag:$0x2] =	stream.linear.gather [hbm4b:s4+s24], $0x4F00, $0x38;
	[tilespmem:$0x5480] =	vst v63  }
0x43: {  	_ =	swait.ge [sflag:s8], $0x4F00  }
0x44: {  	[sflag:s8] =	ssyncset.done $0x0  }
0x45: {  	s25 =	simm.s32 $0x4F80;
	[sflag:s8] =	ssyncadd.s32 $0xFFFFB100  }
0x46: {  	[spmem:s5] =	stream.linear.scatter [tilespmem:s25], [sflag:$0x2], $0x280, $0x38;
	[tilespmem:$0x5480] =	vst v63  }
0x47: {  	_ =	swait.ge [sflag:s8], $0x280  }
0x48: {  	[sflag:s8] =	ssyncset.done $0x0  }
0x49: {  	[sflag:s8] =	ssyncadd.s32 $0xFFFFFD80  }
0x4a: {  	[bflag:$0x0] =	sbarrier.arrive $0xFFFF  }
0x4b: {  	[spmem:s2] =	stream.indirect.scatter.add.f32 [tilespmem:s11], [sflag:$0x1], $0x1, s10, s10, $0xb8;
	[tilespmem:$0x5480] =	vst v63  }
0x4c: {  	s26 =	simm.s32 $0x180  }
0x4d: {  	[spmem:s2] =	stream.indirect.scatter.add.f32 [tilespmem:s11], [sflag:$0x1], $0x1, s26, s10, $0xb8;
	[tilespmem:$0x5480] =	vst v63  }
0x4e: {  	s25 =	simm.s32 $0x280  }
0x4f: {  	[spmem:s2] =	stream.indirect.scatter.add.f32 [tilespmem:s11], [sflag:$0x1], $0x1, s25, s10, $0xb8;
	[tilespmem:$0x5480] =	vst v63  }
0x50: {  	s26 =	simm.s32 $0x380  }
0x51: {  	[spmem:s2] =	stream.indirect.scatter.add.f32 [tilespmem:s11], [sflag:$0x1], $0x1, s26, s10, $0xb8;
	[tilespmem:$0x5480] =	vst v63  }
0x52: {  	s25 =	simm.s32 $0x480  }
0x53: {  	[spmem:s2] =	stream.indirect.scatter.add.f32 [tilespmem:s11], [sflag:$0x1], $0x1, s25, s10, $0xb8;
	[tilespmem:$0x5480] =	vst v63  }
0x54: {  	s26 =	simm.s32 $0x580  }
0x55: {  	[spmem:s2] =	stream.indirect.scatter.add.f32 [tilespmem:s11], [sflag:$0x1], $0x1, s26, s10, $0xb8;
	[tilespmem:$0x5480] =	vst v63  }
0x56: {  	s25 =	simm.s32 $0x680  }
0x57: {  	[spmem:s2] =	stream.indirect.scatter.add.f32 [tilespmem:s11], [sflag:$0x1], $0x1, s25, s10, $0xb8;
	[tilespmem:$0x5480] =	vst v63  }
0x58: {  	s26 =	simm.s32 $0x780  }
0x59: {  	[spmem:s2] =	stream.indirect.scatter.add.f32 [tilespmem:s11], [sflag:$0x1], $0x1, s26, s10, $0xb8;
	[tilespmem:$0x5480] =	vst v63  }
0x5a: {  	s25 =	simm.s32 $0x880  }
0x5b: {  	[spmem:s2] =	stream.indirect.scatter.add.f32 [tilespmem:s11], [sflag:$0x1], $0x1, s25, s10, $0xb8;
	[tilespmem:$0x5480] =	vst v63  }
0x5c: {  	s26 =	simm.s32 $0x980  }
0x5d: {  	[spmem:s2] =	stream.indirect.scatter.add.f32 [tilespmem:s11], [sflag:$0x1], $0x1, s26, s10, $0xb8;
	[tilespmem:$0x5480] =	vst v63  }
0x5e: {  	s25 =	simm.s32 $0xA80  }
0x5f: {  	[spmem:s2] =	stream.indirect.scatter.add.f32 [tilespmem:s11], [sflag:$0x1], $0x1, s25, s10, $0xb8;
	[tilespmem:$0x5480] =	vst v63  }
0x60: {  	s26 =	simm.s32 $0xB80  }
0x61: {  	[spmem:s2] =	stream.indirect.scatter.add.f32 [tilespmem:s11], [sflag:$0x1], $0x1, s26, s10, $0xb8;
	[tilespmem:$0x5480] =	vst v63  }
0x62: {  	s25 =	simm.s32 $0xC80  }
0x63: {  	[spmem:s2] =	stream.indirect.scatter.add.f32 [tilespmem:s11], [sflag:$0x1], $0x1, s25, s10, $0xb8;
	[tilespmem:$0x5480] =	vst v63  }
0x64: {  	s26 =	simm.s32 $0xD80  }
0x65: {  	[spmem:s2] =	stream.indirect.scatter.add.f32 [tilespmem:s11], [sflag:$0x1], $0x1, s26, s10, $0xb8;
	[tilespmem:$0x5480] =	vst v63  }
0x66: {  	s25 =	simm.s32 $0xE80  }
0x67: {  	[spmem:s2] =	stream.indirect.scatter.add.f32 [tilespmem:s11], [sflag:$0x1], $0x1, s25, s10, $0xb8;
	[tilespmem:$0x5480] =	vst v63  }
0x68: {  	s26 =	simm.s32 $0xF80  }
0x69: {  	[spmem:s2] =	stream.indirect.scatter.add.f32 [tilespmem:s11], [sflag:$0x1], $0x1, s26, s10, $0xb8;
	[tilespmem:$0x5480] =	vst v63  }
0x6a: {  	s25 =	simm.s32 $0x1080  }
0x6b: {  	[spmem:s2] =	stream.indirect.scatter.add.f32 [tilespmem:s11], [sflag:$0x1], $0x1, s25, s10, $0xb8;
	[tilespmem:$0x5480] =	vst v63  }
0x6c: {  	s26 =	simm.s32 $0x1180  }
0x6d: {  	[spmem:s2] =	stream.indirect.scatter.add.f32 [tilespmem:s11], [sflag:$0x1], $0x1, s26, s10, $0xb8;
	[tilespmem:$0x5480] =	vst v63  }
0x6e: {  	s25 =	simm.s32 $0x1280  }
0x6f: {  	[spmem:s2] =	stream.indirect.scatter.add.f32 [tilespmem:s11], [sflag:$0x1], $0x1, s25, s10, $0xb8;
	[tilespmem:$0x5480] =	vst v63  }
0x70: {  	s26 =	simm.s32 $0x1380  }
0x71: {  	[spmem:s2] =	stream.indirect.scatter.add.f32 [tilespmem:s11], [sflag:$0x1], $0x1, s26, s10, $0xb8;
	[tilespmem:$0x5480] =	vst v63  }
0x72: {  	s25 =	simm.s32 $0x1480  }
0x73: {  	[spmem:s2] =	stream.indirect.scatter.add.f32 [tilespmem:s11], [sflag:$0x1], $0x1, s25, s10, $0xb8;
	[tilespmem:$0x5480] =	vst v63  }
0x74: {  	s26 =	simm.s32 $0x1580  }
0x75: {  	[spmem:s2] =	stream.indirect.scatter.add.f32 [tilespmem:s11], [sflag:$0x1], $0x1, s26, s10, $0xb8;
	[tilespmem:$0x5480] =	vst v63  }
0x76: {  	s25 =	simm.s32 $0x1680  }
0x77: {  	[spmem:s2] =	stream.indirect.scatter.add.f32 [tilespmem:s11], [sflag:$0x1], $0x1, s25, s10, $0xb8;
	[tilespmem:$0x5480] =	vst v63  }
0x78: {  	s26 =	simm.s32 $0x1780  }
0x79: {  	[spmem:s2] =	stream.indirect.scatter.add.f32 [tilespmem:s11], [sflag:$0x1], $0x1, s26, s10, $0xb8;
	[tilespmem:$0x5480] =	vst v63  }
0x7a: {  	s25 =	simm.s32 $0x1880  }
0x7b: {  	[spmem:s2] =	stream.indirect.scatter.add.f32 [tilespmem:s11], [sflag:$0x1], $0x1, s25, s10, $0xb8;
	[tilespmem:$0x5480] =	vst v63  }
0x7c: {  	s26 =	simm.s32 $0x1980  }
0x7d: {  	[spmem:s2] =	stream.indirect.scatter.add.f32 [tilespmem:s11], [sflag:$0x1], $0x1, s26, s10, $0xb8;
	[tilespmem:$0x5480] =	vst v63  }
0x7e: {  	s25 =	simm.s32 $0x1A80  }
0x7f: {  	[spmem:s2] =	stream.indirect.scatter.add.f32 [tilespmem:s11], [sflag:$0x1], $0x1, s25, s10, $0xb8;
	[tilespmem:$0x5480] =	vst v63  }
0x80: {  	s26 =	simm.s32 $0x1B80  }
0x81: {  	[spmem:s2] =	stream.indirect.scatter.add.f32 [tilespmem:s11], [sflag:$0x1], $0x1, s26, s10, $0xb8;
	[tilespmem:$0x5480] =	vst v63  }
0x82: {  	s25 =	simm.s32 $0x1C80  }
0x83: {  	[spmem:s2] =	stream.indirect.scatter.add.f32 [tilespmem:s11], [sflag:$0x1], $0x1, s25, s10, $0xb8;
	[tilespmem:$0x5480] =	vst v63  }
0x84: {  	s26 =	simm.s32 $0x1D80  }
0x85: {  	[spmem:s2] =	stream.indirect.scatter.add.f32 [tilespmem:s11], [sflag:$0x1], $0x1, s26, s10, $0xb8;
	[tilespmem:$0x5480] =	vst v63  }
0x86: {  	s25 =	simm.s32 $0x1E80  }
0x87: {  	[spmem:s2] =	stream.indirect.scatter.add.f32 [tilespmem:s11], [sflag:$0x1], $0x1, s25, s10, $0xb8;
	[tilespmem:$0x5480] =	vst v63  }
0x88: {  	s26 =	simm.s32 $0x1F80  }
0x89: {  	[spmem:s2] =	stream.indirect.scatter.add.f32 [tilespmem:s11], [sflag:$0x1], $0x1, s26, s10, $0xb8;
	[tilespmem:$0x5480] =	vst v63  }
0x8a: {  	_ =	swait.ge [sflag:s28], $0x80  }
0x8b: {  	[sflag:s28] =	ssyncset.done $0x0  }
0x8c: {  	[sflag:s28] =	ssyncadd.s32 $0xFFFFFF80  }
0x8d: {  	_ =	swait.ge [sflag:s28], $0x80  }
0x8e: {  	[sflag:s28] =	ssyncset.done $0x0  }
0x8f: {  	[sflag:s28] =	ssyncadd.s32 $0xFFFFFF80  }
0x90: {  	_ =	swait.ge [sflag:s28], $0x80  }
0x91: {  	[sflag:s28] =	ssyncset.done $0x0  }
0x92: {  	[sflag:s28] =	ssyncadd.s32 $0xFFFFFF80  }
0x93: {  	_ =	swait.ge [sflag:s28], $0x80  }
0x94: {  	[sflag:s28] =	ssyncset.done $0x0  }
0x95: {  	[sflag:s28] =	ssyncadd.s32 $0xFFFFFF80  }
0x96: {  	_ =	swait.ge [sflag:s28], $0x80  }
0x97: {  	[sflag:s28] =	ssyncset.done $0x0  }
0x98: {  	[sflag:s28] =	ssyncadd.s32 $0xFFFFFF80  }
0x99: {  	_ =	swait.ge [sflag:s28], $0x80  }
0x9a: {  	[sflag:s28] =	ssyncset.done $0x0  }
0x9b: {  	[sflag:s28] =	ssyncadd.s32 $0xFFFFFF80  }
0x9c: {  	_ =	swait.ge [sflag:s28], $0x80  }
0x9d: {  	[sflag:s28] =	ssyncset.done $0x0  }
0x9e: {  	[sflag:s28] =	ssyncadd.s32 $0xFFFFFF80  }
0x9f: {  	_ =	swait.ge [sflag:s28], $0x80  }
0xa0: {  	[sflag:s28] =	ssyncset.done $0x0  }
0xa1: {  	[sflag:s28] =	ssyncadd.s32 $0xFFFFFF80  }
0xa2: {  	_ =	swait.ge [sflag:s28], $0x80  }
0xa3: {  	[sflag:s28] =	ssyncset.done $0x0  }
0xa4: {  	[sflag:s28] =	ssyncadd.s32 $0xFFFFFF80  }
0xa5: {  	_ =	swait.ge [sflag:s28], $0x80  }
0xa6: {  	[sflag:s28] =	ssyncset.done $0x0  }
0xa7: {  	[sflag:s28] =	ssyncadd.s32 $0xFFFFFF80  }
0xa8: {  	_ =	swait.ge [sflag:s28], $0x80  }
0xa9: {  	[sflag:s28] =	ssyncset.done $0x0  }
0xaa: {  	[sflag:s28] =	ssyncadd.s32 $0xFFFFFF80  }
0xab: {  	_ =	swait.ge [sflag:s28], $0x80  }
0xac: {  	[sflag:s28] =	ssyncset.done $0x0  }
0xad: {  	[sflag:s28] =	ssyncadd.s32 $0xFFFFFF80  }
0xae: {  	_ =	swait.ge [sflag:s28], $0x80  }
0xaf: {  	[sflag:s28] =	ssyncset.done $0x0  }
0xb0: {  	[sflag:s28] =	ssyncadd.s32 $0xFFFFFF80  }
0xb1: {  	_ =	swait.ge [sflag:s28], $0x80  }
0xb2: {  	[sflag:s28] =	ssyncset.done $0x0  }
0xb3: {  	[sflag:s28] =	ssyncadd.s32 $0xFFFFFF80  }
0xb4: {  	_ =	swait.ge [sflag:s28], $0x80  }
0xb5: {  	[sflag:s28] =	ssyncset.done $0x0  }
0xb6: {  	[sflag:s28] =	ssyncadd.s32 $0xFFFFFF80  }
0xb7: {  	_ =	swait.ge [sflag:s28], $0x80  }
0xb8: {  	s24 =	simm.s32 $0x4000;
	[sflag:s28] =	ssyncset.done $0x0  }
.LBB2_2:
0xb9: {  	p0 =	sne.s32 s24, $0x8000  }
0xba: {  	[sflag:s28] =	ssyncadd.s32 $0xFFFFFF80;
	s25 =	smov.u32 s24;
	s24 =	sadd.s32 $0x4000, s24  }
0xbb: {  	s25 =	sshra.s32 s25, $0x2  }
0xbc: {  	s26 =	sadd.s32 $0x1080, s25  }
0xbd: {  	[spmem:s2] =	stream.indirect.scatter.add.f32 [tilespmem:s11], [sflag:$0x1], $0x1, s26, s10, $0xb8;
	[tilespmem:$0x5480] =	vst v63  }
0xbe: {  	s26 =	sadd.s32 $0x1180, s25  }
0xbf: {  	[spmem:s2] =	stream.indirect.scatter.add.f32 [tilespmem:s11], [sflag:$0x1], $0x1, s26, s10, $0xb8;
	[tilespmem:$0x5480] =	vst v63  }
0xc0: {  	s26 =	sadd.s32 $0x1280, s25  }
0xc1: {  	[spmem:s2] =	stream.indirect.scatter.add.f32 [tilespmem:s11], [sflag:$0x1], $0x1, s26, s10, $0xb8;
	[tilespmem:$0x5480] =	vst v63  }
0xc2: {  	s26 =	sadd.s32 $0x1380, s25  }
0xc3: {  	[spmem:s2] =	stream.indirect.scatter.add.f32 [tilespmem:s11], [sflag:$0x1], $0x1, s26, s10, $0xb8;
	[tilespmem:$0x5480] =	vst v63  }
0xc4: {  	s26 =	sadd.s32 $0x1480, s25  }
0xc5: {  	[spmem:s2] =	stream.indirect.scatter.add.f32 [tilespmem:s11], [sflag:$0x1], $0x1, s26, s10, $0xb8;
	[tilespmem:$0x5480] =	vst v63  }
0xc6: {  	s26 =	sadd.s32 $0x1580, s25  }
0xc7: {  	[spmem:s2] =	stream.indirect.scatter.add.f32 [tilespmem:s11], [sflag:$0x1], $0x1, s26, s10, $0xb8;
	[tilespmem:$0x5480] =	vst v63  }
0xc8: {  	s26 =	sadd.s32 $0x1680, s25  }
0xc9: {  	[spmem:s2] =	stream.indirect.scatter.add.f32 [tilespmem:s11], [sflag:$0x1], $0x1, s26, s10, $0xb8;
	[tilespmem:$0x5480] =	vst v63  }
0xca: {  	s26 =	sadd.s32 $0x1780, s25  }
0xcb: {  	[spmem:s2] =	stream.indirect.scatter.add.f32 [tilespmem:s11], [sflag:$0x1], $0x1, s26, s10, $0xb8;
	[tilespmem:$0x5480] =	vst v63  }
0xcc: {  	s26 =	sadd.s32 $0x1880, s25  }
0xcd: {  	[spmem:s2] =	stream.indirect.scatter.add.f32 [tilespmem:s11], [sflag:$0x1], $0x1, s26, s10, $0xb8;
	[tilespmem:$0x5480] =	vst v63  }
0xce: {  	s26 =	sadd.s32 $0x1980, s25  }
0xcf: {  	[spmem:s2] =	stream.indirect.scatter.add.f32 [tilespmem:s11], [sflag:$0x1], $0x1, s26, s10, $0xb8;
	[tilespmem:$0x5480] =	vst v63  }
0xd0: {  	s26 =	sadd.s32 $0x1A80, s25  }
0xd1: {  	[spmem:s2] =	stream.indirect.scatter.add.f32 [tilespmem:s11], [sflag:$0x1], $0x1, s26, s10, $0xb8;
	[tilespmem:$0x5480] =	vst v63  }
0xd2: {  	s26 =	sadd.s32 $0x1B80, s25  }
0xd3: {  	[spmem:s2] =	stream.indirect.scatter.add.f32 [tilespmem:s11], [sflag:$0x1], $0x1, s26, s10, $0xb8;
	[tilespmem:$0x5480] =	vst v63  }
0xd4: {  	s26 =	sadd.s32 $0x1C80, s25  }
0xd5: {  	[spmem:s2] =	stream.indirect.scatter.add.f32 [tilespmem:s11], [sflag:$0x1], $0x1, s26, s10, $0xb8;
	[tilespmem:$0x5480] =	vst v63  }
0xd6: {  	s26 =	sadd.s32 $0x1D80, s25  }
0xd7: {  	[spmem:s2] =	stream.indirect.scatter.add.f32 [tilespmem:s11], [sflag:$0x1], $0x1, s26, s10, $0xb8;
	[tilespmem:$0x5480] =	vst v63  }
0xd8: {  	s26 =	sadd.s32 $0x1E80, s25  }
0xd9: {  	[spmem:s2] =	stream.indirect.scatter.add.f32 [tilespmem:s11], [sflag:$0x1], $0x1, s26, s10, $0xb8;
	[tilespmem:$0x5480] =	vst v63  }
0xda: {  	s25 =	sadd.s32 $0x1F80, s25  }
0xdb: {  	[spmem:s2] =	stream.indirect.scatter.add.f32 [tilespmem:s11], [sflag:$0x1], $0x1, s25, s10, $0xb8;
	[tilespmem:$0x5480] =	vst v63  }
0xdc: {  	_ =	swait.ge [sflag:s28], $0x80  }
0xdd: {  	[sflag:s28] =	ssyncset.done $0x0  }
0xde: {  	[sflag:s28] =	ssyncadd.s32 $0xFFFFFF80  }
0xdf: {  	_ =	swait.ge [sflag:s28], $0x80  }
0xe0: {  	[sflag:s28] =	ssyncset.done $0x0  }
0xe1: {  	[sflag:s28] =	ssyncadd.s32 $0xFFFFFF80  }
0xe2: {  	_ =	swait.ge [sflag:s28], $0x80  }
0xe3: {  	[sflag:s28] =	ssyncset.done $0x0  }
0xe4: {  	[sflag:s28] =	ssyncadd.s32 $0xFFFFFF80  }
0xe5: {  	_ =	swait.ge [sflag:s28], $0x80  }
0xe6: {  	[sflag:s28] =	ssyncset.done $0x0  }
0xe7: {  	[sflag:s28] =	ssyncadd.s32 $0xFFFFFF80  }
0xe8: {  	_ =	swait.ge [sflag:s28], $0x80  }
0xe9: {  	[sflag:s28] =	ssyncset.done $0x0  }
0xea: {  	[sflag:s28] =	ssyncadd.s32 $0xFFFFFF80  }
0xeb: {  	_ =	swait.ge [sflag:s28], $0x80  }
0xec: {  	[sflag:s28] =	ssyncset.done $0x0  }
0xed: {  	[sflag:s28] =	ssyncadd.s32 $0xFFFFFF80  }
0xee: {  	_ =	swait.ge [sflag:s28], $0x80  }
0xef: {  	[sflag:s28] =	ssyncset.done $0x0  }
0xf0: {  	[sflag:s28] =	ssyncadd.s32 $0xFFFFFF80  }
0xf1: {  	_ =	swait.ge [sflag:s28], $0x80  }
0xf2: {  	[sflag:s28] =	ssyncset.done $0x0  }
0xf3: {  	[sflag:s28] =	ssyncadd.s32 $0xFFFFFF80  }
0xf4: {  	_ =	swait.ge [sflag:s28], $0x80  }
0xf5: {  	[sflag:s28] =	ssyncset.done $0x0  }
0xf6: {  	[sflag:s28] =	ssyncadd.s32 $0xFFFFFF80  }
0xf7: {  	_ =	swait.ge [sflag:s28], $0x80  }
0xf8: {  	[sflag:s28] =	ssyncset.done $0x0  }
0xf9: {  	[sflag:s28] =	ssyncadd.s32 $0xFFFFFF80  }
0xfa: {  	_ =	swait.ge [sflag:s28], $0x80  }
0xfb: {  	[sflag:s28] =	ssyncset.done $0x0  }
0xfc: {  	[sflag:s28] =	ssyncadd.s32 $0xFFFFFF80  }
0xfd: {  	_ =	swait.ge [sflag:s28], $0x80  }
0xfe: {  	[sflag:s28] =	ssyncset.done $0x0  }
0xff: {  	[sflag:s28] =	ssyncadd.s32 $0xFFFFFF80  }
0x100: {  	_ =	swait.ge [sflag:s28], $0x80  }
0x101: {  	[sflag:s28] =	ssyncset.done $0x0  }
0x102: {  	[sflag:s28] =	ssyncadd.s32 $0xFFFFFF80  }
0x103: {  	_ =	swait.ge [sflag:s28], $0x80  }
0x104: {  	[sflag:s28] =	ssyncset.done $0x0  }
0x105: {  	[sflag:s28] =	ssyncadd.s32 $0xFFFFFF80  }
.Ltmp0:
0x106: {  	_ =	swait.ge [sflag:s28], $0x80;
	(pc) =	sbr.rel @p0 .LBB2_2-.Ltmp0, $4  }
0x107: {  	[sflag:s28] =	ssyncset.done $0x0  }
0x108: {  	[sflag:s28] =	ssyncadd.s32 $0xFFFFFF80  }
0x109: {  	_ =	swait.ge [sflag:s28], $0x80  }
0x10a: {  	[sflag:s28] =	ssyncset.done $0x0  }
0x10b: {  	[sflag:s28] =	ssyncadd.s32 $0xFFFFFF80  }
0x10c: {  	[spmem:s2] =	stream.indirect.scatter.add.f32 [tilespmem:s11], [sflag:$0x1], $0x1, s29, s10, $0xb8;
	[tilespmem:$0x5480] =	vst v63  }
0x10d: {  	_ = 	snop  }
0x10e: {  	[spmem:s2] =	stream.indirect.scatter.add.f32 [tilespmem:s11], [sflag:$0x1], $0x1, s30, s10, $0xb8;
	[tilespmem:$0x5480] =	vst v63  }
0x10f: {  	_ = 	snop  }
0x110: {  	[spmem:s2] =	stream.indirect.scatter.add.f32 [tilespmem:s11], [sflag:$0x1], $0x1, s31, s10, $0xb8;
	[tilespmem:$0x5480] =	vst v63  }
0x111: {  	_ = 	snop  }
0x112: {  	[spmem:s2] =	stream.indirect.scatter.add.f32 [tilespmem:s11], [sflag:$0x1], $0x1, s1, s10, $0xb8;
	[tilespmem:$0x5480] =	vst v63  }
0x113: {  	_ = 	snop  }
0x114: {  	[spmem:s2] =	stream.indirect.scatter.add.f32 [tilespmem:s11], [sflag:$0x1], $0x1, s3, s10, $0xb8;
	[tilespmem:$0x5480] =	vst v63  }
0x115: {  	_ = 	snop  }
0x116: {  	[spmem:s2] =	stream.indirect.scatter.add.f32 [tilespmem:s11], [sflag:$0x1], $0x1, s9, s10, $0xb8;
	[tilespmem:$0x5480] =	vst v63  }
0x117: {  	_ = 	snop  }
0x118: {  	[spmem:s2] =	stream.indirect.scatter.add.f32 [tilespmem:s11], [sflag:$0x1], $0x1, s12, s10, $0xb8;
	[tilespmem:$0x5480] =	vst v63  }
0x119: {  	_ = 	snop  }
0x11a: {  	[spmem:s2] =	stream.indirect.scatter.add.f32 [tilespmem:s11], [sflag:$0x1], $0x1, s13, s10, $0xb8;
	[tilespmem:$0x5480] =	vst v63  }
0x11b: {  	_ = 	snop  }
0x11c: {  	[spmem:s2] =	stream.indirect.scatter.add.f32 [tilespmem:s11], [sflag:$0x1], $0x1, s14, s10, $0xb8;
	[tilespmem:$0x5480] =	vst v63  }
0x11d: {  	_ = 	snop  }
0x11e: {  	[spmem:s2] =	stream.indirect.scatter.add.f32 [tilespmem:s11], [sflag:$0x1], $0x1, s15, s10, $0xb8;
	[tilespmem:$0x5480] =	vst v63  }
0x11f: {  	_ = 	snop  }
0x120: {  	[spmem:s2] =	stream.indirect.scatter.add.f32 [tilespmem:s11], [sflag:$0x1], $0x1, s16, s10, $0xb8;
	[tilespmem:$0x5480] =	vst v63  }
0x121: {  	_ = 	snop  }
0x122: {  	[spmem:s2] =	stream.indirect.scatter.add.f32 [tilespmem:s11], [sflag:$0x1], $0x1, s17, s10, $0xb8;
	[tilespmem:$0x5480] =	vst v63  }
0x123: {  	_ = 	snop  }
0x124: {  	[spmem:s2] =	stream.indirect.scatter.add.f32 [tilespmem:s11], [sflag:$0x1], $0x1, s18, s10, $0xb8;
	[tilespmem:$0x5480] =	vst v63  }
0x125: {  	_ = 	snop  }
0x126: {  	[spmem:s2] =	stream.indirect.scatter.add.f32 [tilespmem:s11], [sflag:$0x1], $0x1, s19, s10, $0xb8;
	[tilespmem:$0x5480] =	vst v63  }
0x127: {  	_ = 	snop  }
0x128: {  	[spmem:s2] =	stream.indirect.scatter.add.f32 [tilespmem:s11], [sflag:$0x1], $0x1, s20, s10, $0xb8;
	[tilespmem:$0x5480] =	vst v63  }
0x129: {  	_ =	swait.ge [sflag:s28], $0x80  }
0x12a: {  	[sflag:s28] =	ssyncset.done $0x0  }
0x12b: {  	[sflag:s28] =	ssyncadd.s32 $0xFFFFFF80  }
0x12c: {  	_ =	swait.ge [sflag:s28], $0x80  }
0x12d: {  	[sflag:s28] =	ssyncset.done $0x0  }
0x12e: {  	[sflag:s28] =	ssyncadd.s32 $0xFFFFFF80  }
0x12f: {  	_ =	swait.ge [sflag:s28], $0x80  }
0x130: {  	[sflag:s28] =	ssyncset.done $0x0  }
0x131: {  	[sflag:s28] =	ssyncadd.s32 $0xFFFFFF80  }
0x132: {  	_ =	swait.ge [sflag:s28], $0x80  }
0x133: {  	[sflag:s28] =	ssyncset.done $0x0  }
0x134: {  	[sflag:s28] =	ssyncadd.s32 $0xFFFFFF80  }
0x135: {  	_ =	swait.ge [sflag:s28], $0x80  }
0x136: {  	[sflag:s28] =	ssyncset.done $0x0  }
0x137: {  	[sflag:s28] =	ssyncadd.s32 $0xFFFFFF80  }
0x138: {  	_ =	swait.ge [sflag:s28], $0x80  }
0x139: {  	[sflag:s28] =	ssyncset.done $0x0  }
0x13a: {  	[sflag:s28] =	ssyncadd.s32 $0xFFFFFF80  }
0x13b: {  	_ =	swait.ge [sflag:s28], $0x80  }
0x13c: {  	[sflag:s28] =	ssyncset.done $0x0  }
0x13d: {  	[sflag:s28] =	ssyncadd.s32 $0xFFFFFF80  }
0x13e: {  	_ =	swait.ge [sflag:s28], $0x80  }
0x13f: {  	[sflag:s28] =	ssyncset.done $0x0  }
0x140: {  	[sflag:s28] =	ssyncadd.s32 $0xFFFFFF80  }
0x141: {  	_ =	swait.ge [sflag:s28], $0x80  }
0x142: {  	[sflag:s28] =	ssyncset.done $0x0  }
0x143: {  	[sflag:s28] =	ssyncadd.s32 $0xFFFFFF80  }
0x144: {  	_ =	swait.ge [sflag:s28], $0x80  }
0x145: {  	[sflag:s28] =	ssyncset.done $0x0  }
0x146: {  	[sflag:s28] =	ssyncadd.s32 $0xFFFFFF80  }
0x147: {  	_ =	swait.ge [sflag:s28], $0x80  }
0x148: {  	[sflag:s28] =	ssyncset.done $0x0  }
0x149: {  	[sflag:s28] =	ssyncadd.s32 $0xFFFFFF80  }
0x14a: {  	_ =	swait.ge [sflag:s28], $0x80  }
0x14b: {  	[sflag:s28] =	ssyncset.done $0x0  }
0x14c: {  	[sflag:s28] =	ssyncadd.s32 $0xFFFFFF80  }
0x14d: {  	_ =	swait.ge [sflag:s28], $0x80  }
0x14e: {  	[sflag:s28] =	ssyncset.done $0x0  }
0x14f: {  	[sflag:s28] =	ssyncadd.s32 $0xFFFFFF80  }
0x150: {  	_ =	swait.ge [sflag:s28], $0x80  }
0x151: {  	[sflag:s28] =	ssyncset.done $0x0  }
0x152: {  	[sflag:s28] =	ssyncadd.s32 $0xFFFFFF80  }
0x153: {  	_ =	swait.ge [sflag:s28], $0x80  }
0x154: {  	[sflag:s28] =	ssyncset.done $0x0  }
0x155: {  	[sflag:s28] =	ssyncadd.s32 $0xFFFFFF80  }
0x156: {  	_ =	swait.ge [sflag:s28], $0x80  }
0x157: {  	[sflag:s28] =	ssyncset.done $0x0  }
0x158: {  	[sflag:s28] =	ssyncadd.s32 $0xFFFFFF80  }
0x159: {  	_ =	swait.ge [sflag:s28], $0x80  }
0x15a: {  	[sflag:s28] =	ssyncset.done $0x0  }
0x15b: {  	[sflag:s28] =	ssyncadd.s32 $0xFFFFFF80  }
0x15c: {  	_ =	swait.ge [sflag:s28], $0x80  }
0x15d: {  	[sflag:s28] =	ssyncset.done $0x0  }
0x15e: {  	[sflag:s28] =	ssyncadd.s32 $0xFFFFFF80  }
0x15f: {  	_ =	swait.ge [sflag:s28], $0x80  }
0x160: {  	[sflag:s28] =	ssyncset.done $0x0  }
0x161: {  	[sflag:s28] =	ssyncadd.s32 $0xFFFFFF80  }
0x162: {  	_ =	swait.ge [sflag:s28], $0x80  }
0x163: {  	[sflag:s28] =	ssyncset.done $0x0  }
0x164: {  	[sflag:s28] =	ssyncadd.s32 $0xFFFFFF80  }
0x165: {  	_ =	swait.ge [sflag:s28], $0x80  }
0x166: {  	[sflag:s28] =	ssyncset.done $0x0  }
0x167: {  	[sflag:s28] =	ssyncadd.s32 $0xFFFFFF80  }
0x168: {  	_ =	swait.ge [sflag:s28], $0x80  }
0x169: {  	[sflag:s28] =	ssyncset.done $0x0  }
0x16a: {  	[sflag:s28] =	ssyncadd.s32 $0xFFFFFF80  }
0x16b: {  	_ =	swait.ge [sflag:s28], $0x80  }
0x16c: {  	[sflag:s28] =	ssyncset.done $0x0  }
0x16d: {  	[sflag:s28] =	ssyncadd.s32 $0xFFFFFF80  }
0x16e: {  	_ =	swait.ge [sflag:s28], $0x80  }
0x16f: {  	[sflag:s28] =	ssyncset.done $0x0  }
0x170: {  	[sflag:s28] =	ssyncadd.s32 $0xFFFFFF80  }
0x171: {  	_ =	swait.ge [sflag:s28], $0x80  }
0x172: {  	[sflag:s28] =	ssyncset.done $0x0  }
0x173: {  	[sflag:s28] =	ssyncadd.s32 $0xFFFFFF80  }
0x174: {  	_ =	swait.ge [sflag:s28], $0x80  }
0x175: {  	[sflag:s28] =	ssyncset.done $0x0  }
0x176: {  	[sflag:s28] =	ssyncadd.s32 $0xFFFFFF80  }
0x177: {  	_ =	swait.ge [sflag:s28], $0x80  }
0x178: {  	[sflag:s28] =	ssyncset.done $0x0  }
0x179: {  	[sflag:s28] =	ssyncadd.s32 $0xFFFFFF80  }
0x17a: {  	_ =	swait.ge [sflag:s28], $0x80  }
0x17b: {  	[sflag:s28] =	ssyncset.done $0x0  }
0x17c: {  	[sflag:s28] =	ssyncadd.s32 $0xFFFFFF80  }
0x17d: {  	_ =	swait.ge [sflag:s28], $0x80  }
0x17e: {  	[sflag:s28] =	ssyncset.done $0x0  }
0x17f: {  	[sflag:s28] =	ssyncadd.s32 $0xFFFFFF80  }
0x180: {  	_ =	swait.ge [sflag:s28], $0x80  }
0x181: {  	[sflag:s28] =	ssyncset.done $0x0  }
0x182: {  	[sflag:s28] =	ssyncadd.s32 $0xFFFFFF80  }
0x183: {  	_ =	swait.ge [sflag:s28], $0x80  }
0x184: {  	s24 =	sshll.u32 s0, $0x6;
	s23 =	sadd.s32 $0x1, s23;
	[sflag:s28] =	ssyncset.done $0x0  }
0x185: {  	s25 =	sshrl.u32 s5, $0x3;
	p0 =	sne.s32 s23, s7;
	[sflag:s28] =	ssyncadd.s32 $0xFFFFFF80  }
.Ltmp1:
0x186: {  	s24 =	sor.u32 $0x1C02, s24;
	[bflag:$0x0] =	sbarrier.arrive $0xFFFF;
	(pc) =	sbr.rel @p0 .LBB2_1-.Ltmp1, $4  }
0x187: {  	[hbm:s6@s21], [sflag:s24] =	dma.strided [spmem:s25@s22], $0x50, s28, $0x10   }
0x188: {  	_ =	swait.ge [sflag:s8], $0x50  }
0x189: {  	[sflag:s8] =	ssyncset.done $0x0  }
0x18a: {  	[sflag:s8] =	ssyncadd.s32 $0xFFFFFFB0  }
0x18b: {  	_ =	sfence.sel $0x180000  }
0x18c: {  	[bflag:$0x0] =	sbarrier.arrive $0xFFFF  }
0x18d: {  	_ =	strace $0x90000047  }
0x18e: {  	[bflag:$0x2] =	sbarrier.arrive $0xFFFF  }
0x18f: {  	p0 =	sne.s32 s0, $0x0;
	s0 =	rddreg [dreg:$0x3]  }
0x190: {  	s0 =	sadd.s32 @!p0 $0x100000, s0  }
0x191: {  	[sflag:s0] =	ssyncadd.tile.s32 @!p0 $0x1;
	_ =	shalt  }
.Lfunc_end2:
_tile_overlayer_lowered:
.L_overlay_start_2:
0x192: {  	(tag) =	ssettag $0x2  }
0x193: {  	s0 =	rddreg [dreg:$0x0];
	s2 =	stileid.u32  }
0x194: {  	s1 =	rddreg [dreg:$0x1];
	p0 =	sne.s32 s2, $0x0  }
0x195: {  	s3 =	rddreg [dreg:$0x2];
	[bflag:$0x3] =	sbarrier.arrive $0xFFFF;
	s2 =	simm.s32 @!p0 $0x1C02  }
0x196: {  	[timem:s3], [sflag:s2] =	dma.local @!p0 [hbm:s0], s1  }
0x197: {  	s0 =	simm.s32 @!p0 $0x2  }
0x198: {  	_ =	swait.ge @!p0 [sflag:s0], s1  }
0x199: {  	s1 =	ssub.s32 @!p0 $0x0, s1;
	[sflag:s0] =	ssyncset.done @!p0 $0x0  }
0x19a: {  	[sflag:s0] =	ssyncadd.s32 @!p0 s1  }
0x19b: {  	[bflag:$0x3] =	sbarrier.arrive $0xFFFF  }
0x19c: {  	_ =	shalt  }

// kernel: kernel.9.cloned.1.call-start
scs
__scs_entry_jumppad:
0x0: {  	(pc) =	sbr.rel $0x88, $3  }
0x1: {  	(tag) =	ssettag $0x0;
	lr =	simm.s32 $0x1  }
0x2: {  	[smem:$0x3F9C] =	sst lr;
	_ =	strace $0xD0000000  }
0x3: {  	_ = 	snop  }
0x4: {  	_ = 	snop  }
0x5: {  	_ = 	snop  }
0x6: {  	_ = 	snop  }
0x7: {  	_ = 	snop  }
__scs_overlays_trampoline_lowered:
0x8: {  	[smem:$0x3FAB] =	sst s0  }
0x9: {  	[smem:$0x3FAC] =	sst s1  }
0xa: {  	[smem:$0x3FAD] =	sst s2  }
0xb: {  	[smem:$0x3FAE] =	sst s3  }
0xc: {  	[smem:$0x3FAF] =	sst s4  }
0xd: {  	[smem:$0x3FB0] =	sst s5  }
0xe: {  	[smem:$0x3FB1] =	sst s6  }
0xf: {  	[smem:$0x3FB2] =	sst s7  }
0x10: {  	[smem:$0x3FB3] =	sst s8  }
0x11: {  	[smem:$0x3FB4] =	sst s9;
	s0 =	simm.s32 @!p0 $0x0  }
0x12: {  	s1 =	sld [smem:$0x3F9A];
	s0 =	simm.s32 @p0 $0x1  }
0x13: {  	[smem:$0x3FB5] =	sst s0;
	s0 =	simm.s32 @!p1 $0x0  }
0x14: {  	s2 =	sld [smem:$0x3F99];
	s0 =	simm.s32 @p1 $0x1  }
0x15: {  	[smem:$0x3FB6] =	sst s0;
	s0 =	simm.s32 @!p2 $0x0  }
0x16: {  	s3 =	sld [smem:$0x3FDB];
	s0 =	simm.s32 @p2 $0x1  }
0x17: {  	s4 =	simm.s32 $0x1BF5;
	[smem:$0x3FB8] =	sst s0  }
0x18: {  	s0 =	sld [smem:$0x3F9B];
	_ =	swait.ge [sflag:s4], $0x0  }
0x19: {  	s7 =	sld [smem:$0x3F9C]  }
0x1a: {  	s8 =	sadd.s32 $0xFFFFE003, lr  }
0x1b: {  	s9 =	sadd.s32 $0xFFFFFEF7, lr;
	s5 =	simm.s32 $0xFFFFFFFF;
	p2 =	slt.u32 s8, $0xFFFFF086  }
0x1c: {  	p1 =	slt.u32 s9, $0xF7A;
	s5 =	simm.s32 @!p2 $0x0  }
0x1d: {  	s5 =	simm.s32 @p1 $0x1;
	p0 =	seq.s32 s7, s2  }
0x1e: {  	s7 =	smul.u32 @!p0 $0xF7A, s2;
	p2 =	seq.s32 @!p0 s5, $0x0  }
0x1f: {  	s9 =	smul.u32 $0xF7A, s1;
	s8 =	simm.s32 @!p0 $0x1BF5;
	p2 =	por !p2, p0  }
0x20: {  	[sflag:s8] =	ssyncset.s32 @!p0 $0xFFFFF086;
	s6 =	sadd.s32 @!p0 s3, s7;
	s7 =	simm.s32 @!p0 $0x108  }
0x21: {  	s3 =	sadd.s32 s3, s9;
	s6 =	sadd.s32 @!p0 $0x88, s6;
	s7 =	simm.s32 @p2 $0x1082  }
0x22: {  	[simem:s7], [sflag:s8] =	dma.local @!p0 [hbm:s6], $0xF7A  }
0x23: {  	s9 =	sor.u32 $0xD0000000, s2;
	s6 =	simm.s32 $0x108;
	_ =	swait.ge @!p0 [sflag:s8], $0x0  }
0x24: {  	s3 =	sadd.s32 $0x88, s3;
	s6 =	simm.s32 @!p1 $0x1082;
	[sflag:s4] =	ssyncset.s32 $0xFFFFF086  }
0x25: {  	[simem:s6], [sflag:s4] =	dma.local [hbm:s3], $0xF7A  }
0x26: {  	[smem:$0x3F9C] =	sst s1;
	(tag) =	ssettag s2;
	_ =	strace s9  }
0x27: {  	s1 =	sld [smem:$0x3FAC]  }
0x28: {  	s2 =	sld [smem:$0x3FAD]  }
0x29: {  	s4 =	sld [smem:$0x3FAF]  }
0x2a: {  	p0 =	seq.s32 s5, $0x0;
	s5 =	sld [smem:$0x3FB0]  }
0x2b: {  	s6 =	sld [smem:$0x3FB1]  }
0x2c: {  	s7 =	sld [smem:$0x3FB2]  }
0x2d: {  	s3 =	simm.s32 $0x108;
	s8 =	sld [smem:$0x3FB3]  }
0x2e: {  	s3 =	simm.s32 @!p0 $0x1082;
	s9 =	sld [smem:$0x3FB4]  }
0x2f: {  	lr =	sadd.s32 s0, s3;
	s0 =	sld [smem:$0x3FAB]  }
0x30: {  	s3 =	sld [smem:$0x3FAE]  }
0x31: {  	[smem:$0x3FB7] =	sst s10  }
0x32: {  	s10 =	sld [smem:$0x3FB5];
	_ =	sdelay $0x3  }
0x33: {  	p0 =	seq.s32 s10, $0x1;
	s10 =	sld [smem:$0x3FB7];
	_ =	sdelay $0x3  }
0x34: {  	[smem:$0x3FB7] =	sst s10  }
0x35: {  	s10 =	sld [smem:$0x3FB6];
	_ =	sdelay $0x3  }
0x36: {  	p1 =	seq.s32 s10, $0x1;
	s10 =	sld [smem:$0x3FB7];
	_ =	sdelay $0x3  }
0x37: {  	[smem:$0x3FB7] =	sst s10  }
0x38: {  	s10 =	sld [smem:$0x3FB8]  }
0x39: {  	_ = 	snop;
	(pc) =	sbr.ind lr, $3  }
0x3a: {  	_ = 	snop  }
0x3b: {  	_ = 	snop  }
0x3c: {  	p2 =	seq.s32 s10, $0x1;
	s10 =	sld [smem:$0x3FB7]  }
0x3d: {  	_ =	shalt  }
0x3e: {  	_ =	shalt  }
0x3f: {  	_ =	shalt  }
0x40: {  	_ =	shalt  }
0x41: {  	_ =	shalt  }
0x42: {  	_ =	shalt  }
0x43: {  	_ =	shalt  }
0x44: {  	_ =	shalt  }
0x45: {  	_ =	shalt  }
0x46: {  	_ =	shalt  }
0x47: {  	_ =	shalt  }
0x48: {  	_ =	shalt  }
0x49: {  	_ =	shalt  }
0x4a: {  	_ =	shalt  }
0x4b: {  	_ =	shalt  }
0x4c: {  	_ =	shalt  }
0x4d: {  	_ =	shalt  }
0x4e: {  	_ =	shalt  }
0x4f: {  	_ =	shalt  }
0x50: {  	_ =	shalt  }
0x51: {  	_ =	shalt  }
0x52: {  	_ =	shalt  }
0x53: {  	_ =	shalt  }
0x54: {  	_ =	shalt  }
0x55: {  	_ =	shalt  }
0x56: {  	_ =	shalt  }
0x57: {  	_ =	shalt  }
0x58: {  	_ =	shalt  }
0x59: {  	_ =	shalt  }
0x5a: {  	_ =	shalt  }
0x5b: {  	_ =	shalt  }
0x5c: {  	_ =	shalt  }
0x5d: {  	_ =	shalt  }
0x5e: {  	_ =	shalt  }
0x5f: {  	_ =	shalt  }
0x60: {  	_ =	shalt  }
0x61: {  	_ =	shalt  }
0x62: {  	_ =	shalt  }
0x63: {  	_ =	shalt  }
0x64: {  	_ =	shalt  }
0x65: {  	_ =	shalt  }
0x66: {  	_ =	shalt  }
0x67: {  	_ =	shalt  }
0x68: {  	_ =	shalt  }
0x69: {  	_ =	shalt  }
0x6a: {  	_ =	shalt  }
0x6b: {  	_ =	shalt  }
0x6c: {  	_ =	shalt  }
0x6d: {  	_ =	shalt  }
0x6e: {  	_ =	shalt  }
0x6f: {  	_ =	shalt  }
0x70: {  	_ =	shalt  }
0x71: {  	_ =	shalt  }
0x72: {  	_ =	shalt  }
0x73: {  	_ =	shalt  }
0x74: {  	_ =	shalt  }
0x75: {  	_ =	shalt  }
0x76: {  	_ =	shalt  }
0x77: {  	_ =	shalt  }
0x78: {  	_ =	shalt  }
0x79: {  	_ =	shalt  }
0x7a: {  	_ =	shalt  }
0x7b: {  	_ =	shalt  }
0x7c: {  	_ =	shalt  }
0x7d: {  	_ =	shalt  }
0x7e: {  	_ =	shalt  }
0x7f: {  	_ =	shalt  }
0x80: {  	_ =	shalt  }
0x81: {  	_ =	shalt  }
0x82: {  	_ =	shalt  }
0x83: {  	_ =	shalt  }
0x84: {  	_ =	shalt  }
0x85: {  	_ =	shalt  }
0x86: {  	_ =	shalt  }
0x87: {  	_ =	shalt  }
.Lfunc_end0:
.L_simem_size_0:
called_computation.1_lowered:
.L_overlay_start_0:
0x88: {  	s2 =	sld [smem:$0x3FD9]  }
0x89: {  	s3 =	sld [smem:$0x3FFE];
	_ =	sdelay $0x1  }
0x8a: {  	s1 =	srdreg.scid  }
0x8b: {  	s0 =	sand.u32 $0x1, s1  }
0x8c: {  	s17 =	sshll.u32 s0, $0xA;
	s2 =	sadd.s32 s3, s2  }
0x8d: {  	s2 =	sadd.s32 s2, s17  }
0x8e: {  	[smem:$0x3FC3] =	sst s2  }
0x8f: {  	_ = 	snop  }
0x90: {  	s2 =	sld [smem:$0x3FD0];
	(tm) =	ssettm $0x1  }
0x91: {  	s18 =	sld [smem:$0x3FFB];
	_ =	sdelay $0x3  }
0x92: {  	_ =	strace s18  }
0x93: {  	s3 =	sld [smem:$0x3FFC];
	_ =	sdelay $0x3  }
0x94: {  	_ =	strace s3  }
0x95: {  	s3 =	sld [smem:$0x3FFD];
	_ =	sdelay $0x3  }
0x96: {  	_ =	strace s3  }
0x97: {  	_ =	strace $0x8FFFFFFF  }
0x98: {  	s19 =	sld [smem:$0x3FDB];
	_ =	sdelay $0x1  }
0x99: {  	s4 =	simm.s32 $_scs_section_size  }
0x9a: {  	s5 =	simm.s32 $_size__tile_overlayer_lowered;
	s6 =	simm.s32 $_tile_overlayer_lowered  }
0x9b: {  	s22 =	simm.s32 $0x1BFF;
	s21 =	sshll.u32 s6, $0x1;
	s3 =	sadd.s32 s4, s19  }
0x9c: {  	s7 =	simm.s32 $0x0;
	s20 =	sshll.u32 s5, $0x1;
	s5 =	sadd.s32 s21, s3  }
0x9d: {  	[timem:s7], [sflag:s22] =	dma.local [hbm:s5], s20  }
0x9e: {  	_ =	swait.ge [sflag:s22], s20  }
0x9f: {  	s4 =	ssub.s32 $0x0, s20;
	[sflag:s22] =	ssyncset.done $0x0  }
0xa0: {  	[sflag:s22] =	ssyncadd.s32 s4;
	_ =	sdelay $0x1  }
0xa1: {  	s23 =	simm.s32 $0x1B8B  }
0xa2: {  	_ =	swait.ge [sflag:s23], $0x1  }
0xa3: {  	[sflag:s23] =	ssyncset.done $0x0  }
0xa4: {  	s25 =	simm.s32 $0x1B8E;
	s24 =	sld [smem:$0x3FFE];
	[sflag:s23] =	ssyncadd.s32 $0xFFFFFFFF  }
0xa5: {  	s26 =	simm.s32 $execute0_lowered;
	[smem:$0x3FD2] =	sst s25  }
0xa6: {  	s5 =	sshll.u32 s26, $0x1;
	_ =	strace $0x80000049;
	[dreg:$0x1] =	wrdreg $0xFFFFFFFF  }
0xa7: {  	s28 =	simm.s32 $_size_execute0_lowered;
	s3 =	sadd.s32 s3, s5;
	[dreg:$0x0] =	wrdreg $0x0  }
0xa8: {  	s5 =	sshll.u32 s28, $0x1;
	[dreg:$0x2] =	wrdreg s3  }
0xa9: {  	[dreg:$0x3] =	wrdreg s5  }
0xaa: {  	[dreg:$0x4] =	wrdreg $0xC0  }
0xab: {  	_ =	task [dreg:s7], $0x5FFFF  }
0xac: {  	[dreg:$0x1] =	wrdreg $0xFFFFFFFF  }
0xad: {  	[dreg:$0x0] =	wrdreg $0x60  }
0xae: {  	[dreg:$0x2] =	wrdreg s24  }
0xaf: {  	[dreg:$0x3] =	wrdreg s2  }
0xb0: {  	[dreg:$0x4] =	wrdreg $0x8B000  }
0xb1: {  	[dreg:$0x5] =	wrdreg $0x9  }
0xb2: {  	_ =	task.clear_ibuf [dreg:s7], $0x6FFFF;
	_ =	strace $0x90000049  }
0xb3: {  	s29 =	simm.s32 $0x9;
	_ =	strace $0x8000004B  }
0xb4: {  	_ =	swait.ge [sflag:s29], $0x1  }
0xb5: {  	[sflag:s29] =	ssyncadd.s32 $0xFFFFFFFF  }
0xb6: {  	_ =	strace $0x9000004B  }
0xb7: {  	_ =	sfence  }
0xb8: {  	s30 =	sld [smem:$0x0];
	_ =	sdelay $0x2  }
0xb9: {  	s31 =	sshll.u32 s1, $0xD;
	s1 =	sshrl.u32 s1, $0x2  }
0xba: {  	s3 =	sand.u32 $0x4000, s31;
	s1 =	sadd.s32 s1, s30  }
0xbb: {  	s0 =	sor.u32 s3, s0;
	s1 =	sshll.u32 s1, $0x11  }
0xbc: {  	s0 =	sor.u32 s1, s0  }
0xbd: {  	s0 =	sadd.s32 $0x8F2B, s0  }
0xbe: {  	[sflag:s0] =	ssyncadd.remote.s32 $0x1  }
0xbf: {  	_ =	sfence.sel $0xFFFF  }
0xc0: {  	[dreg:$0x0] =	wrdreg $0xFFFFFFFF;
	(pc) =	sbr.abs _section_cstart, $3  }
0xc1: {  	[dreg:$0x1] =	wrdreg $0xFFFFFFFF  }
0xc2: {  	_ =	task.clear_ibuf [dreg:s7], $0x2FFFF;
	_ =	strace $0x9FFFFFFF  }
0xc3: {  	(tm) =	ssettm $0x7FFFFFFF  }
tec
execute0_lowered:
.L_overlay_start_1:
0x0: {  	(tag) =	ssettag $0x1  }
0x1: {  	s0 =	rddreg [dreg:$0x0]  }
0x2: {  	s1 =	srdreg.scid;
	s10 =	stileid.u32  }
0x3: {  	s2 =	rddreg [dreg:$0x1];
	s4 =	sand.u32 $0x1, s1;
	s5 =	smul.u32 $0x8C, s10  }
0x4: {  	s1 =	simm.s32 $0x8C;
	s28 =	smul.u32 $0x12, s10;
	p0 =	seq.s32 s4, $0x0  }
0x5: {  	s11 =	simm.s32 $0x0;
	s9 =	smul.u32 $0x14000, s10;
	s1 =	simm.s32 @!p0 $0x12  }
0x6: {  	[dreg:$0x4] =	wrdreg s2;
	s30 =	smul.u32 $0x50000, s10;
	s6 =	sadd.s32 $0xFFFFFFFF, s1  }
0x7: {  	[smem:$0x7FF] =	sst s11;
	s7 =	smul.u32 $0x140000, s4;
	s8 =	sand.u32 $0xFF, s6  }
0x8: {  	s3 =	rddreg [dreg:$0x2];
	_ =	strace $0x8000004A;
	s8 =	smul.u32 $0xAB, s8  }
0x9: {  	s4 =	ssub.s32 $0x2, s4;
	s2 =	sadd.s32 $0x8C0, s28;
	s10 =	sshrl.u32 s30, $0x2  }
0xa: {  	s2 =	smov.u32 @p0 s5;
	s7 =	sadd.s32 s9, s7;
	s29 =	sshrl.u32 s8, $0x9  }
0xb: {  	s9 =	sshrl.u32 s4, $0x1;
	s2 =	sshll.u32 s2, $0x5;
	s5 =	smul.u32 $0x3, s29  }
0xc: {  	s7 =	sshrl.u32 s7, $0x3;
	s4 =	ssub.s32 s4, s9;
	s2 =	sadd.s32 s2, s0  }
0xd: {  	s0 =	sadd.s32 s7, s0;
	s14 =	smax.u32 s4, $0x1;
	s5 =	ssub.s32 s6, s5  }
0xe: {  	s12 =	sadd.s32 $0x1400, s2;
	[dreg:$0x8] =	wrdreg s14;
	s5 =	sand.u32 $0xFF, s5  }
0xf: {  	s0 =	sadd.s32 $0x15000, s0;
	[dreg:$0x5] =	wrdreg s12;
	s11 =	sshll.u32 s5, $0x8  }
0x10: {  	[dreg:$0x7] =	wrdreg s0;
	s5 =	sadd.s32 s10, s3;
	s13 =	sor.u32 $0x80, s11  }
0x11: {  	s15 =	sadd.s32 $0x800, s5;
	[dreg:$0x6] =	wrdreg s13  }
0x12: {  	s16 =	sadd.s32 $0x1000, s5;
	[dreg:$0x9] =	wrdreg s15  }
0x13: {  	s17 =	sadd.s32 $0x1800, s5;
	[dreg:$0xa] =	wrdreg s16  }
0x14: {  	s18 =	sadd.s32 $0x2000, s5;
	[dreg:$0xb] =	wrdreg s17  }
0x15: {  	s19 =	sadd.s32 $0x2800, s5;
	[dreg:$0xc] =	wrdreg s18  }
0x16: {  	s20 =	sadd.s32 $0x3000, s5;
	[dreg:$0xd] =	wrdreg s19  }
0x17: {  	s21 =	sadd.s32 $0x3800, s5;
	[dreg:$0xe] =	wrdreg s20  }
0x18: {  	s22 =	sadd.s32 $0x4000, s5;
	[dreg:$0xf] =	wrdreg s21  }
0x19: {  	s23 =	sadd.s32 $0x4800, s5;
	[dreg:$0x10] =	wrdreg s22  }
0x1a: {  	s24 =	sadd.s32 $0x5000, s5;
	[dreg:$0x11] =	wrdreg s23  }
0x1b: {  	s25 =	sadd.s32 $0x5800, s5;
	[dreg:$0x12] =	wrdreg s24  }
0x1c: {  	s26 =	sadd.s32 $0x6000, s5;
	[dreg:$0x13] =	wrdreg s25  }
0x1d: {  	s28 =	sadd.s32 $0x6800, s5;
	[dreg:$0x14] =	wrdreg s26  }
0x1e: {  	s29 =	sadd.s32 $0x7000, s5;
	[dreg:$0x15] =	wrdreg s28  }
0x1f: {  	s30 =	sadd.s32 $0x7800, s5;
	[dreg:$0x16] =	wrdreg s29  }
0x20: {  	s4 =	sadd.s32 $0x8000, s5;
	[dreg:$0x17] =	wrdreg s30  }
0x21: {  	s6 =	sadd.s32 $0x8800, s5;
	[dreg:$0x18] =	wrdreg s4  }
0x22: {  	s7 =	sadd.s32 $0x9000, s5;
	[dreg:$0x19] =	wrdreg s6  }
0x23: {  	s8 =	sadd.s32 $0x9800, s5;
	[dreg:$0x1a] =	wrdreg s7  }
0x24: {  	s9 =	sadd.s32 $0xA000, s5;
	[dreg:$0x1b] =	wrdreg s8  }
0x25: {  	s10 =	sadd.s32 $0xA800, s5;
	[dreg:$0x1c] =	wrdreg s9  }
0x26: {  	s11 =	sadd.s32 $0xB000, s5;
	[dreg:$0x1d] =	wrdreg s10  }
0x27: {  	s12 =	sadd.s32 $0xB800, s5;
	[dreg:$0x1e] =	wrdreg s11  }
0x28: {  	s14 =	sadd.s32 $0xC800, s5;
	[dreg:$0x1f] =	wrdreg s12  }
0x29: {  	s13 =	sadd.s32 $0xC000, s5;
	[smem:$0x7EF] =	sst s14  }
0x2a: {  	s15 =	sadd.s32 $0xD000, s5;
	[smem:$0x7EE] =	sst s13  }
0x2b: {  	s16 =	sadd.s32 $0xD800, s5;
	[smem:$0x7F0] =	sst s15  }
0x2c: {  	s17 =	sadd.s32 $0xE000, s5;
	[smem:$0x7F1] =	sst s16  }
0x2d: {  	s18 =	sadd.s32 $0xE800, s5;
	[smem:$0x7F2] =	sst s17  }
0x2e: {  	s19 =	sadd.s32 $0xF000, s5;
	[smem:$0x7F3] =	sst s18  }
0x2f: {  	s20 =	sadd.s32 $0xF800, s5;
	[smem:$0x7F4] =	sst s19  }
0x30: {  	s21 =	sadd.s32 $0x10000, s5;
	[smem:$0x7F5] =	sst s20  }
0x31: {  	s22 =	sadd.s32 $0x10800, s5;
	[smem:$0x7F6] =	sst s21  }
0x32: {  	s23 =	sadd.s32 $0x11000, s5;
	[smem:$0x7F7] =	sst s22  }
0x33: {  	s24 =	sadd.s32 $0x11800, s5;
	[smem:$0x7F8] =	sst s23  }
0x34: {  	s26 =	sadd.s32 $0x12000, s5;
	[smem:$0x7F9] =	sst s24  }
0x35: {  	s28 =	sadd.s32 $0x12800, s5;
	[smem:$0x7FA] =	sst s26  }
0x36: {  	s29 =	sadd.s32 $0x13000, s5;
	[smem:$0x7FB] =	sst s28  }
0x37: {  	s30 =	sadd.s32 $0x13800, s5;
	[smem:$0x7FC] =	sst s29  }
0x38: {  	s31 =	simm.s32 $0x0;
	s25 =	sadd.s32 $0x1420, s2;
	[smem:$0x7FD] =	sst s30  }
0x39: {  	v0 =	vimm.f32 $0.0e+00;
	s22 =	simm.s32 $0x8300;
	s23 =	simm.s32 $0x8;
	s24 =	simm.s32 $0x80  }
.LBB2_1:
0x3a: {  	[tilespmem:$0x8300] =	vst v0  }
0x3b: {  	[tilespmem:$0x8310] =	vst v0  }
0x3c: {  	[tilespmem:$0x8320] =	vst v0  }
0x3d: {  	[tilespmem:$0x8330] =	vst v0  }
0x3e: {  	[tilespmem:$0x8340] =	vst v0  }
0x3f: {  	[tilespmem:$0x8350] =	vst v0  }
0x40: {  	[tilespmem:$0x8360] =	vst v0  }
0x41: {  	[tilespmem:$0x8370] =	vst v0  }
0x42: {  	[tilespmem:$0x8380] =	vst v0  }
0x43: {  	[tilespmem:$0x8390] =	vst v0  }
0x44: {  	[tilespmem:$0x83A0] =	vst v0  }
0x45: {  	[tilespmem:$0x83B0] =	vst v0  }
0x46: {  	[tilespmem:$0x83C0] =	vst v0  }
0x47: {  	[tilespmem:$0x83D0] =	vst v0  }
0x48: {  	[tilespmem:$0x83E0] =	vst v0  }
0x49: {  	[tilespmem:$0x83F0] =	vst v0  }
0x4a: {  	[tilespmem:$0x8400] =	vst v0  }
0x4b: {  	[tilespmem:$0x8410] =	vst v0  }
0x4c: {  	[tilespmem:$0x8420] =	vst v0  }
0x4d: {  	[tilespmem:$0x8430] =	vst v0  }
0x4e: {  	[tilespmem:$0x8440] =	vst v0  }
0x4f: {  	[tilespmem:$0x8450] =	vst v0  }
0x50: {  	[tilespmem:$0x8460] =	vst v0  }
0x51: {  	[tilespmem:$0x8470] =	vst v0  }
0x52: {  	[tilespmem:$0x8480] =	vst v0  }
0x53: {  	[tilespmem:$0x8490] =	vst v0  }
0x54: {  	[tilespmem:$0x84A0] =	vst v0  }
0x55: {  	[tilespmem:$0x84B0] =	vst v0  }
0x56: {  	[tilespmem:$0x84C0] =	vst v0  }
0x57: {  	[tilespmem:$0x84D0] =	vst v0  }
0x58: {  	[tilespmem:$0x84E0] =	vst v0  }
0x59: {  	[tilespmem:$0x84F0] =	vst v0  }
0x5a: {  	[tilespmem:$0x8500] =	vst v0  }
0x5b: {  	[tilespmem:$0x8510] =	vst v0  }
0x5c: {  	[tilespmem:$0x8520] =	vst v0  }
0x5d: {  	[tilespmem:$0x8530] =	vst v0  }
0x5e: {  	[tilespmem:$0x8540] =	vst v0  }
0x5f: {  	[tilespmem:$0x8550] =	vst v0  }
0x60: {  	[tilespmem:$0x8560] =	vst v0  }
0x61: {  	[tilespmem:$0x8570] =	vst v0  }
0x62: {  	[tilespmem:$0x8580] =	vst v0  }
0x63: {  	[tilespmem:$0x8590] =	vst v0  }
0x64: {  	[tilespmem:$0x85A0] =	vst v0  }
0x65: {  	[tilespmem:$0x85B0] =	vst v0  }
0x66: {  	[tilespmem:$0x85C0] =	vst v0  }
0x67: {  	[tilespmem:$0x85D0] =	vst v0  }
0x68: {  	[tilespmem:$0x85E0] =	vst v0  }
0x69: {  	[tilespmem:$0x85F0] =	vst v0  }
0x6a: {  	[tilespmem:$0x8600] =	vst v0  }
0x6b: {  	[tilespmem:$0x8610] =	vst v0  }
0x6c: {  	[tilespmem:$0x8620] =	vst v0  }
0x6d: {  	[tilespmem:$0x8630] =	vst v0  }
0x6e: {  	[tilespmem:$0x8640] =	vst v0  }
0x6f: {  	[tilespmem:$0x8650] =	vst v0  }
0x70: {  	[tilespmem:$0x8660] =	vst v0  }
0x71: {  	[tilespmem:$0x8670] =	vst v0  }
0x72: {  	[tilespmem:$0x8680] =	vst v0  }
0x73: {  	[tilespmem:$0x8690] =	vst v0  }
0x74: {  	[tilespmem:$0x86A0] =	vst v0  }
0x75: {  	[tilespmem:$0x86B0] =	vst v0  }
0x76: {  	[tilespmem:$0x86C0] =	vst v0  }
0x77: {  	[tilespmem:$0x86D0] =	vst v0  }
0x78: {  	[tilespmem:$0x86E0] =	vst v0  }
0x79: {  	[tilespmem:$0x86F0] =	vst v0  }
0x7a: {  	[tilespmem:$0x8700] =	vst v0  }
0x7b: {  	[tilespmem:$0x8710] =	vst v0  }
0x7c: {  	[tilespmem:$0x8720] =	vst v0  }
0x7d: {  	[tilespmem:$0x8730] =	vst v0  }
0x7e: {  	[tilespmem:$0x8740] =	vst v0  }
0x7f: {  	[tilespmem:$0x8750] =	vst v0  }
0x80: {  	[tilespmem:$0x8760] =	vst v0  }
0x81: {  	[tilespmem:$0x8770] =	vst v0  }
0x82: {  	[tilespmem:$0x8780] =	vst v0  }
0x83: {  	[tilespmem:$0x8790] =	vst v0  }
0x84: {  	[tilespmem:$0x87A0] =	vst v0  }
0x85: {  	[tilespmem:$0x87B0] =	vst v0  }
0x86: {  	[tilespmem:$0x87C0] =	vst v0  }
0x87: {  	[tilespmem:$0x87D0] =	vst v0  }
0x88: {  	[tilespmem:$0x87E0] =	vst v0  }
0x89: {  	[tilespmem:$0x87F0] =	vst v0  }
0x8a: {  	[tilespmem:$0x8800] =	vst v0  }
0x8b: {  	[tilespmem:$0x8810] =	vst v0  }
0x8c: {  	[tilespmem:$0x8820] =	vst v0  }
0x8d: {  	[tilespmem:$0x8830] =	vst v0  }
0x8e: {  	[tilespmem:$0x8840] =	vst v0  }
0x8f: {  	[tilespmem:$0x8850] =	vst v0  }
0x90: {  	[tilespmem:$0x8860] =	vst v0  }
0x91: {  	[tilespmem:$0x8870] =	vst v0  }
0x92: {  	[tilespmem:$0x8880] =	vst v0  }
0x93: {  	[tilespmem:$0x8890] =	vst v0  }
0x94: {  	[tilespmem:$0x88A0] =	vst v0  }
0x95: {  	[tilespmem:$0x88B0] =	vst v0  }
0x96: {  	[tilespmem:$0x88C0] =	vst v0  }
0x97: {  	[tilespmem:$0x88D0] =	vst v0  }
0x98: {  	[tilespmem:$0x88E0] =	vst v0  }
0x99: {  	[tilespmem:$0x88F0] =	vst v0  }
0x9a: {  	[tilespmem:$0x8900] =	vst v0  }
0x9b: {  	[tilespmem:$0x8910] =	vst v0  }
0x9c: {  	[tilespmem:$0x8920] =	vst v0  }
0x9d: {  	[tilespmem:$0x8930] =	vst v0  }
0x9e: {  	[tilespmem:$0x8940] =	vst v0  }
0x9f: {  	[tilespmem:$0x8950] =	vst v0  }
0xa0: {  	[tilespmem:$0x8960] =	vst v0  }
0xa1: {  	[tilespmem:$0x8970] =	vst v0  }
0xa2: {  	[tilespmem:$0x8980] =	vst v0  }
0xa3: {  	[tilespmem:$0x8990] =	vst v0  }
0xa4: {  	[tilespmem:$0x89A0] =	vst v0  }
0xa5: {  	[tilespmem:$0x89B0] =	vst v0  }
0xa6: {  	[tilespmem:$0x89C0] =	vst v0  }
0xa7: {  	[tilespmem:$0x89D0] =	vst v0  }
0xa8: {  	[tilespmem:$0x89E0] =	vst v0  }
0xa9: {  	[tilespmem:$0x89F0] =	vst v0  }
0xaa: {  	[tilespmem:$0x8A00] =	vst v0  }
0xab: {  	[tilespmem:$0x8A10] =	vst v0  }
0xac: {  	[tilespmem:$0x8A20] =	vst v0  }
0xad: {  	[tilespmem:$0x8A30] =	vst v0  }
0xae: {  	[tilespmem:$0x8A40] =	vst v0  }
0xaf: {  	[tilespmem:$0x8A50] =	vst v0  }
0xb0: {  	[tilespmem:$0x8A60] =	vst v0  }
0xb1: {  	[tilespmem:$0x8A70] =	vst v0  }
0xb2: {  	[tilespmem:$0x8A80] =	vst v0  }
0xb3: {  	[tilespmem:$0x8A90] =	vst v0  }
0xb4: {  	[tilespmem:$0x8AA0] =	vst v0  }
0xb5: {  	[tilespmem:$0x8AB0] =	vst v0  }
0xb6: {  	[tilespmem:$0x8AC0] =	vst v0  }
0xb7: {  	[tilespmem:$0x8AD0] =	vst v0  }
0xb8: {  	[tilespmem:$0x8AE0] =	vst v0  }
0xb9: {  	[tilespmem:$0x8AF0] =	vst v0;
	s0 =	rddreg [dreg:$0x9]  }
0xba: {  	[spmem:s5] =	stream.linear.scatter [tilespmem:s22], [sflag:$0x8], $0x800, $0x38;
	[tilespmem:$0x1CB00] =	vst v63  }
0xbb: {  	s9 =	rddreg [dreg:$0xa]  }
0xbc: {  	[spmem:s0] =	stream.linear.scatter [tilespmem:s22], [sflag:$0x8], $0x800, $0x38;
	[tilespmem:$0x1CB00] =	vst v63  }
0xbd: {  	s10 =	rddreg [dreg:$0xb]  }
0xbe: {  	[spmem:s9] =	stream.linear.scatter [tilespmem:s22], [sflag:$0x8], $0x800, $0x38;
	[tilespmem:$0x1CB00] =	vst v63  }
0xbf: {  	s11 =	rddreg [dreg:$0xc]  }
0xc0: {  	[spmem:s10] =	stream.linear.scatter [tilespmem:s22], [sflag:$0x8], $0x800, $0x38;
	[tilespmem:$0x1CB00] =	vst v63  }
0xc1: {  	s12 =	rddreg [dreg:$0xd]  }
0xc2: {  	[spmem:s11] =	stream.linear.scatter [tilespmem:s22], [sflag:$0x8], $0x800, $0x38;
	[tilespmem:$0x1CB00] =	vst v63  }
0xc3: {  	s13 =	rddreg [dreg:$0xe]  }
0xc4: {  	[spmem:s12] =	stream.linear.scatter [tilespmem:s22], [sflag:$0x8], $0x800, $0x38;
	[tilespmem:$0x1CB00] =	vst v63  }
0xc5: {  	s14 =	rddreg [dreg:$0xf]  }
0xc6: {  	[spmem:s13] =	stream.linear.scatter [tilespmem:s22], [sflag:$0x8], $0x800, $0x38;
	[tilespmem:$0x1CB00] =	vst v63  }
0xc7: {  	s15 =	rddreg [dreg:$0x10]  }
0xc8: {  	[spmem:s14] =	stream.linear.scatter [tilespmem:s22], [sflag:$0x8], $0x800, $0x38;
	[tilespmem:$0x1CB00] =	vst v63  }
0xc9: {  	s16 =	rddreg [dreg:$0x11]  }
0xca: {  	[spmem:s15] =	stream.linear.scatter [tilespmem:s22], [sflag:$0x8], $0x800, $0x38;
	[tilespmem:$0x1CB00] =	vst v63  }
0xcb: {  	s17 =	rddreg [dreg:$0x12]  }
0xcc: {  	[spmem:s16] =	stream.linear.scatter [tilespmem:s22], [sflag:$0x8], $0x800, $0x38;
	[tilespmem:$0x1CB00] =	vst v63  }
0xcd: {  	s18 =	rddreg [dreg:$0x13]  }
0xce: {  	[spmem:s17] =	stream.linear.scatter [tilespmem:s22], [sflag:$0x8], $0x800, $0x38;
	[tilespmem:$0x1CB00] =	vst v63  }
0xcf: {  	s19 =	rddreg [dreg:$0x14]  }
0xd0: {  	[spmem:s18] =	stream.linear.scatter [tilespmem:s22], [sflag:$0x8], $0x800, $0x38;
	[tilespmem:$0x1CB00] =	vst v63  }
0xd1: {  	s20 =	rddreg [dreg:$0x15]  }
0xd2: {  	[spmem:s19] =	stream.linear.scatter [tilespmem:s22], [sflag:$0x8], $0x800, $0x38;
	[tilespmem:$0x1CB00] =	vst v63  }
0xd3: {  	s21 =	rddreg [dreg:$0x16]  }
0xd4: {  	[spmem:s20] =	stream.linear.scatter [tilespmem:s22], [sflag:$0x8], $0x800, $0x38;
	[tilespmem:$0x1CB00] =	vst v63  }
0xd5: {  	s26 =	rddreg [dreg:$0x17]  }
0xd6: {  	[spmem:s21] =	stream.linear.scatter [tilespmem:s22], [sflag:$0x8], $0x800, $0x38;
	[tilespmem:$0x1CB00] =	vst v63  }
0xd7: {  	s28 =	rddreg [dreg:$0x18]  }
0xd8: {  	[spmem:s26] =	stream.linear.scatter [tilespmem:s22], [sflag:$0x8], $0x800, $0x38;
	[tilespmem:$0x1CB00] =	vst v63  }
0xd9: {  	s29 =	rddreg [dreg:$0x19]  }
0xda: {  	[spmem:s28] =	stream.linear.scatter [tilespmem:s22], [sflag:$0x8], $0x800, $0x38;
	[tilespmem:$0x1CB00] =	vst v63  }
0xdb: {  	s30 =	rddreg [dreg:$0x1a]  }
0xdc: {  	[spmem:s29] =	stream.linear.scatter [tilespmem:s22], [sflag:$0x8], $0x800, $0x38;
	[tilespmem:$0x1CB00] =	vst v63  }
0xdd: {  	s2 =	rddreg [dreg:$0x1b]  }
0xde: {  	[spmem:s30] =	stream.linear.scatter [tilespmem:s22], [sflag:$0x8], $0x800, $0x38;
	[tilespmem:$0x1CB00] =	vst v63  }
0xdf: {  	s4 =	rddreg [dreg:$0x1c]  }
0xe0: {  	[spmem:s2] =	stream.linear.scatter [tilespmem:s22], [sflag:$0x8], $0x800, $0x38;
	[tilespmem:$0x1CB00] =	vst v63  }
0xe1: {  	s6 =	rddreg [dreg:$0x1d]  }
0xe2: {  	[spmem:s4] =	stream.linear.scatter [tilespmem:s22], [sflag:$0x8], $0x800, $0x38;
	[tilespmem:$0x1CB00] =	vst v63  }
0xe3: {  	s7 =	rddreg [dreg:$0x1e]  }
0xe4: {  	[spmem:s6] =	stream.linear.scatter [tilespmem:s22], [sflag:$0x8], $0x800, $0x38;
	[tilespmem:$0x1CB00] =	vst v63  }
0xe5: {  	s8 =	rddreg [dreg:$0x1f]  }
0xe6: {  	[spmem:s7] =	stream.linear.scatter [tilespmem:s22], [sflag:$0x8], $0x800, $0x38;
	[tilespmem:$0x1CB00] =	vst v63  }
0xe7: {  	s9 =	sld [smem:$0x7EE]  }
0xe8: {  	[spmem:s8] =	stream.linear.scatter [tilespmem:s22], [sflag:$0x8], $0x800, $0x38;
	[tilespmem:$0x1CB00] =	vst v63  }
0xe9: {  	s10 =	sld [smem:$0x7EF]  }
0xea: {  	[spmem:s9] =	stream.linear.scatter [tilespmem:s22], [sflag:$0x8], $0x800, $0x38;
	[tilespmem:$0x1CB00] =	vst v63  }
0xeb: {  	s11 =	sld [smem:$0x7F0]  }
0xec: {  	[spmem:s10] =	stream.linear.scatter [tilespmem:s22], [sflag:$0x8], $0x800, $0x38;
	[tilespmem:$0x1CB00] =	vst v63  }
0xed: {  	s12 =	sld [smem:$0x7F1]  }
0xee: {  	[spmem:s11] =	stream.linear.scatter [tilespmem:s22], [sflag:$0x8], $0x800, $0x38;
	[tilespmem:$0x1CB00] =	vst v63  }
0xef: {  	s13 =	sld [smem:$0x7F2]  }
0xf0: {  	[spmem:s12] =	stream.linear.scatter [tilespmem:s22], [sflag:$0x8], $0x800, $0x38;
	[tilespmem:$0x1CB00] =	vst v63  }
0xf1: {  	s14 =	sld [smem:$0x7F3]  }
0xf2: {  	[spmem:s13] =	stream.linear.scatter [tilespmem:s22], [sflag:$0x8], $0x800, $0x38;
	[tilespmem:$0x1CB00] =	vst v63  }
0xf3: {  	s15 =	sld [smem:$0x7F4]  }
0xf4: {  	[spmem:s14] =	stream.linear.scatter [tilespmem:s22], [sflag:$0x8], $0x800, $0x38;
	[tilespmem:$0x1CB00] =	vst v63  }
0xf5: {  	s16 =	sld [smem:$0x7F5]  }
0xf6: {  	[spmem:s15] =	stream.linear.scatter [tilespmem:s22], [sflag:$0x8], $0x800, $0x38;
	[tilespmem:$0x1CB00] =	vst v63  }
0xf7: {  	s17 =	sld [smem:$0x7F6]  }
0xf8: {  	[spmem:s16] =	stream.linear.scatter [tilespmem:s22], [sflag:$0x8], $0x800, $0x38;
	[tilespmem:$0x1CB00] =	vst v63  }
0xf9: {  	s18 =	sld [smem:$0x7F7]  }
0xfa: {  	[spmem:s17] =	stream.linear.scatter [tilespmem:s22], [sflag:$0x8], $0x800, $0x38;
	[tilespmem:$0x1CB00] =	vst v63  }
0xfb: {  	s19 =	sld [smem:$0x7F8]  }
0xfc: {  	[spmem:s18] =	stream.linear.scatter [tilespmem:s22], [sflag:$0x8], $0x800, $0x38;
	[tilespmem:$0x1CB00] =	vst v63  }
0xfd: {  	s20 =	sld [smem:$0x7F9]  }
0xfe: {  	[spmem:s19] =	stream.linear.scatter [tilespmem:s22], [sflag:$0x8], $0x800, $0x38;
	[tilespmem:$0x1CB00] =	vst v63  }
0xff: {  	s21 =	sld [smem:$0x7FA]  }
0x100: {  	[spmem:s20] =	stream.linear.scatter [tilespmem:s22], [sflag:$0x8], $0x800, $0x38;
	[tilespmem:$0x1CB00] =	vst v63  }
0x101: {  	s26 =	sld [smem:$0x7FB]  }
0x102: {  	[spmem:s21] =	stream.linear.scatter [tilespmem:s22], [sflag:$0x8], $0x800, $0x38;
	[tilespmem:$0x1CB00] =	vst v63  }
0x103: {  	s28 =	sld [smem:$0x7FC]  }
0x104: {  	[spmem:s26] =	stream.linear.scatter [tilespmem:s22], [sflag:$0x8], $0x800, $0x38;
	[tilespmem:$0x1CB00] =	vst v63  }
0x105: {  	s29 =	sld [smem:$0x7FD]  }
0x106: {  	[spmem:s28] =	stream.linear.scatter [tilespmem:s22], [sflag:$0x8], $0x800, $0x38;
	[tilespmem:$0x1CB00] =	vst v63  }
0x107: {  	_ = 	snop  }
0x108: {  	[spmem:s29] =	stream.linear.scatter [tilespmem:s22], [sflag:$0x8], $0x800, $0x38;
	[tilespmem:$0x1CB00] =	vst v63  }
0x109: {  	s30 =	simm.s32 $0x0;
	s2 =	rddreg [dreg:$0x5]  }
0x10a: {  	[tilespmem:s30], [sflag:$0x1] =	stream.linear.gather [hbm4b:s2+s30], $0x100, $0x38;
	[tilespmem:$0x1CB00] =	vst v63  }
0x10b: {  	_ =	swait.ge [sflag:s23], $0x800  }
0x10c: {  	s0 =	simm.s32 $0x27;
	[sflag:s23] =	ssyncset.done $0x0  }
.LBB2_2:
0x10d: {  	p0 =	sne.s32 s0, $0x1;
	s0 =	sadd.s32 $0xFFFFFFFF, s0;
	[sflag:s23] =	ssyncadd.s32 $0xFFFFF800  }
.Ltmp0:
0x10e: {  	(pc) =	sbr.rel @p0 .LBB2_2-.Ltmp0, $3  }
0x10f: {  	_ =	sdelay $0x1  }
0x110: {  	_ =	swait.ge [sflag:s23], $0x800  }
0x111: {  	[sflag:s23] =	ssyncset.done $0x0  }
0x112: {  	[sflag:s23] =	ssyncadd.s32 $0xFFFFF800;
	s7 =	simm.s32 $0x0;
	s2 =	simm.s32 $0xFFFFFF80  }
0x113: {  	s12 =	simm.s32 $0xFFFFFFFF;
	s9 =	simm.s32 $0x1;
	s4 =	simm.s32 $0x2  }
0x114: {  	s0 =	simm.s32 $0x100;
	s6 =	simm.s32 $0x200;
	s8 =	simm.s32 $0x3  }
0x115: {  	s10 =	simm.s32 $0x0;
	p0 =	por $0x1, $0x1;
	s14 =	smulhi.u32 $0xAAAAAAAB, s9  }
0x116: {  	p1 =	sle.u32 s1, $0x1;
	[bflag:$0x0] =	sbarrier.arrive $0xFFFF;
	s13 =	smulhi.u32 $0xAAAAAAAB, s7  }
0x117: {  	s11 =	smulhi.u32 $0xAAAAAAAB, s12;
	s7 =	sadd.s32 $0x20, s25;
	s14 =	sshrl.u32 s14, $0x1  }
0x118: {  	s9 =	simm.s32 $0x2;
	s13 =	sshrl.u32 s13, $0x1;
	s16 =	smul.u32 $0xFFFFFFF4, s14  }
0x119: {  	s15 =	sshrl.u32 s11, $0x1;
	s11 =	sand.u32 @!p0 $0x1, s10;
	s18 =	smul.u32 $0xFFFFFFF4, s13  }
0x11a: {  	s19 =	simm.s32 @!p1 $0x0;
	s17 =	sor.u32 @!p0 $0x6, s11;
	s14 =	smul.u32 $0xFFFFF400, s14  }
0x11b: {  	s28 =	sand.u32 $0x1, s10;
	s13 =	smul.u32 $0xFFFFF400, s13;
	_ =	swait.ge @!p0 [sflag:s17], $0x4000  }
0x11c: {  	s29 =	sshll.u32 s28, $0xE;
	s16 =	sshra.s32 s16, $0x2;
	[sflag:s17] =	ssyncset.done @!p0 $0x0  }
0x11d: {  	s18 =	sshra.s32 s18, $0x2;
	s14 =	sshra.s32 s14, $0x2;
	s13 =	sshra.s32 s13, $0x2  }
0x11e: {  	s16 =	sadd.s32 $0x2, s16;
	s18 =	sadd.s32 $0x1, s18;
	[sflag:s17] =	ssyncadd.s32 @!p0 $0xFFFFC000  }
0x11f: {  	s14 =	sadd.s32 $0x100, s14;
	p0 =	por $0x1, $0x1;
	s13 =	sadd.s32 $0x0, s13  }
0x120: {  	[tilespmem:s14], [sflag:s16] =	stream.linear.gather @!p1 [hbm4b:s25+s19], $0x100, $0x38;
	[tilespmem:$0x1CB00] =	vst v63  }
0x121: {  	s14 =	sor.u32 $0x4, s28;
	p1 =	sne.s32 s1, $0x1;
	_ =	swait.ge [sflag:s18], $0x100  }
.Ltmp1:
0x122: {  	s16 =	sor.u32 $0x300, s29;
	[sflag:s18] =	ssyncset.done $0x0;
	(pc) =	sbr.rel @!p1 .LBB2_5-.Ltmp1, $4  }
0x123: {  	s12 =	sand.u32 @!p0 $0x1, s12;
	s30 =	rddreg [dreg:$0x4];
	[sflag:s18] =	ssyncadd.s32 $0xFFFFFF00  }
0x124: {  	[tilespmem:s16], [sflag:s14] =	stream.indirect.gather [hbm4b:s30+s24], $0x80, s13, s24, $0xb8;
	[tilespmem:$0x1CB00] =	vst v63  }
0x125: {  	s11 =	simm.s32 $0x1;
	s13 =	smul.u32 $0xFFFFF400, s15;
	s16 =	sshll.u32 @!p0 s12, $0xE  }
0x126: {  	s15 =	sor.u32 @!p0 $0x4, s12;
	s14 =	sor.u32 @!p0 $0x6, s12;
	s12 =	simm.s32 $0xFFFFFF80  }
.LBB2_4:
0x127: {  	_ =	swait.ge @!p0 [sflag:s15], $0x4000;
	s12 =	sadd.s32 $0x100, s12;
	s18 =	smov.u32 s4  }
0x128: {  	s19 =	smov.u32 s6;
	s16 =	sor.u32 @!p0 $0x300, s16;
	s28 =	smov.u32 s9  }
0x129: {  	s4 =	sadd.s32 $0x1, s4;
	s20 =	smulhi.u32 $0xAAAAAAAB, s10;
	s6 =	sadd.s32 $0x100, s6  }
0x12a: {  	s21 =	smulhi.u32 $0xAAAAAAAB, s11;
	s9 =	sadd.s32 $0x1, s9;
	s17 =	sshra.s32 s13, $0x2  }
0x12b: {  	s13 =	smov.u32 s0;
	[sflag:s15] =	ssyncset.done @!p0 $0x0;
	s0 =	sadd.s32 $0x100, s0  }
0x12c: {  	s17 =	sadd.s32 s17, s2;
	[sflag:s15] =	ssyncadd.s32 @!p0 $0xFFFFC000;
	s15 =	simm.s32 @!p0 $0x80  }
0x12d: {  	s2 =	smov.u32 s12;
	s20 =	sshrl.u32 s20, $0x1;
	s21 =	sshrl.u32 s21, $0x1  }
0x12e: {  	[spmem:s3] =	stream.indirect.scatter.add.f32 @!p0 [tilespmem:s16], [sflag:s14], $0x80, s17, s15, $0xb8;
	[tilespmem:$0x1CB00] =	vst v63  }
0x12f: {  	s14 =	smov.u32 s7;
	s15 =	smov.u32 s8;
	s17 =	smov.u32 s10  }
0x130: {  	s7 =	sadd.s32 $0x20, s7;
	s10 =	sadd.s32 $0x1, s10;
	s16 =	smulhi.u32 $0xAAAAAAAB, s28  }
0x131: {  	s8 =	sadd.s32 $0x1, s8;
	s30 =	smul.u32 $0xFFFFFFF4, s21;
	p1 =	slt.u32 s10, $0x2  }
0x132: {  	s11 =	sadd.s32 $0x1, s10;
	s26 =	sand.u32 $0x1, s10;
	s16 =	sshrl.u32 s16, $0x1  }
0x133: {  	p0 =	seq.s32 s10, $0x0;
	s28 =	sand.u32 @!p1 $0x1, s10;
	s29 =	smul.u32 $0xFFFFFFF4, s16  }
0x134: {  	p2 =	sge.u32 s11, s1;
	s28 =	sor.u32 @!p1 $0x6, s28;
	s16 =	smul.u32 $0xFFFFF400, s16  }
0x135: {  	s17 =	sand.u32 @!p0 $0x1, s17;
	_ =	swait.ge @!p1 [sflag:s28], $0x4000;
	s29 =	sshra.s32 s29, $0x2  }
0x136: {  	[sflag:s28] =	ssyncset.done @!p1 $0x0;
	s16 =	sshra.s32 s16, $0x2;
	s15 =	sadd.s32 s29, s15  }
0x137: {  	s29 =	sshra.s32 s30, $0x2;
	s30 =	simm.s32 @!p2 $0x0;
	[sflag:s28] =	ssyncadd.s32 @!p1 $0xFFFFC000  }
0x138: {  	s16 =	sadd.s32 s16, s19;
	s28 =	sor.u32 $0x4, s26;
	p1 =	sne.s32 s11, s1  }
0x139: {  	s18 =	sadd.s32 s29, s18;
	s29 =	smul.u32 $0xFFFFF400, s21;
	s21 =	sshll.u32 s26, $0xE  }
0x13a: {  	[tilespmem:s16], [sflag:s15] =	stream.linear.gather @!p2 [hbm4b:s14+s30], $0x100, $0x38;
	[tilespmem:$0x1CB00] =	vst v63  }
.Ltmp2:
0x13b: {  	s16 =	sshll.u32 @!p0 s17, $0xE;
	_ =	swait.ge [sflag:s18], $0x100;
	(pc) =	sbr.rel @p1 .LBB2_4-.Ltmp2, $4  }
0x13c: {  	s30 =	sor.u32 $0x300, s21;
	s19 =	sshra.s32 s29, $0x2;
	[sflag:s18] =	ssyncset.done $0x0  }
0x13d: {  	s29 =	rddreg [dreg:$0x4];
	s14 =	sadd.s32 s19, s13;
	[sflag:s18] =	ssyncadd.s32 $0xFFFFFF00  }
0x13e: {  	[tilespmem:s30], [sflag:s28] =	stream.indirect.gather [hbm4b:s29+s24], $0x80, s14, s24, $0xb8;
	[tilespmem:$0x1CB00] =	vst v63  }
0x13f: {  	s15 =	sor.u32 @!p0 $0x4, s17;
	s13 =	smul.u32 $0xFFFFF400, s20;
	s14 =	sor.u32 @!p0 $0x6, s17  }
.LBB2_5:
0x140: {  	_ = 	snop  }
0x141: {  	_ =	swait.ge @!p0 [sflag:s15], $0x4000;
	s0 =	sshra.s32 s13, $0x2  }
0x142: {  	s4 =	simm.s32 @!p0 $0x80;
	[sflag:s15] =	ssyncset.done @!p0 $0x0;
	s0 =	sadd.s32 s0, s2  }
0x143: {  	s2 =	sor.u32 @!p0 $0x300, s16;
	[sflag:s15] =	ssyncadd.s32 @!p0 $0xFFFFC000;
	s16 =	simm.s32 $0x5  }
0x144: {  	[spmem:s3] =	stream.indirect.scatter.add.f32 @!p0 [tilespmem:s2], [sflag:s14], $0x80, s0, s4, $0xb8;
	[tilespmem:$0x1CB00] =	vst v63  }
0x145: {  	_ =	swait.ge [sflag:s16], $0x4000  }
0x146: {  	s18 =	simm.s32 $0x4300;
	[sflag:s16] =	ssyncset.done $0x0  }
0x147: {  	s19 =	simm.s32 $0x6;
	s17 =	rddreg [dreg:$0x6];
	[sflag:s16] =	ssyncadd.s32 $0xFFFFC000  }
0x148: {  	[spmem:s3] =	stream.indirect.scatter.add.f32 [tilespmem:s18], [sflag:$0x7], $0x80, s17, s24, $0xb8;
	[tilespmem:$0x1CB00] =	vst v63  }
0x149: {  	_ =	swait.ge [sflag:s19], $0x4000  }
0x14a: {  	[sflag:s19] =	ssyncset.done $0x0  }
0x14b: {  	s20 =	simm.s32 $0x7;
	[sflag:s19] =	ssyncadd.s32 $0xFFFFC000  }
0x14c: {  	_ =	swait.ge [sflag:s20], $0x4000  }
0x14d: {  	[sflag:s20] =	ssyncset.done $0x0  }
0x14e: {  	s21 =	stileid.u32;
	[sflag:s20] =	ssyncadd.s32 $0xFFFFC000  }
0x14f: {  	s26 =	sshrl.u32 s5, $0x3;
	s0 =	sshll.u32 s21, $0x6;
	[bflag:$0x0] =	sbarrier.arrive $0xFFFF  }
0x150: {  	s29 =	simm.s32 $0x9;
	s0 =	sor.u32 $0x1C09, s0;
	s28 =	rddreg [dreg:$0x7]  }
0x151: {  	[hbm:s28], [sflag:s0] =	dma.local [spmem:s26], $0x2800  }
0x152: {  	_ =	swait.ge [sflag:s29], $0x2800  }
0x153: {  	s31 =	sadd.s32 $0x1, s31;
	s30 =	rddreg [dreg:$0x8]  }
0x154: {  	p0 =	sne.s32 s31, s30  }
.Ltmp3:
0x155: {  	_ = 	snop;
	(pc) =	sbr.rel @p0 .LBB2_1-.Ltmp3, $3  }
0x156: {  	_ =	sdelay $0x1  }
0x157: {  	[sflag:s29] =	ssyncset.done $0x0  }
0x158: {  	[sflag:s29] =	ssyncadd.s32 $0xFFFFD800  }
0x159: {  	_ =	sfence.sel $0x180000  }
0x15a: {  	[bflag:$0x0] =	sbarrier.arrive $0xFFFF  }
0x15b: {  	_ =	strace $0x9000004A  }
0x15c: {  	s0 =	stileid.u32;
	[bflag:$0x2] =	sbarrier.arrive $0xFFFF  }
0x15d: {  	p0 =	sne.s32 s0, $0x0;
	s0 =	rddreg [dreg:$0x3]  }
0x15e: {  	s0 =	sadd.s32 @!p0 $0x100000, s0  }
0x15f: {  	[sflag:s0] =	ssyncadd.tile.s32 @!p0 $0x1;
	_ =	shalt  }
.Lfunc_end2:
_tile_overlayer_lowered:
.L_overlay_start_2:
0x160: {  	(tag) =	ssettag $0x2  }
0x161: {  	s0 =	rddreg [dreg:$0x0];
	s2 =	stileid.u32  }
0x162: {  	s1 =	rddreg [dreg:$0x1];
	p0 =	sne.s32 s2, $0x0  }
0x163: {  	s3 =	rddreg [dreg:$0x2];
	[bflag:$0x3] =	sbarrier.arrive $0xFFFF;
	s2 =	simm.s32 @!p0 $0x1C09  }
0x164: {  	[timem:s3], [sflag:s2] =	dma.local @!p0 [hbm:s0], s1  }
0x165: {  	s0 =	simm.s32 @!p0 $0x9  }
0x166: {  	_ =	swait.ge @!p0 [sflag:s0], s1  }
0x167: {  	s1 =	ssub.s32 @!p0 $0x0, s1;
	[sflag:s0] =	ssyncset.done @!p0 $0x0  }
0x168: {  	[sflag:s0] =	ssyncadd.s32 @!p0 s1  }
0x169: {  	[bflag:$0x3] =	sbarrier.arrive $0xFFFF  }
0x16a: {  	_ =	shalt  }

</sc_bundles>
